<compile_context>
chip_gen: v7x
topology: tpu7x:2x2x1
jax: 0.10.2.dev20260603
libtpu: 0.0.44.dev20260713+nightly
codegen_flags: <defaults>
</compile_context>

<pallas_src>
import dataclasses
import functools

import jax
import jax.numpy as jnp
from jax import lax
from jax.experimental import pallas as pl
from jax.experimental.pallas import tpu as pltpu
from jax.experimental.pallas import tpu_sc as plsc

ROWS = 1024
COLS = 100000
BLOCK_N = 1000
NSTREAM = 4
NJ = COLS // (NSTREAM * BLOCK_N)

_NLOG2E = -1.4426950408889634
_LN2 = 0.6931471805599453

_NC = 2
_NS = 16
_NW = _NC * _NS
_BPW = ROWS // _NW


def _sc_gather_body(predt_hbm, tgt_hbm, out_hbm, idx_v, rows_v, vals_v, sem):
    wid = lax.axis_index("s") * _NC + lax.axis_index("c")
    base = wid * _BPW
    pltpu.sync_copy(tgt_hbm.at[pl.ds(base, _BPW)], idx_v)
    pltpu.async_copy(predt_hbm.at[idx_v], rows_v, sem).wait()
    for g in range(_BPW // 16):
        ridx = g * 16 + lax.iota(jnp.int32, 16)
        lidx = base + ridx
        vals_v[pl.ds(g * 16, 16)] = plsc.load_gather(rows_v, [ridx, lidx])
    pltpu.sync_copy(vals_v, out_hbm.at[pl.ds(base, _BPW)])


_sc_cp = pltpu.CompilerParams()
if "needs_layout_passes" in pltpu.CompilerParams.__dataclass_fields__:
    _sc_cp = dataclasses.replace(_sc_cp, needs_layout_passes=False)

_sc_gather = functools.partial(
    pl.kernel,
    compiler_params=_sc_cp,
    mesh=plsc.VectorSubcoreMesh(core_axis_name="c", subcore_axis_name="s"),
    out_type=jax.ShapeDtypeStruct((ROWS,), jnp.float32),
    scratch_types=[
        pltpu.VMEM((_BPW,), jnp.int32),
        pltpu.VMEM((_BPW, ROWS), jnp.float32),
        pltpu.VMEM((_BPW,), jnp.float32),
        pltpu.SemaphoreType.DMA,
    ],
)(_sc_gather_body)


def _quad_sum(s, x):
    for m in range(BLOCK_N // 32):
        b = m * 32
        e0 = 1.0 + jnp.exp2(x[b:b + 8, :] * _NLOG2E)
        e1 = 1.0 + jnp.exp2(x[b + 8:b + 16, :] * _NLOG2E)
        e2 = 1.0 + jnp.exp2(x[b + 16:b + 24, :] * _NLOG2E)
        e3 = 1.0 + jnp.exp2(x[b + 24:b + 32, :] * _NLOG2E)
        s = s + jnp.log2((e0 * e1) * (e2 * e3))
    for b in range((BLOCK_N // 32) * 32, BLOCK_N, 8):
        s = s + jnp.log2(1.0 + jnp.exp2(x[b:b + 8, :] * _NLOG2E))
    return s


def _tc_body(x1_ref, x2_ref, x3_ref, x4_ref, p_ref, acc_ref):
    j = pl.program_id(0)

    @pl.when(j == 0)
    def _():
        acc_ref[...] = jnp.zeros((8, ROWS), jnp.float32)

    s = acc_ref[...]
    for x_ref in (x1_ref, x2_ref, x3_ref, x4_ref):
        s = _quad_sum(s, x_ref[...])
    acc_ref[...] = s

    @pl.when(j == NJ - 1)
    def _():
        p_ref[...] = jnp.sum(acc_ref[...], axis=0)


def _combine_body(p_ref, vals_ref, o_ref):
    p_t = jnp.log2(1.0 + jnp.exp2(vals_ref[...] * _NLOG2E))
    o_ref[...] = (p_ref[...] - p_t) * (_LN2 / ROWS)


@jax.jit
def kernel(pred, target):
    target = target.astype(jnp.int32)
    predt = pred.T
    vals = _sc_gather(predt, target)
    p = pl.pallas_call(
        _tc_body,
        grid=(NJ,),
        in_specs=[
            pl.BlockSpec((BLOCK_N, ROWS), lambda j: (j, 0)),
            pl.BlockSpec((BLOCK_N, ROWS), lambda j: (j + NJ, 0)),
            pl.BlockSpec((BLOCK_N, ROWS), lambda j: (j + 2 * NJ, 0)),
            pl.BlockSpec((BLOCK_N, ROWS), lambda j: (j + 3 * NJ, 0)),
        ],
        out_specs=pl.BlockSpec((ROWS,), lambda j: (0,)),
        out_shape=jax.ShapeDtypeStruct((ROWS,), jnp.float32),
        scratch_shapes=[pltpu.VMEM((8, ROWS), jnp.float32)],
        compiler_params=pltpu.CompilerParams(
            dimension_semantics=("arbitrary",),
        ),
    )(predt, predt, predt, predt)
    return pl.pallas_call(
        _combine_body,
        in_specs=[
            pl.BlockSpec((ROWS,), lambda: (0,)),
            pl.BlockSpec((ROWS,), lambda: (0,)),
        ],
        out_specs=pl.BlockSpec((ROWS,), lambda: (0,)),
        out_shape=jax.ShapeDtypeStruct((ROWS,), jnp.float32),
    )(p, vals)

# --- scband reference (transcript-rebuilt; emitter-appended) ---
"""Pipeline reference for scband-adversarial-loss-72507637891704 (READ-ONLY COPY).

The authoritative reference and input builder live on the scoring server;
editing this copy changes nothing except your own understanding.
"""

import jax, jax.numpy as jnp
import numpy as np

def setup_inputs(seed: int = 0) -> dict:
    key = jax.random.key(seed)
    k1, k2 = jax.random.split(key)
    pred = jax.random.normal(k1, (1024, 100000), dtype=jnp.float32)
    target = jax.random.randint(k2, (1024,), 0, 100000, dtype=jnp.int64)
    return {"pred": pred, "target": target}

def reference(pred, target):
    # logs = log(sigmoid(pred))  (use numerically equivalent jax.nn.log_sigmoid-free form to match torch exactly)
    logs = jnp.log(jax.nn.sigmoid(pred))
    # scatter zeros at (row, target[row]) along dim 1
    rows = jnp.arange(pred.shape[0])
    logs = logs.at[rows, target].set(0.0)
    return -jnp.sum(logs, axis=1) / pred.shape[0]

if __name__ == "__main__":
    import jax
    _d = setup_inputs()
    print(jax.jit(kernel)(*tuple(_d.values())))

</pallas_src>

<mosaic_0001>
#map = affine_map<(d0, d1) -> (0, 0)>
#map1 = affine_map<(d0, d1) -> (0)>
module attributes {stable_mosaic.version = 14 : i64} {
  func.func @_sc_gather_body(%arg0: i32, %arg1: i32, %arg2: memref<100000x1024xf32, #tpu.memory_space<hbm>>, %arg3: memref<1024xi32, #tpu.memory_space<hbm>>, %arg4: memref<1024xf32, #tpu.memory_space<hbm>>, %arg5: memref<32xi32, #tpu.memory_space<vmem>>, %arg6: memref<32x1024xf32, #tpu.memory_space<vmem>>, %arg7: memref<32xf32, #tpu.memory_space<vmem>>, %arg8: memref<!tpu.dma_semaphore, #tpu.memory_space<semaphore_mem>>) attributes {dimension_semantics = [#tpu.dimension_semantics<core_parallel>, #tpu.dimension_semantics<subcore_parallel>], iteration_bounds = array<i64: 2, 16>, scalar_prefetch = 0 : i64, scratch_operands = 4 : i64, tpu.core_type = #tpu.core_type<sc_vector_subcore>, window_params = [{transform_indices = #map}, {transform_indices = #map1}, {transform_indices = #map1}]} {
    %mul3A = arith.constant 2 : i32
    %mul3A_0 = arith.muli %arg1, %mul3A : i32
    %add3A = arith.addi %mul3A_0, %arg0 : i32
    %mul3A_1 = arith.constant 32 : i32
    %mul3A_2 = arith.muli %add3A, %mul3A_1 : i32
    "tpu.region"() ({
      %run_scoped3A = tpu.sem_alloc : memref<!tpu.dma_semaphore, #tpu.memory_space<semaphore_mem>>
      %dma_start3A_22 = tpu.memref_slice %arg3[%mul3A_2] : memref<1024xi32, #tpu.memory_space<hbm>> -> memref<32xi32, #tpu.memory_space<hbm>>
      %dma_start3A_23 = tpu.memref_slice %arg3[%mul3A_2] : memref<1024xi32, #tpu.memory_space<hbm>> -> memref<32xi32, #tpu.memory_space<hbm>>
      tpu.enqueue_dma source(%dma_start3A_23 : memref<32xi32, #tpu.memory_space<hbm>>) target(%arg5 : memref<32xi32, #tpu.memory_space<vmem>>) target_semaphore(%run_scoped3A : memref<!tpu.dma_semaphore, #tpu.memory_space<semaphore_mem>>)
      %dma_wait3A_24 = tpu.memref_slice %arg3[%mul3A_2] : memref<1024xi32, #tpu.memory_space<hbm>> -> memref<32xi32, #tpu.memory_space<hbm>>
      %dma_wait3A_25 = tpu.memref_slice %arg3[%mul3A_2] : memref<1024xi32, #tpu.memory_space<hbm>> -> memref<32xi32, #tpu.memory_space<hbm>>
      tpu.wait_dma2 semaphore(%run_scoped3A : memref<!tpu.dma_semaphore, #tpu.memory_space<semaphore_mem>>) src(%dma_wait3A_25 : memref<32xi32, #tpu.memory_space<hbm>>) dst(%arg5 : memref<32xi32, #tpu.memory_space<vmem>>)
      tpu.yield
    }) : () -> ()
    %dma_start3A = arith.constant 0 : i32
    %dma_start3A_3 = arith.constant 0 : i32
    %dma_start3A_4 = tpu.memref_slice %arg2[%dma_start3A, %dma_start3A_3] : memref<100000x1024xf32, #tpu.memory_space<hbm>> -> memref<100000x1024xf32, #tpu.memory_space<hbm>>
    tpu.enqueue_indirect_dma source(%dma_start3A_4 : memref<100000x1024xf32, #tpu.memory_space<hbm>>) target(%arg6 : memref<32x1024xf32, #tpu.memory_space<vmem>>) offsets(%arg5 : memref<32xi32, #tpu.memory_space<vmem>>) semaphore(%arg8 : memref<!tpu.dma_semaphore, #tpu.memory_space<semaphore_mem>>)
    %dma_wait3A = arith.constant 0 : i32
    %dma_wait3A_5 = arith.constant 0 : i32
    %dma_wait3A_6 = tpu.memref_slice %arg2[%dma_wait3A, %dma_wait3A_5] : memref<100000x1024xf32, #tpu.memory_space<hbm>> -> memref<100000x1024xf32, #tpu.memory_space<hbm>>
    tpu.wait_indirect_dma semaphore(%arg8 : memref<!tpu.dma_semaphore, #tpu.memory_space<semaphore_mem>>) src(%dma_wait3A_6 : memref<100000x1024xf32, #tpu.memory_space<hbm>>) dst(%arg6 : memref<32x1024xf32, #tpu.memory_space<vmem>>)
    %iota3A = tpu.iota {dimensions = array<i32: 0>} : vector<16xi32>
    %add3A_7 = arith.constant 0 : i32
    %add3A_8 = vector.broadcast %add3A_7 : i32 to vector<16xi32>
    %add3A_9 = arith.addi %add3A_8, %iota3A : vector<16xi32>
    %add3A_10 = vector.broadcast %mul3A_2 : i32 to vector<16xi32>
    %add3A_11 = arith.addi %add3A_10, %add3A_9 : vector<16xi32>
    %gather3A = tpu.vector_load_idx %arg6[%add3A_9, %add3A_11] : memref<32x1024xf32, #tpu.memory_space<vmem>>[vector<16xi32>, vector<16xi32>], vector<16xf32>,
    %swap3A = arith.constant 0 : index
    %swap3A_12 = tpu.vector_load %arg7[%swap3A] {strides = array<i32>} : memref<32xf32, #tpu.memory_space<vmem>>, vector<16xf32>,
    tpu.vector_store %arg7[%swap3A], %gather3A {strides = array<i32>} : memref<32xf32, #tpu.memory_space<vmem>>, vector<16xf32>,
    %iota3A_13 = tpu.iota {dimensions = array<i32: 0>} : vector<16xi32>
    %add3A_14 = arith.constant 16 : i32
    %add3A_15 = vector.broadcast %add3A_14 : i32 to vector<16xi32>
    %add3A_16 = arith.addi %add3A_15, %iota3A_13 : vector<16xi32>
    %add3A_17 = vector.broadcast %mul3A_2 : i32 to vector<16xi32>
    %add3A_18 = arith.addi %add3A_17, %add3A_16 : vector<16xi32>
    %gather3A_19 = tpu.vector_load_idx %arg6[%add3A_16, %add3A_18] : memref<32x1024xf32, #tpu.memory_space<vmem>>[vector<16xi32>, vector<16xi32>], vector<16xf32>,
    %swap3A_20 = arith.constant 16 : index
    %swap3A_21 = tpu.vector_load %arg7[%swap3A_20] {strides = array<i32>} : memref<32xf32, #tpu.memory_space<vmem>>, vector<16xf32>,
    tpu.vector_store %arg7[%swap3A_20], %gather3A_19 {strides = array<i32>} : memref<32xf32, #tpu.memory_space<vmem>>, vector<16xf32>,
    "tpu.region"() ({
      %run_scoped3A = tpu.sem_alloc : memref<!tpu.dma_semaphore, #tpu.memory_space<semaphore_mem>>
      %dma_start3A_22 = tpu.memref_slice %arg4[%mul3A_2] : memref<1024xf32, #tpu.memory_space<hbm>> -> memref<32xf32, #tpu.memory_space<hbm>>
      %dma_start3A_23 = tpu.memref_slice %arg4[%mul3A_2] : memref<1024xf32, #tpu.memory_space<hbm>> -> memref<32xf32, #tpu.memory_space<hbm>>
      tpu.enqueue_dma source(%arg7 : memref<32xf32, #tpu.memory_space<vmem>>) target(%dma_start3A_23 : memref<32xf32, #tpu.memory_space<hbm>>) target_semaphore(%run_scoped3A : memref<!tpu.dma_semaphore, #tpu.memory_space<semaphore_mem>>)
      %dma_wait3A_24 = tpu.memref_slice %arg4[%mul3A_2] : memref<1024xf32, #tpu.memory_space<hbm>> -> memref<32xf32, #tpu.memory_space<hbm>>
      %dma_wait3A_25 = tpu.memref_slice %arg4[%mul3A_2] : memref<1024xf32, #tpu.memory_space<hbm>> -> memref<32xf32, #tpu.memory_space<hbm>>
      tpu.wait_dma2 semaphore(%run_scoped3A : memref<!tpu.dma_semaphore, #tpu.memory_space<semaphore_mem>>) src(%arg7 : memref<32xf32, #tpu.memory_space<vmem>>) dst(%dma_wait3A_25 : memref<32xf32, #tpu.memory_space<hbm>>)
      tpu.yield
    }) : () -> ()
    return
  }
}

module attributes {stable_mosaic.version = 14 : i64} {
  func.func @_combine_body(%arg0: memref<1024xf32, #tpu.memory_space<vmem>>, %arg1: memref<1024xf32, #tpu.memory_space<vmem>>, %arg2: memref<1024xf32, #tpu.memory_space<vmem>>) attributes {dimension_semantics = [], scalar_prefetch = 0 : i64, scratch_operands = 0 : i64, tpu.core_type = #tpu.core_type<tc>} {
    %get3A = arith.constant 0 : index
    %get3A_0 = vector.load %arg1[%get3A] : memref<1024xf32, #tpu.memory_space<vmem>>, vector<1024xf32>
    %mul3A = arith.constant -1.44269502 : f32
    %mul3A_1 = vector.broadcast %mul3A : f32 to vector<1024xf32>
    %mul3A_2 = arith.mulf %get3A_0, %mul3A_1 : vector<1024xf32>
    %exp23A = math.exp2 %mul3A_2 : vector<1024xf32>
    %add3A = arith.constant 1.000000e+00 : f32
    %add3A_3 = vector.broadcast %add3A : f32 to vector<1024xf32>
    %add3A_4 = arith.addf %add3A_3, %exp23A : vector<1024xf32>
    %log3A = math.log %add3A_4 : vector<1024xf32>
    %log3A_5 = arith.constant 2.000000e+00 : f32
    %log3A_6 = math.log %log3A_5 : f32
    %div3A = vector.broadcast %log3A_6 : f32 to vector<1024xf32>
    %div3A_7 = arith.divf %log3A, %div3A : vector<1024xf32>
    %get3A_8 = arith.constant 0 : index
    %get3A_9 = vector.load %arg0[%get3A_8] : memref<1024xf32, #tpu.memory_space<vmem>>, vector<1024xf32>
    %sub3A = arith.subf %get3A_9, %div3A_7 : vector<1024xf32>
    %mul3A_10 = arith.constant 6.76901545E-4 : f32
    %mul3A_11 = vector.broadcast %mul3A_10 : f32 to vector<1024xf32>
    %mul3A_12 = arith.mulf %sub3A, %mul3A_11 : vector<1024xf32>
    %swap3A = arith.constant 0 : index
    %swap3A_13 = vector.load %arg2[%swap3A] : memref<1024xf32, #tpu.memory_space<vmem>>, vector<1024xf32>
    tpu.vector_store %arg2[%swap3A], %mul3A_12 {strides = array<i32>} : memref<1024xf32, #tpu.memory_space<vmem>>, vector<1024xf32>,
    return
  }
}

module attributes {stable_mosaic.version = 14 : i64} {
  func.func @_tc_body(%arg0: i32, %arg1: memref<1000x1024xf32, #tpu.memory_space<vmem>>, %arg2: memref<1000x1024xf32, #tpu.memory_space<vmem>>, %arg3: memref<1000x1024xf32, #tpu.memory_space<vmem>>, %arg4: memref<1000x1024xf32, #tpu.memory_space<vmem>>, %arg5: memref<1024xf32, #tpu.memory_space<vmem>>, %arg6: memref<8x1024xf32, #tpu.memory_space<vmem>>) attributes {dimension_semantics = [#tpu.dimension_semantics<arbitrary>], iteration_bounds = array<i64: 25>, scalar_prefetch = 0 : i64, scratch_operands = 1 : i64, tpu.core_type = #tpu.core_type<tc>, window_params = [{transform_indices = @transform_0, window_bounds = array<i64: 1000, 1024>}, {transform_indices = @transform_1, window_bounds = array<i64: 1000, 1024>}, {transform_indices = @transform_2, window_bounds = array<i64: 1000, 1024>}, {transform_indices = @transform_3, window_bounds = array<i64: 1000, 1024>}, {pipeline_mode = #tpu.pipeline_mode<synchronous>, transform_indices = @transform_4, window_bounds = array<i64: 1024>}]} {
    %eq3A = arith.constant 0 : i32
    %eq3A_0 = arith.cmpi eq, %arg0, %eq3A : i32
    %convert_element_type3A = arith.extui %eq3A_0 : i1 to i32
    %cond3A = arith.constant 0 : i32
    %cond3A_1 = arith.cmpi ne, %convert_element_type3A, %cond3A : i32
    scf.if %cond3A_1 {
      %broadcast_in_dim3A = arith.constant 0.000000e+00 : f32
      %broadcast_in_dim3A_5157 = vector.broadcast %broadcast_in_dim3A : f32 to vector<8x1024xf32>
      %swap3A_5158 = arith.constant 0 : index
      %swap3A_5159 = arith.constant 0 : index
      %swap3A_5160 = vector.load %arg6[%swap3A_5158, %swap3A_5159] : memref<8x1024xf32, #tpu.memory_space<vmem>>, vector<8x1024xf32>
      tpu.vector_store %arg6[%swap3A_5158, %swap3A_5159], %broadcast_in_dim3A_5157 {strides = array<i32>} : memref<8x1024xf32, #tpu.memory_space<vmem>>, vector<8x1024xf32>,
    } else {
    }
    %get3A = arith.constant 0 : index
    %get3A_2 = arith.constant 0 : index
    %get3A_3 = vector.load %arg6[%get3A, %get3A_2] : memref<8x1024xf32, #tpu.memory_space<vmem>>, vector<8x1024xf32>
    %get3A_4 = arith.constant 0 : index
    %get3A_5 = arith.constant 0 : index
    %get3A_6 = vector.load %arg1[%get3A_4, %get3A_5] : memref<1000x1024xf32, #tpu.memory_space<vmem>>, vector<1000x1024xf32>
    %slice3A = vector.extract_strided_slice %get3A_6 {offsets = [0, 0], sizes = [8, 1024], strides = [1, 1]} : vector<1000x1024xf32> to vector<8x1024xf32>
    %mul3A = arith.constant -1.44269502 : f32
    %mul3A_7 = vector.broadcast %mul3A : f32 to vector<8x1024xf32>
    %mul3A_8 = arith.mulf %slice3A, %mul3A_7 : vector<8x1024xf32>
    %exp23A = math.exp2 %mul3A_8 : vector<8x1024xf32>
    %add3A = arith.constant 1.000000e+00 : f32
    %add3A_9 = vector.broadcast %add3A : f32 to vector<8x1024xf32>
    %add3A_10 = arith.addf %add3A_9, %exp23A : vector<8x1024xf32>
    %slice3A_11 = vector.extract_strided_slice %get3A_6 {offsets = [8, 0], sizes = [8, 1024], strides = [1, 1]} : vector<1000x1024xf32> to vector<8x1024xf32>
    %mul3A_12 = arith.constant -1.44269502 : f32
    %mul3A_13 = vector.broadcast %mul3A_12 : f32 to vector<8x1024xf32>
    %mul3A_14 = arith.mulf %slice3A_11, %mul3A_13 : vector<8x1024xf32>
    %exp23A_15 = math.exp2 %mul3A_14 : vector<8x1024xf32>
    %add3A_16 = arith.constant 1.000000e+00 : f32
    %add3A_17 = vector.broadcast %add3A_16 : f32 to vector<8x1024xf32>
    %add3A_18 = arith.addf %add3A_17, %exp23A_15 : vector<8x1024xf32>
    %slice3A_19 = vector.extract_strided_slice %get3A_6 {offsets = [16, 0], sizes = [8, 1024], strides = [1, 1]} : vector<1000x1024xf32> to vector<8x1024xf32>
    %mul3A_20 = arith.constant -1.44269502 : f32
    %mul3A_21 = vector.broadcast %mul3A_20 : f32 to vector<8x1024xf32>
    %mul3A_22 = arith.mulf %slice3A_19, %mul3A_21 : vector<8x1024xf32>
    %exp23A_23 = math.exp2 %mul3A_22 : vector<8x1024xf32>
    %add3A_24 = arith.constant 1.000000e+00 : f32
    %add3A_25 = vector.broadcast %add3A_24 : f32 to vector<8x1024xf32>
    %add3A_26 = arith.addf %add3A_25, %exp23A_23 : vector<8x1024xf32>
    %slice3A_27 = vector.extract_strided_slice %get3A_6 {offsets = [24, 0], sizes = [8, 1024], strides = [1, 1]} : vector<1000x1024xf32> to vector<8x1024xf32>
    %mul3A_28 = arith.constant -1.44269502 : f32
    %mul3A_29 = vector.broadcast %mul3A_28 : f32 to vector<8x1024xf32>
    %mul3A_30 = arith.mulf %slice3A_27, %mul3A_29 : vector<8x1024xf32>
    %exp23A_31 = math.exp2 %mul3A_30 : vector<8x1024xf32>
    %add3A_32 = arith.constant 1.000000e+00 : f32
    %add3A_33 = vector.broadcast %add3A_32 : f32 to vector<8x1024xf32>
    %add3A_34 = arith.addf %add3A_33, %exp23A_31 : vector<8x1024xf32>
    %mul3A_35 = arith.mulf %add3A_10, %add3A_18 : vector<8x1024xf32>
    %mul3A_36 = arith.mulf %add3A_26, %add3A_34 : vector<8x1024xf32>
    %mul3A_37 = arith.mulf %mul3A_35, %mul3A_36 : vector<8x1024xf32>
    %log3A = math.log %mul3A_37 : vector<8x1024xf32>
    %log3A_38 = arith.constant 2.000000e+00 : f32
    %log3A_39 = math.log %log3A_38 : f32
    %div3A = vector.broadcast %log3A_39 : f32 to vector<8x1024xf32>
    %div3A_40 = arith.divf %log3A, %div3A : vector<8x1024xf32>
    %add3A_41 = arith.addf %get3A_3, %div3A_40 : vector<8x1024xf32>
    %slice3A_42 = vector.extract_strided_slice %get3A_6 {offsets = [32, 0], sizes = [8, 1024], strides = [1, 1]} : vector<1000x1024xf32> to vector<8x1024xf32>
    %mul3A_43 = arith.constant -1.44269502 : f32
    %mul3A_44 = vector.broadcast %mul3A_43 : f32 to vector<8x1024xf32>
    %mul3A_45 = arith.mulf %slice3A_42, %mul3A_44 : vector<8x1024xf32>
    %exp23A_46 = math.exp2 %mul3A_45 : vector<8x1024xf32>
    %add3A_47 = arith.constant 1.000000e+00 : f32
    %add3A_48 = vector.broadcast %add3A_47 : f32 to vector<8x1024xf32>
    %add3A_49 = arith.addf %add3A_48, %exp23A_46 : vector<8x1024xf32>
    %slice3A_50 = vector.extract_strided_slice %get3A_6 {offsets = [40, 0], sizes = [8, 1024], strides = [1, 1]} : vector<1000x1024xf32> to vector<8x1024xf32>
    %mul3A_51 = arith.constant -1.44269502 : f32
    %mul3A_52 = vector.broadcast %mul3A_51 : f32 to vector<8x1024xf32>
    %mul3A_53 = arith.mulf %slice3A_50, %mul3A_52 : vector<8x1024xf32>
    %exp23A_54 = math.exp2 %mul3A_53 : vector<8x1024xf32>
    %add3A_55 = arith.constant 1.000000e+00 : f32
    %add3A_56 = vector.broadcast %add3A_55 : f32 to vector<8x1024xf32>
    %add3A_57 = arith.addf %add3A_56, %exp23A_54 : vector<8x1024xf32>
    %slice3A_58 = vector.extract_strided_slice %get3A_6 {offsets = [48, 0], sizes = [8, 1024], strides = [1, 1]} : vector<1000x1024xf32> to vector<8x1024xf32>
    %mul3A_59 = arith.constant -1.44269502 : f32
    %mul3A_60 = vector.broadcast %mul3A_59 : f32 to vector<8x1024xf32>
    %mul3A_61 = arith.mulf %slice3A_58, %mul3A_60 : vector<8x1024xf32>
    %exp23A_62 = math.exp2 %mul3A_61 : vector<8x1024xf32>
    %add3A_63 = arith.constant 1.000000e+00 : f32
    %add3A_64 = vector.broadcast %add3A_63 : f32 to vector<8x1024xf32>
    %add3A_65 = arith.addf %add3A_64, %exp23A_62 : vector<8x1024xf32>
    %slice3A_66 = vector.extract_strided_slice %get3A_6 {offsets = [56, 0], sizes = [8, 1024], strides = [1, 1]} : vector<1000x1024xf32> to vector<8x1024xf32>
    %mul3A_67 = arith.constant -1.44269502 : f32
    %mul3A_68 = vector.broadcast %mul3A_67 : f32 to vector<8x1024xf32>
    %mul3A_69 = arith.mulf %slice3A_66, %mul3A_68 : vector<8x1024xf32>
    %exp23A_70 = math.exp2 %mul3A_69 : vector<8x1024xf32>
    %add3A_71 = arith.constant 1.000000e+00 : f32
    %add3A_72 = vector.broadcast %add3A_71 : f32 to vector<8x1024xf32>
    %add3A_73 = arith.addf %add3A_72, %exp23A_70 : vector<8x1024xf32>
    %mul3A_74 = arith.mulf %add3A_49, %add3A_57 : vector<8x1024xf32>
    %mul3A_75 = arith.mulf %add3A_65, %add3A_73 : vector<8x1024xf32>
    %mul3A_76 = arith.mulf %mul3A_74, %mul3A_75 : vector<8x1024xf32>
    %log3A_77 = math.log %mul3A_76 : vector<8x1024xf32>
    %log3A_78 = arith.constant 2.000000e+00 : f32
    %log3A_79 = math.log %log3A_78 : f32
    %div3A_80 = vector.broadcast %log3A_79 : f32 to vector<8x1024xf32>
    %div3A_81 = arith.divf %log3A_77, %div3A_80 : vector<8x1024xf32>
    %add3A_82 = arith.addf %add3A_41, %div3A_81 : vector<8x1024xf32>
    %slice3A_83 = vector.extract_strided_slice %get3A_6 {offsets = [64, 0], sizes = [8, 1024], strides = [1, 1]} : vector<1000x1024xf32> to vector<8x1024xf32>
    %mul3A_84 = arith.constant -1.44269502 : f32
    %mul3A_85 = vector.broadcast %mul3A_84 : f32 to vector<8x1024xf32>
    %mul3A_86 = arith.mulf %slice3A_83, %mul3A_85 : vector<8x1024xf32>
    %exp23A_87 = math.exp2 %mul3A_86 : vector<8x1024xf32>
    %add3A_88 = arith.constant 1.000000e+00 : f32
    %add3A_89 = vector.broadcast %add3A_88 : f32 to vector<8x1024xf32>
    %add3A_90 = arith.addf %add3A_89, %exp23A_87 : vector<8x1024xf32>
    %slice3A_91 = vector.extract_strided_slice %get3A_6 {offsets = [72, 0], sizes = [8, 1024], strides = [1, 1]} : vector<1000x1024xf32> to vector<8x1024xf32>
    %mul3A_92 = arith.constant -1.44269502 : f32
    %mul3A_93 = vector.broadcast %mul3A_92 : f32 to vector<8x1024xf32>
    %mul3A_94 = arith.mulf %slice3A_91, %mul3A_93 : vector<8x1024xf32>
    %exp23A_95 = math.exp2 %mul3A_94 : vector<8x1024xf32>
    %add3A_96 = arith.constant 1.000000e+00 : f32
    %add3A_97 = vector.broadcast %add3A_96 : f32 to vector<8x1024xf32>
    %add3A_98 = arith.addf %add3A_97, %exp23A_95 : vector<8x1024xf32>
    %slice3A_99 = vector.extract_strided_slice %get3A_6 {offsets = [80, 0], sizes = [8, 1024], strides = [1, 1]} : vector<1000x1024xf32> to vector<8x1024xf32>
    %mul3A_100 = arith.constant -1.44269502 : f32
    %mul3A_101 = vector.broadcast %mul3A_100 : f32 to vector<8x1024xf32>
    %mul3A_102 = arith.mulf %slice3A_99, %mul3A_101 : vector<8x1024xf32>
    %exp23A_103 = math.exp2 %mul3A_102 : vector<8x1024xf32>
    %add3A_104 = arith.constant 1.000000e+00 : f32
    %add3A_105 = vector.broadcast %add3A_104 : f32 to vector<8x1024xf32>
    %add3A_106 = arith.addf %add3A_105, %exp23A_103 : vector<8x1024xf32>
    %slice3A_107 = vector.extract_strided_slice %get3A_6 {offsets = [88, 0], sizes = [8, 1024], strides = [1, 1]} : vector<1000x1024xf32> to vector<8x1024xf32>
    %mul3A_108 = arith.constant -1.44269502 : f32
    %mul3A_109 = vector.broadcast %mul3A_108 : f32 to vector<8x1024xf32>
    %mul3A_110 = arith.mulf %slice3A_107, %mul3A_109 : vector<8x1024xf32>
    %exp23A_111 = math.exp2 %mul3A_110 : vector<8x1024xf32>
    %add3A_112 = arith.constant 1.000000e+00 : f32
    %add3A_113 = vector.broadcast %add3A_112 : f32 to vector<8x1024xf32>
    %add3A_114 = arith.addf %add3A_113, %exp23A_111 : vector<8x1024xf32>
    %mul3A_115 = arith.mulf %add3A_90, %add3A_98 : vector<8x1024xf32>
    %mul3A_116 = arith.mulf %add3A_106, %add3A_114 : vector<8x1024xf32>
    %mul3A_117 = arith.mulf %mul3A_115, %mul3A_116 : vector<8x1024xf32>
    %log3A_118 = math.log %mul3A_117 : vector<8x1024xf32>
    %log3A_119 = arith.constant 2.000000e+00 : f32
    %log3A_120 = math.log %log3A_119 : f32
    %div3A_121 = vector.broadcast %log3A_120 : f32 to vector<8x1024xf32>
    %div3A_122 = arith.divf %log3A_118, %div3A_121 : vector<8x1024xf32>
    %add3A_123 = arith.addf %add3A_82, %div3A_122 : vector<8x1024xf32>
    %slice3A_124 = vector.extract_strided_slice %get3A_6 {offsets = [96, 0], sizes = [8, 1024], strides = [1, 1]} : vector<1000x1024xf32> to vector<8x1024xf32>
    %mul3A_125 = arith.constant -1.44269502 : f32
    %mul3A_126 = vector.broadcast %mul3A_125 : f32 to vector<8x1024xf32>
    %mul3A_127 = arith.mulf %slice3A_124, %mul3A_126 : vector<8x1024xf32>
    %exp23A_128 = math.exp2 %mul3A_127 : vector<8x1024xf32>
    %add3A_129 = arith.constant 1.000000e+00 : f32
    %add3A_130 = vector.broadcast %add3A_129 : f32 to vector<8x1024xf32>
    %add3A_131 = arith.addf %add3A_130, %exp23A_128 : vector<8x1024xf32>
    %slice3A_132 = vector.extract_strided_slice %get3A_6 {offsets = [104, 0], sizes = [8, 1024], strides = [1, 1]} : vector<1000x1024xf32> to vector<8x1024xf32>
    %mul3A_133 = arith.constant -1.44269502 : f32
    %mul3A_134 = vector.broadcast %mul3A_133 : f32 to vector<8x1024xf32>
    %mul3A_135 = arith.mulf %slice3A_132, %mul3A_134 : vector<8x1024xf32>
    %exp23A_136 = math.exp2 %mul3A_135 : vector<8x1024xf32>
    %add3A_137 = arith.constant 1.000000e+00 : f32
    %add3A_138 = vector.broadcast %add3A_137 : f32 to vector<8x1024xf32>
    %add3A_139 = arith.addf %add3A_138, %exp23A_136 : vector<8x1024xf32>
    %slice3A_140 = vector.extract_strided_slice %get3A_6 {offsets = [112, 0], sizes = [8, 1024], strides = [1, 1]} : vector<1000x1024xf32> to vector<8x1024xf32>
    %mul3A_141 = arith.constant -1.44269502 : f32
    %mul3A_142 = vector.broadcast %mul3A_141 : f32 to vector<8x1024xf32>
    %mul3A_143 = arith.mulf %slice3A_140, %mul3A_142 : vector<8x1024xf32>
    %exp23A_144 = math.exp2 %mul3A_143 : vector<8x1024xf32>
    %add3A_145 = arith.constant 1.000000e+00 : f32
    %add3A_146 = vector.broadcast %add3A_145 : f32 to vector<8x1024xf32>
    %add3A_147 = arith.addf %add3A_146, %exp23A_144 : vector<8x1024xf32>
    %slice3A_148 = vector.extract_strided_slice %get3A_6 {offsets = [120, 0], sizes = [8, 1024], strides = [1, 1]} : vector<1000x1024xf32> to vector<8x1024xf32>
    %mul3A_149 = arith.constant -1.44269502 : f32
    %mul3A_150 = vector.broadcast %mul3A_149 : f32 to vector<8x1024xf32>
    %mul3A_151 = arith.mulf %slice3A_148, %mul3A_150 : vector<8x1024xf32>
    %exp23A_152 = math.exp2 %mul3A_151 : vector<8x1024xf32>
    %add3A_153 = arith.constant 1.000000e+00 : f32
    %add3A_154 = vector.broadcast %add3A_153 : f32 to vector<8x1024xf32>
    %add3A_155 = arith.addf %add3A_154, %exp23A_152 : vector<8x1024xf32>
    %mul3A_156 = arith.mulf %add3A_131, %add3A_139 : vector<8x1024xf32>
    %mul3A_157 = arith.mulf %add3A_147, %add3A_155 : vector<8x1024xf32>
    %mul3A_158 = arith.mulf %mul3A_156, %mul3A_157 : vector<8x1024xf32>
    %log3A_159 = math.log %mul3A_158 : vector<8x1024xf32>
    %log3A_160 = arith.constant 2.000000e+00 : f32
    %log3A_161 = math.log %log3A_160 : f32
    %div3A_162 = vector.broadcast %log3A_161 : f32 to vector<8x1024xf32>
    %div3A_163 = arith.divf %log3A_159, %div3A_162 : vector<8x1024xf32>
    %add3A_164 = arith.addf %add3A_123, %div3A_163 : vector<8x1024xf32>
    %slice3A_165 = vector.extract_strided_slice %get3A_6 {offsets = [128, 0], sizes = [8, 1024], strides = [1, 1]} : vector<1000x1024xf32> to vector<8x1024xf32>
    %mul3A_166 = arith.constant -1.44269502 : f32
    %mul3A_167 = vector.broadcast %mul3A_166 : f32 to vector<8x1024xf32>
    %mul3A_168 = arith.mulf %slice3A_165, %mul3A_167 : vector<8x1024xf32>
    %exp23A_169 = math.exp2 %mul3A_168 : vector<8x1024xf32>
    %add3A_170 = arith.constant 1.000000e+00 : f32
    %add3A_171 = vector.broadcast %add3A_170 : f32 to vector<8x1024xf32>
    %add3A_172 = arith.addf %add3A_171, %exp23A_169 : vector<8x1024xf32>
    %slice3A_173 = vector.extract_strided_slice %get3A_6 {offsets = [136, 0], sizes = [8, 1024], strides = [1, 1]} : vector<1000x1024xf32> to vector<8x1024xf32>
    %mul3A_174 = arith.constant -1.44269502 : f32
    %mul3A_175 = vector.broadcast %mul3A_174 : f32 to vector<8x1024xf32>
    %mul3A_176 = arith.mulf %slice3A_173, %mul3A_175 : vector<8x1024xf32>
    %exp23A_177 = math.exp2 %mul3A_176 : vector<8x1024xf32>
    %add3A_178 = arith.constant 1.000000e+00 : f32
    %add3A_179 = vector.broadcast %add3A_178 : f32 to vector<8x1024xf32>
    %add3A_180 = arith.addf %add3A_179, %exp23A_177 : vector<8x1024xf32>
    %slice3A_181 = vector.extract_strided_slice %get3A_6 {offsets = [144, 0], sizes = [8, 1024], strides = [1, 1]} : vector<1000x1024xf32> to vector<8x1024xf32>
    %mul3A_182 = arith.constant -1.44269502 : f32
    %mul3A_183 = vector.broadcast %mul3A_182 : f32 to vector<8x1024xf32>
    %mul3A_184 = arith.mulf %slice3A_181, %mul3A_183 : vector<8x1024xf32>
    %exp23A_185 = math.exp2 %mul3A_184 : vector<8x1024xf32>
    %add3A_186 = arith.constant 1.000000e+00 : f32
    %add3A_187 = vector.broadcast %add3A_186 : f32 to vector<8x1024xf32>
    %add3A_188 = arith.addf %add3A_187, %exp23A_185 : vector<8x1024xf32>
    %slice3A_189 = vector.extract_strided_slice %get3A_6 {offsets = [152, 0], sizes = [8, 1024], strides = [1, 1]} : vector<1000x1024xf32> to vector<8x1024xf32>
    %mul3A_190 = arith.constant -1.44269502 : f32
    %mul3A_191 = vector.broadcast %mul3A_190 : f32 to vector<8x1024xf32>
    %mul3A_192 = arith.mulf %slice3A_189, %mul3A_191 : vector<8x1024xf32>
    %exp23A_193 = math.exp2 %mul3A_192 : vector<8x1024xf32>
    %add3A_194 = arith.constant 1.000000e+00 : f32
    %add3A_195 = vector.broadcast %add3A_194 : f32 to vector<8x1024xf32>
    %add3A_196 = arith.addf %add3A_195, %exp23A_193 : vector<8x1024xf32>
    %mul3A_197 = arith.mulf %add3A_172, %add3A_180 : vector<8x1024xf32>
    %mul3A_198 = arith.mulf %add3A_188, %add3A_196 : vector<8x1024xf32>
    %mul3A_199 = arith.mulf %mul3A_197, %mul3A_198 : vector<8x1024xf32>
    %log3A_200 = math.log %mul3A_199 : vector<8x1024xf32>
    %log3A_201 = arith.constant 2.000000e+00 : f32
    %log3A_202 = math.log %log3A_201 : f32
    %div3A_203 = vector.broadcast %log3A_202 : f32 to vector<8x1024xf32>
    %div3A_204 = arith.divf %log3A_200, %div3A_203 : vector<8x1024xf32>
    %add3A_205 = arith.addf %add3A_164, %div3A_204 : vector<8x1024xf32>
    %slice3A_206 = vector.extract_strided_slice %get3A_6 {offsets = [160, 0], sizes = [8, 1024], strides = [1, 1]} : vector<1000x1024xf32> to vector<8x1024xf32>
    %mul3A_207 = arith.constant -1.44269502 : f32
    %mul3A_208 = vector.broadcast %mul3A_207 : f32 to vector<8x1024xf32>
    %mul3A_209 = arith.mulf %slice3A_206, %mul3A_208 : vector<8x1024xf32>
    %exp23A_210 = math.exp2 %mul3A_209 : vector<8x1024xf32>
    %add3A_211 = arith.constant 1.000000e+00 : f32
    %add3A_212 = vector.broadcast %add3A_211 : f32 to vector<8x1024xf32>
    %add3A_213 = arith.addf %add3A_212, %exp23A_210 : vector<8x1024xf32>
    %slice3A_214 = vector.extract_strided_slice %get3A_6 {offsets = [168, 0], sizes = [8, 1024], strides = [1, 1]} : vector<1000x1024xf32> to vector<8x1024xf32>
    %mul3A_215 = arith.constant -1.44269502 : f32
    %mul3A_216 = vector.broadcast %mul3A_215 : f32 to vector<8x1024xf32>
    %mul3A_217 = arith.mulf %slice3A_214, %mul3A_216 : vector<8x1024xf32>
    %exp23A_218 = math.exp2 %mul3A_217 : vector<8x1024xf32>
    %add3A_219 = arith.constant 1.000000e+00 : f32
    %add3A_220 = vector.broadcast %add3A_219 : f32 to vector<8x1024xf32>
    %add3A_221 = arith.addf %add3A_220, %exp23A_218 : vector<8x1024xf32>
    %slice3A_222 = vector.extract_strided_slice %get3A_6 {offsets = [176, 0], sizes = [8, 1024], strides = [1, 1]} : vector<1000x1024xf32> to vector<8x1024xf32>
    %mul3A_223 = arith.constant -1.44269502 : f32
    %mul3A_224 = vector.broadcast %mul3A_223 : f32 to vector<8x1024xf32>
    %mul3A_225 = arith.mulf %slice3A_222, %mul3A_224 : vector<8x1024xf32>
    %exp23A_226 = math.exp2 %mul3A_225 : vector<8x1024xf32>
    %add3A_227 = arith.constant 1.000000e+00 : f32
    %add3A_228 = vector.broadcast %add3A_227 : f32 to vector<8x1024xf32>
    %add3A_229 = arith.addf %add3A_228, %exp23A_226 : vector<8x1024xf32>
    %slice3A_230 = vector.extract_strided_slice %get3A_6 {offsets = [184, 0], sizes = [8, 1024], strides = [1, 1]} : vector<1000x1024xf32> to vector<8x1024xf32>
    %mul3A_231 = arith.constant -1.44269502 : f32
    %mul3A_232 = vector.broadcast %mul3A_231 : f32 to vector<8x1024xf32>
    %mul3A_233 = arith.mulf %slice3A_230, %mul3A_232 : vector<8x1024xf32>
    %exp23A_234 = math.exp2 %mul3A_233 : vector<8x1024xf32>
    %add3A_235 = arith.constant 1.000000e+00 : f32
    %add3A_236 = vector.broadcast %add3A_235 : f32 to vector<8x1024xf32>
    %add3A_237 = arith.addf %add3A_236, %exp23A_234 : vector<8x1024xf32>
    %mul3A_238 = arith.mulf %add3A_213, %add3A_221 : vector<8x1024xf32>
    %mul3A_239 = arith.mulf %add3A_229, %add3A_237 : vector<8x1024xf32>
    %mul3A_240 = arith.mulf %mul3A_238, %mul3A_239 : vector<8x1024xf32>
    %log3A_241 = math.log %mul3A_240 : vector<8x1024xf32>
    %log3A_242 = arith.constant 2.000000e+00 : f32
    %log3A_243 = math.log %log3A_242 : f32
    %div3A_244 = vector.broadcast %log3A_243 : f32 to vector<8x1024xf32>
    %div3A_245 = arith.divf %log3A_241, %div3A_244 : vector<8x1024xf32>
    %add3A_246 = arith.addf %add3A_205, %div3A_245 : vector<8x1024xf32>
    %slice3A_247 = vector.extract_strided_slice %get3A_6 {offsets = [192, 0], sizes = [8, 1024], strides = [1, 1]} : vector<1000x1024xf32> to vector<8x1024xf32>
    %mul3A_248 = arith.constant -1.44269502 : f32
    %mul3A_249 = vector.broadcast %mul3A_248 : f32 to vector<8x1024xf32>
    %mul3A_250 = arith.mulf %slice3A_247, %mul3A_249 : vector<8x1024xf32>
    %exp23A_251 = math.exp2 %mul3A_250 : vector<8x1024xf32>
    %add3A_252 = arith.constant 1.000000e+00 : f32
    %add3A_253 = vector.broadcast %add3A_252 : f32 to vector<8x1024xf32>
    %add3A_254 = arith.addf %add3A_253, %exp23A_251 : vector<8x1024xf32>
    %slice3A_255 = vector.extract_strided_slice %get3A_6 {offsets = [200, 0], sizes = [8, 1024], strides = [1, 1]} : vector<1000x1024xf32> to vector<8x1024xf32>
    %mul3A_256 = arith.constant -1.44269502 : f32
    %mul3A_257 = vector.broadcast %mul3A_256 : f32 to vector<8x1024xf32>
    %mul3A_258 = arith.mulf %slice3A_255, %mul3A_257 : vector<8x1024xf32>
    %exp23A_259 = math.exp2 %mul3A_258 : vector<8x1024xf32>
    %add3A_260 = arith.constant 1.000000e+00 : f32
    %add3A_261 = vector.broadcast %add3A_260 : f32 to vector<8x1024xf32>
    %add3A_262 = arith.addf %add3A_261, %exp23A_259 : vector<8x1024xf32>
    %slice3A_263 = vector.extract_strided_slice %get3A_6 {offsets = [208, 0], sizes = [8, 1024], strides = [1, 1]} : vector<1000x1024xf32> to vector<8x1024xf32>
    %mul3A_264 = arith.constant -1.44269502 : f32
    %mul3A_265 = vector.broadcast %mul3A_264 : f32 to vector<8x1024xf32>
    %mul3A_266 = arith.mulf %slice3A_263, %mul3A_265 : vector<8x1024xf32>
    %exp23A_267 = math.exp2 %mul3A_266 : vector<8x1024xf32>
    %add3A_268 = arith.constant 1.000000e+00 : f32
    %add3A_269 = vector.broadcast %add3A_268 : f32 to vector<8x1024xf32>
    %add3A_270 = arith.addf %add3A_269, %exp23A_267 : vector<8x1024xf32>
    %slice3A_271 = vector.extract_strided_slice %get3A_6 {offsets = [216, 0], sizes = [8, 1024], strides = [1, 1]} : vector<1000x1024xf32> to vector<8x1024xf32>
    %mul3A_272 = arith.constant -1.44269502 : f32
    %mul3A_273 = vector.broadcast %mul3A_272 : f32 to vector<8x1024xf32>
    %mul3A_274 = arith.mulf %slice3A_271, %mul3A_273 : vector<8x1024xf32>
    %exp23A_275 = math.exp2 %mul3A_274 : vector<8x1024xf32>
    %add3A_276 = arith.constant 1.000000e+00 : f32
    %add3A_277 = vector.broadcast %add3A_276 : f32 to vector<8x1024xf32>
    %add3A_278 = arith.addf %add3A_277, %exp23A_275 : vector<8x1024xf32>
    %mul3A_279 = arith.mulf %add3A_254, %add3A_262 : vector<8x1024xf32>
    %mul3A_280 = arith.mulf %add3A_270, %add3A_278 : vector<8x1024xf32>
    %mul3A_281 = arith.mulf %mul3A_279, %mul3A_280 : vector<8x1024xf32>
    %log3A_282 = math.log %mul3A_281 : vector<8x1024xf32>
    %log3A_283 = arith.constant 2.000000e+00 : f32
    %log3A_284 = math.log %log3A_283 : f32
    %div3A_285 = vector.broadcast %log3A_284 : f32 to vector<8x1024xf32>
    %div3A_286 = arith.divf %log3A_282, %div3A_285 : vector<8x1024xf32>
    %add3A_287 = arith.addf %add3A_246, %div3A_286 : vector<8x1024xf32>
    %slice3A_288 = vector.extract_strided_slice %get3A_6 {offsets = [224, 0], sizes = [8, 1024], strides = [1, 1]} : vector<1000x1024xf32> to vector<8x1024xf32>
    %mul3A_289 = arith.constant -1.44269502 : f32
    %mul3A_290 = vector.broadcast %mul3A_289 : f32 to vector<8x1024xf32>
    %mul3A_291 = arith.mulf %slice3A_288, %mul3A_290 : vector<8x1024xf32>
    %exp23A_292 = math.exp2 %mul3A_291 : vector<8x1024xf32>
    %add3A_293 = arith.constant 1.000000e+00 : f32
    %add3A_294 = vector.broadcast %add3A_293 : f32 to vector<8x1024xf32>
    %add3A_295 = arith.addf %add3A_294, %exp23A_292 : vector<8x1024xf32>
    %slice3A_296 = vector.extract_strided_slice %get3A_6 {offsets = [232, 0], sizes = [8, 1024], strides = [1, 1]} : vector<1000x1024xf32> to vector<8x1024xf32>
    %mul3A_297 = arith.constant -1.44269502 : f32
    %mul3A_298 = vector.broadcast %mul3A_297 : f32 to vector<8x1024xf32>
    %mul3A_299 = arith.mulf %slice3A_296, %mul3A_298 : vector<8x1024xf32>
    %exp23A_300 = math.exp2 %mul3A_299 : vector<8x1024xf32>
    %add3A_301 = arith.constant 1.000000e+00 : f32
    %add3A_302 = vector.broadcast %add3A_301 : f32 to vector<8x1024xf32>
    %add3A_303 = arith.addf %add3A_302, %exp23A_300 : vector<8x1024xf32>
    %slice3A_304 = vector.extract_strided_slice %get3A_6 {offsets = [240, 0], sizes = [8, 1024], strides = [1, 1]} : vector<1000x1024xf32> to vector<8x1024xf32>
    %mul3A_305 = arith.constant -1.44269502 : f32
    %mul3A_306 = vector.broadcast %mul3A_305 : f32 to vector<8x1024xf32>
    %mul3A_307 = arith.mulf %slice3A_304, %mul3A_306 : vector<8x1024xf32>
    %exp23A_308 = math.exp2 %mul3A_307 : vector<8x1024xf32>
    %add3A_309 = arith.constant 1.000000e+00 : f32
    %add3A_310 = vector.broadcast %add3A_309 : f32 to vector<8x1024xf32>
    %add3A_311 = arith.addf %add3A_310, %exp23A_308 : vector<8x1024xf32>
    %slice3A_312 = vector.extract_strided_slice %get3A_6 {offsets = [248, 0], sizes = [8, 1024], strides = [1, 1]} : vector<1000x1024xf32> to vector<8x1024xf32>
    %mul3A_313 = arith.constant -1.44269502 : f32
    %mul3A_314 = vector.broadcast %mul3A_313 : f32 to vector<8x1024xf32>
    %mul3A_315 = arith.mulf %slice3A_312, %mul3A_314 : vector<8x1024xf32>
    %exp23A_316 = math.exp2 %mul3A_315 : vector<8x1024xf32>
    %add3A_317 = arith.constant 1.000000e+00 : f32
    %add3A_318 = vector.broadcast %add3A_317 : f32 to vector<8x1024xf32>
    %add3A_319 = arith.addf %add3A_318, %exp23A_316 : vector<8x1024xf32>
    %mul3A_320 = arith.mulf %add3A_295, %add3A_303 : vector<8x1024xf32>
    %mul3A_321 = arith.mulf %add3A_311, %add3A_319 : vector<8x1024xf32>
    %mul3A_322 = arith.mulf %mul3A_320, %mul3A_321 : vector<8x1024xf32>
    %log3A_323 = math.log %mul3A_322 : vector<8x1024xf32>
    %log3A_324 = arith.constant 2.000000e+00 : f32
    %log3A_325 = math.log %log3A_324 : f32
    %div3A_326 = vector.broadcast %log3A_325 : f32 to vector<8x1024xf32>
    %div3A_327 = arith.divf %log3A_323, %div3A_326 : vector<8x1024xf32>
    %add3A_328 = arith.addf %add3A_287, %div3A_327 : vector<8x1024xf32>
    %slice3A_329 = vector.extract_strided_slice %get3A_6 {offsets = [256, 0], sizes = [8, 1024], strides = [1, 1]} : vector<1000x1024xf32> to vector<8x1024xf32>
    %mul3A_330 = arith.constant -1.44269502 : f32
    %mul3A_331 = vector.broadcast %mul3A_330 : f32 to vector<8x1024xf32>
    %mul3A_332 = arith.mulf %slice3A_329, %mul3A_331 : vector<8x1024xf32>
    %exp23A_333 = math.exp2 %mul3A_332 : vector<8x1024xf32>
    %add3A_334 = arith.constant 1.000000e+00 : f32
    %add3A_335 = vector.broadcast %add3A_334 : f32 to vector<8x1024xf32>
    %add3A_336 = arith.addf %add3A_335, %exp23A_333 : vector<8x1024xf32>
    %slice3A_337 = vector.extract_strided_slice %get3A_6 {offsets = [264, 0], sizes = [8, 1024], strides = [1, 1]} : vector<1000x1024xf32> to vector<8x1024xf32>
    %mul3A_338 = arith.constant -1.44269502 : f32
    %mul3A_339 = vector.broadcast %mul3A_338 : f32 to vector<8x1024xf32>
    %mul3A_340 = arith.mulf %slice3A_337, %mul3A_339 : vector<8x1024xf32>
    %exp23A_341 = math.exp2 %mul3A_340 : vector<8x1024xf32>
    %add3A_342 = arith.constant 1.000000e+00 : f32
    %add3A_343 = vector.broadcast %add3A_342 : f32 to vector<8x1024xf32>
    %add3A_344 = arith.addf %add3A_343, %exp23A_341 : vector<8x1024xf32>
    %slice3A_345 = vector.extract_strided_slice %get3A_6 {offsets = [272, 0], sizes = [8, 1024], strides = [1, 1]} : vector<1000x1024xf32> to vector<8x1024xf32>
    %mul3A_346 = arith.constant -1.44269502 : f32
    %mul3A_347 = vector.broadcast %mul3A_346 : f32 to vector<8x1024xf32>
    %mul3A_348 = arith.mulf %slice3A_345, %mul3A_347 : vector<8x1024xf32>
    %exp23A_349 = math.exp2 %mul3A_348 : vector<8x1024xf32>
    %add3A_350 = arith.constant 1.000000e+00 : f32
    %add3A_351 = vector.broadcast %add3A_350 : f32 to vector<8x1024xf32>
    %add3A_352 = arith.addf %add3A_351, %exp23A_349 : vector<8x1024xf32>
    %slice3A_353 = vector.extract_strided_slice %get3A_6 {offsets = [280, 0], sizes = [8, 1024], strides = [1, 1]} : vector<1000x1024xf32> to vector<8x1024xf32>
    %mul3A_354 = arith.constant -1.44269502 : f32
    %mul3A_355 = vector.broadcast %mul3A_354 : f32 to vector<8x1024xf32>
    %mul3A_356 = arith.mulf %slice3A_353, %mul3A_355 : vector<8x1024xf32>
    %exp23A_357 = math.exp2 %mul3A_356 : vector<8x1024xf32>
    %add3A_358 = arith.constant 1.000000e+00 : f32
    %add3A_359 = vector.broadcast %add3A_358 : f32 to vector<8x1024xf32>
    %add3A_360 = arith.addf %add3A_359, %exp23A_357 : vector<8x1024xf32>
    %mul3A_361 = arith.mulf %add3A_336, %add3A_344 : vector<8x1024xf32>
    %mul3A_362 = arith.mulf %add3A_352, %add3A_360 : vector<8x1024xf32>
    %mul3A_363 = arith.mulf %mul3A_361, %mul3A_362 : vector<8x1024xf32>
    %log3A_364 = math.log %mul3A_363 : vector<8x1024xf32>
    %log3A_365 = arith.constant 2.000000e+00 : f32
    %log3A_366 = math.log %log3A_365 : f32
    %div3A_367 = vector.broadcast %log3A_366 : f32 to vector<8x1024xf32>
    %div3A_368 = arith.divf %log3A_364, %div3A_367 : vector<8x1024xf32>
    %add3A_369 = arith.addf %add3A_328, %div3A_368 : vector<8x1024xf32>
    %slice3A_370 = vector.extract_strided_slice %get3A_6 {offsets = [288, 0], sizes = [8, 1024], strides = [1, 1]} : vector<1000x1024xf32> to vector<8x1024xf32>
    %mul3A_371 = arith.constant -1.44269502 : f32
    %mul3A_372 = vector.broadcast %mul3A_371 : f32 to vector<8x1024xf32>
    %mul3A_373 = arith.mulf %slice3A_370, %mul3A_372 : vector<8x1024xf32>
    %exp23A_374 = math.exp2 %mul3A_373 : vector<8x1024xf32>
    %add3A_375 = arith.constant 1.000000e+00 : f32
    %add3A_376 = vector.broadcast %add3A_375 : f32 to vector<8x1024xf32>
    %add3A_377 = arith.addf %add3A_376, %exp23A_374 : vector<8x1024xf32>
    %slice3A_378 = vector.extract_strided_slice %get3A_6 {offsets = [296, 0], sizes = [8, 1024], strides = [1, 1]} : vector<1000x1024xf32> to vector<8x1024xf32>
    %mul3A_379 = arith.constant -1.44269502 : f32
    %mul3A_380 = vector.broadcast %mul3A_379 : f32 to vector<8x1024xf32>
    %mul3A_381 = arith.mulf %slice3A_378, %mul3A_380 : vector<8x1024xf32>
    %exp23A_382 = math.exp2 %mul3A_381 : vector<8x1024xf32>
    %add3A_383 = arith.constant 1.000000e+00 : f32
    %add3A_384 = vector.broadcast %add3A_383 : f32 to vector<8x1024xf32>
    %add3A_385 = arith.addf %add3A_384, %exp23A_382 : vector<8x1024xf32>
    %slice3A_386 = vector.extract_strided_slice %get3A_6 {offsets = [304, 0], sizes = [8, 1024], strides = [1, 1]} : vector<1000x1024xf32> to vector<8x1024xf32>
    %mul3A_387 = arith.constant -1.44269502 : f32
    %mul3A_388 = vector.broadcast %mul3A_387 : f32 to vector<8x1024xf32>
    %mul3A_389 = arith.mulf %slice3A_386, %mul3A_388 : vector<8x1024xf32>
    %exp23A_390 = math.exp2 %mul3A_389 : vector<8x1024xf32>
    %add3A_391 = arith.constant 1.000000e+00 : f32
    %add3A_392 = vector.broadcast %add3A_391 : f32 to vector<8x1024xf32>
    %add3A_393 = arith.addf %add3A_392, %exp23A_390 : vector<8x1024xf32>
    %slice3A_394 = vector.extract_strided_slice %get3A_6 {offsets = [312, 0], sizes = [8, 1024], strides = [1, 1]} : vector<1000x1024xf32> to vector<8x1024xf32>
    %mul3A_395 = arith.constant -1.44269502 : f32
    %mul3A_396 = vector.broadcast %mul3A_395 : f32 to vector<8x1024xf32>
    %mul3A_397 = arith.mulf %slice3A_394, %mul3A_396 : vector<8x1024xf32>
    %exp23A_398 = math.exp2 %mul3A_397 : vector<8x1024xf32>
    %add3A_399 = arith.constant 1.000000e+00 : f32
    %add3A_400 = vector.broadcast %add3A_399 : f32 to vector<8x1024xf32>
    %add3A_401 = arith.addf %add3A_400, %exp23A_398 : vector<8x1024xf32>
    %mul3A_402 = arith.mulf %add3A_377, %add3A_385 : vector<8x1024xf32>
    %mul3A_403 = arith.mulf %add3A_393, %add3A_401 : vector<8x1024xf32>
    %mul3A_404 = arith.mulf %mul3A_402, %mul3A_403 : vector<8x1024xf32>
    %log3A_405 = math.log %mul3A_404 : vector<8x1024xf32>
    %log3A_406 = arith.constant 2.000000e+00 : f32
    %log3A_407 = math.log %log3A_406 : f32
    %div3A_408 = vector.broadcast %log3A_407 : f32 to vector<8x1024xf32>
    %div3A_409 = arith.divf %log3A_405, %div3A_408 : vector<8x1024xf32>
    %add3A_410 = arith.addf %add3A_369, %div3A_409 : vector<8x1024xf32>
    %slice3A_411 = vector.extract_strided_slice %get3A_6 {offsets = [320, 0], sizes = [8, 1024], strides = [1, 1]} : vector<1000x1024xf32> to vector<8x1024xf32>
    %mul3A_412 = arith.constant -1.44269502 : f32
    %mul3A_413 = vector.broadcast %mul3A_412 : f32 to vector<8x1024xf32>
    %mul3A_414 = arith.mulf %slice3A_411, %mul3A_413 : vector<8x1024xf32>
    %exp23A_415 = math.exp2 %mul3A_414 : vector<8x1024xf32>
    %add3A_416 = arith.constant 1.000000e+00 : f32
    %add3A_417 = vector.broadcast %add3A_416 : f32 to vector<8x1024xf32>
    %add3A_418 = arith.addf %add3A_417, %exp23A_415 : vector<8x1024xf32>
    %slice3A_419 = vector.extract_strided_slice %get3A_6 {offsets = [328, 0], sizes = [8, 1024], strides = [1, 1]} : vector<1000x1024xf32> to vector<8x1024xf32>
    %mul3A_420 = arith.constant -1.44269502 : f32
    %mul3A_421 = vector.broadcast %mul3A_420 : f32 to vector<8x1024xf32>
    %mul3A_422 = arith.mulf %slice3A_419, %mul3A_421 : vector<8x1024xf32>
    %exp23A_423 = math.exp2 %mul3A_422 : vector<8x1024xf32>
    %add3A_424 = arith.constant 1.000000e+00 : f32
    %add3A_425 = vector.broadcast %add3A_424 : f32 to vector<8x1024xf32>
    %add3A_426 = arith.addf %add3A_425, %exp23A_423 : vector<8x1024xf32>
    %slice3A_427 = vector.extract_strided_slice %get3A_6 {offsets = [336, 0], sizes = [8, 1024], strides = [1, 1]} : vector<1000x1024xf32> to vector<8x1024xf32>
    %mul3A_428 = arith.constant -1.44269502 : f32
    %mul3A_429 = vector.broadcast %mul3A_428 : f32 to vector<8x1024xf32>
    %mul3A_430 = arith.mulf %slice3A_427, %mul3A_429 : vector<8x1024xf32>
    %exp23A_431 = math.exp2 %mul3A_430 : vector<8x1024xf32>
    %add3A_432 = arith.constant 1.000000e+00 : f32
    %add3A_433 = vector.broadcast %add3A_432 : f32 to vector<8x1024xf32>
    %add3A_434 = arith.addf %add3A_433, %exp23A_431 : vector<8x1024xf32>
    %slice3A_435 = vector.extract_strided_slice %get3A_6 {offsets = [344, 0], sizes = [8, 1024], strides = [1, 1]} : vector<1000x1024xf32> to vector<8x1024xf32>
    %mul3A_436 = arith.constant -1.44269502 : f32
    %mul3A_437 = vector.broadcast %mul3A_436 : f32 to vector<8x1024xf32>
    %mul3A_438 = arith.mulf %slice3A_435, %mul3A_437 : vector<8x1024xf32>
    %exp23A_439 = math.exp2 %mul3A_438 : vector<8x1024xf32>
    %add3A_440 = arith.constant 1.000000e+00 : f32
    %add3A_441 = vector.broadcast %add3A_440 : f32 to vector<8x1024xf32>
    %add3A_442 = arith.addf %add3A_441, %exp23A_439 : vector<8x1024xf32>
    %mul3A_443 = arith.mulf %add3A_418, %add3A_426 : vector<8x1024xf32>
    %mul3A_444 = arith.mulf %add3A_434, %add3A_442 : vector<8x1024xf32>
    %mul3A_445 = arith.mulf %mul3A_443, %mul3A_444 : vector<8x1024xf32>
    %log3A_446 = math.log %mul3A_445 : vector<8x1024xf32>
    %log3A_447 = arith.constant 2.000000e+00 : f32
    %log3A_448 = math.log %log3A_447 : f32
    %div3A_449 = vector.broadcast %log3A_448 : f32 to vector<8x1024xf32>
    %div3A_450 = arith.divf %log3A_446, %div3A_449 : vector<8x1024xf32>
    %add3A_451 = arith.addf %add3A_410, %div3A_450 : vector<8x1024xf32>
    %slice3A_452 = vector.extract_strided_slice %get3A_6 {offsets = [352, 0], sizes = [8, 1024], strides = [1, 1]} : vector<1000x1024xf32> to vector<8x1024xf32>
    %mul3A_453 = arith.constant -1.44269502 : f32
    %mul3A_454 = vector.broadcast %mul3A_453 : f32 to vector<8x1024xf32>
    %mul3A_455 = arith.mulf %slice3A_452, %mul3A_454 : vector<8x1024xf32>
    %exp23A_456 = math.exp2 %mul3A_455 : vector<8x1024xf32>
    %add3A_457 = arith.constant 1.000000e+00 : f32
    %add3A_458 = vector.broadcast %add3A_457 : f32 to vector<8x1024xf32>
    %add3A_459 = arith.addf %add3A_458, %exp23A_456 : vector<8x1024xf32>
    %slice3A_460 = vector.extract_strided_slice %get3A_6 {offsets = [360, 0], sizes = [8, 1024], strides = [1, 1]} : vector<1000x1024xf32> to vector<8x1024xf32>
    %mul3A_461 = arith.constant -1.44269502 : f32
    %mul3A_462 = vector.broadcast %mul3A_461 : f32 to vector<8x1024xf32>
    %mul3A_463 = arith.mulf %slice3A_460, %mul3A_462 : vector<8x1024xf32>
    %exp23A_464 = math.exp2 %mul3A_463 : vector<8x1024xf32>
    %add3A_465 = arith.constant 1.000000e+00 : f32
    %add3A_466 = vector.broadcast %add3A_465 : f32 to vector<8x1024xf32>
    %add3A_467 = arith.addf %add3A_466, %exp23A_464 : vector<8x1024xf32>
    %slice3A_468 = vector.extract_strided_slice %get3A_6 {offsets = [368, 0], sizes = [8, 1024], strides = [1, 1]} : vector<1000x1024xf32> to vector<8x1024xf32>
    %mul3A_469 = arith.constant -1.44269502 : f32
    %mul3A_470 = vector.broadcast %mul3A_469 : f32 to vector<8x1024xf32>
    %mul3A_471 = arith.mulf %slice3A_468, %mul3A_470 : vector<8x1024xf32>
    %exp23A_472 = math.exp2 %mul3A_471 : vector<8x1024xf32>
    %add3A_473 = arith.constant 1.000000e+00 : f32
    %add3A_474 = vector.broadcast %add3A_473 : f32 to vector<8x1024xf32>
    %add3A_475 = arith.addf %add3A_474, %exp23A_472 : vector<8x1024xf32>
    %slice3A_476 = vector.extract_strided_slice %get3A_6 {offsets = [376, 0], sizes = [8, 1024], strides = [1, 1]} : vector<1000x1024xf32> to vector<8x1024xf32>
    %mul3A_477 = arith.constant -1.44269502 : f32
    %mul3A_478 = vector.broadcast %mul3A_477 : f32 to vector<8x1024xf32>
    %mul3A_479 = arith.mulf %slice3A_476, %mul3A_478 : vector<8x1024xf32>
    %exp23A_480 = math.exp2 %mul3A_479 : vector<8x1024xf32>
    %add3A_481 = arith.constant 1.000000e+00 : f32
    %add3A_482 = vector.broadcast %add3A_481 : f32 to vector<8x1024xf32>
    %add3A_483 = arith.addf %add3A_482, %exp23A_480 : vector<8x1024xf32>
    %mul3A_484 = arith.mulf %add3A_459, %add3A_467 : vector<8x1024xf32>
    %mul3A_485 = arith.mulf %add3A_475, %add3A_483 : vector<8x1024xf32>
    %mul3A_486 = arith.mulf %mul3A_484, %mul3A_485 : vector<8x1024xf32>
    %log3A_487 = math.log %mul3A_486 : vector<8x1024xf32>
    %log3A_488 = arith.constant 2.000000e+00 : f32
    %log3A_489 = math.log %log3A_488 : f32
    %div3A_490 = vector.broadcast %log3A_489 : f32 to vector<8x1024xf32>
    %div3A_491 = arith.divf %log3A_487, %div3A_490 : vector<8x1024xf32>
    %add3A_492 = arith.addf %add3A_451, %div3A_491 : vector<8x1024xf32>
    %slice3A_493 = vector.extract_strided_slice %get3A_6 {offsets = [384, 0], sizes = [8, 1024], strides = [1, 1]} : vector<1000x1024xf32> to vector<8x1024xf32>
    %mul3A_494 = arith.constant -1.44269502 : f32
    %mul3A_495 = vector.broadcast %mul3A_494 : f32 to vector<8x1024xf32>
    %mul3A_496 = arith.mulf %slice3A_493, %mul3A_495 : vector<8x1024xf32>
    %exp23A_497 = math.exp2 %mul3A_496 : vector<8x1024xf32>
    %add3A_498 = arith.constant 1.000000e+00 : f32
    %add3A_499 = vector.broadcast %add3A_498 : f32 to vector<8x1024xf32>
    %add3A_500 = arith.addf %add3A_499, %exp23A_497 : vector<8x1024xf32>
    %slice3A_501 = vector.extract_strided_slice %get3A_6 {offsets = [392, 0], sizes = [8, 1024], strides = [1, 1]} : vector<1000x1024xf32> to vector<8x1024xf32>
    %mul3A_502 = arith.constant -1.44269502 : f32
    %mul3A_503 = vector.broadcast %mul3A_502 : f32 to vector<8x1024xf32>
    %mul3A_504 = arith.mulf %slice3A_501, %mul3A_503 : vector<8x1024xf32>
    %exp23A_505 = math.exp2 %mul3A_504 : vector<8x1024xf32>
    %add3A_506 = arith.constant 1.000000e+00 : f32
    %add3A_507 = vector.broadcast %add3A_506 : f32 to vector<8x1024xf32>
    %add3A_508 = arith.addf %add3A_507, %exp23A_505 : vector<8x1024xf32>
    %slice3A_509 = vector.extract_strided_slice %get3A_6 {offsets = [400, 0], sizes = [8, 1024], strides = [1, 1]} : vector<1000x1024xf32> to vector<8x1024xf32>
    %mul3A_510 = arith.constant -1.44269502 : f32
    %mul3A_511 = vector.broadcast %mul3A_510 : f32 to vector<8x1024xf32>
    %mul3A_512 = arith.mulf %slice3A_509, %mul3A_511 : vector<8x1024xf32>
    %exp23A_513 = math.exp2 %mul3A_512 : vector<8x1024xf32>
    %add3A_514 = arith.constant 1.000000e+00 : f32
    %add3A_515 = vector.broadcast %add3A_514 : f32 to vector<8x1024xf32>
    %add3A_516 = arith.addf %add3A_515, %exp23A_513 : vector<8x1024xf32>
    %slice3A_517 = vector.extract_strided_slice %get3A_6 {offsets = [408, 0], sizes = [8, 1024], strides = [1, 1]} : vector<1000x1024xf32> to vector<8x1024xf32>
    %mul3A_518 = arith.constant -1.44269502 : f32
    %mul3A_519 = vector.broadcast %mul3A_518 : f32 to vector<8x1024xf32>
    %mul3A_520 = arith.mulf %slice3A_517, %mul3A_519 : vector<8x1024xf32>
    %exp23A_521 = math.exp2 %mul3A_520 : vector<8x1024xf32>
    %add3A_522 = arith.constant 1.000000e+00 : f32
    %add3A_523 = vector.broadcast %add3A_522 : f32 to vector<8x1024xf32>
    %add3A_524 = arith.addf %add3A_523, %exp23A_521 : vector<8x1024xf32>
    %mul3A_525 = arith.mulf %add3A_500, %add3A_508 : vector<8x1024xf32>
    %mul3A_526 = arith.mulf %add3A_516, %add3A_524 : vector<8x1024xf32>
    %mul3A_527 = arith.mulf %mul3A_525, %mul3A_526 : vector<8x1024xf32>
    %log3A_528 = math.log %mul3A_527 : vector<8x1024xf32>
    %log3A_529 = arith.constant 2.000000e+00 : f32
    %log3A_530 = math.log %log3A_529 : f32
    %div3A_531 = vector.broadcast %log3A_530 : f32 to vector<8x1024xf32>
    %div3A_532 = arith.divf %log3A_528, %div3A_531 : vector<8x1024xf32>
    %add3A_533 = arith.addf %add3A_492, %div3A_532 : vector<8x1024xf32>
    %slice3A_534 = vector.extract_strided_slice %get3A_6 {offsets = [416, 0], sizes = [8, 1024], strides = [1, 1]} : vector<1000x1024xf32> to vector<8x1024xf32>
    %mul3A_535 = arith.constant -1.44269502 : f32
    %mul3A_536 = vector.broadcast %mul3A_535 : f32 to vector<8x1024xf32>
    %mul3A_537 = arith.mulf %slice3A_534, %mul3A_536 : vector<8x1024xf32>
    %exp23A_538 = math.exp2 %mul3A_537 : vector<8x1024xf32>
    %add3A_539 = arith.constant 1.000000e+00 : f32
    %add3A_540 = vector.broadcast %add3A_539 : f32 to vector<8x1024xf32>
    %add3A_541 = arith.addf %add3A_540, %exp23A_538 : vector<8x1024xf32>
    %slice3A_542 = vector.extract_strided_slice %get3A_6 {offsets = [424, 0], sizes = [8, 1024], strides = [1, 1]} : vector<1000x1024xf32> to vector<8x1024xf32>
    %mul3A_543 = arith.constant -1.44269502 : f32
    %mul3A_544 = vector.broadcast %mul3A_543 : f32 to vector<8x1024xf32>
    %mul3A_545 = arith.mulf %slice3A_542, %mul3A_544 : vector<8x1024xf32>
    %exp23A_546 = math.exp2 %mul3A_545 : vector<8x1024xf32>
    %add3A_547 = arith.constant 1.000000e+00 : f32
    %add3A_548 = vector.broadcast %add3A_547 : f32 to vector<8x1024xf32>
    %add3A_549 = arith.addf %add3A_548, %exp23A_546 : vector<8x1024xf32>
    %slice3A_550 = vector.extract_strided_slice %get3A_6 {offsets = [432, 0], sizes = [8, 1024], strides = [1, 1]} : vector<1000x1024xf32> to vector<8x1024xf32>
    %mul3A_551 = arith.constant -1.44269502 : f32
    %mul3A_552 = vector.broadcast %mul3A_551 : f32 to vector<8x1024xf32>
    %mul3A_553 = arith.mulf %slice3A_550, %mul3A_552 : vector<8x1024xf32>
    %exp23A_554 = math.exp2 %mul3A_553 : vector<8x1024xf32>
    %add3A_555 = arith.constant 1.000000e+00 : f32
    %add3A_556 = vector.broadcast %add3A_555 : f32 to vector<8x1024xf32>
    %add3A_557 = arith.addf %add3A_556, %exp23A_554 : vector<8x1024xf32>
    %slice3A_558 = vector.extract_strided_slice %get3A_6 {offsets = [440, 0], sizes = [8, 1024], strides = [1, 1]} : vector<1000x1024xf32> to vector<8x1024xf32>
    %mul3A_559 = arith.constant -1.44269502 : f32
    %mul3A_560 = vector.broadcast %mul3A_559 : f32 to vector<8x1024xf32>
    %mul3A_561 = arith.mulf %slice3A_558, %mul3A_560 : vector<8x1024xf32>
    %exp23A_562 = math.exp2 %mul3A_561 : vector<8x1024xf32>
    %add3A_563 = arith.constant 1.000000e+00 : f32
    %add3A_564 = vector.broadcast %add3A_563 : f32 to vector<8x1024xf32>
    %add3A_565 = arith.addf %add3A_564, %exp23A_562 : vector<8x1024xf32>
    %mul3A_566 = arith.mulf %add3A_541, %add3A_549 : vector<8x1024xf32>
    %mul3A_567 = arith.mulf %add3A_557, %add3A_565 : vector<8x1024xf32>
    %mul3A_568 = arith.mulf %mul3A_566, %mul3A_567 : vector<8x1024xf32>
    %log3A_569 = math.log %mul3A_568 : vector<8x1024xf32>
    %log3A_570 = arith.constant 2.000000e+00 : f32
    %log3A_571 = math.log %log3A_570 : f32
    %div3A_572 = vector.broadcast %log3A_571 : f32 to vector<8x1024xf32>
    %div3A_573 = arith.divf %log3A_569, %div3A_572 : vector<8x1024xf32>
    %add3A_574 = arith.addf %add3A_533, %div3A_573 : vector<8x1024xf32>
    %slice3A_575 = vector.extract_strided_slice %get3A_6 {offsets = [448, 0], sizes = [8, 1024], strides = [1, 1]} : vector<1000x1024xf32> to vector<8x1024xf32>
    %mul3A_576 = arith.constant -1.44269502 : f32
    %mul3A_577 = vector.broadcast %mul3A_576 : f32 to vector<8x1024xf32>
    %mul3A_578 = arith.mulf %slice3A_575, %mul3A_577 : vector<8x1024xf32>
    %exp23A_579 = math.exp2 %mul3A_578 : vector<8x1024xf32>
    %add3A_580 = arith.constant 1.000000e+00 : f32
    %add3A_581 = vector.broadcast %add3A_580 : f32 to vector<8x1024xf32>
    %add3A_582 = arith.addf %add3A_581, %exp23A_579 : vector<8x1024xf32>
    %slice3A_583 = vector.extract_strided_slice %get3A_6 {offsets = [456, 0], sizes = [8, 1024], strides = [1, 1]} : vector<1000x1024xf32> to vector<8x1024xf32>
    %mul3A_584 = arith.constant -1.44269502 : f32
    %mul3A_585 = vector.broadcast %mul3A_584 : f32 to vector<8x1024xf32>
    %mul3A_586 = arith.mulf %slice3A_583, %mul3A_585 : vector<8x1024xf32>
    %exp23A_587 = math.exp2 %mul3A_586 : vector<8x1024xf32>
    %add3A_588 = arith.constant 1.000000e+00 : f32
    %add3A_589 = vector.broadcast %add3A_588 : f32 to vector<8x1024xf32>
    %add3A_590 = arith.addf %add3A_589, %exp23A_587 : vector<8x1024xf32>
    %slice3A_591 = vector.extract_strided_slice %get3A_6 {offsets = [464, 0], sizes = [8, 1024], strides = [1, 1]} : vector<1000x1024xf32> to vector<8x1024xf32>
    %mul3A_592 = arith.constant -1.44269502 : f32
    %mul3A_593 = vector.broadcast %mul3A_592 : f32 to vector<8x1024xf32>
    %mul3A_594 = arith.mulf %slice3A_591, %mul3A_593 : vector<8x1024xf32>
    %exp23A_595 = math.exp2 %mul3A_594 : vector<8x1024xf32>
    %add3A_596 = arith.constant 1.000000e+00 : f32
    %add3A_597 = vector.broadcast %add3A_596 : f32 to vector<8x1024xf32>
    %add3A_598 = arith.addf %add3A_597, %exp23A_595 : vector<8x1024xf32>
    %slice3A_599 = vector.extract_strided_slice %get3A_6 {offsets = [472, 0], sizes = [8, 1024], strides = [1, 1]} : vector<1000x1024xf32> to vector<8x1024xf32>
    %mul3A_600 = arith.constant -1.44269502 : f32
    %mul3A_601 = vector.broadcast %mul3A_600 : f32 to vector<8x1024xf32>
    %mul3A_602 = arith.mulf %slice3A_599, %mul3A_601 : vector<8x1024xf32>
    %exp23A_603 = math.exp2 %mul3A_602 : vector<8x1024xf32>
    %add3A_604 = arith.constant 1.000000e+00 : f32
    %add3A_605 = vector.broadcast %add3A_604 : f32 to vector<8x1024xf32>
    %add3A_606 = arith.addf %add3A_605, %exp23A_603 : vector<8x1024xf32>
    %mul3A_607 = arith.mulf %add3A_582, %add3A_590 : vector<8x1024xf32>
    %mul3A_608 = arith.mulf %add3A_598, %add3A_606 : vector<8x1024xf32>
    %mul3A_609 = arith.mulf %mul3A_607, %mul3A_608 : vector<8x1024xf32>
    %log3A_610 = math.log %mul3A_609 : vector<8x1024xf32>
    %log3A_611 = arith.constant 2.000000e+00 : f32
    %log3A_612 = math.log %log3A_611 : f32
    %div3A_613 = vector.broadcast %log3A_612 : f32 to vector<8x1024xf32>
    %div3A_614 = arith.divf %log3A_610, %div3A_613 : vector<8x1024xf32>
    %add3A_615 = arith.addf %add3A_574, %div3A_614 : vector<8x1024xf32>
    %slice3A_616 = vector.extract_strided_slice %get3A_6 {offsets = [480, 0], sizes = [8, 1024], strides = [1, 1]} : vector<1000x1024xf32> to vector<8x1024xf32>
    %mul3A_617 = arith.constant -1.44269502 : f32
    %mul3A_618 = vector.broadcast %mul3A_617 : f32 to vector<8x1024xf32>
    %mul3A_619 = arith.mulf %slice3A_616, %mul3A_618 : vector<8x1024xf32>
    %exp23A_620 = math.exp2 %mul3A_619 : vector<8x1024xf32>
    %add3A_621 = arith.constant 1.000000e+00 : f32
    %add3A_622 = vector.broadcast %add3A_621 : f32 to vector<8x1024xf32>
    %add3A_623 = arith.addf %add3A_622, %exp23A_620 : vector<8x1024xf32>
    %slice3A_624 = vector.extract_strided_slice %get3A_6 {offsets = [488, 0], sizes = [8, 1024], strides = [1, 1]} : vector<1000x1024xf32> to vector<8x1024xf32>
    %mul3A_625 = arith.constant -1.44269502 : f32
    %mul3A_626 = vector.broadcast %mul3A_625 : f32 to vector<8x1024xf32>
    %mul3A_627 = arith.mulf %slice3A_624, %mul3A_626 : vector<8x1024xf32>
    %exp23A_628 = math.exp2 %mul3A_627 : vector<8x1024xf32>
    %add3A_629 = arith.constant 1.000000e+00 : f32
    %add3A_630 = vector.broadcast %add3A_629 : f32 to vector<8x1024xf32>
    %add3A_631 = arith.addf %add3A_630, %exp23A_628 : vector<8x1024xf32>
    %slice3A_632 = vector.extract_strided_slice %get3A_6 {offsets = [496, 0], sizes = [8, 1024], strides = [1, 1]} : vector<1000x1024xf32> to vector<8x1024xf32>
    %mul3A_633 = arith.constant -1.44269502 : f32
    %mul3A_634 = vector.broadcast %mul3A_633 : f32 to vector<8x1024xf32>
    %mul3A_635 = arith.mulf %slice3A_632, %mul3A_634 : vector<8x1024xf32>
    %exp23A_636 = math.exp2 %mul3A_635 : vector<8x1024xf32>
    %add3A_637 = arith.constant 1.000000e+00 : f32
    %add3A_638 = vector.broadcast %add3A_637 : f32 to vector<8x1024xf32>
    %add3A_639 = arith.addf %add3A_638, %exp23A_636 : vector<8x1024xf32>
    %slice3A_640 = vector.extract_strided_slice %get3A_6 {offsets = [504, 0], sizes = [8, 1024], strides = [1, 1]} : vector<1000x1024xf32> to vector<8x1024xf32>
    %mul3A_641 = arith.constant -1.44269502 : f32
    %mul3A_642 = vector.broadcast %mul3A_641 : f32 to vector<8x1024xf32>
    %mul3A_643 = arith.mulf %slice3A_640, %mul3A_642 : vector<8x1024xf32>
    %exp23A_644 = math.exp2 %mul3A_643 : vector<8x1024xf32>
    %add3A_645 = arith.constant 1.000000e+00 : f32
    %add3A_646 = vector.broadcast %add3A_645 : f32 to vector<8x1024xf32>
    %add3A_647 = arith.addf %add3A_646, %exp23A_644 : vector<8x1024xf32>
    %mul3A_648 = arith.mulf %add3A_623, %add3A_631 : vector<8x1024xf32>
    %mul3A_649 = arith.mulf %add3A_639, %add3A_647 : vector<8x1024xf32>
    %mul3A_650 = arith.mulf %mul3A_648, %mul3A_649 : vector<8x1024xf32>
    %log3A_651 = math.log %mul3A_650 : vector<8x1024xf32>
    %log3A_652 = arith.constant 2.000000e+00 : f32
    %log3A_653 = math.log %log3A_652 : f32
    %div3A_654 = vector.broadcast %log3A_653 : f32 to vector<8x1024xf32>
    %div3A_655 = arith.divf %log3A_651, %div3A_654 : vector<8x1024xf32>
    %add3A_656 = arith.addf %add3A_615, %div3A_655 : vector<8x1024xf32>
    %slice3A_657 = vector.extract_strided_slice %get3A_6 {offsets = [512, 0], sizes = [8, 1024], strides = [1, 1]} : vector<1000x1024xf32> to vector<8x1024xf32>
    %mul3A_658 = arith.constant -1.44269502 : f32
    %mul3A_659 = vector.broadcast %mul3A_658 : f32 to vector<8x1024xf32>
    %mul3A_660 = arith.mulf %slice3A_657, %mul3A_659 : vector<8x1024xf32>
    %exp23A_661 = math.exp2 %mul3A_660 : vector<8x1024xf32>
    %add3A_662 = arith.constant 1.000000e+00 : f32
    %add3A_663 = vector.broadcast %add3A_662 : f32 to vector<8x1024xf32>
    %add3A_664 = arith.addf %add3A_663, %exp23A_661 : vector<8x1024xf32>
    %slice3A_665 = vector.extract_strided_slice %get3A_6 {offsets = [520, 0], sizes = [8, 1024], strides = [1, 1]} : vector<1000x1024xf32> to vector<8x1024xf32>
    %mul3A_666 = arith.constant -1.44269502 : f32
    %mul3A_667 = vector.broadcast %mul3A_666 : f32 to vector<8x1024xf32>
    %mul3A_668 = arith.mulf %slice3A_665, %mul3A_667 : vector<8x1024xf32>
    %exp23A_669 = math.exp2 %mul3A_668 : vector<8x1024xf32>
    %add3A_670 = arith.constant 1.000000e+00 : f32
    %add3A_671 = vector.broadcast %add3A_670 : f32 to vector<8x1024xf32>
    %add3A_672 = arith.addf %add3A_671, %exp23A_669 : vector<8x1024xf32>
    %slice3A_673 = vector.extract_strided_slice %get3A_6 {offsets = [528, 0], sizes = [8, 1024], strides = [1, 1]} : vector<1000x1024xf32> to vector<8x1024xf32>
    %mul3A_674 = arith.constant -1.44269502 : f32
    %mul3A_675 = vector.broadcast %mul3A_674 : f32 to vector<8x1024xf32>
    %mul3A_676 = arith.mulf %slice3A_673, %mul3A_675 : vector<8x1024xf32>
    %exp23A_677 = math.exp2 %mul3A_676 : vector<8x1024xf32>
    %add3A_678 = arith.constant 1.000000e+00 : f32
    %add3A_679 = vector.broadcast %add3A_678 : f32 to vector<8x1024xf32>
    %add3A_680 = arith.addf %add3A_679, %exp23A_677 : vector<8x1024xf32>
    %slice3A_681 = vector.extract_strided_slice %get3A_6 {offsets = [536, 0], sizes = [8, 1024], strides = [1, 1]} : vector<1000x1024xf32> to vector<8x1024xf32>
    %mul3A_682 = arith.constant -1.44269502 : f32
    %mul3A_683 = vector.broadcast %mul3A_682 : f32 to vector<8x1024xf32>
    %mul3A_684 = arith.mulf %slice3A_681, %mul3A_683 : vector<8x1024xf32>
    %exp23A_685 = math.exp2 %mul3A_684 : vector<8x1024xf32>
    %add3A_686 = arith.constant 1.000000e+00 : f32
    %add3A_687 = vector.broadcast %add3A_686 : f32 to vector<8x1024xf32>
    %add3A_688 = arith.addf %add3A_687, %exp23A_685 : vector<8x1024xf32>
    %mul3A_689 = arith.mulf %add3A_664, %add3A_672 : vector<8x1024xf32>
    %mul3A_690 = arith.mulf %add3A_680, %add3A_688 : vector<8x1024xf32>
    %mul3A_691 = arith.mulf %mul3A_689, %mul3A_690 : vector<8x1024xf32>
    %log3A_692 = math.log %mul3A_691 : vector<8x1024xf32>
    %log3A_693 = arith.constant 2.000000e+00 : f32
    %log3A_694 = math.log %log3A_693 : f32
    %div3A_695 = vector.broadcast %log3A_694 : f32 to vector<8x1024xf32>
    %div3A_696 = arith.divf %log3A_692, %div3A_695 : vector<8x1024xf32>
    %add3A_697 = arith.addf %add3A_656, %div3A_696 : vector<8x1024xf32>
    %slice3A_698 = vector.extract_strided_slice %get3A_6 {offsets = [544, 0], sizes = [8, 1024], strides = [1, 1]} : vector<1000x1024xf32> to vector<8x1024xf32>
    %mul3A_699 = arith.constant -1.44269502 : f32
    %mul3A_700 = vector.broadcast %mul3A_699 : f32 to vector<8x1024xf32>
    %mul3A_701 = arith.mulf %slice3A_698, %mul3A_700 : vector<8x1024xf32>
    %exp23A_702 = math.exp2 %mul3A_701 : vector<8x1024xf32>
    %add3A_703 = arith.constant 1.000000e+00 : f32
    %add3A_704 = vector.broadcast %add3A_703 : f32 to vector<8x1024xf32>
    %add3A_705 = arith.addf %add3A_704, %exp23A_702 : vector<8x1024xf32>
    %slice3A_706 = vector.extract_strided_slice %get3A_6 {offsets = [552, 0], sizes = [8, 1024], strides = [1, 1]} : vector<1000x1024xf32> to vector<8x1024xf32>
    %mul3A_707 = arith.constant -1.44269502 : f32
    %mul3A_708 = vector.broadcast %mul3A_707 : f32 to vector<8x1024xf32>
    %mul3A_709 = arith.mulf %slice3A_706, %mul3A_708 : vector<8x1024xf32>
    %exp23A_710 = math.exp2 %mul3A_709 : vector<8x1024xf32>
    %add3A_711 = arith.constant 1.000000e+00 : f32
    %add3A_712 = vector.broadcast %add3A_711 : f32 to vector<8x1024xf32>
    %add3A_713 = arith.addf %add3A_712, %exp23A_710 : vector<8x1024xf32>
    %slice3A_714 = vector.extract_strided_slice %get3A_6 {offsets = [560, 0], sizes = [8, 1024], strides = [1, 1]} : vector<1000x1024xf32> to vector<8x1024xf32>
    %mul3A_715 = arith.constant -1.44269502 : f32
    %mul3A_716 = vector.broadcast %mul3A_715 : f32 to vector<8x1024xf32>
    %mul3A_717 = arith.mulf %slice3A_714, %mul3A_716 : vector<8x1024xf32>
    %exp23A_718 = math.exp2 %mul3A_717 : vector<8x1024xf32>
    %add3A_719 = arith.constant 1.000000e+00 : f32
    %add3A_720 = vector.broadcast %add3A_719 : f32 to vector<8x1024xf32>
    %add3A_721 = arith.addf %add3A_720, %exp23A_718 : vector<8x1024xf32>
    %slice3A_722 = vector.extract_strided_slice %get3A_6 {offsets = [568, 0], sizes = [8, 1024], strides = [1, 1]} : vector<1000x1024xf32> to vector<8x1024xf32>
    %mul3A_723 = arith.constant -1.44269502 : f32
    %mul3A_724 = vector.broadcast %mul3A_723 : f32 to vector<8x1024xf32>
    %mul3A_725 = arith.mulf %slice3A_722, %mul3A_724 : vector<8x1024xf32>
    %exp23A_726 = math.exp2 %mul3A_725 : vector<8x1024xf32>
    %add3A_727 = arith.constant 1.000000e+00 : f32
    %add3A_728 = vector.broadcast %add3A_727 : f32 to vector<8x1024xf32>
    %add3A_729 = arith.addf %add3A_728, %exp23A_726 : vector<8x1024xf32>
    %mul3A_730 = arith.mulf %add3A_705, %add3A_713 : vector<8x1024xf32>
    %mul3A_731 = arith.mulf %add3A_721, %add3A_729 : vector<8x1024xf32>
    %mul3A_732 = arith.mulf %mul3A_730, %mul3A_731 : vector<8x1024xf32>
    %log3A_733 = math.log %mul3A_732 : vector<8x1024xf32>
    %log3A_734 = arith.constant 2.000000e+00 : f32
    %log3A_735 = math.log %log3A_734 : f32
    %div3A_736 = vector.broadcast %log3A_735 : f32 to vector<8x1024xf32>
    %div3A_737 = arith.divf %log3A_733, %div3A_736 : vector<8x1024xf32>
    %add3A_738 = arith.addf %add3A_697, %div3A_737 : vector<8x1024xf32>
    %slice3A_739 = vector.extract_strided_slice %get3A_6 {offsets = [576, 0], sizes = [8, 1024], strides = [1, 1]} : vector<1000x1024xf32> to vector<8x1024xf32>
    %mul3A_740 = arith.constant -1.44269502 : f32
    %mul3A_741 = vector.broadcast %mul3A_740 : f32 to vector<8x1024xf32>
    %mul3A_742 = arith.mulf %slice3A_739, %mul3A_741 : vector<8x1024xf32>
    %exp23A_743 = math.exp2 %mul3A_742 : vector<8x1024xf32>
    %add3A_744 = arith.constant 1.000000e+00 : f32
    %add3A_745 = vector.broadcast %add3A_744 : f32 to vector<8x1024xf32>
    %add3A_746 = arith.addf %add3A_745, %exp23A_743 : vector<8x1024xf32>
    %slice3A_747 = vector.extract_strided_slice %get3A_6 {offsets = [584, 0], sizes = [8, 1024], strides = [1, 1]} : vector<1000x1024xf32> to vector<8x1024xf32>
    %mul3A_748 = arith.constant -1.44269502 : f32
    %mul3A_749 = vector.broadcast %mul3A_748 : f32 to vector<8x1024xf32>
    %mul3A_750 = arith.mulf %slice3A_747, %mul3A_749 : vector<8x1024xf32>
    %exp23A_751 = math.exp2 %mul3A_750 : vector<8x1024xf32>
    %add3A_752 = arith.constant 1.000000e+00 : f32
    %add3A_753 = vector.broadcast %add3A_752 : f32 to vector<8x1024xf32>
    %add3A_754 = arith.addf %add3A_753, %exp23A_751 : vector<8x1024xf32>
    %slice3A_755 = vector.extract_strided_slice %get3A_6 {offsets = [592, 0], sizes = [8, 1024], strides = [1, 1]} : vector<1000x1024xf32> to vector<8x1024xf32>
    %mul3A_756 = arith.constant -1.44269502 : f32
    %mul3A_757 = vector.broadcast %mul3A_756 : f32 to vector<8x1024xf32>
    %mul3A_758 = arith.mulf %slice3A_755, %mul3A_757 : vector<8x1024xf32>
    %exp23A_759 = math.exp2 %mul3A_758 : vector<8x1024xf32>
    %add3A_760 = arith.constant 1.000000e+00 : f32
    %add3A_761 = vector.broadcast %add3A_760 : f32 to vector<8x1024xf32>
    %add3A_762 = arith.addf %add3A_761, %exp23A_759 : vector<8x1024xf32>
    %slice3A_763 = vector.extract_strided_slice %get3A_6 {offsets = [600, 0], sizes = [8, 1024], strides = [1, 1]} : vector<1000x1024xf32> to vector<8x1024xf32>
    %mul3A_764 = arith.constant -1.44269502 : f32
    %mul3A_765 = vector.broadcast %mul3A_764 : f32 to vector<8x1024xf32>
    %mul3A_766 = arith.mulf %slice3A_763, %mul3A_765 : vector<8x1024xf32>
    %exp23A_767 = math.exp2 %mul3A_766 : vector<8x1024xf32>
    %add3A_768 = arith.constant 1.000000e+00 : f32
    %add3A_769 = vector.broadcast %add3A_768 : f32 to vector<8x1024xf32>
    %add3A_770 = arith.addf %add3A_769, %exp23A_767 : vector<8x1024xf32>
    %mul3A_771 = arith.mulf %add3A_746, %add3A_754 : vector<8x1024xf32>
    %mul3A_772 = arith.mulf %add3A_762, %add3A_770 : vector<8x1024xf32>
    %mul3A_773 = arith.mulf %mul3A_771, %mul3A_772 : vector<8x1024xf32>
    %log3A_774 = math.log %mul3A_773 : vector<8x1024xf32>
    %log3A_775 = arith.constant 2.000000e+00 : f32
    %log3A_776 = math.log %log3A_775 : f32
    %div3A_777 = vector.broadcast %log3A_776 : f32 to vector<8x1024xf32>
    %div3A_778 = arith.divf %log3A_774, %div3A_777 : vector<8x1024xf32>
    %add3A_779 = arith.addf %add3A_738, %div3A_778 : vector<8x1024xf32>
    %slice3A_780 = vector.extract_strided_slice %get3A_6 {offsets = [608, 0], sizes = [8, 1024], strides = [1, 1]} : vector<1000x1024xf32> to vector<8x1024xf32>
    %mul3A_781 = arith.constant -1.44269502 : f32
    %mul3A_782 = vector.broadcast %mul3A_781 : f32 to vector<8x1024xf32>
    %mul3A_783 = arith.mulf %slice3A_780, %mul3A_782 : vector<8x1024xf32>
    %exp23A_784 = math.exp2 %mul3A_783 : vector<8x1024xf32>
    %add3A_785 = arith.constant 1.000000e+00 : f32
    %add3A_786 = vector.broadcast %add3A_785 : f32 to vector<8x1024xf32>
    %add3A_787 = arith.addf %add3A_786, %exp23A_784 : vector<8x1024xf32>
    %slice3A_788 = vector.extract_strided_slice %get3A_6 {offsets = [616, 0], sizes = [8, 1024], strides = [1, 1]} : vector<1000x1024xf32> to vector<8x1024xf32>
    %mul3A_789 = arith.constant -1.44269502 : f32
    %mul3A_790 = vector.broadcast %mul3A_789 : f32 to vector<8x1024xf32>
    %mul3A_791 = arith.mulf %slice3A_788, %mul3A_790 : vector<8x1024xf32>
    %exp23A_792 = math.exp2 %mul3A_791 : vector<8x1024xf32>
    %add3A_793 = arith.constant 1.000000e+00 : f32
    %add3A_794 = vector.broadcast %add3A_793 : f32 to vector<8x1024xf32>
    %add3A_795 = arith.addf %add3A_794, %exp23A_792 : vector<8x1024xf32>
    %slice3A_796 = vector.extract_strided_slice %get3A_6 {offsets = [624, 0], sizes = [8, 1024], strides = [1, 1]} : vector<1000x1024xf32> to vector<8x1024xf32>
    %mul3A_797 = arith.constant -1.44269502 : f32
    %mul3A_798 = vector.broadcast %mul3A_797 : f32 to vector<8x1024xf32>
    %mul3A_799 = arith.mulf %slice3A_796, %mul3A_798 : vector<8x1024xf32>
    %exp23A_800 = math.exp2 %mul3A_799 : vector<8x1024xf32>
    %add3A_801 = arith.constant 1.000000e+00 : f32
    %add3A_802 = vector.broadcast %add3A_801 : f32 to vector<8x1024xf32>
    %add3A_803 = arith.addf %add3A_802, %exp23A_800 : vector<8x1024xf32>
    %slice3A_804 = vector.extract_strided_slice %get3A_6 {offsets = [632, 0], sizes = [8, 1024], strides = [1, 1]} : vector<1000x1024xf32> to vector<8x1024xf32>
    %mul3A_805 = arith.constant -1.44269502 : f32
    %mul3A_806 = vector.broadcast %mul3A_805 : f32 to vector<8x1024xf32>
    %mul3A_807 = arith.mulf %slice3A_804, %mul3A_806 : vector<8x1024xf32>
    %exp23A_808 = math.exp2 %mul3A_807 : vector<8x1024xf32>
    %add3A_809 = arith.constant 1.000000e+00 : f32
    %add3A_810 = vector.broadcast %add3A_809 : f32 to vector<8x1024xf32>
    %add3A_811 = arith.addf %add3A_810, %exp23A_808 : vector<8x1024xf32>
    %mul3A_812 = arith.mulf %add3A_787, %add3A_795 : vector<8x1024xf32>
    %mul3A_813 = arith.mulf %add3A_803, %add3A_811 : vector<8x1024xf32>
    %mul3A_814 = arith.mulf %mul3A_812, %mul3A_813 : vector<8x1024xf32>
    %log3A_815 = math.log %mul3A_814 : vector<8x1024xf32>
    %log3A_816 = arith.constant 2.000000e+00 : f32
    %log3A_817 = math.log %log3A_816 : f32
    %div3A_818 = vector.broadcast %log3A_817 : f32 to vector<8x1024xf32>
    %div3A_819 = arith.divf %log3A_815, %div3A_818 : vector<8x1024xf32>
    %add3A_820 = arith.addf %add3A_779, %div3A_819 : vector<8x1024xf32>
    %slice3A_821 = vector.extract_strided_slice %get3A_6 {offsets = [640, 0], sizes = [8, 1024], strides = [1, 1]} : vector<1000x1024xf32> to vector<8x1024xf32>
    %mul3A_822 = arith.constant -1.44269502 : f32
    %mul3A_823 = vector.broadcast %mul3A_822 : f32 to vector<8x1024xf32>
    %mul3A_824 = arith.mulf %slice3A_821, %mul3A_823 : vector<8x1024xf32>
    %exp23A_825 = math.exp2 %mul3A_824 : vector<8x1024xf32>
    %add3A_826 = arith.constant 1.000000e+00 : f32
    %add3A_827 = vector.broadcast %add3A_826 : f32 to vector<8x1024xf32>
    %add3A_828 = arith.addf %add3A_827, %exp23A_825 : vector<8x1024xf32>
    %slice3A_829 = vector.extract_strided_slice %get3A_6 {offsets = [648, 0], sizes = [8, 1024], strides = [1, 1]} : vector<1000x1024xf32> to vector<8x1024xf32>
    %mul3A_830 = arith.constant -1.44269502 : f32
    %mul3A_831 = vector.broadcast %mul3A_830 : f32 to vector<8x1024xf32>
    %mul3A_832 = arith.mulf %slice3A_829, %mul3A_831 : vector<8x1024xf32>
    %exp23A_833 = math.exp2 %mul3A_832 : vector<8x1024xf32>
    %add3A_834 = arith.constant 1.000000e+00 : f32
    %add3A_835 = vector.broadcast %add3A_834 : f32 to vector<8x1024xf32>
    %add3A_836 = arith.addf %add3A_835, %exp23A_833 : vector<8x1024xf32>
    %slice3A_837 = vector.extract_strided_slice %get3A_6 {offsets = [656, 0], sizes = [8, 1024], strides = [1, 1]} : vector<1000x1024xf32> to vector<8x1024xf32>
    %mul3A_838 = arith.constant -1.44269502 : f32
    %mul3A_839 = vector.broadcast %mul3A_838 : f32 to vector<8x1024xf32>
    %mul3A_840 = arith.mulf %slice3A_837, %mul3A_839 : vector<8x1024xf32>
    %exp23A_841 = math.exp2 %mul3A_840 : vector<8x1024xf32>
    %add3A_842 = arith.constant 1.000000e+00 : f32
    %add3A_843 = vector.broadcast %add3A_842 : f32 to vector<8x1024xf32>
    %add3A_844 = arith.addf %add3A_843, %exp23A_841 : vector<8x1024xf32>
    %slice3A_845 = vector.extract_strided_slice %get3A_6 {offsets = [664, 0], sizes = [8, 1024], strides = [1, 1]} : vector<1000x1024xf32> to vector<8x1024xf32>
    %mul3A_846 = arith.constant -1.44269502 : f32
    %mul3A_847 = vector.broadcast %mul3A_846 : f32 to vector<8x1024xf32>
    %mul3A_848 = arith.mulf %slice3A_845, %mul3A_847 : vector<8x1024xf32>
    %exp23A_849 = math.exp2 %mul3A_848 : vector<8x1024xf32>
    %add3A_850 = arith.constant 1.000000e+00 : f32
    %add3A_851 = vector.broadcast %add3A_850 : f32 to vector<8x1024xf32>
    %add3A_852 = arith.addf %add3A_851, %exp23A_849 : vector<8x1024xf32>
    %mul3A_853 = arith.mulf %add3A_828, %add3A_836 : vector<8x1024xf32>
    %mul3A_854 = arith.mulf %add3A_844, %add3A_852 : vector<8x1024xf32>
    %mul3A_855 = arith.mulf %mul3A_853, %mul3A_854 : vector<8x1024xf32>
    %log3A_856 = math.log %mul3A_855 : vector<8x1024xf32>
    %log3A_857 = arith.constant 2.000000e+00 : f32
    %log3A_858 = math.log %log3A_857 : f32
    %div3A_859 = vector.broadcast %log3A_858 : f32 to vector<8x1024xf32>
    %div3A_860 = arith.divf %log3A_856, %div3A_859 : vector<8x1024xf32>
    %add3A_861 = arith.addf %add3A_820, %div3A_860 : vector<8x1024xf32>
    %slice3A_862 = vector.extract_strided_slice %get3A_6 {offsets = [672, 0], sizes = [8, 1024], strides = [1, 1]} : vector<1000x1024xf32> to vector<8x1024xf32>
    %mul3A_863 = arith.constant -1.44269502 : f32
    %mul3A_864 = vector.broadcast %mul3A_863 : f32 to vector<8x1024xf32>
    %mul3A_865 = arith.mulf %slice3A_862, %mul3A_864 : vector<8x1024xf32>
    %exp23A_866 = math.exp2 %mul3A_865 : vector<8x1024xf32>
    %add3A_867 = arith.constant 1.000000e+00 : f32
    %add3A_868 = vector.broadcast %add3A_867 : f32 to vector<8x1024xf32>
    %add3A_869 = arith.addf %add3A_868, %exp23A_866 : vector<8x1024xf32>
    %slice3A_870 = vector.extract_strided_slice %get3A_6 {offsets = [680, 0], sizes = [8, 1024], strides = [1, 1]} : vector<1000x1024xf32> to vector<8x1024xf32>
    %mul3A_871 = arith.constant -1.44269502 : f32
    %mul3A_872 = vector.broadcast %mul3A_871 : f32 to vector<8x1024xf32>
    %mul3A_873 = arith.mulf %slice3A_870, %mul3A_872 : vector<8x1024xf32>
    %exp23A_874 = math.exp2 %mul3A_873 : vector<8x1024xf32>
    %add3A_875 = arith.constant 1.000000e+00 : f32
    %add3A_876 = vector.broadcast %add3A_875 : f32 to vector<8x1024xf32>
    %add3A_877 = arith.addf %add3A_876, %exp23A_874 : vector<8x1024xf32>
    %slice3A_878 = vector.extract_strided_slice %get3A_6 {offsets = [688, 0], sizes = [8, 1024], strides = [1, 1]} : vector<1000x1024xf32> to vector<8x1024xf32>
    %mul3A_879 = arith.constant -1.44269502 : f32
    %mul3A_880 = vector.broadcast %mul3A_879 : f32 to vector<8x1024xf32>
    %mul3A_881 = arith.mulf %slice3A_878, %mul3A_880 : vector<8x1024xf32>
    %exp23A_882 = math.exp2 %mul3A_881 : vector<8x1024xf32>
    %add3A_883 = arith.constant 1.000000e+00 : f32
    %add3A_884 = vector.broadcast %add3A_883 : f32 to vector<8x1024xf32>
    %add3A_885 = arith.addf %add3A_884, %exp23A_882 : vector<8x1024xf32>
    %slice3A_886 = vector.extract_strided_slice %get3A_6 {offsets = [696, 0], sizes = [8, 1024], strides = [1, 1]} : vector<1000x1024xf32> to vector<8x1024xf32>
    %mul3A_887 = arith.constant -1.44269502 : f32
    %mul3A_888 = vector.broadcast %mul3A_887 : f32 to vector<8x1024xf32>
    %mul3A_889 = arith.mulf %slice3A_886, %mul3A_888 : vector<8x1024xf32>
    %exp23A_890 = math.exp2 %mul3A_889 : vector<8x1024xf32>
    %add3A_891 = arith.constant 1.000000e+00 : f32
    %add3A_892 = vector.broadcast %add3A_891 : f32 to vector<8x1024xf32>
    %add3A_893 = arith.addf %add3A_892, %exp23A_890 : vector<8x1024xf32>
    %mul3A_894 = arith.mulf %add3A_869, %add3A_877 : vector<8x1024xf32>
    %mul3A_895 = arith.mulf %add3A_885, %add3A_893 : vector<8x1024xf32>
    %mul3A_896 = arith.mulf %mul3A_894, %mul3A_895 : vector<8x1024xf32>
    %log3A_897 = math.log %mul3A_896 : vector<8x1024xf32>
    %log3A_898 = arith.constant 2.000000e+00 : f32
    %log3A_899 = math.log %log3A_898 : f32
    %div3A_900 = vector.broadcast %log3A_899 : f32 to vector<8x1024xf32>
    %div3A_901 = arith.divf %log3A_897, %div3A_900 : vector<8x1024xf32>
    %add3A_902 = arith.addf %add3A_861, %div3A_901 : vector<8x1024xf32>
    %slice3A_903 = vector.extract_strided_slice %get3A_6 {offsets = [704, 0], sizes = [8, 1024], strides = [1, 1]} : vector<1000x1024xf32> to vector<8x1024xf32>
    %mul3A_904 = arith.constant -1.44269502 : f32
    %mul3A_905 = vector.broadcast %mul3A_904 : f32 to vector<8x1024xf32>
    %mul3A_906 = arith.mulf %slice3A_903, %mul3A_905 : vector<8x1024xf32>
    %exp23A_907 = math.exp2 %mul3A_906 : vector<8x1024xf32>
    %add3A_908 = arith.constant 1.000000e+00 : f32
    %add3A_909 = vector.broadcast %add3A_908 : f32 to vector<8x1024xf32>
    %add3A_910 = arith.addf %add3A_909, %exp23A_907 : vector<8x1024xf32>
    %slice3A_911 = vector.extract_strided_slice %get3A_6 {offsets = [712, 0], sizes = [8, 1024], strides = [1, 1]} : vector<1000x1024xf32> to vector<8x1024xf32>
    %mul3A_912 = arith.constant -1.44269502 : f32
    %mul3A_913 = vector.broadcast %mul3A_912 : f32 to vector<8x1024xf32>
    %mul3A_914 = arith.mulf %slice3A_911, %mul3A_913 : vector<8x1024xf32>
    %exp23A_915 = math.exp2 %mul3A_914 : vector<8x1024xf32>
    %add3A_916 = arith.constant 1.000000e+00 : f32
    %add3A_917 = vector.broadcast %add3A_916 : f32 to vector<8x1024xf32>
    %add3A_918 = arith.addf %add3A_917, %exp23A_915 : vector<8x1024xf32>
    %slice3A_919 = vector.extract_strided_slice %get3A_6 {offsets = [720, 0], sizes = [8, 1024], strides = [1, 1]} : vector<1000x1024xf32> to vector<8x1024xf32>
    %mul3A_920 = arith.constant -1.44269502 : f32
    %mul3A_921 = vector.broadcast %mul3A_920 : f32 to vector<8x1024xf32>
    %mul3A_922 = arith.mulf %slice3A_919, %mul3A_921 : vector<8x1024xf32>
    %exp23A_923 = math.exp2 %mul3A_922 : vector<8x1024xf32>
    %add3A_924 = arith.constant 1.000000e+00 : f32
    %add3A_925 = vector.broadcast %add3A_924 : f32 to vector<8x1024xf32>
    %add3A_926 = arith.addf %add3A_925, %exp23A_923 : vector<8x1024xf32>
    %slice3A_927 = vector.extract_strided_slice %get3A_6 {offsets = [728, 0], sizes = [8, 1024], strides = [1, 1]} : vector<1000x1024xf32> to vector<8x1024xf32>
    %mul3A_928 = arith.constant -1.44269502 : f32
    %mul3A_929 = vector.broadcast %mul3A_928 : f32 to vector<8x1024xf32>
    %mul3A_930 = arith.mulf %slice3A_927, %mul3A_929 : vector<8x1024xf32>
    %exp23A_931 = math.exp2 %mul3A_930 : vector<8x1024xf32>
    %add3A_932 = arith.constant 1.000000e+00 : f32
    %add3A_933 = vector.broadcast %add3A_932 : f32 to vector<8x1024xf32>
    %add3A_934 = arith.addf %add3A_933, %exp23A_931 : vector<8x1024xf32>
    %mul3A_935 = arith.mulf %add3A_910, %add3A_918 : vector<8x1024xf32>
    %mul3A_936 = arith.mulf %add3A_926, %add3A_934 : vector<8x1024xf32>
    %mul3A_937 = arith.mulf %mul3A_935, %mul3A_936 : vector<8x1024xf32>
    %log3A_938 = math.log %mul3A_937 : vector<8x1024xf32>
    %log3A_939 = arith.constant 2.000000e+00 : f32
    %log3A_940 = math.log %log3A_939 : f32
    %div3A_941 = vector.broadcast %log3A_940 : f32 to vector<8x1024xf32>
    %div3A_942 = arith.divf %log3A_938, %div3A_941 : vector<8x1024xf32>
    %add3A_943 = arith.addf %add3A_902, %div3A_942 : vector<8x1024xf32>
    %slice3A_944 = vector.extract_strided_slice %get3A_6 {offsets = [736, 0], sizes = [8, 1024], strides = [1, 1]} : vector<1000x1024xf32> to vector<8x1024xf32>
    %mul3A_945 = arith.constant -1.44269502 : f32
    %mul3A_946 = vector.broadcast %mul3A_945 : f32 to vector<8x1024xf32>
    %mul3A_947 = arith.mulf %slice3A_944, %mul3A_946 : vector<8x1024xf32>
    %exp23A_948 = math.exp2 %mul3A_947 : vector<8x1024xf32>
    %add3A_949 = arith.constant 1.000000e+00 : f32
    %add3A_950 = vector.broadcast %add3A_949 : f32 to vector<8x1024xf32>
    %add3A_951 = arith.addf %add3A_950, %exp23A_948 : vector<8x1024xf32>
    %slice3A_952 = vector.extract_strided_slice %get3A_6 {offsets = [744, 0], sizes = [8, 1024], strides = [1, 1]} : vector<1000x1024xf32> to vector<8x1024xf32>
    %mul3A_953 = arith.constant -1.44269502 : f32
    %mul3A_954 = vector.broadcast %mul3A_953 : f32 to vector<8x1024xf32>
    %mul3A_955 = arith.mulf %slice3A_952, %mul3A_954 : vector<8x1024xf32>
    %exp23A_956 = math.exp2 %mul3A_955 : vector<8x1024xf32>
    %add3A_957 = arith.constant 1.000000e+00 : f32
    %add3A_958 = vector.broadcast %add3A_957 : f32 to vector<8x1024xf32>
    %add3A_959 = arith.addf %add3A_958, %exp23A_956 : vector<8x1024xf32>
    %slice3A_960 = vector.extract_strided_slice %get3A_6 {offsets = [752, 0], sizes = [8, 1024], strides = [1, 1]} : vector<1000x1024xf32> to vector<8x1024xf32>
    %mul3A_961 = arith.constant -1.44269502 : f32
    %mul3A_962 = vector.broadcast %mul3A_961 : f32 to vector<8x1024xf32>
    %mul3A_963 = arith.mulf %slice3A_960, %mul3A_962 : vector<8x1024xf32>
    %exp23A_964 = math.exp2 %mul3A_963 : vector<8x1024xf32>
    %add3A_965 = arith.constant 1.000000e+00 : f32
    %add3A_966 = vector.broadcast %add3A_965 : f32 to vector<8x1024xf32>
    %add3A_967 = arith.addf %add3A_966, %exp23A_964 : vector<8x1024xf32>
    %slice3A_968 = vector.extract_strided_slice %get3A_6 {offsets = [760, 0], sizes = [8, 1024], strides = [1, 1]} : vector<1000x1024xf32> to vector<8x1024xf32>
    %mul3A_969 = arith.constant -1.44269502 : f32
    %mul3A_970 = vector.broadcast %mul3A_969 : f32 to vector<8x1024xf32>
    %mul3A_971 = arith.mulf %slice3A_968, %mul3A_970 : vector<8x1024xf32>
    %exp23A_972 = math.exp2 %mul3A_971 : vector<8x1024xf32>
    %add3A_973 = arith.constant 1.000000e+00 : f32
    %add3A_974 = vector.broadcast %add3A_973 : f32 to vector<8x1024xf32>
    %add3A_975 = arith.addf %add3A_974, %exp23A_972 : vector<8x1024xf32>
    %mul3A_976 = arith.mulf %add3A_951, %add3A_959 : vector<8x1024xf32>
    %mul3A_977 = arith.mulf %add3A_967, %add3A_975 : vector<8x1024xf32>
    %mul3A_978 = arith.mulf %mul3A_976, %mul3A_977 : vector<8x1024xf32>
    %log3A_979 = math.log %mul3A_978 : vector<8x1024xf32>
    %log3A_980 = arith.constant 2.000000e+00 : f32
    %log3A_981 = math.log %log3A_980 : f32
    %div3A_982 = vector.broadcast %log3A_981 : f32 to vector<8x1024xf32>
    %div3A_983 = arith.divf %log3A_979, %div3A_982 : vector<8x1024xf32>
    %add3A_984 = arith.addf %add3A_943, %div3A_983 : vector<8x1024xf32>
    %slice3A_985 = vector.extract_strided_slice %get3A_6 {offsets = [768, 0], sizes = [8, 1024], strides = [1, 1]} : vector<1000x1024xf32> to vector<8x1024xf32>
    %mul3A_986 = arith.constant -1.44269502 : f32
    %mul3A_987 = vector.broadcast %mul3A_986 : f32 to vector<8x1024xf32>
    %mul3A_988 = arith.mulf %slice3A_985, %mul3A_987 : vector<8x1024xf32>
    %exp23A_989 = math.exp2 %mul3A_988 : vector<8x1024xf32>
    %add3A_990 = arith.constant 1.000000e+00 : f32
    %add3A_991 = vector.broadcast %add3A_990 : f32 to vector<8x1024xf32>
    %add3A_992 = arith.addf %add3A_991, %exp23A_989 : vector<8x1024xf32>
    %slice3A_993 = vector.extract_strided_slice %get3A_6 {offsets = [776, 0], sizes = [8, 1024], strides = [1, 1]} : vector<1000x1024xf32> to vector<8x1024xf32>
    %mul3A_994 = arith.constant -1.44269502 : f32
    %mul3A_995 = vector.broadcast %mul3A_994 : f32 to vector<8x1024xf32>
    %mul3A_996 = arith.mulf %slice3A_993, %mul3A_995 : vector<8x1024xf32>
    %exp23A_997 = math.exp2 %mul3A_996 : vector<8x1024xf32>
    %add3A_998 = arith.constant 1.000000e+00 : f32
    %add3A_999 = vector.broadcast %add3A_998 : f32 to vector<8x1024xf32>
    %add3A_1000 = arith.addf %add3A_999, %exp23A_997 : vector<8x1024xf32>
    %slice3A_1001 = vector.extract_strided_slice %get3A_6 {offsets = [784, 0], sizes = [8, 1024], strides = [1, 1]} : vector<1000x1024xf32> to vector<8x1024xf32>
    %mul3A_1002 = arith.constant -1.44269502 : f32
    %mul3A_1003 = vector.broadcast %mul3A_1002 : f32 to vector<8x1024xf32>
    %mul3A_1004 = arith.mulf %slice3A_1001, %mul3A_1003 : vector<8x1024xf32>
    %exp23A_1005 = math.exp2 %mul3A_1004 : vector<8x1024xf32>
    %add3A_1006 = arith.constant 1.000000e+00 : f32
    %add3A_1007 = vector.broadcast %add3A_1006 : f32 to vector<8x1024xf32>
    %add3A_1008 = arith.addf %add3A_1007, %exp23A_1005 : vector<8x1024xf32>
    %slice3A_1009 = vector.extract_strided_slice %get3A_6 {offsets = [792, 0], sizes = [8, 1024], strides = [1, 1]} : vector<1000x1024xf32> to vector<8x1024xf32>
    %mul3A_1010 = arith.constant -1.44269502 : f32
    %mul3A_1011 = vector.broadcast %mul3A_1010 : f32 to vector<8x1024xf32>
    %mul3A_1012 = arith.mulf %slice3A_1009, %mul3A_1011 : vector<8x1024xf32>
    %exp23A_1013 = math.exp2 %mul3A_1012 : vector<8x1024xf32>
    %add3A_1014 = arith.constant 1.000000e+00 : f32
    %add3A_1015 = vector.broadcast %add3A_1014 : f32 to vector<8x1024xf32>
    %add3A_1016 = arith.addf %add3A_1015, %exp23A_1013 : vector<8x1024xf32>
    %mul3A_1017 = arith.mulf %add3A_992, %add3A_1000 : vector<8x1024xf32>
    %mul3A_1018 = arith.mulf %add3A_1008, %add3A_1016 : vector<8x1024xf32>
    %mul3A_1019 = arith.mulf %mul3A_1017, %mul3A_1018 : vector<8x1024xf32>
    %log3A_1020 = math.log %mul3A_1019 : vector<8x1024xf32>
    %log3A_1021 = arith.constant 2.000000e+00 : f32
    %log3A_1022 = math.log %log3A_1021 : f32
    %div3A_1023 = vector.broadcast %log3A_1022 : f32 to vector<8x1024xf32>
    %div3A_1024 = arith.divf %log3A_1020, %div3A_1023 : vector<8x1024xf32>
    %add3A_1025 = arith.addf %add3A_984, %div3A_1024 : vector<8x1024xf32>
    %slice3A_1026 = vector.extract_strided_slice %get3A_6 {offsets = [800, 0], sizes = [8, 1024], strides = [1, 1]} : vector<1000x1024xf32> to vector<8x1024xf32>
    %mul3A_1027 = arith.constant -1.44269502 : f32
    %mul3A_1028 = vector.broadcast %mul3A_1027 : f32 to vector<8x1024xf32>
    %mul3A_1029 = arith.mulf %slice3A_1026, %mul3A_1028 : vector<8x1024xf32>
    %exp23A_1030 = math.exp2 %mul3A_1029 : vector<8x1024xf32>
    %add3A_1031 = arith.constant 1.000000e+00 : f32
    %add3A_1032 = vector.broadcast %add3A_1031 : f32 to vector<8x1024xf32>
    %add3A_1033 = arith.addf %add3A_1032, %exp23A_1030 : vector<8x1024xf32>
    %slice3A_1034 = vector.extract_strided_slice %get3A_6 {offsets = [808, 0], sizes = [8, 1024], strides = [1, 1]} : vector<1000x1024xf32> to vector<8x1024xf32>
    %mul3A_1035 = arith.constant -1.44269502 : f32
    %mul3A_1036 = vector.broadcast %mul3A_1035 : f32 to vector<8x1024xf32>
    %mul3A_1037 = arith.mulf %slice3A_1034, %mul3A_1036 : vector<8x1024xf32>
    %exp23A_1038 = math.exp2 %mul3A_1037 : vector<8x1024xf32>
    %add3A_1039 = arith.constant 1.000000e+00 : f32
    %add3A_1040 = vector.broadcast %add3A_1039 : f32 to vector<8x1024xf32>
    %add3A_1041 = arith.addf %add3A_1040, %exp23A_1038 : vector<8x1024xf32>
    %slice3A_1042 = vector.extract_strided_slice %get3A_6 {offsets = [816, 0], sizes = [8, 1024], strides = [1, 1]} : vector<1000x1024xf32> to vector<8x1024xf32>
    %mul3A_1043 = arith.constant -1.44269502 : f32
    %mul3A_1044 = vector.broadcast %mul3A_1043 : f32 to vector<8x1024xf32>
    %mul3A_1045 = arith.mulf %slice3A_1042, %mul3A_1044 : vector<8x1024xf32>
    %exp23A_1046 = math.exp2 %mul3A_1045 : vector<8x1024xf32>
    %add3A_1047 = arith.constant 1.000000e+00 : f32
    %add3A_1048 = vector.broadcast %add3A_1047 : f32 to vector<8x1024xf32>
    %add3A_1049 = arith.addf %add3A_1048, %exp23A_1046 : vector<8x1024xf32>
    %slice3A_1050 = vector.extract_strided_slice %get3A_6 {offsets = [824, 0], sizes = [8, 1024], strides = [1, 1]} : vector<1000x1024xf32> to vector<8x1024xf32>
    %mul3A_1051 = arith.constant -1.44269502 : f32
    %mul3A_1052 = vector.broadcast %mul3A_1051 : f32 to vector<8x1024xf32>
    %mul3A_1053 = arith.mulf %slice3A_1050, %mul3A_1052 : vector<8x1024xf32>
    %exp23A_1054 = math.exp2 %mul3A_1053 : vector<8x1024xf32>
    %add3A_1055 = arith.constant 1.000000e+00 : f32
    %add3A_1056 = vector.broadcast %add3A_1055 : f32 to vector<8x1024xf32>
    %add3A_1057 = arith.addf %add3A_1056, %exp23A_1054 : vector<8x1024xf32>
    %mul3A_1058 = arith.mulf %add3A_1033, %add3A_1041 : vector<8x1024xf32>
    %mul3A_1059 = arith.mulf %add3A_1049, %add3A_1057 : vector<8x1024xf32>
    %mul3A_1060 = arith.mulf %mul3A_1058, %mul3A_1059 : vector<8x1024xf32>
    %log3A_1061 = math.log %mul3A_1060 : vector<8x1024xf32>
    %log3A_1062 = arith.constant 2.000000e+00 : f32
    %log3A_1063 = math.log %log3A_1062 : f32
    %div3A_1064 = vector.broadcast %log3A_1063 : f32 to vector<8x1024xf32>
    %div3A_1065 = arith.divf %log3A_1061, %div3A_1064 : vector<8x1024xf32>
    %add3A_1066 = arith.addf %add3A_1025, %div3A_1065 : vector<8x1024xf32>
    %slice3A_1067 = vector.extract_strided_slice %get3A_6 {offsets = [832, 0], sizes = [8, 1024], strides = [1, 1]} : vector<1000x1024xf32> to vector<8x1024xf32>
    %mul3A_1068 = arith.constant -1.44269502 : f32
    %mul3A_1069 = vector.broadcast %mul3A_1068 : f32 to vector<8x1024xf32>
    %mul3A_1070 = arith.mulf %slice3A_1067, %mul3A_1069 : vector<8x1024xf32>
    %exp23A_1071 = math.exp2 %mul3A_1070 : vector<8x1024xf32>
    %add3A_1072 = arith.constant 1.000000e+00 : f32
    %add3A_1073 = vector.broadcast %add3A_1072 : f32 to vector<8x1024xf32>
    %add3A_1074 = arith.addf %add3A_1073, %exp23A_1071 : vector<8x1024xf32>
    %slice3A_1075 = vector.extract_strided_slice %get3A_6 {offsets = [840, 0], sizes = [8, 1024], strides = [1, 1]} : vector<1000x1024xf32> to vector<8x1024xf32>
    %mul3A_1076 = arith.constant -1.44269502 : f32
    %mul3A_1077 = vector.broadcast %mul3A_1076 : f32 to vector<8x1024xf32>
    %mul3A_1078 = arith.mulf %slice3A_1075, %mul3A_1077 : vector<8x1024xf32>
    %exp23A_1079 = math.exp2 %mul3A_1078 : vector<8x1024xf32>
    %add3A_1080 = arith.constant 1.000000e+00 : f32
    %add3A_1081 = vector.broadcast %add3A_1080 : f32 to vector<8x1024xf32>
    %add3A_1082 = arith.addf %add3A_1081, %exp23A_1079 : vector<8x1024xf32>
    %slice3A_1083 = vector.extract_strided_slice %get3A_6 {offsets = [848, 0], sizes = [8, 1024], strides = [1, 1]} : vector<1000x1024xf32> to vector<8x1024xf32>
    %mul3A_1084 = arith.constant -1.44269502 : f32
    %mul3A_1085 = vector.broadcast %mul3A_1084 : f32 to vector<8x1024xf32>
    %mul3A_1086 = arith.mulf %slice3A_1083, %mul3A_1085 : vector<8x1024xf32>
    %exp23A_1087 = math.exp2 %mul3A_1086 : vector<8x1024xf32>
    %add3A_1088 = arith.constant 1.000000e+00 : f32
    %add3A_1089 = vector.broadcast %add3A_1088 : f32 to vector<8x1024xf32>
    %add3A_1090 = arith.addf %add3A_1089, %exp23A_1087 : vector<8x1024xf32>
    %slice3A_1091 = vector.extract_strided_slice %get3A_6 {offsets = [856, 0], sizes = [8, 1024], strides = [1, 1]} : vector<1000x1024xf32> to vector<8x1024xf32>
    %mul3A_1092 = arith.constant -1.44269502 : f32
    %mul3A_1093 = vector.broadcast %mul3A_1092 : f32 to vector<8x1024xf32>
    %mul3A_1094 = arith.mulf %slice3A_1091, %mul3A_1093 : vector<8x1024xf32>
    %exp23A_1095 = math.exp2 %mul3A_1094 : vector<8x1024xf32>
    %add3A_1096 = arith.constant 1.000000e+00 : f32
    %add3A_1097 = vector.broadcast %add3A_1096 : f32 to vector<8x1024xf32>
    %add3A_1098 = arith.addf %add3A_1097, %exp23A_1095 : vector<8x1024xf32>
    %mul3A_1099 = arith.mulf %add3A_1074, %add3A_1082 : vector<8x1024xf32>
    %mul3A_1100 = arith.mulf %add3A_1090, %add3A_1098 : vector<8x1024xf32>
    %mul3A_1101 = arith.mulf %mul3A_1099, %mul3A_1100 : vector<8x1024xf32>
    %log3A_1102 = math.log %mul3A_1101 : vector<8x1024xf32>
    %log3A_1103 = arith.constant 2.000000e+00 : f32
    %log3A_1104 = math.log %log3A_1103 : f32
    %div3A_1105 = vector.broadcast %log3A_1104 : f32 to vector<8x1024xf32>
    %div3A_1106 = arith.divf %log3A_1102, %div3A_1105 : vector<8x1024xf32>
    %add3A_1107 = arith.addf %add3A_1066, %div3A_1106 : vector<8x1024xf32>
    %slice3A_1108 = vector.extract_strided_slice %get3A_6 {offsets = [864, 0], sizes = [8, 1024], strides = [1, 1]} : vector<1000x1024xf32> to vector<8x1024xf32>
    %mul3A_1109 = arith.constant -1.44269502 : f32
    %mul3A_1110 = vector.broadcast %mul3A_1109 : f32 to vector<8x1024xf32>
    %mul3A_1111 = arith.mulf %slice3A_1108, %mul3A_1110 : vector<8x1024xf32>
    %exp23A_1112 = math.exp2 %mul3A_1111 : vector<8x1024xf32>
    %add3A_1113 = arith.constant 1.000000e+00 : f32
    %add3A_1114 = vector.broadcast %add3A_1113 : f32 to vector<8x1024xf32>
    %add3A_1115 = arith.addf %add3A_1114, %exp23A_1112 : vector<8x1024xf32>
    %slice3A_1116 = vector.extract_strided_slice %get3A_6 {offsets = [872, 0], sizes = [8, 1024], strides = [1, 1]} : vector<1000x1024xf32> to vector<8x1024xf32>
    %mul3A_1117 = arith.constant -1.44269502 : f32
    %mul3A_1118 = vector.broadcast %mul3A_1117 : f32 to vector<8x1024xf32>
    %mul3A_1119 = arith.mulf %slice3A_1116, %mul3A_1118 : vector<8x1024xf32>
    %exp23A_1120 = math.exp2 %mul3A_1119 : vector<8x1024xf32>
    %add3A_1121 = arith.constant 1.000000e+00 : f32
    %add3A_1122 = vector.broadcast %add3A_1121 : f32 to vector<8x1024xf32>
    %add3A_1123 = arith.addf %add3A_1122, %exp23A_1120 : vector<8x1024xf32>
    %slice3A_1124 = vector.extract_strided_slice %get3A_6 {offsets = [880, 0], sizes = [8, 1024], strides = [1, 1]} : vector<1000x1024xf32> to vector<8x1024xf32>
    %mul3A_1125 = arith.constant -1.44269502 : f32
    %mul3A_1126 = vector.broadcast %mul3A_1125 : f32 to vector<8x1024xf32>
    %mul3A_1127 = arith.mulf %slice3A_1124, %mul3A_1126 : vector<8x1024xf32>
    %exp23A_1128 = math.exp2 %mul3A_1127 : vector<8x1024xf32>
    %add3A_1129 = arith.constant 1.000000e+00 : f32
    %add3A_1130 = vector.broadcast %add3A_1129 : f32 to vector<8x1024xf32>
    %add3A_1131 = arith.addf %add3A_1130, %exp23A_1128 : vector<8x1024xf32>
    %slice3A_1132 = vector.extract_strided_slice %get3A_6 {offsets = [888, 0], sizes = [8, 1024], strides = [1, 1]} : vector<1000x1024xf32> to vector<8x1024xf32>
    %mul3A_1133 = arith.constant -1.44269502 : f32
    %mul3A_1134 = vector.broadcast %mul3A_1133 : f32 to vector<8x1024xf32>
    %mul3A_1135 = arith.mulf %slice3A_1132, %mul3A_1134 : vector<8x1024xf32>
    %exp23A_1136 = math.exp2 %mul3A_1135 : vector<8x1024xf32>
    %add3A_1137 = arith.constant 1.000000e+00 : f32
    %add3A_1138 = vector.broadcast %add3A_1137 : f32 to vector<8x1024xf32>
    %add3A_1139 = arith.addf %add3A_1138, %exp23A_1136 : vector<8x1024xf32>
    %mul3A_1140 = arith.mulf %add3A_1115, %add3A_1123 : vector<8x1024xf32>
    %mul3A_1141 = arith.mulf %add3A_1131, %add3A_1139 : vector<8x1024xf32>
    %mul3A_1142 = arith.mulf %mul3A_1140, %mul3A_1141 : vector<8x1024xf32>
    %log3A_1143 = math.log %mul3A_1142 : vector<8x1024xf32>
    %log3A_1144 = arith.constant 2.000000e+00 : f32
    %log3A_1145 = math.log %log3A_1144 : f32
    %div3A_1146 = vector.broadcast %log3A_1145 : f32 to vector<8x1024xf32>
    %div3A_1147 = arith.divf %log3A_1143, %div3A_1146 : vector<8x1024xf32>
    %add3A_1148 = arith.addf %add3A_1107, %div3A_1147 : vector<8x1024xf32>
    %slice3A_1149 = vector.extract_strided_slice %get3A_6 {offsets = [896, 0], sizes = [8, 1024], strides = [1, 1]} : vector<1000x1024xf32> to vector<8x1024xf32>
    %mul3A_1150 = arith.constant -1.44269502 : f32
    %mul3A_1151 = vector.broadcast %mul3A_1150 : f32 to vector<8x1024xf32>
    %mul3A_1152 = arith.mulf %slice3A_1149, %mul3A_1151 : vector<8x1024xf32>
    %exp23A_1153 = math.exp2 %mul3A_1152 : vector<8x1024xf32>
    %add3A_1154 = arith.constant 1.000000e+00 : f32
    %add3A_1155 = vector.broadcast %add3A_1154 : f32 to vector<8x1024xf32>
    %add3A_1156 = arith.addf %add3A_1155, %exp23A_1153 : vector<8x1024xf32>
    %slice3A_1157 = vector.extract_strided_slice %get3A_6 {offsets = [904, 0], sizes = [8, 1024], strides = [1, 1]} : vector<1000x1024xf32> to vector<8x1024xf32>
    %mul3A_1158 = arith.constant -1.44269502 : f32
    %mul3A_1159 = vector.broadcast %mul3A_1158 : f32 to vector<8x1024xf32>
    %mul3A_1160 = arith.mulf %slice3A_1157, %mul3A_1159 : vector<8x1024xf32>
    %exp23A_1161 = math.exp2 %mul3A_1160 : vector<8x1024xf32>
    %add3A_1162 = arith.constant 1.000000e+00 : f32
    %add3A_1163 = vector.broadcast %add3A_1162 : f32 to vector<8x1024xf32>
    %add3A_1164 = arith.addf %add3A_1163, %exp23A_1161 : vector<8x1024xf32>
    %slice3A_1165 = vector.extract_strided_slice %get3A_6 {offsets = [912, 0], sizes = [8, 1024], strides = [1, 1]} : vector<1000x1024xf32> to vector<8x1024xf32>
    %mul3A_1166 = arith.constant -1.44269502 : f32
    %mul3A_1167 = vector.broadcast %mul3A_1166 : f32 to vector<8x1024xf32>
    %mul3A_1168 = arith.mulf %slice3A_1165, %mul3A_1167 : vector<8x1024xf32>
    %exp23A_1169 = math.exp2 %mul3A_1168 : vector<8x1024xf32>
    %add3A_1170 = arith.constant 1.000000e+00 : f32
    %add3A_1171 = vector.broadcast %add3A_1170 : f32 to vector<8x1024xf32>
    %add3A_1172 = arith.addf %add3A_1171, %exp23A_1169 : vector<8x1024xf32>
    %slice3A_1173 = vector.extract_strided_slice %get3A_6 {offsets = [920, 0], sizes = [8, 1024], strides = [1, 1]} : vector<1000x1024xf32> to vector<8x1024xf32>
    %mul3A_1174 = arith.constant -1.44269502 : f32
    %mul3A_1175 = vector.broadcast %mul3A_1174 : f32 to vector<8x1024xf32>
    %mul3A_1176 = arith.mulf %slice3A_1173, %mul3A_1175 : vector<8x1024xf32>
    %exp23A_1177 = math.exp2 %mul3A_1176 : vector<8x1024xf32>
    %add3A_1178 = arith.constant 1.000000e+00 : f32
    %add3A_1179 = vector.broadcast %add3A_1178 : f32 to vector<8x1024xf32>
    %add3A_1180 = arith.addf %add3A_1179, %exp23A_1177 : vector<8x1024xf32>
    %mul3A_1181 = arith.mulf %add3A_1156, %add3A_1164 : vector<8x1024xf32>
    %mul3A_1182 = arith.mulf %add3A_1172, %add3A_1180 : vector<8x1024xf32>
    %mul3A_1183 = arith.mulf %mul3A_1181, %mul3A_1182 : vector<8x1024xf32>
    %log3A_1184 = math.log %mul3A_1183 : vector<8x1024xf32>
    %log3A_1185 = arith.constant 2.000000e+00 : f32
    %log3A_1186 = math.log %log3A_1185 : f32
    %div3A_1187 = vector.broadcast %log3A_1186 : f32 to vector<8x1024xf32>
    %div3A_1188 = arith.divf %log3A_1184, %div3A_1187 : vector<8x1024xf32>
    %add3A_1189 = arith.addf %add3A_1148, %div3A_1188 : vector<8x1024xf32>
    %slice3A_1190 = vector.extract_strided_slice %get3A_6 {offsets = [928, 0], sizes = [8, 1024], strides = [1, 1]} : vector<1000x1024xf32> to vector<8x1024xf32>
    %mul3A_1191 = arith.constant -1.44269502 : f32
    %mul3A_1192 = vector.broadcast %mul3A_1191 : f32 to vector<8x1024xf32>
    %mul3A_1193 = arith.mulf %slice3A_1190, %mul3A_1192 : vector<8x1024xf32>
    %exp23A_1194 = math.exp2 %mul3A_1193 : vector<8x1024xf32>
    %add3A_1195 = arith.constant 1.000000e+00 : f32
    %add3A_1196 = vector.broadcast %add3A_1195 : f32 to vector<8x1024xf32>
    %add3A_1197 = arith.addf %add3A_1196, %exp23A_1194 : vector<8x1024xf32>
    %slice3A_1198 = vector.extract_strided_slice %get3A_6 {offsets = [936, 0], sizes = [8, 1024], strides = [1, 1]} : vector<1000x1024xf32> to vector<8x1024xf32>
    %mul3A_1199 = arith.constant -1.44269502 : f32
    %mul3A_1200 = vector.broadcast %mul3A_1199 : f32 to vector<8x1024xf32>
    %mul3A_1201 = arith.mulf %slice3A_1198, %mul3A_1200 : vector<8x1024xf32>
    %exp23A_1202 = math.exp2 %mul3A_1201 : vector<8x1024xf32>
    %add3A_1203 = arith.constant 1.000000e+00 : f32
    %add3A_1204 = vector.broadcast %add3A_1203 : f32 to vector<8x1024xf32>
    %add3A_1205 = arith.addf %add3A_1204, %exp23A_1202 : vector<8x1024xf32>
    %slice3A_1206 = vector.extract_strided_slice %get3A_6 {offsets = [944, 0], sizes = [8, 1024], strides = [1, 1]} : vector<1000x1024xf32> to vector<8x1024xf32>
    %mul3A_1207 = arith.constant -1.44269502 : f32
    %mul3A_1208 = vector.broadcast %mul3A_1207 : f32 to vector<8x1024xf32>
    %mul3A_1209 = arith.mulf %slice3A_1206, %mul3A_1208 : vector<8x1024xf32>
    %exp23A_1210 = math.exp2 %mul3A_1209 : vector<8x1024xf32>
    %add3A_1211 = arith.constant 1.000000e+00 : f32
    %add3A_1212 = vector.broadcast %add3A_1211 : f32 to vector<8x1024xf32>
    %add3A_1213 = arith.addf %add3A_1212, %exp23A_1210 : vector<8x1024xf32>
    %slice3A_1214 = vector.extract_strided_slice %get3A_6 {offsets = [952, 0], sizes = [8, 1024], strides = [1, 1]} : vector<1000x1024xf32> to vector<8x1024xf32>
    %mul3A_1215 = arith.constant -1.44269502 : f32
    %mul3A_1216 = vector.broadcast %mul3A_1215 : f32 to vector<8x1024xf32>
    %mul3A_1217 = arith.mulf %slice3A_1214, %mul3A_1216 : vector<8x1024xf32>
    %exp23A_1218 = math.exp2 %mul3A_1217 : vector<8x1024xf32>
    %add3A_1219 = arith.constant 1.000000e+00 : f32
    %add3A_1220 = vector.broadcast %add3A_1219 : f32 to vector<8x1024xf32>
    %add3A_1221 = arith.addf %add3A_1220, %exp23A_1218 : vector<8x1024xf32>
    %mul3A_1222 = arith.mulf %add3A_1197, %add3A_1205 : vector<8x1024xf32>
    %mul3A_1223 = arith.mulf %add3A_1213, %add3A_1221 : vector<8x1024xf32>
    %mul3A_1224 = arith.mulf %mul3A_1222, %mul3A_1223 : vector<8x1024xf32>
    %log3A_1225 = math.log %mul3A_1224 : vector<8x1024xf32>
    %log3A_1226 = arith.constant 2.000000e+00 : f32
    %log3A_1227 = math.log %log3A_1226 : f32
    %div3A_1228 = vector.broadcast %log3A_1227 : f32 to vector<8x1024xf32>
    %div3A_1229 = arith.divf %log3A_1225, %div3A_1228 : vector<8x1024xf32>
    %add3A_1230 = arith.addf %add3A_1189, %div3A_1229 : vector<8x1024xf32>
    %slice3A_1231 = vector.extract_strided_slice %get3A_6 {offsets = [960, 0], sizes = [8, 1024], strides = [1, 1]} : vector<1000x1024xf32> to vector<8x1024xf32>
    %mul3A_1232 = arith.constant -1.44269502 : f32
    %mul3A_1233 = vector.broadcast %mul3A_1232 : f32 to vector<8x1024xf32>
    %mul3A_1234 = arith.mulf %slice3A_1231, %mul3A_1233 : vector<8x1024xf32>
    %exp23A_1235 = math.exp2 %mul3A_1234 : vector<8x1024xf32>
    %add3A_1236 = arith.constant 1.000000e+00 : f32
    %add3A_1237 = vector.broadcast %add3A_1236 : f32 to vector<8x1024xf32>
    %add3A_1238 = arith.addf %add3A_1237, %exp23A_1235 : vector<8x1024xf32>
    %slice3A_1239 = vector.extract_strided_slice %get3A_6 {offsets = [968, 0], sizes = [8, 1024], strides = [1, 1]} : vector<1000x1024xf32> to vector<8x1024xf32>
    %mul3A_1240 = arith.constant -1.44269502 : f32
    %mul3A_1241 = vector.broadcast %mul3A_1240 : f32 to vector<8x1024xf32>
    %mul3A_1242 = arith.mulf %slice3A_1239, %mul3A_1241 : vector<8x1024xf32>
    %exp23A_1243 = math.exp2 %mul3A_1242 : vector<8x1024xf32>
    %add3A_1244 = arith.constant 1.000000e+00 : f32
    %add3A_1245 = vector.broadcast %add3A_1244 : f32 to vector<8x1024xf32>
    %add3A_1246 = arith.addf %add3A_1245, %exp23A_1243 : vector<8x1024xf32>
    %slice3A_1247 = vector.extract_strided_slice %get3A_6 {offsets = [976, 0], sizes = [8, 1024], strides = [1, 1]} : vector<1000x1024xf32> to vector<8x1024xf32>
    %mul3A_1248 = arith.constant -1.44269502 : f32
    %mul3A_1249 = vector.broadcast %mul3A_1248 : f32 to vector<8x1024xf32>
    %mul3A_1250 = arith.mulf %slice3A_1247, %mul3A_1249 : vector<8x1024xf32>
    %exp23A_1251 = math.exp2 %mul3A_1250 : vector<8x1024xf32>
    %add3A_1252 = arith.constant 1.000000e+00 : f32
    %add3A_1253 = vector.broadcast %add3A_1252 : f32 to vector<8x1024xf32>
    %add3A_1254 = arith.addf %add3A_1253, %exp23A_1251 : vector<8x1024xf32>
    %slice3A_1255 = vector.extract_strided_slice %get3A_6 {offsets = [984, 0], sizes = [8, 1024], strides = [1, 1]} : vector<1000x1024xf32> to vector<8x1024xf32>
    %mul3A_1256 = arith.constant -1.44269502 : f32
    %mul3A_1257 = vector.broadcast %mul3A_1256 : f32 to vector<8x1024xf32>
    %mul3A_1258 = arith.mulf %slice3A_1255, %mul3A_1257 : vector<8x1024xf32>
    %exp23A_1259 = math.exp2 %mul3A_1258 : vector<8x1024xf32>
    %add3A_1260 = arith.constant 1.000000e+00 : f32
    %add3A_1261 = vector.broadcast %add3A_1260 : f32 to vector<8x1024xf32>
    %add3A_1262 = arith.addf %add3A_1261, %exp23A_1259 : vector<8x1024xf32>
    %mul3A_1263 = arith.mulf %add3A_1238, %add3A_1246 : vector<8x1024xf32>
    %mul3A_1264 = arith.mulf %add3A_1254, %add3A_1262 : vector<8x1024xf32>
    %mul3A_1265 = arith.mulf %mul3A_1263, %mul3A_1264 : vector<8x1024xf32>
    %log3A_1266 = math.log %mul3A_1265 : vector<8x1024xf32>
    %log3A_1267 = arith.constant 2.000000e+00 : f32
    %log3A_1268 = math.log %log3A_1267 : f32
    %div3A_1269 = vector.broadcast %log3A_1268 : f32 to vector<8x1024xf32>
    %div3A_1270 = arith.divf %log3A_1266, %div3A_1269 : vector<8x1024xf32>
    %add3A_1271 = arith.addf %add3A_1230, %div3A_1270 : vector<8x1024xf32>
    %slice3A_1272 = vector.extract_strided_slice %get3A_6 {offsets = [992, 0], sizes = [8, 1024], strides = [1, 1]} : vector<1000x1024xf32> to vector<8x1024xf32>
    %mul3A_1273 = arith.constant -1.44269502 : f32
    %mul3A_1274 = vector.broadcast %mul3A_1273 : f32 to vector<8x1024xf32>
    %mul3A_1275 = arith.mulf %slice3A_1272, %mul3A_1274 : vector<8x1024xf32>
    %exp23A_1276 = math.exp2 %mul3A_1275 : vector<8x1024xf32>
    %add3A_1277 = arith.constant 1.000000e+00 : f32
    %add3A_1278 = vector.broadcast %add3A_1277 : f32 to vector<8x1024xf32>
    %add3A_1279 = arith.addf %add3A_1278, %exp23A_1276 : vector<8x1024xf32>
    %log3A_1280 = math.log %add3A_1279 : vector<8x1024xf32>
    %log3A_1281 = arith.constant 2.000000e+00 : f32
    %log3A_1282 = math.log %log3A_1281 : f32
    %div3A_1283 = vector.broadcast %log3A_1282 : f32 to vector<8x1024xf32>
    %div3A_1284 = arith.divf %log3A_1280, %div3A_1283 : vector<8x1024xf32>
    %add3A_1285 = arith.addf %add3A_1271, %div3A_1284 : vector<8x1024xf32>
    %get3A_1286 = arith.constant 0 : index
    %get3A_1287 = arith.constant 0 : index
    %get3A_1288 = vector.load %arg2[%get3A_1286, %get3A_1287] : memref<1000x1024xf32, #tpu.memory_space<vmem>>, vector<1000x1024xf32>
    %slice3A_1289 = vector.extract_strided_slice %get3A_1288 {offsets = [0, 0], sizes = [8, 1024], strides = [1, 1]} : vector<1000x1024xf32> to vector<8x1024xf32>
    %mul3A_1290 = arith.constant -1.44269502 : f32
    %mul3A_1291 = vector.broadcast %mul3A_1290 : f32 to vector<8x1024xf32>
    %mul3A_1292 = arith.mulf %slice3A_1289, %mul3A_1291 : vector<8x1024xf32>
    %exp23A_1293 = math.exp2 %mul3A_1292 : vector<8x1024xf32>
    %add3A_1294 = arith.constant 1.000000e+00 : f32
    %add3A_1295 = vector.broadcast %add3A_1294 : f32 to vector<8x1024xf32>
    %add3A_1296 = arith.addf %add3A_1295, %exp23A_1293 : vector<8x1024xf32>
    %slice3A_1297 = vector.extract_strided_slice %get3A_1288 {offsets = [8, 0], sizes = [8, 1024], strides = [1, 1]} : vector<1000x1024xf32> to vector<8x1024xf32>
    %mul3A_1298 = arith.constant -1.44269502 : f32
    %mul3A_1299 = vector.broadcast %mul3A_1298 : f32 to vector<8x1024xf32>
    %mul3A_1300 = arith.mulf %slice3A_1297, %mul3A_1299 : vector<8x1024xf32>
    %exp23A_1301 = math.exp2 %mul3A_1300 : vector<8x1024xf32>
    %add3A_1302 = arith.constant 1.000000e+00 : f32
    %add3A_1303 = vector.broadcast %add3A_1302 : f32 to vector<8x1024xf32>
    %add3A_1304 = arith.addf %add3A_1303, %exp23A_1301 : vector<8x1024xf32>
    %slice3A_1305 = vector.extract_strided_slice %get3A_1288 {offsets = [16, 0], sizes = [8, 1024], strides = [1, 1]} : vector<1000x1024xf32> to vector<8x1024xf32>
    %mul3A_1306 = arith.constant -1.44269502 : f32
    %mul3A_1307 = vector.broadcast %mul3A_1306 : f32 to vector<8x1024xf32>
    %mul3A_1308 = arith.mulf %slice3A_1305, %mul3A_1307 : vector<8x1024xf32>
    %exp23A_1309 = math.exp2 %mul3A_1308 : vector<8x1024xf32>
    %add3A_1310 = arith.constant 1.000000e+00 : f32
    %add3A_1311 = vector.broadcast %add3A_1310 : f32 to vector<8x1024xf32>
    %add3A_1312 = arith.addf %add3A_1311, %exp23A_1309 : vector<8x1024xf32>
    %slice3A_1313 = vector.extract_strided_slice %get3A_1288 {offsets = [24, 0], sizes = [8, 1024], strides = [1, 1]} : vector<1000x1024xf32> to vector<8x1024xf32>
    %mul3A_1314 = arith.constant -1.44269502 : f32
    %mul3A_1315 = vector.broadcast %mul3A_1314 : f32 to vector<8x1024xf32>
    %mul3A_1316 = arith.mulf %slice3A_1313, %mul3A_1315 : vector<8x1024xf32>
    %exp23A_1317 = math.exp2 %mul3A_1316 : vector<8x1024xf32>
    %add3A_1318 = arith.constant 1.000000e+00 : f32
    %add3A_1319 = vector.broadcast %add3A_1318 : f32 to vector<8x1024xf32>
    %add3A_1320 = arith.addf %add3A_1319, %exp23A_1317 : vector<8x1024xf32>
    %mul3A_1321 = arith.mulf %add3A_1296, %add3A_1304 : vector<8x1024xf32>
    %mul3A_1322 = arith.mulf %add3A_1312, %add3A_1320 : vector<8x1024xf32>
    %mul3A_1323 = arith.mulf %mul3A_1321, %mul3A_1322 : vector<8x1024xf32>
    %log3A_1324 = math.log %mul3A_1323 : vector<8x1024xf32>
    %log3A_1325 = arith.constant 2.000000e+00 : f32
    %log3A_1326 = math.log %log3A_1325 : f32
    %div3A_1327 = vector.broadcast %log3A_1326 : f32 to vector<8x1024xf32>
    %div3A_1328 = arith.divf %log3A_1324, %div3A_1327 : vector<8x1024xf32>
    %add3A_1329 = arith.addf %add3A_1285, %div3A_1328 : vector<8x1024xf32>
    %slice3A_1330 = vector.extract_strided_slice %get3A_1288 {offsets = [32, 0], sizes = [8, 1024], strides = [1, 1]} : vector<1000x1024xf32> to vector<8x1024xf32>
    %mul3A_1331 = arith.constant -1.44269502 : f32
    %mul3A_1332 = vector.broadcast %mul3A_1331 : f32 to vector<8x1024xf32>
    %mul3A_1333 = arith.mulf %slice3A_1330, %mul3A_1332 : vector<8x1024xf32>
    %exp23A_1334 = math.exp2 %mul3A_1333 : vector<8x1024xf32>
    %add3A_1335 = arith.constant 1.000000e+00 : f32
    %add3A_1336 = vector.broadcast %add3A_1335 : f32 to vector<8x1024xf32>
    %add3A_1337 = arith.addf %add3A_1336, %exp23A_1334 : vector<8x1024xf32>
    %slice3A_1338 = vector.extract_strided_slice %get3A_1288 {offsets = [40, 0], sizes = [8, 1024], strides = [1, 1]} : vector<1000x1024xf32> to vector<8x1024xf32>
    %mul3A_1339 = arith.constant -1.44269502 : f32
    %mul3A_1340 = vector.broadcast %mul3A_1339 : f32 to vector<8x1024xf32>
    %mul3A_1341 = arith.mulf %slice3A_1338, %mul3A_1340 : vector<8x1024xf32>
    %exp23A_1342 = math.exp2 %mul3A_1341 : vector<8x1024xf32>
    %add3A_1343 = arith.constant 1.000000e+00 : f32
    %add3A_1344 = vector.broadcast %add3A_1343 : f32 to vector<8x1024xf32>
    %add3A_1345 = arith.addf %add3A_1344, %exp23A_1342 : vector<8x1024xf32>
    %slice3A_1346 = vector.extract_strided_slice %get3A_1288 {offsets = [48, 0], sizes = [8, 1024], strides = [1, 1]} : vector<1000x1024xf32> to vector<8x1024xf32>
    %mul3A_1347 = arith.constant -1.44269502 : f32
    %mul3A_1348 = vector.broadcast %mul3A_1347 : f32 to vector<8x1024xf32>
    %mul3A_1349 = arith.mulf %slice3A_1346, %mul3A_1348 : vector<8x1024xf32>
    %exp23A_1350 = math.exp2 %mul3A_1349 : vector<8x1024xf32>
    %add3A_1351 = arith.constant 1.000000e+00 : f32
    %add3A_1352 = vector.broadcast %add3A_1351 : f32 to vector<8x1024xf32>
    %add3A_1353 = arith.addf %add3A_1352, %exp23A_1350 : vector<8x1024xf32>
    %slice3A_1354 = vector.extract_strided_slice %get3A_1288 {offsets = [56, 0], sizes = [8, 1024], strides = [1, 1]} : vector<1000x1024xf32> to vector<8x1024xf32>
    %mul3A_1355 = arith.constant -1.44269502 : f32
    %mul3A_1356 = vector.broadcast %mul3A_1355 : f32 to vector<8x1024xf32>
    %mul3A_1357 = arith.mulf %slice3A_1354, %mul3A_1356 : vector<8x1024xf32>
    %exp23A_1358 = math.exp2 %mul3A_1357 : vector<8x1024xf32>
    %add3A_1359 = arith.constant 1.000000e+00 : f32
    %add3A_1360 = vector.broadcast %add3A_1359 : f32 to vector<8x1024xf32>
    %add3A_1361 = arith.addf %add3A_1360, %exp23A_1358 : vector<8x1024xf32>
    %mul3A_1362 = arith.mulf %add3A_1337, %add3A_1345 : vector<8x1024xf32>
    %mul3A_1363 = arith.mulf %add3A_1353, %add3A_1361 : vector<8x1024xf32>
    %mul3A_1364 = arith.mulf %mul3A_1362, %mul3A_1363 : vector<8x1024xf32>
    %log3A_1365 = math.log %mul3A_1364 : vector<8x1024xf32>
    %log3A_1366 = arith.constant 2.000000e+00 : f32
    %log3A_1367 = math.log %log3A_1366 : f32
    %div3A_1368 = vector.broadcast %log3A_1367 : f32 to vector<8x1024xf32>
    %div3A_1369 = arith.divf %log3A_1365, %div3A_1368 : vector<8x1024xf32>
    %add3A_1370 = arith.addf %add3A_1329, %div3A_1369 : vector<8x1024xf32>
    %slice3A_1371 = vector.extract_strided_slice %get3A_1288 {offsets = [64, 0], sizes = [8, 1024], strides = [1, 1]} : vector<1000x1024xf32> to vector<8x1024xf32>
    %mul3A_1372 = arith.constant -1.44269502 : f32
    %mul3A_1373 = vector.broadcast %mul3A_1372 : f32 to vector<8x1024xf32>
    %mul3A_1374 = arith.mulf %slice3A_1371, %mul3A_1373 : vector<8x1024xf32>
    %exp23A_1375 = math.exp2 %mul3A_1374 : vector<8x1024xf32>
    %add3A_1376 = arith.constant 1.000000e+00 : f32
    %add3A_1377 = vector.broadcast %add3A_1376 : f32 to vector<8x1024xf32>
    %add3A_1378 = arith.addf %add3A_1377, %exp23A_1375 : vector<8x1024xf32>
    %slice3A_1379 = vector.extract_strided_slice %get3A_1288 {offsets = [72, 0], sizes = [8, 1024], strides = [1, 1]} : vector<1000x1024xf32> to vector<8x1024xf32>
    %mul3A_1380 = arith.constant -1.44269502 : f32
    %mul3A_1381 = vector.broadcast %mul3A_1380 : f32 to vector<8x1024xf32>
    %mul3A_1382 = arith.mulf %slice3A_1379, %mul3A_1381 : vector<8x1024xf32>
    %exp23A_1383 = math.exp2 %mul3A_1382 : vector<8x1024xf32>
    %add3A_1384 = arith.constant 1.000000e+00 : f32
    %add3A_1385 = vector.broadcast %add3A_1384 : f32 to vector<8x1024xf32>
    %add3A_1386 = arith.addf %add3A_1385, %exp23A_1383 : vector<8x1024xf32>
    %slice3A_1387 = vector.extract_strided_slice %get3A_1288 {offsets = [80, 0], sizes = [8, 1024], strides = [1, 1]} : vector<1000x1024xf32> to vector<8x1024xf32>
    %mul3A_1388 = arith.constant -1.44269502 : f32
    %mul3A_1389 = vector.broadcast %mul3A_1388 : f32 to vector<8x1024xf32>
    %mul3A_1390 = arith.mulf %slice3A_1387, %mul3A_1389 : vector<8x1024xf32>
    %exp23A_1391 = math.exp2 %mul3A_1390 : vector<8x1024xf32>
    %add3A_1392 = arith.constant 1.000000e+00 : f32
    %add3A_1393 = vector.broadcast %add3A_1392 : f32 to vector<8x1024xf32>
    %add3A_1394 = arith.addf %add3A_1393, %exp23A_1391 : vector<8x1024xf32>
    %slice3A_1395 = vector.extract_strided_slice %get3A_1288 {offsets = [88, 0], sizes = [8, 1024], strides = [1, 1]} : vector<1000x1024xf32> to vector<8x1024xf32>
    %mul3A_1396 = arith.constant -1.44269502 : f32
    %mul3A_1397 = vector.broadcast %mul3A_1396 : f32 to vector<8x1024xf32>
    %mul3A_1398 = arith.mulf %slice3A_1395, %mul3A_1397 : vector<8x1024xf32>
    %exp23A_1399 = math.exp2 %mul3A_1398 : vector<8x1024xf32>
    %add3A_1400 = arith.constant 1.000000e+00 : f32
    %add3A_1401 = vector.broadcast %add3A_1400 : f32 to vector<8x1024xf32>
    %add3A_1402 = arith.addf %add3A_1401, %exp23A_1399 : vector<8x1024xf32>
    %mul3A_1403 = arith.mulf %add3A_1378, %add3A_1386 : vector<8x1024xf32>
    %mul3A_1404 = arith.mulf %add3A_1394, %add3A_1402 : vector<8x1024xf32>
    %mul3A_1405 = arith.mulf %mul3A_1403, %mul3A_1404 : vector<8x1024xf32>
    %log3A_1406 = math.log %mul3A_1405 : vector<8x1024xf32>
    %log3A_1407 = arith.constant 2.000000e+00 : f32
    %log3A_1408 = math.log %log3A_1407 : f32
    %div3A_1409 = vector.broadcast %log3A_1408 : f32 to vector<8x1024xf32>
    %div3A_1410 = arith.divf %log3A_1406, %div3A_1409 : vector<8x1024xf32>
    %add3A_1411 = arith.addf %add3A_1370, %div3A_1410 : vector<8x1024xf32>
    %slice3A_1412 = vector.extract_strided_slice %get3A_1288 {offsets = [96, 0], sizes = [8, 1024], strides = [1, 1]} : vector<1000x1024xf32> to vector<8x1024xf32>
    %mul3A_1413 = arith.constant -1.44269502 : f32
    %mul3A_1414 = vector.broadcast %mul3A_1413 : f32 to vector<8x1024xf32>
    %mul3A_1415 = arith.mulf %slice3A_1412, %mul3A_1414 : vector<8x1024xf32>
    %exp23A_1416 = math.exp2 %mul3A_1415 : vector<8x1024xf32>
    %add3A_1417 = arith.constant 1.000000e+00 : f32
    %add3A_1418 = vector.broadcast %add3A_1417 : f32 to vector<8x1024xf32>
    %add3A_1419 = arith.addf %add3A_1418, %exp23A_1416 : vector<8x1024xf32>
    %slice3A_1420 = vector.extract_strided_slice %get3A_1288 {offsets = [104, 0], sizes = [8, 1024], strides = [1, 1]} : vector<1000x1024xf32> to vector<8x1024xf32>
    %mul3A_1421 = arith.constant -1.44269502 : f32
    %mul3A_1422 = vector.broadcast %mul3A_1421 : f32 to vector<8x1024xf32>
    %mul3A_1423 = arith.mulf %slice3A_1420, %mul3A_1422 : vector<8x1024xf32>
    %exp23A_1424 = math.exp2 %mul3A_1423 : vector<8x1024xf32>
    %add3A_1425 = arith.constant 1.000000e+00 : f32
    %add3A_1426 = vector.broadcast %add3A_1425 : f32 to vector<8x1024xf32>
    %add3A_1427 = arith.addf %add3A_1426, %exp23A_1424 : vector<8x1024xf32>
    %slice3A_1428 = vector.extract_strided_slice %get3A_1288 {offsets = [112, 0], sizes = [8, 1024], strides = [1, 1]} : vector<1000x1024xf32> to vector<8x1024xf32>
    %mul3A_1429 = arith.constant -1.44269502 : f32
    %mul3A_1430 = vector.broadcast %mul3A_1429 : f32 to vector<8x1024xf32>
    %mul3A_1431 = arith.mulf %slice3A_1428, %mul3A_1430 : vector<8x1024xf32>
    %exp23A_1432 = math.exp2 %mul3A_1431 : vector<8x1024xf32>
    %add3A_1433 = arith.constant 1.000000e+00 : f32
    %add3A_1434 = vector.broadcast %add3A_1433 : f32 to vector<8x1024xf32>
    %add3A_1435 = arith.addf %add3A_1434, %exp23A_1432 : vector<8x1024xf32>
    %slice3A_1436 = vector.extract_strided_slice %get3A_1288 {offsets = [120, 0], sizes = [8, 1024], strides = [1, 1]} : vector<1000x1024xf32> to vector<8x1024xf32>
    %mul3A_1437 = arith.constant -1.44269502 : f32
    %mul3A_1438 = vector.broadcast %mul3A_1437 : f32 to vector<8x1024xf32>
    %mul3A_1439 = arith.mulf %slice3A_1436, %mul3A_1438 : vector<8x1024xf32>
    %exp23A_1440 = math.exp2 %mul3A_1439 : vector<8x1024xf32>
    %add3A_1441 = arith.constant 1.000000e+00 : f32
    %add3A_1442 = vector.broadcast %add3A_1441 : f32 to vector<8x1024xf32>
    %add3A_1443 = arith.addf %add3A_1442, %exp23A_1440 : vector<8x1024xf32>
    %mul3A_1444 = arith.mulf %add3A_1419, %add3A_1427 : vector<8x1024xf32>
    %mul3A_1445 = arith.mulf %add3A_1435, %add3A_1443 : vector<8x1024xf32>
    %mul3A_1446 = arith.mulf %mul3A_1444, %mul3A_1445 : vector<8x1024xf32>
    %log3A_1447 = math.log %mul3A_1446 : vector<8x1024xf32>
    %log3A_1448 = arith.constant 2.000000e+00 : f32
    %log3A_1449 = math.log %log3A_1448 : f32
    %div3A_1450 = vector.broadcast %log3A_1449 : f32 to vector<8x1024xf32>
    %div3A_1451 = arith.divf %log3A_1447, %div3A_1450 : vector<8x1024xf32>
    %add3A_1452 = arith.addf %add3A_1411, %div3A_1451 : vector<8x1024xf32>
    %slice3A_1453 = vector.extract_strided_slice %get3A_1288 {offsets = [128, 0], sizes = [8, 1024], strides = [1, 1]} : vector<1000x1024xf32> to vector<8x1024xf32>
    %mul3A_1454 = arith.constant -1.44269502 : f32
    %mul3A_1455 = vector.broadcast %mul3A_1454 : f32 to vector<8x1024xf32>
    %mul3A_1456 = arith.mulf %slice3A_1453, %mul3A_1455 : vector<8x1024xf32>
    %exp23A_1457 = math.exp2 %mul3A_1456 : vector<8x1024xf32>
    %add3A_1458 = arith.constant 1.000000e+00 : f32
    %add3A_1459 = vector.broadcast %add3A_1458 : f32 to vector<8x1024xf32>
    %add3A_1460 = arith.addf %add3A_1459, %exp23A_1457 : vector<8x1024xf32>
    %slice3A_1461 = vector.extract_strided_slice %get3A_1288 {offsets = [136, 0], sizes = [8, 1024], strides = [1, 1]} : vector<1000x1024xf32> to vector<8x1024xf32>
    %mul3A_1462 = arith.constant -1.44269502 : f32
    %mul3A_1463 = vector.broadcast %mul3A_1462 : f32 to vector<8x1024xf32>
    %mul3A_1464 = arith.mulf %slice3A_1461, %mul3A_1463 : vector<8x1024xf32>
    %exp23A_1465 = math.exp2 %mul3A_1464 : vector<8x1024xf32>
    %add3A_1466 = arith.constant 1.000000e+00 : f32
    %add3A_1467 = vector.broadcast %add3A_1466 : f32 to vector<8x1024xf32>
    %add3A_1468 = arith.addf %add3A_1467, %exp23A_1465 : vector<8x1024xf32>
    %slice3A_1469 = vector.extract_strided_slice %get3A_1288 {offsets = [144, 0], sizes = [8, 1024], strides = [1, 1]} : vector<1000x1024xf32> to vector<8x1024xf32>
    %mul3A_1470 = arith.constant -1.44269502 : f32
    %mul3A_1471 = vector.broadcast %mul3A_1470 : f32 to vector<8x1024xf32>
    %mul3A_1472 = arith.mulf %slice3A_1469, %mul3A_1471 : vector<8x1024xf32>
    %exp23A_1473 = math.exp2 %mul3A_1472 : vector<8x1024xf32>
    %add3A_1474 = arith.constant 1.000000e+00 : f32
    %add3A_1475 = vector.broadcast %add3A_1474 : f32 to vector<8x1024xf32>
    %add3A_1476 = arith.addf %add3A_1475, %exp23A_1473 : vector<8x1024xf32>
    %slice3A_1477 = vector.extract_strided_slice %get3A_1288 {offsets = [152, 0], sizes = [8, 1024], strides = [1, 1]} : vector<1000x1024xf32> to vector<8x1024xf32>
    %mul3A_1478 = arith.constant -1.44269502 : f32
    %mul3A_1479 = vector.broadcast %mul3A_1478 : f32 to vector<8x1024xf32>
    %mul3A_1480 = arith.mulf %slice3A_1477, %mul3A_1479 : vector<8x1024xf32>
    %exp23A_1481 = math.exp2 %mul3A_1480 : vector<8x1024xf32>
    %add3A_1482 = arith.constant 1.000000e+00 : f32
    %add3A_1483 = vector.broadcast %add3A_1482 : f32 to vector<8x1024xf32>
    %add3A_1484 = arith.addf %add3A_1483, %exp23A_1481 : vector<8x1024xf32>
    %mul3A_1485 = arith.mulf %add3A_1460, %add3A_1468 : vector<8x1024xf32>
    %mul3A_1486 = arith.mulf %add3A_1476, %add3A_1484 : vector<8x1024xf32>
    %mul3A_1487 = arith.mulf %mul3A_1485, %mul3A_1486 : vector<8x1024xf32>
    %log3A_1488 = math.log %mul3A_1487 : vector<8x1024xf32>
    %log3A_1489 = arith.constant 2.000000e+00 : f32
    %log3A_1490 = math.log %log3A_1489 : f32
    %div3A_1491 = vector.broadcast %log3A_1490 : f32 to vector<8x1024xf32>
    %div3A_1492 = arith.divf %log3A_1488, %div3A_1491 : vector<8x1024xf32>
    %add3A_1493 = arith.addf %add3A_1452, %div3A_1492 : vector<8x1024xf32>
    %slice3A_1494 = vector.extract_strided_slice %get3A_1288 {offsets = [160, 0], sizes = [8, 1024], strides = [1, 1]} : vector<1000x1024xf32> to vector<8x1024xf32>
    %mul3A_1495 = arith.constant -1.44269502 : f32
    %mul3A_1496 = vector.broadcast %mul3A_1495 : f32 to vector<8x1024xf32>
    %mul3A_1497 = arith.mulf %slice3A_1494, %mul3A_1496 : vector<8x1024xf32>
    %exp23A_1498 = math.exp2 %mul3A_1497 : vector<8x1024xf32>
    %add3A_1499 = arith.constant 1.000000e+00 : f32
    %add3A_1500 = vector.broadcast %add3A_1499 : f32 to vector<8x1024xf32>
    %add3A_1501 = arith.addf %add3A_1500, %exp23A_1498 : vector<8x1024xf32>
    %slice3A_1502 = vector.extract_strided_slice %get3A_1288 {offsets = [168, 0], sizes = [8, 1024], strides = [1, 1]} : vector<1000x1024xf32> to vector<8x1024xf32>
    %mul3A_1503 = arith.constant -1.44269502 : f32
    %mul3A_1504 = vector.broadcast %mul3A_1503 : f32 to vector<8x1024xf32>
    %mul3A_1505 = arith.mulf %slice3A_1502, %mul3A_1504 : vector<8x1024xf32>
    %exp23A_1506 = math.exp2 %mul3A_1505 : vector<8x1024xf32>
    %add3A_1507 = arith.constant 1.000000e+00 : f32
    %add3A_1508 = vector.broadcast %add3A_1507 : f32 to vector<8x1024xf32>
    %add3A_1509 = arith.addf %add3A_1508, %exp23A_1506 : vector<8x1024xf32>
    %slice3A_1510 = vector.extract_strided_slice %get3A_1288 {offsets = [176, 0], sizes = [8, 1024], strides = [1, 1]} : vector<1000x1024xf32> to vector<8x1024xf32>
    %mul3A_1511 = arith.constant -1.44269502 : f32
    %mul3A_1512 = vector.broadcast %mul3A_1511 : f32 to vector<8x1024xf32>
    %mul3A_1513 = arith.mulf %slice3A_1510, %mul3A_1512 : vector<8x1024xf32>
    %exp23A_1514 = math.exp2 %mul3A_1513 : vector<8x1024xf32>
    %add3A_1515 = arith.constant 1.000000e+00 : f32
    %add3A_1516 = vector.broadcast %add3A_1515 : f32 to vector<8x1024xf32>
    %add3A_1517 = arith.addf %add3A_1516, %exp23A_1514 : vector<8x1024xf32>
    %slice3A_1518 = vector.extract_strided_slice %get3A_1288 {offsets = [184, 0], sizes = [8, 1024], strides = [1, 1]} : vector<1000x1024xf32> to vector<8x1024xf32>
    %mul3A_1519 = arith.constant -1.44269502 : f32
    %mul3A_1520 = vector.broadcast %mul3A_1519 : f32 to vector<8x1024xf32>
    %mul3A_1521 = arith.mulf %slice3A_1518, %mul3A_1520 : vector<8x1024xf32>
    %exp23A_1522 = math.exp2 %mul3A_1521 : vector<8x1024xf32>
    %add3A_1523 = arith.constant 1.000000e+00 : f32
    %add3A_1524 = vector.broadcast %add3A_1523 : f32 to vector<8x1024xf32>
    %add3A_1525 = arith.addf %add3A_1524, %exp23A_1522 : vector<8x1024xf32>
    %mul3A_1526 = arith.mulf %add3A_1501, %add3A_1509 : vector<8x1024xf32>
    %mul3A_1527 = arith.mulf %add3A_1517, %add3A_1525 : vector<8x1024xf32>
    %mul3A_1528 = arith.mulf %mul3A_1526, %mul3A_1527 : vector<8x1024xf32>
    %log3A_1529 = math.log %mul3A_1528 : vector<8x1024xf32>
    %log3A_1530 = arith.constant 2.000000e+00 : f32
    %log3A_1531 = math.log %log3A_1530 : f32
    %div3A_1532 = vector.broadcast %log3A_1531 : f32 to vector<8x1024xf32>
    %div3A_1533 = arith.divf %log3A_1529, %div3A_1532 : vector<8x1024xf32>
    %add3A_1534 = arith.addf %add3A_1493, %div3A_1533 : vector<8x1024xf32>
    %slice3A_1535 = vector.extract_strided_slice %get3A_1288 {offsets = [192, 0], sizes = [8, 1024], strides = [1, 1]} : vector<1000x1024xf32> to vector<8x1024xf32>
    %mul3A_1536 = arith.constant -1.44269502 : f32
    %mul3A_1537 = vector.broadcast %mul3A_1536 : f32 to vector<8x1024xf32>
    %mul3A_1538 = arith.mulf %slice3A_1535, %mul3A_1537 : vector<8x1024xf32>
    %exp23A_1539 = math.exp2 %mul3A_1538 : vector<8x1024xf32>
    %add3A_1540 = arith.constant 1.000000e+00 : f32
    %add3A_1541 = vector.broadcast %add3A_1540 : f32 to vector<8x1024xf32>
    %add3A_1542 = arith.addf %add3A_1541, %exp23A_1539 : vector<8x1024xf32>
    %slice3A_1543 = vector.extract_strided_slice %get3A_1288 {offsets = [200, 0], sizes = [8, 1024], strides = [1, 1]} : vector<1000x1024xf32> to vector<8x1024xf32>
    %mul3A_1544 = arith.constant -1.44269502 : f32
    %mul3A_1545 = vector.broadcast %mul3A_1544 : f32 to vector<8x1024xf32>
    %mul3A_1546 = arith.mulf %slice3A_1543, %mul3A_1545 : vector<8x1024xf32>
    %exp23A_1547 = math.exp2 %mul3A_1546 : vector<8x1024xf32>
    %add3A_1548 = arith.constant 1.000000e+00 : f32
    %add3A_1549 = vector.broadcast %add3A_1548 : f32 to vector<8x1024xf32>
    %add3A_1550 = arith.addf %add3A_1549, %exp23A_1547 : vector<8x1024xf32>
    %slice3A_1551 = vector.extract_strided_slice %get3A_1288 {offsets = [208, 0], sizes = [8, 1024], strides = [1, 1]} : vector<1000x1024xf32> to vector<8x1024xf32>
    %mul3A_1552 = arith.constant -1.44269502 : f32
    %mul3A_1553 = vector.broadcast %mul3A_1552 : f32 to vector<8x1024xf32>
    %mul3A_1554 = arith.mulf %slice3A_1551, %mul3A_1553 : vector<8x1024xf32>
    %exp23A_1555 = math.exp2 %mul3A_1554 : vector<8x1024xf32>
    %add3A_1556 = arith.constant 1.000000e+00 : f32
    %add3A_1557 = vector.broadcast %add3A_1556 : f32 to vector<8x1024xf32>
    %add3A_1558 = arith.addf %add3A_1557, %exp23A_1555 : vector<8x1024xf32>
    %slice3A_1559 = vector.extract_strided_slice %get3A_1288 {offsets = [216, 0], sizes = [8, 1024], strides = [1, 1]} : vector<1000x1024xf32> to vector<8x1024xf32>
    %mul3A_1560 = arith.constant -1.44269502 : f32
    %mul3A_1561 = vector.broadcast %mul3A_1560 : f32 to vector<8x1024xf32>
    %mul3A_1562 = arith.mulf %slice3A_1559, %mul3A_1561 : vector<8x1024xf32>
    %exp23A_1563 = math.exp2 %mul3A_1562 : vector<8x1024xf32>
    %add3A_1564 = arith.constant 1.000000e+00 : f32
    %add3A_1565 = vector.broadcast %add3A_1564 : f32 to vector<8x1024xf32>
    %add3A_1566 = arith.addf %add3A_1565, %exp23A_1563 : vector<8x1024xf32>
    %mul3A_1567 = arith.mulf %add3A_1542, %add3A_1550 : vector<8x1024xf32>
    %mul3A_1568 = arith.mulf %add3A_1558, %add3A_1566 : vector<8x1024xf32>
    %mul3A_1569 = arith.mulf %mul3A_1567, %mul3A_1568 : vector<8x1024xf32>
    %log3A_1570 = math.log %mul3A_1569 : vector<8x1024xf32>
    %log3A_1571 = arith.constant 2.000000e+00 : f32
    %log3A_1572 = math.log %log3A_1571 : f32
    %div3A_1573 = vector.broadcast %log3A_1572 : f32 to vector<8x1024xf32>
    %div3A_1574 = arith.divf %log3A_1570, %div3A_1573 : vector<8x1024xf32>
    %add3A_1575 = arith.addf %add3A_1534, %div3A_1574 : vector<8x1024xf32>
    %slice3A_1576 = vector.extract_strided_slice %get3A_1288 {offsets = [224, 0], sizes = [8, 1024], strides = [1, 1]} : vector<1000x1024xf32> to vector<8x1024xf32>
    %mul3A_1577 = arith.constant -1.44269502 : f32
    %mul3A_1578 = vector.broadcast %mul3A_1577 : f32 to vector<8x1024xf32>
    %mul3A_1579 = arith.mulf %slice3A_1576, %mul3A_1578 : vector<8x1024xf32>
    %exp23A_1580 = math.exp2 %mul3A_1579 : vector<8x1024xf32>
    %add3A_1581 = arith.constant 1.000000e+00 : f32
    %add3A_1582 = vector.broadcast %add3A_1581 : f32 to vector<8x1024xf32>
    %add3A_1583 = arith.addf %add3A_1582, %exp23A_1580 : vector<8x1024xf32>
    %slice3A_1584 = vector.extract_strided_slice %get3A_1288 {offsets = [232, 0], sizes = [8, 1024], strides = [1, 1]} : vector<1000x1024xf32> to vector<8x1024xf32>
    %mul3A_1585 = arith.constant -1.44269502 : f32
    %mul3A_1586 = vector.broadcast %mul3A_1585 : f32 to vector<8x1024xf32>
    %mul3A_1587 = arith.mulf %slice3A_1584, %mul3A_1586 : vector<8x1024xf32>
    %exp23A_1588 = math.exp2 %mul3A_1587 : vector<8x1024xf32>
    %add3A_1589 = arith.constant 1.000000e+00 : f32
    %add3A_1590 = vector.broadcast %add3A_1589 : f32 to vector<8x1024xf32>
    %add3A_1591 = arith.addf %add3A_1590, %exp23A_1588 : vector<8x1024xf32>
    %slice3A_1592 = vector.extract_strided_slice %get3A_1288 {offsets = [240, 0], sizes = [8, 1024], strides = [1, 1]} : vector<1000x1024xf32> to vector<8x1024xf32>
    %mul3A_1593 = arith.constant -1.44269502 : f32
    %mul3A_1594 = vector.broadcast %mul3A_1593 : f32 to vector<8x1024xf32>
    %mul3A_1595 = arith.mulf %slice3A_1592, %mul3A_1594 : vector<8x1024xf32>
    %exp23A_1596 = math.exp2 %mul3A_1595 : vector<8x1024xf32>
    %add3A_1597 = arith.constant 1.000000e+00 : f32
    %add3A_1598 = vector.broadcast %add3A_1597 : f32 to vector<8x1024xf32>
    %add3A_1599 = arith.addf %add3A_1598, %exp23A_1596 : vector<8x1024xf32>
    %slice3A_1600 = vector.extract_strided_slice %get3A_1288 {offsets = [248, 0], sizes = [8, 1024], strides = [1, 1]} : vector<1000x1024xf32> to vector<8x1024xf32>
    %mul3A_1601 = arith.constant -1.44269502 : f32
    %mul3A_1602 = vector.broadcast %mul3A_1601 : f32 to vector<8x1024xf32>
    %mul3A_1603 = arith.mulf %slice3A_1600, %mul3A_1602 : vector<8x1024xf32>
    %exp23A_1604 = math.exp2 %mul3A_1603 : vector<8x1024xf32>
    %add3A_1605 = arith.constant 1.000000e+00 : f32
    %add3A_1606 = vector.broadcast %add3A_1605 : f32 to vector<8x1024xf32>
    %add3A_1607 = arith.addf %add3A_1606, %exp23A_1604 : vector<8x1024xf32>
    %mul3A_1608 = arith.mulf %add3A_1583, %add3A_1591 : vector<8x1024xf32>
    %mul3A_1609 = arith.mulf %add3A_1599, %add3A_1607 : vector<8x1024xf32>
    %mul3A_1610 = arith.mulf %mul3A_1608, %mul3A_1609 : vector<8x1024xf32>
    %log3A_1611 = math.log %mul3A_1610 : vector<8x1024xf32>
    %log3A_1612 = arith.constant 2.000000e+00 : f32
    %log3A_1613 = math.log %log3A_1612 : f32
    %div3A_1614 = vector.broadcast %log3A_1613 : f32 to vector<8x1024xf32>
    %div3A_1615 = arith.divf %log3A_1611, %div3A_1614 : vector<8x1024xf32>
    %add3A_1616 = arith.addf %add3A_1575, %div3A_1615 : vector<8x1024xf32>
    %slice3A_1617 = vector.extract_strided_slice %get3A_1288 {offsets = [256, 0], sizes = [8, 1024], strides = [1, 1]} : vector<1000x1024xf32> to vector<8x1024xf32>
    %mul3A_1618 = arith.constant -1.44269502 : f32
    %mul3A_1619 = vector.broadcast %mul3A_1618 : f32 to vector<8x1024xf32>
    %mul3A_1620 = arith.mulf %slice3A_1617, %mul3A_1619 : vector<8x1024xf32>
    %exp23A_1621 = math.exp2 %mul3A_1620 : vector<8x1024xf32>
    %add3A_1622 = arith.constant 1.000000e+00 : f32
    %add3A_1623 = vector.broadcast %add3A_1622 : f32 to vector<8x1024xf32>
    %add3A_1624 = arith.addf %add3A_1623, %exp23A_1621 : vector<8x1024xf32>
    %slice3A_1625 = vector.extract_strided_slice %get3A_1288 {offsets = [264, 0], sizes = [8, 1024], strides = [1, 1]} : vector<1000x1024xf32> to vector<8x1024xf32>
    %mul3A_1626 = arith.constant -1.44269502 : f32
    %mul3A_1627 = vector.broadcast %mul3A_1626 : f32 to vector<8x1024xf32>
    %mul3A_1628 = arith.mulf %slice3A_1625, %mul3A_1627 : vector<8x1024xf32>
    %exp23A_1629 = math.exp2 %mul3A_1628 : vector<8x1024xf32>
    %add3A_1630 = arith.constant 1.000000e+00 : f32
    %add3A_1631 = vector.broadcast %add3A_1630 : f32 to vector<8x1024xf32>
    %add3A_1632 = arith.addf %add3A_1631, %exp23A_1629 : vector<8x1024xf32>
    %slice3A_1633 = vector.extract_strided_slice %get3A_1288 {offsets = [272, 0], sizes = [8, 1024], strides = [1, 1]} : vector<1000x1024xf32> to vector<8x1024xf32>
    %mul3A_1634 = arith.constant -1.44269502 : f32
    %mul3A_1635 = vector.broadcast %mul3A_1634 : f32 to vector<8x1024xf32>
    %mul3A_1636 = arith.mulf %slice3A_1633, %mul3A_1635 : vector<8x1024xf32>
    %exp23A_1637 = math.exp2 %mul3A_1636 : vector<8x1024xf32>
    %add3A_1638 = arith.constant 1.000000e+00 : f32
    %add3A_1639 = vector.broadcast %add3A_1638 : f32 to vector<8x1024xf32>
    %add3A_1640 = arith.addf %add3A_1639, %exp23A_1637 : vector<8x1024xf32>
    %slice3A_1641 = vector.extract_strided_slice %get3A_1288 {offsets = [280, 0], sizes = [8, 1024], strides = [1, 1]} : vector<1000x1024xf32> to vector<8x1024xf32>
    %mul3A_1642 = arith.constant -1.44269502 : f32
    %mul3A_1643 = vector.broadcast %mul3A_1642 : f32 to vector<8x1024xf32>
    %mul3A_1644 = arith.mulf %slice3A_1641, %mul3A_1643 : vector<8x1024xf32>
    %exp23A_1645 = math.exp2 %mul3A_1644 : vector<8x1024xf32>
    %add3A_1646 = arith.constant 1.000000e+00 : f32
    %add3A_1647 = vector.broadcast %add3A_1646 : f32 to vector<8x1024xf32>
    %add3A_1648 = arith.addf %add3A_1647, %exp23A_1645 : vector<8x1024xf32>
    %mul3A_1649 = arith.mulf %add3A_1624, %add3A_1632 : vector<8x1024xf32>
    %mul3A_1650 = arith.mulf %add3A_1640, %add3A_1648 : vector<8x1024xf32>
    %mul3A_1651 = arith.mulf %mul3A_1649, %mul3A_1650 : vector<8x1024xf32>
    %log3A_1652 = math.log %mul3A_1651 : vector<8x1024xf32>
    %log3A_1653 = arith.constant 2.000000e+00 : f32
    %log3A_1654 = math.log %log3A_1653 : f32
    %div3A_1655 = vector.broadcast %log3A_1654 : f32 to vector<8x1024xf32>
    %div3A_1656 = arith.divf %log3A_1652, %div3A_1655 : vector<8x1024xf32>
    %add3A_1657 = arith.addf %add3A_1616, %div3A_1656 : vector<8x1024xf32>
    %slice3A_1658 = vector.extract_strided_slice %get3A_1288 {offsets = [288, 0], sizes = [8, 1024], strides = [1, 1]} : vector<1000x1024xf32> to vector<8x1024xf32>
    %mul3A_1659 = arith.constant -1.44269502 : f32
    %mul3A_1660 = vector.broadcast %mul3A_1659 : f32 to vector<8x1024xf32>
    %mul3A_1661 = arith.mulf %slice3A_1658, %mul3A_1660 : vector<8x1024xf32>
    %exp23A_1662 = math.exp2 %mul3A_1661 : vector<8x1024xf32>
    %add3A_1663 = arith.constant 1.000000e+00 : f32
    %add3A_1664 = vector.broadcast %add3A_1663 : f32 to vector<8x1024xf32>
    %add3A_1665 = arith.addf %add3A_1664, %exp23A_1662 : vector<8x1024xf32>
    %slice3A_1666 = vector.extract_strided_slice %get3A_1288 {offsets = [296, 0], sizes = [8, 1024], strides = [1, 1]} : vector<1000x1024xf32> to vector<8x1024xf32>
    %mul3A_1667 = arith.constant -1.44269502 : f32
    %mul3A_1668 = vector.broadcast %mul3A_1667 : f32 to vector<8x1024xf32>
    %mul3A_1669 = arith.mulf %slice3A_1666, %mul3A_1668 : vector<8x1024xf32>
    %exp23A_1670 = math.exp2 %mul3A_1669 : vector<8x1024xf32>
    %add3A_1671 = arith.constant 1.000000e+00 : f32
    %add3A_1672 = vector.broadcast %add3A_1671 : f32 to vector<8x1024xf32>
    %add3A_1673 = arith.addf %add3A_1672, %exp23A_1670 : vector<8x1024xf32>
    %slice3A_1674 = vector.extract_strided_slice %get3A_1288 {offsets = [304, 0], sizes = [8, 1024], strides = [1, 1]} : vector<1000x1024xf32> to vector<8x1024xf32>
    %mul3A_1675 = arith.constant -1.44269502 : f32
    %mul3A_1676 = vector.broadcast %mul3A_1675 : f32 to vector<8x1024xf32>
    %mul3A_1677 = arith.mulf %slice3A_1674, %mul3A_1676 : vector<8x1024xf32>
    %exp23A_1678 = math.exp2 %mul3A_1677 : vector<8x1024xf32>
    %add3A_1679 = arith.constant 1.000000e+00 : f32
    %add3A_1680 = vector.broadcast %add3A_1679 : f32 to vector<8x1024xf32>
    %add3A_1681 = arith.addf %add3A_1680, %exp23A_1678 : vector<8x1024xf32>
    %slice3A_1682 = vector.extract_strided_slice %get3A_1288 {offsets = [312, 0], sizes = [8, 1024], strides = [1, 1]} : vector<1000x1024xf32> to vector<8x1024xf32>
    %mul3A_1683 = arith.constant -1.44269502 : f32
    %mul3A_1684 = vector.broadcast %mul3A_1683 : f32 to vector<8x1024xf32>
    %mul3A_1685 = arith.mulf %slice3A_1682, %mul3A_1684 : vector<8x1024xf32>
    %exp23A_1686 = math.exp2 %mul3A_1685 : vector<8x1024xf32>
    %add3A_1687 = arith.constant 1.000000e+00 : f32
    %add3A_1688 = vector.broadcast %add3A_1687 : f32 to vector<8x1024xf32>
    %add3A_1689 = arith.addf %add3A_1688, %exp23A_1686 : vector<8x1024xf32>
    %mul3A_1690 = arith.mulf %add3A_1665, %add3A_1673 : vector<8x1024xf32>
    %mul3A_1691 = arith.mulf %add3A_1681, %add3A_1689 : vector<8x1024xf32>
    %mul3A_1692 = arith.mulf %mul3A_1690, %mul3A_1691 : vector<8x1024xf32>
    %log3A_1693 = math.log %mul3A_1692 : vector<8x1024xf32>
    %log3A_1694 = arith.constant 2.000000e+00 : f32
    %log3A_1695 = math.log %log3A_1694 : f32
    %div3A_1696 = vector.broadcast %log3A_1695 : f32 to vector<8x1024xf32>
    %div3A_1697 = arith.divf %log3A_1693, %div3A_1696 : vector<8x1024xf32>
    %add3A_1698 = arith.addf %add3A_1657, %div3A_1697 : vector<8x1024xf32>
    %slice3A_1699 = vector.extract_strided_slice %get3A_1288 {offsets = [320, 0], sizes = [8, 1024], strides = [1, 1]} : vector<1000x1024xf32> to vector<8x1024xf32>
    %mul3A_1700 = arith.constant -1.44269502 : f32
    %mul3A_1701 = vector.broadcast %mul3A_1700 : f32 to vector<8x1024xf32>
    %mul3A_1702 = arith.mulf %slice3A_1699, %mul3A_1701 : vector<8x1024xf32>
    %exp23A_1703 = math.exp2 %mul3A_1702 : vector<8x1024xf32>
    %add3A_1704 = arith.constant 1.000000e+00 : f32
    %add3A_1705 = vector.broadcast %add3A_1704 : f32 to vector<8x1024xf32>
    %add3A_1706 = arith.addf %add3A_1705, %exp23A_1703 : vector<8x1024xf32>
    %slice3A_1707 = vector.extract_strided_slice %get3A_1288 {offsets = [328, 0], sizes = [8, 1024], strides = [1, 1]} : vector<1000x1024xf32> to vector<8x1024xf32>
    %mul3A_1708 = arith.constant -1.44269502 : f32
    %mul3A_1709 = vector.broadcast %mul3A_1708 : f32 to vector<8x1024xf32>
    %mul3A_1710 = arith.mulf %slice3A_1707, %mul3A_1709 : vector<8x1024xf32>
    %exp23A_1711 = math.exp2 %mul3A_1710 : vector<8x1024xf32>
    %add3A_1712 = arith.constant 1.000000e+00 : f32
    %add3A_1713 = vector.broadcast %add3A_1712 : f32 to vector<8x1024xf32>
    %add3A_1714 = arith.addf %add3A_1713, %exp23A_1711 : vector<8x1024xf32>
    %slice3A_1715 = vector.extract_strided_slice %get3A_1288 {offsets = [336, 0], sizes = [8, 1024], strides = [1, 1]} : vector<1000x1024xf32> to vector<8x1024xf32>
    %mul3A_1716 = arith.constant -1.44269502 : f32
    %mul3A_1717 = vector.broadcast %mul3A_1716 : f32 to vector<8x1024xf32>
    %mul3A_1718 = arith.mulf %slice3A_1715, %mul3A_1717 : vector<8x1024xf32>
    %exp23A_1719 = math.exp2 %mul3A_1718 : vector<8x1024xf32>
    %add3A_1720 = arith.constant 1.000000e+00 : f32
    %add3A_1721 = vector.broadcast %add3A_1720 : f32 to vector<8x1024xf32>
    %add3A_1722 = arith.addf %add3A_1721, %exp23A_1719 : vector<8x1024xf32>
    %slice3A_1723 = vector.extract_strided_slice %get3A_1288 {offsets = [344, 0], sizes = [8, 1024], strides = [1, 1]} : vector<1000x1024xf32> to vector<8x1024xf32>
    %mul3A_1724 = arith.constant -1.44269502 : f32
    %mul3A_1725 = vector.broadcast %mul3A_1724 : f32 to vector<8x1024xf32>
    %mul3A_1726 = arith.mulf %slice3A_1723, %mul3A_1725 : vector<8x1024xf32>
    %exp23A_1727 = math.exp2 %mul3A_1726 : vector<8x1024xf32>
    %add3A_1728 = arith.constant 1.000000e+00 : f32
    %add3A_1729 = vector.broadcast %add3A_1728 : f32 to vector<8x1024xf32>
    %add3A_1730 = arith.addf %add3A_1729, %exp23A_1727 : vector<8x1024xf32>
    %mul3A_1731 = arith.mulf %add3A_1706, %add3A_1714 : vector<8x1024xf32>
    %mul3A_1732 = arith.mulf %add3A_1722, %add3A_1730 : vector<8x1024xf32>
    %mul3A_1733 = arith.mulf %mul3A_1731, %mul3A_1732 : vector<8x1024xf32>
    %log3A_1734 = math.log %mul3A_1733 : vector<8x1024xf32>
    %log3A_1735 = arith.constant 2.000000e+00 : f32
    %log3A_1736 = math.log %log3A_1735 : f32
    %div3A_1737 = vector.broadcast %log3A_1736 : f32 to vector<8x1024xf32>
    %div3A_1738 = arith.divf %log3A_1734, %div3A_1737 : vector<8x1024xf32>
    %add3A_1739 = arith.addf %add3A_1698, %div3A_1738 : vector<8x1024xf32>
    %slice3A_1740 = vector.extract_strided_slice %get3A_1288 {offsets = [352, 0], sizes = [8, 1024], strides = [1, 1]} : vector<1000x1024xf32> to vector<8x1024xf32>
    %mul3A_1741 = arith.constant -1.44269502 : f32
    %mul3A_1742 = vector.broadcast %mul3A_1741 : f32 to vector<8x1024xf32>
    %mul3A_1743 = arith.mulf %slice3A_1740, %mul3A_1742 : vector<8x1024xf32>
    %exp23A_1744 = math.exp2 %mul3A_1743 : vector<8x1024xf32>
    %add3A_1745 = arith.constant 1.000000e+00 : f32
    %add3A_1746 = vector.broadcast %add3A_1745 : f32 to vector<8x1024xf32>
    %add3A_1747 = arith.addf %add3A_1746, %exp23A_1744 : vector<8x1024xf32>
    %slice3A_1748 = vector.extract_strided_slice %get3A_1288 {offsets = [360, 0], sizes = [8, 1024], strides = [1, 1]} : vector<1000x1024xf32> to vector<8x1024xf32>
    %mul3A_1749 = arith.constant -1.44269502 : f32
    %mul3A_1750 = vector.broadcast %mul3A_1749 : f32 to vector<8x1024xf32>
    %mul3A_1751 = arith.mulf %slice3A_1748, %mul3A_1750 : vector<8x1024xf32>
    %exp23A_1752 = math.exp2 %mul3A_1751 : vector<8x1024xf32>
    %add3A_1753 = arith.constant 1.000000e+00 : f32
    %add3A_1754 = vector.broadcast %add3A_1753 : f32 to vector<8x1024xf32>
    %add3A_1755 = arith.addf %add3A_1754, %exp23A_1752 : vector<8x1024xf32>
    %slice3A_1756 = vector.extract_strided_slice %get3A_1288 {offsets = [368, 0], sizes = [8, 1024], strides = [1, 1]} : vector<1000x1024xf32> to vector<8x1024xf32>
    %mul3A_1757 = arith.constant -1.44269502 : f32
    %mul3A_1758 = vector.broadcast %mul3A_1757 : f32 to vector<8x1024xf32>
    %mul3A_1759 = arith.mulf %slice3A_1756, %mul3A_1758 : vector<8x1024xf32>
    %exp23A_1760 = math.exp2 %mul3A_1759 : vector<8x1024xf32>
    %add3A_1761 = arith.constant 1.000000e+00 : f32
    %add3A_1762 = vector.broadcast %add3A_1761 : f32 to vector<8x1024xf32>
    %add3A_1763 = arith.addf %add3A_1762, %exp23A_1760 : vector<8x1024xf32>
    %slice3A_1764 = vector.extract_strided_slice %get3A_1288 {offsets = [376, 0], sizes = [8, 1024], strides = [1, 1]} : vector<1000x1024xf32> to vector<8x1024xf32>
    %mul3A_1765 = arith.constant -1.44269502 : f32
    %mul3A_1766 = vector.broadcast %mul3A_1765 : f32 to vector<8x1024xf32>
    %mul3A_1767 = arith.mulf %slice3A_1764, %mul3A_1766 : vector<8x1024xf32>
    %exp23A_1768 = math.exp2 %mul3A_1767 : vector<8x1024xf32>
    %add3A_1769 = arith.constant 1.000000e+00 : f32
    %add3A_1770 = vector.broadcast %add3A_1769 : f32 to vector<8x1024xf32>
    %add3A_1771 = arith.addf %add3A_1770, %exp23A_1768 : vector<8x1024xf32>
    %mul3A_1772 = arith.mulf %add3A_1747, %add3A_1755 : vector<8x1024xf32>
    %mul3A_1773 = arith.mulf %add3A_1763, %add3A_1771 : vector<8x1024xf32>
    %mul3A_1774 = arith.mulf %mul3A_1772, %mul3A_1773 : vector<8x1024xf32>
    %log3A_1775 = math.log %mul3A_1774 : vector<8x1024xf32>
    %log3A_1776 = arith.constant 2.000000e+00 : f32
    %log3A_1777 = math.log %log3A_1776 : f32
    %div3A_1778 = vector.broadcast %log3A_1777 : f32 to vector<8x1024xf32>
    %div3A_1779 = arith.divf %log3A_1775, %div3A_1778 : vector<8x1024xf32>
    %add3A_1780 = arith.addf %add3A_1739, %div3A_1779 : vector<8x1024xf32>
    %slice3A_1781 = vector.extract_strided_slice %get3A_1288 {offsets = [384, 0], sizes = [8, 1024], strides = [1, 1]} : vector<1000x1024xf32> to vector<8x1024xf32>
    %mul3A_1782 = arith.constant -1.44269502 : f32
    %mul3A_1783 = vector.broadcast %mul3A_1782 : f32 to vector<8x1024xf32>
    %mul3A_1784 = arith.mulf %slice3A_1781, %mul3A_1783 : vector<8x1024xf32>
    %exp23A_1785 = math.exp2 %mul3A_1784 : vector<8x1024xf32>
    %add3A_1786 = arith.constant 1.000000e+00 : f32
    %add3A_1787 = vector.broadcast %add3A_1786 : f32 to vector<8x1024xf32>
    %add3A_1788 = arith.addf %add3A_1787, %exp23A_1785 : vector<8x1024xf32>
    %slice3A_1789 = vector.extract_strided_slice %get3A_1288 {offsets = [392, 0], sizes = [8, 1024], strides = [1, 1]} : vector<1000x1024xf32> to vector<8x1024xf32>
    %mul3A_1790 = arith.constant -1.44269502 : f32
    %mul3A_1791 = vector.broadcast %mul3A_1790 : f32 to vector<8x1024xf32>
    %mul3A_1792 = arith.mulf %slice3A_1789, %mul3A_1791 : vector<8x1024xf32>
    %exp23A_1793 = math.exp2 %mul3A_1792 : vector<8x1024xf32>
    %add3A_1794 = arith.constant 1.000000e+00 : f32
    %add3A_1795 = vector.broadcast %add3A_1794 : f32 to vector<8x1024xf32>
    %add3A_1796 = arith.addf %add3A_1795, %exp23A_1793 : vector<8x1024xf32>
    %slice3A_1797 = vector.extract_strided_slice %get3A_1288 {offsets = [400, 0], sizes = [8, 1024], strides = [1, 1]} : vector<1000x1024xf32> to vector<8x1024xf32>
    %mul3A_1798 = arith.constant -1.44269502 : f32
    %mul3A_1799 = vector.broadcast %mul3A_1798 : f32 to vector<8x1024xf32>
    %mul3A_1800 = arith.mulf %slice3A_1797, %mul3A_1799 : vector<8x1024xf32>
    %exp23A_1801 = math.exp2 %mul3A_1800 : vector<8x1024xf32>
    %add3A_1802 = arith.constant 1.000000e+00 : f32
    %add3A_1803 = vector.broadcast %add3A_1802 : f32 to vector<8x1024xf32>
    %add3A_1804 = arith.addf %add3A_1803, %exp23A_1801 : vector<8x1024xf32>
    %slice3A_1805 = vector.extract_strided_slice %get3A_1288 {offsets = [408, 0], sizes = [8, 1024], strides = [1, 1]} : vector<1000x1024xf32> to vector<8x1024xf32>
    %mul3A_1806 = arith.constant -1.44269502 : f32
    %mul3A_1807 = vector.broadcast %mul3A_1806 : f32 to vector<8x1024xf32>
    %mul3A_1808 = arith.mulf %slice3A_1805, %mul3A_1807 : vector<8x1024xf32>
    %exp23A_1809 = math.exp2 %mul3A_1808 : vector<8x1024xf32>
    %add3A_1810 = arith.constant 1.000000e+00 : f32
    %add3A_1811 = vector.broadcast %add3A_1810 : f32 to vector<8x1024xf32>
    %add3A_1812 = arith.addf %add3A_1811, %exp23A_1809 : vector<8x1024xf32>
    %mul3A_1813 = arith.mulf %add3A_1788, %add3A_1796 : vector<8x1024xf32>
    %mul3A_1814 = arith.mulf %add3A_1804, %add3A_1812 : vector<8x1024xf32>
    %mul3A_1815 = arith.mulf %mul3A_1813, %mul3A_1814 : vector<8x1024xf32>
    %log3A_1816 = math.log %mul3A_1815 : vector<8x1024xf32>
    %log3A_1817 = arith.constant 2.000000e+00 : f32
    %log3A_1818 = math.log %log3A_1817 : f32
    %div3A_1819 = vector.broadcast %log3A_1818 : f32 to vector<8x1024xf32>
    %div3A_1820 = arith.divf %log3A_1816, %div3A_1819 : vector<8x1024xf32>
    %add3A_1821 = arith.addf %add3A_1780, %div3A_1820 : vector<8x1024xf32>
    %slice3A_1822 = vector.extract_strided_slice %get3A_1288 {offsets = [416, 0], sizes = [8, 1024], strides = [1, 1]} : vector<1000x1024xf32> to vector<8x1024xf32>
    %mul3A_1823 = arith.constant -1.44269502 : f32
    %mul3A_1824 = vector.broadcast %mul3A_1823 : f32 to vector<8x1024xf32>
    %mul3A_1825 = arith.mulf %slice3A_1822, %mul3A_1824 : vector<8x1024xf32>
    %exp23A_1826 = math.exp2 %mul3A_1825 : vector<8x1024xf32>
    %add3A_1827 = arith.constant 1.000000e+00 : f32
    %add3A_1828 = vector.broadcast %add3A_1827 : f32 to vector<8x1024xf32>
    %add3A_1829 = arith.addf %add3A_1828, %exp23A_1826 : vector<8x1024xf32>
    %slice3A_1830 = vector.extract_strided_slice %get3A_1288 {offsets = [424, 0], sizes = [8, 1024], strides = [1, 1]} : vector<1000x1024xf32> to vector<8x1024xf32>
    %mul3A_1831 = arith.constant -1.44269502 : f32
    %mul3A_1832 = vector.broadcast %mul3A_1831 : f32 to vector<8x1024xf32>
    %mul3A_1833 = arith.mulf %slice3A_1830, %mul3A_1832 : vector<8x1024xf32>
    %exp23A_1834 = math.exp2 %mul3A_1833 : vector<8x1024xf32>
    %add3A_1835 = arith.constant 1.000000e+00 : f32
    %add3A_1836 = vector.broadcast %add3A_1835 : f32 to vector<8x1024xf32>
    %add3A_1837 = arith.addf %add3A_1836, %exp23A_1834 : vector<8x1024xf32>
    %slice3A_1838 = vector.extract_strided_slice %get3A_1288 {offsets = [432, 0], sizes = [8, 1024], strides = [1, 1]} : vector<1000x1024xf32> to vector<8x1024xf32>
    %mul3A_1839 = arith.constant -1.44269502 : f32
    %mul3A_1840 = vector.broadcast %mul3A_1839 : f32 to vector<8x1024xf32>
    %mul3A_1841 = arith.mulf %slice3A_1838, %mul3A_1840 : vector<8x1024xf32>
    %exp23A_1842 = math.exp2 %mul3A_1841 : vector<8x1024xf32>
    %add3A_1843 = arith.constant 1.000000e+00 : f32
    %add3A_1844 = vector.broadcast %add3A_1843 : f32 to vector<8x1024xf32>
    %add3A_1845 = arith.addf %add3A_1844, %exp23A_1842 : vector<8x1024xf32>
    %slice3A_1846 = vector.extract_strided_slice %get3A_1288 {offsets = [440, 0], sizes = [8, 1024], strides = [1, 1]} : vector<1000x1024xf32> to vector<8x1024xf32>
    %mul3A_1847 = arith.constant -1.44269502 : f32
    %mul3A_1848 = vector.broadcast %mul3A_1847 : f32 to vector<8x1024xf32>
    %mul3A_1849 = arith.mulf %slice3A_1846, %mul3A_1848 : vector<8x1024xf32>
    %exp23A_1850 = math.exp2 %mul3A_1849 : vector<8x1024xf32>
    %add3A_1851 = arith.constant 1.000000e+00 : f32
    %add3A_1852 = vector.broadcast %add3A_1851 : f32 to vector<8x1024xf32>
    %add3A_1853 = arith.addf %add3A_1852, %exp23A_1850 : vector<8x1024xf32>
    %mul3A_1854 = arith.mulf %add3A_1829, %add3A_1837 : vector<8x1024xf32>
    %mul3A_1855 = arith.mulf %add3A_1845, %add3A_1853 : vector<8x1024xf32>
    %mul3A_1856 = arith.mulf %mul3A_1854, %mul3A_1855 : vector<8x1024xf32>
    %log3A_1857 = math.log %mul3A_1856 : vector<8x1024xf32>
    %log3A_1858 = arith.constant 2.000000e+00 : f32
    %log3A_1859 = math.log %log3A_1858 : f32
    %div3A_1860 = vector.broadcast %log3A_1859 : f32 to vector<8x1024xf32>
    %div3A_1861 = arith.divf %log3A_1857, %div3A_1860 : vector<8x1024xf32>
    %add3A_1862 = arith.addf %add3A_1821, %div3A_1861 : vector<8x1024xf32>
    %slice3A_1863 = vector.extract_strided_slice %get3A_1288 {offsets = [448, 0], sizes = [8, 1024], strides = [1, 1]} : vector<1000x1024xf32> to vector<8x1024xf32>
    %mul3A_1864 = arith.constant -1.44269502 : f32
    %mul3A_1865 = vector.broadcast %mul3A_1864 : f32 to vector<8x1024xf32>
    %mul3A_1866 = arith.mulf %slice3A_1863, %mul3A_1865 : vector<8x1024xf32>
    %exp23A_1867 = math.exp2 %mul3A_1866 : vector<8x1024xf32>
    %add3A_1868 = arith.constant 1.000000e+00 : f32
    %add3A_1869 = vector.broadcast %add3A_1868 : f32 to vector<8x1024xf32>
    %add3A_1870 = arith.addf %add3A_1869, %exp23A_1867 : vector<8x1024xf32>
    %slice3A_1871 = vector.extract_strided_slice %get3A_1288 {offsets = [456, 0], sizes = [8, 1024], strides = [1, 1]} : vector<1000x1024xf32> to vector<8x1024xf32>
    %mul3A_1872 = arith.constant -1.44269502 : f32
    %mul3A_1873 = vector.broadcast %mul3A_1872 : f32 to vector<8x1024xf32>
    %mul3A_1874 = arith.mulf %slice3A_1871, %mul3A_1873 : vector<8x1024xf32>
    %exp23A_1875 = math.exp2 %mul3A_1874 : vector<8x1024xf32>
    %add3A_1876 = arith.constant 1.000000e+00 : f32
    %add3A_1877 = vector.broadcast %add3A_1876 : f32 to vector<8x1024xf32>
    %add3A_1878 = arith.addf %add3A_1877, %exp23A_1875 : vector<8x1024xf32>
    %slice3A_1879 = vector.extract_strided_slice %get3A_1288 {offsets = [464, 0], sizes = [8, 1024], strides = [1, 1]} : vector<1000x1024xf32> to vector<8x1024xf32>
    %mul3A_1880 = arith.constant -1.44269502 : f32
    %mul3A_1881 = vector.broadcast %mul3A_1880 : f32 to vector<8x1024xf32>
    %mul3A_1882 = arith.mulf %slice3A_1879, %mul3A_1881 : vector<8x1024xf32>
    %exp23A_1883 = math.exp2 %mul3A_1882 : vector<8x1024xf32>
    %add3A_1884 = arith.constant 1.000000e+00 : f32
    %add3A_1885 = vector.broadcast %add3A_1884 : f32 to vector<8x1024xf32>
    %add3A_1886 = arith.addf %add3A_1885, %exp23A_1883 : vector<8x1024xf32>
    %slice3A_1887 = vector.extract_strided_slice %get3A_1288 {offsets = [472, 0], sizes = [8, 1024], strides = [1, 1]} : vector<1000x1024xf32> to vector<8x1024xf32>
    %mul3A_1888 = arith.constant -1.44269502 : f32
    %mul3A_1889 = vector.broadcast %mul3A_1888 : f32 to vector<8x1024xf32>
    %mul3A_1890 = arith.mulf %slice3A_1887, %mul3A_1889 : vector<8x1024xf32>
    %exp23A_1891 = math.exp2 %mul3A_1890 : vector<8x1024xf32>
    %add3A_1892 = arith.constant 1.000000e+00 : f32
    %add3A_1893 = vector.broadcast %add3A_1892 : f32 to vector<8x1024xf32>
    %add3A_1894 = arith.addf %add3A_1893, %exp23A_1891 : vector<8x1024xf32>
    %mul3A_1895 = arith.mulf %add3A_1870, %add3A_1878 : vector<8x1024xf32>
    %mul3A_1896 = arith.mulf %add3A_1886, %add3A_1894 : vector<8x1024xf32>
    %mul3A_1897 = arith.mulf %mul3A_1895, %mul3A_1896 : vector<8x1024xf32>
    %log3A_1898 = math.log %mul3A_1897 : vector<8x1024xf32>
    %log3A_1899 = arith.constant 2.000000e+00 : f32
    %log3A_1900 = math.log %log3A_1899 : f32
    %div3A_1901 = vector.broadcast %log3A_1900 : f32 to vector<8x1024xf32>
    %div3A_1902 = arith.divf %log3A_1898, %div3A_1901 : vector<8x1024xf32>
    %add3A_1903 = arith.addf %add3A_1862, %div3A_1902 : vector<8x1024xf32>
    %slice3A_1904 = vector.extract_strided_slice %get3A_1288 {offsets = [480, 0], sizes = [8, 1024], strides = [1, 1]} : vector<1000x1024xf32> to vector<8x1024xf32>
    %mul3A_1905 = arith.constant -1.44269502 : f32
    %mul3A_1906 = vector.broadcast %mul3A_1905 : f32 to vector<8x1024xf32>
    %mul3A_1907 = arith.mulf %slice3A_1904, %mul3A_1906 : vector<8x1024xf32>
    %exp23A_1908 = math.exp2 %mul3A_1907 : vector<8x1024xf32>
    %add3A_1909 = arith.constant 1.000000e+00 : f32
    %add3A_1910 = vector.broadcast %add3A_1909 : f32 to vector<8x1024xf32>
    %add3A_1911 = arith.addf %add3A_1910, %exp23A_1908 : vector<8x1024xf32>
    %slice3A_1912 = vector.extract_strided_slice %get3A_1288 {offsets = [488, 0], sizes = [8, 1024], strides = [1, 1]} : vector<1000x1024xf32> to vector<8x1024xf32>
    %mul3A_1913 = arith.constant -1.44269502 : f32
    %mul3A_1914 = vector.broadcast %mul3A_1913 : f32 to vector<8x1024xf32>
    %mul3A_1915 = arith.mulf %slice3A_1912, %mul3A_1914 : vector<8x1024xf32>
    %exp23A_1916 = math.exp2 %mul3A_1915 : vector<8x1024xf32>
    %add3A_1917 = arith.constant 1.000000e+00 : f32
    %add3A_1918 = vector.broadcast %add3A_1917 : f32 to vector<8x1024xf32>
    %add3A_1919 = arith.addf %add3A_1918, %exp23A_1916 : vector<8x1024xf32>
    %slice3A_1920 = vector.extract_strided_slice %get3A_1288 {offsets = [496, 0], sizes = [8, 1024], strides = [1, 1]} : vector<1000x1024xf32> to vector<8x1024xf32>
    %mul3A_1921 = arith.constant -1.44269502 : f32
    %mul3A_1922 = vector.broadcast %mul3A_1921 : f32 to vector<8x1024xf32>
    %mul3A_1923 = arith.mulf %slice3A_1920, %mul3A_1922 : vector<8x1024xf32>
    %exp23A_1924 = math.exp2 %mul3A_1923 : vector<8x1024xf32>
    %add3A_1925 = arith.constant 1.000000e+00 : f32
    %add3A_1926 = vector.broadcast %add3A_1925 : f32 to vector<8x1024xf32>
    %add3A_1927 = arith.addf %add3A_1926, %exp23A_1924 : vector<8x1024xf32>
    %slice3A_1928 = vector.extract_strided_slice %get3A_1288 {offsets = [504, 0], sizes = [8, 1024], strides = [1, 1]} : vector<1000x1024xf32> to vector<8x1024xf32>
    %mul3A_1929 = arith.constant -1.44269502 : f32
    %mul3A_1930 = vector.broadcast %mul3A_1929 : f32 to vector<8x1024xf32>
    %mul3A_1931 = arith.mulf %slice3A_1928, %mul3A_1930 : vector<8x1024xf32>
    %exp23A_1932 = math.exp2 %mul3A_1931 : vector<8x1024xf32>
    %add3A_1933 = arith.constant 1.000000e+00 : f32
    %add3A_1934 = vector.broadcast %add3A_1933 : f32 to vector<8x1024xf32>
    %add3A_1935 = arith.addf %add3A_1934, %exp23A_1932 : vector<8x1024xf32>
    %mul3A_1936 = arith.mulf %add3A_1911, %add3A_1919 : vector<8x1024xf32>
    %mul3A_1937 = arith.mulf %add3A_1927, %add3A_1935 : vector<8x1024xf32>
    %mul3A_1938 = arith.mulf %mul3A_1936, %mul3A_1937 : vector<8x1024xf32>
    %log3A_1939 = math.log %mul3A_1938 : vector<8x1024xf32>
    %log3A_1940 = arith.constant 2.000000e+00 : f32
    %log3A_1941 = math.log %log3A_1940 : f32
    %div3A_1942 = vector.broadcast %log3A_1941 : f32 to vector<8x1024xf32>
    %div3A_1943 = arith.divf %log3A_1939, %div3A_1942 : vector<8x1024xf32>
    %add3A_1944 = arith.addf %add3A_1903, %div3A_1943 : vector<8x1024xf32>
    %slice3A_1945 = vector.extract_strided_slice %get3A_1288 {offsets = [512, 0], sizes = [8, 1024], strides = [1, 1]} : vector<1000x1024xf32> to vector<8x1024xf32>
    %mul3A_1946 = arith.constant -1.44269502 : f32
    %mul3A_1947 = vector.broadcast %mul3A_1946 : f32 to vector<8x1024xf32>
    %mul3A_1948 = arith.mulf %slice3A_1945, %mul3A_1947 : vector<8x1024xf32>
    %exp23A_1949 = math.exp2 %mul3A_1948 : vector<8x1024xf32>
    %add3A_1950 = arith.constant 1.000000e+00 : f32
    %add3A_1951 = vector.broadcast %add3A_1950 : f32 to vector<8x1024xf32>
    %add3A_1952 = arith.addf %add3A_1951, %exp23A_1949 : vector<8x1024xf32>
    %slice3A_1953 = vector.extract_strided_slice %get3A_1288 {offsets = [520, 0], sizes = [8, 1024], strides = [1, 1]} : vector<1000x1024xf32> to vector<8x1024xf32>
    %mul3A_1954 = arith.constant -1.44269502 : f32
    %mul3A_1955 = vector.broadcast %mul3A_1954 : f32 to vector<8x1024xf32>
    %mul3A_1956 = arith.mulf %slice3A_1953, %mul3A_1955 : vector<8x1024xf32>
    %exp23A_1957 = math.exp2 %mul3A_1956 : vector<8x1024xf32>
    %add3A_1958 = arith.constant 1.000000e+00 : f32
    %add3A_1959 = vector.broadcast %add3A_1958 : f32 to vector<8x1024xf32>
    %add3A_1960 = arith.addf %add3A_1959, %exp23A_1957 : vector<8x1024xf32>
    %slice3A_1961 = vector.extract_strided_slice %get3A_1288 {offsets = [528, 0], sizes = [8, 1024], strides = [1, 1]} : vector<1000x1024xf32> to vector<8x1024xf32>
    %mul3A_1962 = arith.constant -1.44269502 : f32
    %mul3A_1963 = vector.broadcast %mul3A_1962 : f32 to vector<8x1024xf32>
    %mul3A_1964 = arith.mulf %slice3A_1961, %mul3A_1963 : vector<8x1024xf32>
    %exp23A_1965 = math.exp2 %mul3A_1964 : vector<8x1024xf32>
    %add3A_1966 = arith.constant 1.000000e+00 : f32
    %add3A_1967 = vector.broadcast %add3A_1966 : f32 to vector<8x1024xf32>
    %add3A_1968 = arith.addf %add3A_1967, %exp23A_1965 : vector<8x1024xf32>
    %slice3A_1969 = vector.extract_strided_slice %get3A_1288 {offsets = [536, 0], sizes = [8, 1024], strides = [1, 1]} : vector<1000x1024xf32> to vector<8x1024xf32>
    %mul3A_1970 = arith.constant -1.44269502 : f32
    %mul3A_1971 = vector.broadcast %mul3A_1970 : f32 to vector<8x1024xf32>
    %mul3A_1972 = arith.mulf %slice3A_1969, %mul3A_1971 : vector<8x1024xf32>
    %exp23A_1973 = math.exp2 %mul3A_1972 : vector<8x1024xf32>
    %add3A_1974 = arith.constant 1.000000e+00 : f32
    %add3A_1975 = vector.broadcast %add3A_1974 : f32 to vector<8x1024xf32>
    %add3A_1976 = arith.addf %add3A_1975, %exp23A_1973 : vector<8x1024xf32>
    %mul3A_1977 = arith.mulf %add3A_1952, %add3A_1960 : vector<8x1024xf32>
    %mul3A_1978 = arith.mulf %add3A_1968, %add3A_1976 : vector<8x1024xf32>
    %mul3A_1979 = arith.mulf %mul3A_1977, %mul3A_1978 : vector<8x1024xf32>
    %log3A_1980 = math.log %mul3A_1979 : vector<8x1024xf32>
    %log3A_1981 = arith.constant 2.000000e+00 : f32
    %log3A_1982 = math.log %log3A_1981 : f32
    %div3A_1983 = vector.broadcast %log3A_1982 : f32 to vector<8x1024xf32>
    %div3A_1984 = arith.divf %log3A_1980, %div3A_1983 : vector<8x1024xf32>
    %add3A_1985 = arith.addf %add3A_1944, %div3A_1984 : vector<8x1024xf32>
    %slice3A_1986 = vector.extract_strided_slice %get3A_1288 {offsets = [544, 0], sizes = [8, 1024], strides = [1, 1]} : vector<1000x1024xf32> to vector<8x1024xf32>
    %mul3A_1987 = arith.constant -1.44269502 : f32
    %mul3A_1988 = vector.broadcast %mul3A_1987 : f32 to vector<8x1024xf32>
    %mul3A_1989 = arith.mulf %slice3A_1986, %mul3A_1988 : vector<8x1024xf32>
    %exp23A_1990 = math.exp2 %mul3A_1989 : vector<8x1024xf32>
    %add3A_1991 = arith.constant 1.000000e+00 : f32
    %add3A_1992 = vector.broadcast %add3A_1991 : f32 to vector<8x1024xf32>
    %add3A_1993 = arith.addf %add3A_1992, %exp23A_1990 : vector<8x1024xf32>
    %slice3A_1994 = vector.extract_strided_slice %get3A_1288 {offsets = [552, 0], sizes = [8, 1024], strides = [1, 1]} : vector<1000x1024xf32> to vector<8x1024xf32>
    %mul3A_1995 = arith.constant -1.44269502 : f32
    %mul3A_1996 = vector.broadcast %mul3A_1995 : f32 to vector<8x1024xf32>
    %mul3A_1997 = arith.mulf %slice3A_1994, %mul3A_1996 : vector<8x1024xf32>
    %exp23A_1998 = math.exp2 %mul3A_1997 : vector<8x1024xf32>
    %add3A_1999 = arith.constant 1.000000e+00 : f32
    %add3A_2000 = vector.broadcast %add3A_1999 : f32 to vector<8x1024xf32>
    %add3A_2001 = arith.addf %add3A_2000, %exp23A_1998 : vector<8x1024xf32>
    %slice3A_2002 = vector.extract_strided_slice %get3A_1288 {offsets = [560, 0], sizes = [8, 1024], strides = [1, 1]} : vector<1000x1024xf32> to vector<8x1024xf32>
    %mul3A_2003 = arith.constant -1.44269502 : f32
    %mul3A_2004 = vector.broadcast %mul3A_2003 : f32 to vector<8x1024xf32>
    %mul3A_2005 = arith.mulf %slice3A_2002, %mul3A_2004 : vector<8x1024xf32>
    %exp23A_2006 = math.exp2 %mul3A_2005 : vector<8x1024xf32>
    %add3A_2007 = arith.constant 1.000000e+00 : f32
    %add3A_2008 = vector.broadcast %add3A_2007 : f32 to vector<8x1024xf32>
    %add3A_2009 = arith.addf %add3A_2008, %exp23A_2006 : vector<8x1024xf32>
    %slice3A_2010 = vector.extract_strided_slice %get3A_1288 {offsets = [568, 0], sizes = [8, 1024], strides = [1, 1]} : vector<1000x1024xf32> to vector<8x1024xf32>
    %mul3A_2011 = arith.constant -1.44269502 : f32
    %mul3A_2012 = vector.broadcast %mul3A_2011 : f32 to vector<8x1024xf32>
    %mul3A_2013 = arith.mulf %slice3A_2010, %mul3A_2012 : vector<8x1024xf32>
    %exp23A_2014 = math.exp2 %mul3A_2013 : vector<8x1024xf32>
    %add3A_2015 = arith.constant 1.000000e+00 : f32
    %add3A_2016 = vector.broadcast %add3A_2015 : f32 to vector<8x1024xf32>
    %add3A_2017 = arith.addf %add3A_2016, %exp23A_2014 : vector<8x1024xf32>
    %mul3A_2018 = arith.mulf %add3A_1993, %add3A_2001 : vector<8x1024xf32>
    %mul3A_2019 = arith.mulf %add3A_2009, %add3A_2017 : vector<8x1024xf32>
    %mul3A_2020 = arith.mulf %mul3A_2018, %mul3A_2019 : vector<8x1024xf32>
    %log3A_2021 = math.log %mul3A_2020 : vector<8x1024xf32>
    %log3A_2022 = arith.constant 2.000000e+00 : f32
    %log3A_2023 = math.log %log3A_2022 : f32
    %div3A_2024 = vector.broadcast %log3A_2023 : f32 to vector<8x1024xf32>
    %div3A_2025 = arith.divf %log3A_2021, %div3A_2024 : vector<8x1024xf32>
    %add3A_2026 = arith.addf %add3A_1985, %div3A_2025 : vector<8x1024xf32>
    %slice3A_2027 = vector.extract_strided_slice %get3A_1288 {offsets = [576, 0], sizes = [8, 1024], strides = [1, 1]} : vector<1000x1024xf32> to vector<8x1024xf32>
    %mul3A_2028 = arith.constant -1.44269502 : f32
    %mul3A_2029 = vector.broadcast %mul3A_2028 : f32 to vector<8x1024xf32>
    %mul3A_2030 = arith.mulf %slice3A_2027, %mul3A_2029 : vector<8x1024xf32>
    %exp23A_2031 = math.exp2 %mul3A_2030 : vector<8x1024xf32>
    %add3A_2032 = arith.constant 1.000000e+00 : f32
    %add3A_2033 = vector.broadcast %add3A_2032 : f32 to vector<8x1024xf32>
    %add3A_2034 = arith.addf %add3A_2033, %exp23A_2031 : vector<8x1024xf32>
    %slice3A_2035 = vector.extract_strided_slice %get3A_1288 {offsets = [584, 0], sizes = [8, 1024], strides = [1, 1]} : vector<1000x1024xf32> to vector<8x1024xf32>
    %mul3A_2036 = arith.constant -1.44269502 : f32
    %mul3A_2037 = vector.broadcast %mul3A_2036 : f32 to vector<8x1024xf32>
    %mul3A_2038 = arith.mulf %slice3A_2035, %mul3A_2037 : vector<8x1024xf32>
    %exp23A_2039 = math.exp2 %mul3A_2038 : vector<8x1024xf32>
    %add3A_2040 = arith.constant 1.000000e+00 : f32
    %add3A_2041 = vector.broadcast %add3A_2040 : f32 to vector<8x1024xf32>
    %add3A_2042 = arith.addf %add3A_2041, %exp23A_2039 : vector<8x1024xf32>
    %slice3A_2043 = vector.extract_strided_slice %get3A_1288 {offsets = [592, 0], sizes = [8, 1024], strides = [1, 1]} : vector<1000x1024xf32> to vector<8x1024xf32>
    %mul3A_2044 = arith.constant -1.44269502 : f32
    %mul3A_2045 = vector.broadcast %mul3A_2044 : f32 to vector<8x1024xf32>
    %mul3A_2046 = arith.mulf %slice3A_2043, %mul3A_2045 : vector<8x1024xf32>
    %exp23A_2047 = math.exp2 %mul3A_2046 : vector<8x1024xf32>
    %add3A_2048 = arith.constant 1.000000e+00 : f32
    %add3A_2049 = vector.broadcast %add3A_2048 : f32 to vector<8x1024xf32>
    %add3A_2050 = arith.addf %add3A_2049, %exp23A_2047 : vector<8x1024xf32>
    %slice3A_2051 = vector.extract_strided_slice %get3A_1288 {offsets = [600, 0], sizes = [8, 1024], strides = [1, 1]} : vector<1000x1024xf32> to vector<8x1024xf32>
    %mul3A_2052 = arith.constant -1.44269502 : f32
    %mul3A_2053 = vector.broadcast %mul3A_2052 : f32 to vector<8x1024xf32>
    %mul3A_2054 = arith.mulf %slice3A_2051, %mul3A_2053 : vector<8x1024xf32>
    %exp23A_2055 = math.exp2 %mul3A_2054 : vector<8x1024xf32>
    %add3A_2056 = arith.constant 1.000000e+00 : f32
    %add3A_2057 = vector.broadcast %add3A_2056 : f32 to vector<8x1024xf32>
    %add3A_2058 = arith.addf %add3A_2057, %exp23A_2055 : vector<8x1024xf32>
    %mul3A_2059 = arith.mulf %add3A_2034, %add3A_2042 : vector<8x1024xf32>
    %mul3A_2060 = arith.mulf %add3A_2050, %add3A_2058 : vector<8x1024xf32>
    %mul3A_2061 = arith.mulf %mul3A_2059, %mul3A_2060 : vector<8x1024xf32>
    %log3A_2062 = math.log %mul3A_2061 : vector<8x1024xf32>
    %log3A_2063 = arith.constant 2.000000e+00 : f32
    %log3A_2064 = math.log %log3A_2063 : f32
    %div3A_2065 = vector.broadcast %log3A_2064 : f32 to vector<8x1024xf32>
    %div3A_2066 = arith.divf %log3A_2062, %div3A_2065 : vector<8x1024xf32>
    %add3A_2067 = arith.addf %add3A_2026, %div3A_2066 : vector<8x1024xf32>
    %slice3A_2068 = vector.extract_strided_slice %get3A_1288 {offsets = [608, 0], sizes = [8, 1024], strides = [1, 1]} : vector<1000x1024xf32> to vector<8x1024xf32>
    %mul3A_2069 = arith.constant -1.44269502 : f32
    %mul3A_2070 = vector.broadcast %mul3A_2069 : f32 to vector<8x1024xf32>
    %mul3A_2071 = arith.mulf %slice3A_2068, %mul3A_2070 : vector<8x1024xf32>
    %exp23A_2072 = math.exp2 %mul3A_2071 : vector<8x1024xf32>
    %add3A_2073 = arith.constant 1.000000e+00 : f32
    %add3A_2074 = vector.broadcast %add3A_2073 : f32 to vector<8x1024xf32>
    %add3A_2075 = arith.addf %add3A_2074, %exp23A_2072 : vector<8x1024xf32>
    %slice3A_2076 = vector.extract_strided_slice %get3A_1288 {offsets = [616, 0], sizes = [8, 1024], strides = [1, 1]} : vector<1000x1024xf32> to vector<8x1024xf32>
    %mul3A_2077 = arith.constant -1.44269502 : f32
    %mul3A_2078 = vector.broadcast %mul3A_2077 : f32 to vector<8x1024xf32>
    %mul3A_2079 = arith.mulf %slice3A_2076, %mul3A_2078 : vector<8x1024xf32>
    %exp23A_2080 = math.exp2 %mul3A_2079 : vector<8x1024xf32>
    %add3A_2081 = arith.constant 1.000000e+00 : f32
    %add3A_2082 = vector.broadcast %add3A_2081 : f32 to vector<8x1024xf32>
    %add3A_2083 = arith.addf %add3A_2082, %exp23A_2080 : vector<8x1024xf32>
    %slice3A_2084 = vector.extract_strided_slice %get3A_1288 {offsets = [624, 0], sizes = [8, 1024], strides = [1, 1]} : vector<1000x1024xf32> to vector<8x1024xf32>
    %mul3A_2085 = arith.constant -1.44269502 : f32
    %mul3A_2086 = vector.broadcast %mul3A_2085 : f32 to vector<8x1024xf32>
    %mul3A_2087 = arith.mulf %slice3A_2084, %mul3A_2086 : vector<8x1024xf32>
    %exp23A_2088 = math.exp2 %mul3A_2087 : vector<8x1024xf32>
    %add3A_2089 = arith.constant 1.000000e+00 : f32
    %add3A_2090 = vector.broadcast %add3A_2089 : f32 to vector<8x1024xf32>
    %add3A_2091 = arith.addf %add3A_2090, %exp23A_2088 : vector<8x1024xf32>
    %slice3A_2092 = vector.extract_strided_slice %get3A_1288 {offsets = [632, 0], sizes = [8, 1024], strides = [1, 1]} : vector<1000x1024xf32> to vector<8x1024xf32>
    %mul3A_2093 = arith.constant -1.44269502 : f32
    %mul3A_2094 = vector.broadcast %mul3A_2093 : f32 to vector<8x1024xf32>
    %mul3A_2095 = arith.mulf %slice3A_2092, %mul3A_2094 : vector<8x1024xf32>
    %exp23A_2096 = math.exp2 %mul3A_2095 : vector<8x1024xf32>
    %add3A_2097 = arith.constant 1.000000e+00 : f32
    %add3A_2098 = vector.broadcast %add3A_2097 : f32 to vector<8x1024xf32>
    %add3A_2099 = arith.addf %add3A_2098, %exp23A_2096 : vector<8x1024xf32>
    %mul3A_2100 = arith.mulf %add3A_2075, %add3A_2083 : vector<8x1024xf32>
    %mul3A_2101 = arith.mulf %add3A_2091, %add3A_2099 : vector<8x1024xf32>
    %mul3A_2102 = arith.mulf %mul3A_2100, %mul3A_2101 : vector<8x1024xf32>
    %log3A_2103 = math.log %mul3A_2102 : vector<8x1024xf32>
    %log3A_2104 = arith.constant 2.000000e+00 : f32
    %log3A_2105 = math.log %log3A_2104 : f32
    %div3A_2106 = vector.broadcast %log3A_2105 : f32 to vector<8x1024xf32>
    %div3A_2107 = arith.divf %log3A_2103, %div3A_2106 : vector<8x1024xf32>
    %add3A_2108 = arith.addf %add3A_2067, %div3A_2107 : vector<8x1024xf32>
    %slice3A_2109 = vector.extract_strided_slice %get3A_1288 {offsets = [640, 0], sizes = [8, 1024], strides = [1, 1]} : vector<1000x1024xf32> to vector<8x1024xf32>
    %mul3A_2110 = arith.constant -1.44269502 : f32
    %mul3A_2111 = vector.broadcast %mul3A_2110 : f32 to vector<8x1024xf32>
    %mul3A_2112 = arith.mulf %slice3A_2109, %mul3A_2111 : vector<8x1024xf32>
    %exp23A_2113 = math.exp2 %mul3A_2112 : vector<8x1024xf32>
    %add3A_2114 = arith.constant 1.000000e+00 : f32
    %add3A_2115 = vector.broadcast %add3A_2114 : f32 to vector<8x1024xf32>
    %add3A_2116 = arith.addf %add3A_2115, %exp23A_2113 : vector<8x1024xf32>
    %slice3A_2117 = vector.extract_strided_slice %get3A_1288 {offsets = [648, 0], sizes = [8, 1024], strides = [1, 1]} : vector<1000x1024xf32> to vector<8x1024xf32>
    %mul3A_2118 = arith.constant -1.44269502 : f32
    %mul3A_2119 = vector.broadcast %mul3A_2118 : f32 to vector<8x1024xf32>
    %mul3A_2120 = arith.mulf %slice3A_2117, %mul3A_2119 : vector<8x1024xf32>
    %exp23A_2121 = math.exp2 %mul3A_2120 : vector<8x1024xf32>
    %add3A_2122 = arith.constant 1.000000e+00 : f32
    %add3A_2123 = vector.broadcast %add3A_2122 : f32 to vector<8x1024xf32>
    %add3A_2124 = arith.addf %add3A_2123, %exp23A_2121 : vector<8x1024xf32>
    %slice3A_2125 = vector.extract_strided_slice %get3A_1288 {offsets = [656, 0], sizes = [8, 1024], strides = [1, 1]} : vector<1000x1024xf32> to vector<8x1024xf32>
    %mul3A_2126 = arith.constant -1.44269502 : f32
    %mul3A_2127 = vector.broadcast %mul3A_2126 : f32 to vector<8x1024xf32>
    %mul3A_2128 = arith.mulf %slice3A_2125, %mul3A_2127 : vector<8x1024xf32>
    %exp23A_2129 = math.exp2 %mul3A_2128 : vector<8x1024xf32>
    %add3A_2130 = arith.constant 1.000000e+00 : f32
    %add3A_2131 = vector.broadcast %add3A_2130 : f32 to vector<8x1024xf32>
    %add3A_2132 = arith.addf %add3A_2131, %exp23A_2129 : vector<8x1024xf32>
    %slice3A_2133 = vector.extract_strided_slice %get3A_1288 {offsets = [664, 0], sizes = [8, 1024], strides = [1, 1]} : vector<1000x1024xf32> to vector<8x1024xf32>
    %mul3A_2134 = arith.constant -1.44269502 : f32
    %mul3A_2135 = vector.broadcast %mul3A_2134 : f32 to vector<8x1024xf32>
    %mul3A_2136 = arith.mulf %slice3A_2133, %mul3A_2135 : vector<8x1024xf32>
    %exp23A_2137 = math.exp2 %mul3A_2136 : vector<8x1024xf32>
    %add3A_2138 = arith.constant 1.000000e+00 : f32
    %add3A_2139 = vector.broadcast %add3A_2138 : f32 to vector<8x1024xf32>
    %add3A_2140 = arith.addf %add3A_2139, %exp23A_2137 : vector<8x1024xf32>
    %mul3A_2141 = arith.mulf %add3A_2116, %add3A_2124 : vector<8x1024xf32>
    %mul3A_2142 = arith.mulf %add3A_2132, %add3A_2140 : vector<8x1024xf32>
    %mul3A_2143 = arith.mulf %mul3A_2141, %mul3A_2142 : vector<8x1024xf32>
    %log3A_2144 = math.log %mul3A_2143 : vector<8x1024xf32>
    %log3A_2145 = arith.constant 2.000000e+00 : f32
    %log3A_2146 = math.log %log3A_2145 : f32
    %div3A_2147 = vector.broadcast %log3A_2146 : f32 to vector<8x1024xf32>
    %div3A_2148 = arith.divf %log3A_2144, %div3A_2147 : vector<8x1024xf32>
    %add3A_2149 = arith.addf %add3A_2108, %div3A_2148 : vector<8x1024xf32>
    %slice3A_2150 = vector.extract_strided_slice %get3A_1288 {offsets = [672, 0], sizes = [8, 1024], strides = [1, 1]} : vector<1000x1024xf32> to vector<8x1024xf32>
    %mul3A_2151 = arith.constant -1.44269502 : f32
    %mul3A_2152 = vector.broadcast %mul3A_2151 : f32 to vector<8x1024xf32>
    %mul3A_2153 = arith.mulf %slice3A_2150, %mul3A_2152 : vector<8x1024xf32>
    %exp23A_2154 = math.exp2 %mul3A_2153 : vector<8x1024xf32>
    %add3A_2155 = arith.constant 1.000000e+00 : f32
    %add3A_2156 = vector.broadcast %add3A_2155 : f32 to vector<8x1024xf32>
    %add3A_2157 = arith.addf %add3A_2156, %exp23A_2154 : vector<8x1024xf32>
    %slice3A_2158 = vector.extract_strided_slice %get3A_1288 {offsets = [680, 0], sizes = [8, 1024], strides = [1, 1]} : vector<1000x1024xf32> to vector<8x1024xf32>
    %mul3A_2159 = arith.constant -1.44269502 : f32
    %mul3A_2160 = vector.broadcast %mul3A_2159 : f32 to vector<8x1024xf32>
    %mul3A_2161 = arith.mulf %slice3A_2158, %mul3A_2160 : vector<8x1024xf32>
    %exp23A_2162 = math.exp2 %mul3A_2161 : vector<8x1024xf32>
    %add3A_2163 = arith.constant 1.000000e+00 : f32
    %add3A_2164 = vector.broadcast %add3A_2163 : f32 to vector<8x1024xf32>
    %add3A_2165 = arith.addf %add3A_2164, %exp23A_2162 : vector<8x1024xf32>
    %slice3A_2166 = vector.extract_strided_slice %get3A_1288 {offsets = [688, 0], sizes = [8, 1024], strides = [1, 1]} : vector<1000x1024xf32> to vector<8x1024xf32>
    %mul3A_2167 = arith.constant -1.44269502 : f32
    %mul3A_2168 = vector.broadcast %mul3A_2167 : f32 to vector<8x1024xf32>
    %mul3A_2169 = arith.mulf %slice3A_2166, %mul3A_2168 : vector<8x1024xf32>
    %exp23A_2170 = math.exp2 %mul3A_2169 : vector<8x1024xf32>
    %add3A_2171 = arith.constant 1.000000e+00 : f32
    %add3A_2172 = vector.broadcast %add3A_2171 : f32 to vector<8x1024xf32>
    %add3A_2173 = arith.addf %add3A_2172, %exp23A_2170 : vector<8x1024xf32>
    %slice3A_2174 = vector.extract_strided_slice %get3A_1288 {offsets = [696, 0], sizes = [8, 1024], strides = [1, 1]} : vector<1000x1024xf32> to vector<8x1024xf32>
    %mul3A_2175 = arith.constant -1.44269502 : f32
    %mul3A_2176 = vector.broadcast %mul3A_2175 : f32 to vector<8x1024xf32>
    %mul3A_2177 = arith.mulf %slice3A_2174, %mul3A_2176 : vector<8x1024xf32>
    %exp23A_2178 = math.exp2 %mul3A_2177 : vector<8x1024xf32>
    %add3A_2179 = arith.constant 1.000000e+00 : f32
    %add3A_2180 = vector.broadcast %add3A_2179 : f32 to vector<8x1024xf32>
    %add3A_2181 = arith.addf %add3A_2180, %exp23A_2178 : vector<8x1024xf32>
    %mul3A_2182 = arith.mulf %add3A_2157, %add3A_2165 : vector<8x1024xf32>
    %mul3A_2183 = arith.mulf %add3A_2173, %add3A_2181 : vector<8x1024xf32>
    %mul3A_2184 = arith.mulf %mul3A_2182, %mul3A_2183 : vector<8x1024xf32>
    %log3A_2185 = math.log %mul3A_2184 : vector<8x1024xf32>
    %log3A_2186 = arith.constant 2.000000e+00 : f32
    %log3A_2187 = math.log %log3A_2186 : f32
    %div3A_2188 = vector.broadcast %log3A_2187 : f32 to vector<8x1024xf32>
    %div3A_2189 = arith.divf %log3A_2185, %div3A_2188 : vector<8x1024xf32>
    %add3A_2190 = arith.addf %add3A_2149, %div3A_2189 : vector<8x1024xf32>
    %slice3A_2191 = vector.extract_strided_slice %get3A_1288 {offsets = [704, 0], sizes = [8, 1024], strides = [1, 1]} : vector<1000x1024xf32> to vector<8x1024xf32>
    %mul3A_2192 = arith.constant -1.44269502 : f32
    %mul3A_2193 = vector.broadcast %mul3A_2192 : f32 to vector<8x1024xf32>
    %mul3A_2194 = arith.mulf %slice3A_2191, %mul3A_2193 : vector<8x1024xf32>
    %exp23A_2195 = math.exp2 %mul3A_2194 : vector<8x1024xf32>
    %add3A_2196 = arith.constant 1.000000e+00 : f32
    %add3A_2197 = vector.broadcast %add3A_2196 : f32 to vector<8x1024xf32>
    %add3A_2198 = arith.addf %add3A_2197, %exp23A_2195 : vector<8x1024xf32>
    %slice3A_2199 = vector.extract_strided_slice %get3A_1288 {offsets = [712, 0], sizes = [8, 1024], strides = [1, 1]} : vector<1000x1024xf32> to vector<8x1024xf32>
    %mul3A_2200 = arith.constant -1.44269502 : f32
    %mul3A_2201 = vector.broadcast %mul3A_2200 : f32 to vector<8x1024xf32>
    %mul3A_2202 = arith.mulf %slice3A_2199, %mul3A_2201 : vector<8x1024xf32>
    %exp23A_2203 = math.exp2 %mul3A_2202 : vector<8x1024xf32>
    %add3A_2204 = arith.constant 1.000000e+00 : f32
    %add3A_2205 = vector.broadcast %add3A_2204 : f32 to vector<8x1024xf32>
    %add3A_2206 = arith.addf %add3A_2205, %exp23A_2203 : vector<8x1024xf32>
    %slice3A_2207 = vector.extract_strided_slice %get3A_1288 {offsets = [720, 0], sizes = [8, 1024], strides = [1, 1]} : vector<1000x1024xf32> to vector<8x1024xf32>
    %mul3A_2208 = arith.constant -1.44269502 : f32
    %mul3A_2209 = vector.broadcast %mul3A_2208 : f32 to vector<8x1024xf32>
    %mul3A_2210 = arith.mulf %slice3A_2207, %mul3A_2209 : vector<8x1024xf32>
    %exp23A_2211 = math.exp2 %mul3A_2210 : vector<8x1024xf32>
    %add3A_2212 = arith.constant 1.000000e+00 : f32
    %add3A_2213 = vector.broadcast %add3A_2212 : f32 to vector<8x1024xf32>
    %add3A_2214 = arith.addf %add3A_2213, %exp23A_2211 : vector<8x1024xf32>
    %slice3A_2215 = vector.extract_strided_slice %get3A_1288 {offsets = [728, 0], sizes = [8, 1024], strides = [1, 1]} : vector<1000x1024xf32> to vector<8x1024xf32>
    %mul3A_2216 = arith.constant -1.44269502 : f32
    %mul3A_2217 = vector.broadcast %mul3A_2216 : f32 to vector<8x1024xf32>
    %mul3A_2218 = arith.mulf %slice3A_2215, %mul3A_2217 : vector<8x1024xf32>
    %exp23A_2219 = math.exp2 %mul3A_2218 : vector<8x1024xf32>
    %add3A_2220 = arith.constant 1.000000e+00 : f32
    %add3A_2221 = vector.broadcast %add3A_2220 : f32 to vector<8x1024xf32>
    %add3A_2222 = arith.addf %add3A_2221, %exp23A_2219 : vector<8x1024xf32>
    %mul3A_2223 = arith.mulf %add3A_2198, %add3A_2206 : vector<8x1024xf32>
    %mul3A_2224 = arith.mulf %add3A_2214, %add3A_2222 : vector<8x1024xf32>
    %mul3A_2225 = arith.mulf %mul3A_2223, %mul3A_2224 : vector<8x1024xf32>
    %log3A_2226 = math.log %mul3A_2225 : vector<8x1024xf32>
    %log3A_2227 = arith.constant 2.000000e+00 : f32
    %log3A_2228 = math.log %log3A_2227 : f32
    %div3A_2229 = vector.broadcast %log3A_2228 : f32 to vector<8x1024xf32>
    %div3A_2230 = arith.divf %log3A_2226, %div3A_2229 : vector<8x1024xf32>
    %add3A_2231 = arith.addf %add3A_2190, %div3A_2230 : vector<8x1024xf32>
    %slice3A_2232 = vector.extract_strided_slice %get3A_1288 {offsets = [736, 0], sizes = [8, 1024], strides = [1, 1]} : vector<1000x1024xf32> to vector<8x1024xf32>
    %mul3A_2233 = arith.constant -1.44269502 : f32
    %mul3A_2234 = vector.broadcast %mul3A_2233 : f32 to vector<8x1024xf32>
    %mul3A_2235 = arith.mulf %slice3A_2232, %mul3A_2234 : vector<8x1024xf32>
    %exp23A_2236 = math.exp2 %mul3A_2235 : vector<8x1024xf32>
    %add3A_2237 = arith.constant 1.000000e+00 : f32
    %add3A_2238 = vector.broadcast %add3A_2237 : f32 to vector<8x1024xf32>
    %add3A_2239 = arith.addf %add3A_2238, %exp23A_2236 : vector<8x1024xf32>
    %slice3A_2240 = vector.extract_strided_slice %get3A_1288 {offsets = [744, 0], sizes = [8, 1024], strides = [1, 1]} : vector<1000x1024xf32> to vector<8x1024xf32>
    %mul3A_2241 = arith.constant -1.44269502 : f32
    %mul3A_2242 = vector.broadcast %mul3A_2241 : f32 to vector<8x1024xf32>
    %mul3A_2243 = arith.mulf %slice3A_2240, %mul3A_2242 : vector<8x1024xf32>
    %exp23A_2244 = math.exp2 %mul3A_2243 : vector<8x1024xf32>
    %add3A_2245 = arith.constant 1.000000e+00 : f32
    %add3A_2246 = vector.broadcast %add3A_2245 : f32 to vector<8x1024xf32>
    %add3A_2247 = arith.addf %add3A_2246, %exp23A_2244 : vector<8x1024xf32>
    %slice3A_2248 = vector.extract_strided_slice %get3A_1288 {offsets = [752, 0], sizes = [8, 1024], strides = [1, 1]} : vector<1000x1024xf32> to vector<8x1024xf32>
    %mul3A_2249 = arith.constant -1.44269502 : f32
    %mul3A_2250 = vector.broadcast %mul3A_2249 : f32 to vector<8x1024xf32>
    %mul3A_2251 = arith.mulf %slice3A_2248, %mul3A_2250 : vector<8x1024xf32>
    %exp23A_2252 = math.exp2 %mul3A_2251 : vector<8x1024xf32>
    %add3A_2253 = arith.constant 1.000000e+00 : f32
    %add3A_2254 = vector.broadcast %add3A_2253 : f32 to vector<8x1024xf32>
    %add3A_2255 = arith.addf %add3A_2254, %exp23A_2252 : vector<8x1024xf32>
    %slice3A_2256 = vector.extract_strided_slice %get3A_1288 {offsets = [760, 0], sizes = [8, 1024], strides = [1, 1]} : vector<1000x1024xf32> to vector<8x1024xf32>
    %mul3A_2257 = arith.constant -1.44269502 : f32
    %mul3A_2258 = vector.broadcast %mul3A_2257 : f32 to vector<8x1024xf32>
    %mul3A_2259 = arith.mulf %slice3A_2256, %mul3A_2258 : vector<8x1024xf32>
    %exp23A_2260 = math.exp2 %mul3A_2259 : vector<8x1024xf32>
    %add3A_2261 = arith.constant 1.000000e+00 : f32
    %add3A_2262 = vector.broadcast %add3A_2261 : f32 to vector<8x1024xf32>
    %add3A_2263 = arith.addf %add3A_2262, %exp23A_2260 : vector<8x1024xf32>
    %mul3A_2264 = arith.mulf %add3A_2239, %add3A_2247 : vector<8x1024xf32>
    %mul3A_2265 = arith.mulf %add3A_2255, %add3A_2263 : vector<8x1024xf32>
    %mul3A_2266 = arith.mulf %mul3A_2264, %mul3A_2265 : vector<8x1024xf32>
    %log3A_2267 = math.log %mul3A_2266 : vector<8x1024xf32>
    %log3A_2268 = arith.constant 2.000000e+00 : f32
    %log3A_2269 = math.log %log3A_2268 : f32
    %div3A_2270 = vector.broadcast %log3A_2269 : f32 to vector<8x1024xf32>
    %div3A_2271 = arith.divf %log3A_2267, %div3A_2270 : vector<8x1024xf32>
    %add3A_2272 = arith.addf %add3A_2231, %div3A_2271 : vector<8x1024xf32>
    %slice3A_2273 = vector.extract_strided_slice %get3A_1288 {offsets = [768, 0], sizes = [8, 1024], strides = [1, 1]} : vector<1000x1024xf32> to vector<8x1024xf32>
    %mul3A_2274 = arith.constant -1.44269502 : f32
    %mul3A_2275 = vector.broadcast %mul3A_2274 : f32 to vector<8x1024xf32>
    %mul3A_2276 = arith.mulf %slice3A_2273, %mul3A_2275 : vector<8x1024xf32>
    %exp23A_2277 = math.exp2 %mul3A_2276 : vector<8x1024xf32>
    %add3A_2278 = arith.constant 1.000000e+00 : f32
    %add3A_2279 = vector.broadcast %add3A_2278 : f32 to vector<8x1024xf32>
    %add3A_2280 = arith.addf %add3A_2279, %exp23A_2277 : vector<8x1024xf32>
    %slice3A_2281 = vector.extract_strided_slice %get3A_1288 {offsets = [776, 0], sizes = [8, 1024], strides = [1, 1]} : vector<1000x1024xf32> to vector<8x1024xf32>
    %mul3A_2282 = arith.constant -1.44269502 : f32
    %mul3A_2283 = vector.broadcast %mul3A_2282 : f32 to vector<8x1024xf32>
    %mul3A_2284 = arith.mulf %slice3A_2281, %mul3A_2283 : vector<8x1024xf32>
    %exp23A_2285 = math.exp2 %mul3A_2284 : vector<8x1024xf32>
    %add3A_2286 = arith.constant 1.000000e+00 : f32
    %add3A_2287 = vector.broadcast %add3A_2286 : f32 to vector<8x1024xf32>
    %add3A_2288 = arith.addf %add3A_2287, %exp23A_2285 : vector<8x1024xf32>
    %slice3A_2289 = vector.extract_strided_slice %get3A_1288 {offsets = [784, 0], sizes = [8, 1024], strides = [1, 1]} : vector<1000x1024xf32> to vector<8x1024xf32>
    %mul3A_2290 = arith.constant -1.44269502 : f32
    %mul3A_2291 = vector.broadcast %mul3A_2290 : f32 to vector<8x1024xf32>
    %mul3A_2292 = arith.mulf %slice3A_2289, %mul3A_2291 : vector<8x1024xf32>
    %exp23A_2293 = math.exp2 %mul3A_2292 : vector<8x1024xf32>
    %add3A_2294 = arith.constant 1.000000e+00 : f32
    %add3A_2295 = vector.broadcast %add3A_2294 : f32 to vector<8x1024xf32>
    %add3A_2296 = arith.addf %add3A_2295, %exp23A_2293 : vector<8x1024xf32>
    %slice3A_2297 = vector.extract_strided_slice %get3A_1288 {offsets = [792, 0], sizes = [8, 1024], strides = [1, 1]} : vector<1000x1024xf32> to vector<8x1024xf32>
    %mul3A_2298 = arith.constant -1.44269502 : f32
    %mul3A_2299 = vector.broadcast %mul3A_2298 : f32 to vector<8x1024xf32>
    %mul3A_2300 = arith.mulf %slice3A_2297, %mul3A_2299 : vector<8x1024xf32>
    %exp23A_2301 = math.exp2 %mul3A_2300 : vector<8x1024xf32>
    %add3A_2302 = arith.constant 1.000000e+00 : f32
    %add3A_2303 = vector.broadcast %add3A_2302 : f32 to vector<8x1024xf32>
    %add3A_2304 = arith.addf %add3A_2303, %exp23A_2301 : vector<8x1024xf32>
    %mul3A_2305 = arith.mulf %add3A_2280, %add3A_2288 : vector<8x1024xf32>
    %mul3A_2306 = arith.mulf %add3A_2296, %add3A_2304 : vector<8x1024xf32>
    %mul3A_2307 = arith.mulf %mul3A_2305, %mul3A_2306 : vector<8x1024xf32>
    %log3A_2308 = math.log %mul3A_2307 : vector<8x1024xf32>
    %log3A_2309 = arith.constant 2.000000e+00 : f32
    %log3A_2310 = math.log %log3A_2309 : f32
    %div3A_2311 = vector.broadcast %log3A_2310 : f32 to vector<8x1024xf32>
    %div3A_2312 = arith.divf %log3A_2308, %div3A_2311 : vector<8x1024xf32>
    %add3A_2313 = arith.addf %add3A_2272, %div3A_2312 : vector<8x1024xf32>
    %slice3A_2314 = vector.extract_strided_slice %get3A_1288 {offsets = [800, 0], sizes = [8, 1024], strides = [1, 1]} : vector<1000x1024xf32> to vector<8x1024xf32>
    %mul3A_2315 = arith.constant -1.44269502 : f32
    %mul3A_2316 = vector.broadcast %mul3A_2315 : f32 to vector<8x1024xf32>
    %mul3A_2317 = arith.mulf %slice3A_2314, %mul3A_2316 : vector<8x1024xf32>
    %exp23A_2318 = math.exp2 %mul3A_2317 : vector<8x1024xf32>
    %add3A_2319 = arith.constant 1.000000e+00 : f32
    %add3A_2320 = vector.broadcast %add3A_2319 : f32 to vector<8x1024xf32>
    %add3A_2321 = arith.addf %add3A_2320, %exp23A_2318 : vector<8x1024xf32>
    %slice3A_2322 = vector.extract_strided_slice %get3A_1288 {offsets = [808, 0], sizes = [8, 1024], strides = [1, 1]} : vector<1000x1024xf32> to vector<8x1024xf32>
    %mul3A_2323 = arith.constant -1.44269502 : f32
    %mul3A_2324 = vector.broadcast %mul3A_2323 : f32 to vector<8x1024xf32>
    %mul3A_2325 = arith.mulf %slice3A_2322, %mul3A_2324 : vector<8x1024xf32>
    %exp23A_2326 = math.exp2 %mul3A_2325 : vector<8x1024xf32>
    %add3A_2327 = arith.constant 1.000000e+00 : f32
    %add3A_2328 = vector.broadcast %add3A_2327 : f32 to vector<8x1024xf32>
    %add3A_2329 = arith.addf %add3A_2328, %exp23A_2326 : vector<8x1024xf32>
    %slice3A_2330 = vector.extract_strided_slice %get3A_1288 {offsets = [816, 0], sizes = [8, 1024], strides = [1, 1]} : vector<1000x1024xf32> to vector<8x1024xf32>
    %mul3A_2331 = arith.constant -1.44269502 : f32
    %mul3A_2332 = vector.broadcast %mul3A_2331 : f32 to vector<8x1024xf32>
    %mul3A_2333 = arith.mulf %slice3A_2330, %mul3A_2332 : vector<8x1024xf32>
    %exp23A_2334 = math.exp2 %mul3A_2333 : vector<8x1024xf32>
    %add3A_2335 = arith.constant 1.000000e+00 : f32
    %add3A_2336 = vector.broadcast %add3A_2335 : f32 to vector<8x1024xf32>
    %add3A_2337 = arith.addf %add3A_2336, %exp23A_2334 : vector<8x1024xf32>
    %slice3A_2338 = vector.extract_strided_slice %get3A_1288 {offsets = [824, 0], sizes = [8, 1024], strides = [1, 1]} : vector<1000x1024xf32> to vector<8x1024xf32>
    %mul3A_2339 = arith.constant -1.44269502 : f32
    %mul3A_2340 = vector.broadcast %mul3A_2339 : f32 to vector<8x1024xf32>
    %mul3A_2341 = arith.mulf %slice3A_2338, %mul3A_2340 : vector<8x1024xf32>
    %exp23A_2342 = math.exp2 %mul3A_2341 : vector<8x1024xf32>
    %add3A_2343 = arith.constant 1.000000e+00 : f32
    %add3A_2344 = vector.broadcast %add3A_2343 : f32 to vector<8x1024xf32>
    %add3A_2345 = arith.addf %add3A_2344, %exp23A_2342 : vector<8x1024xf32>
    %mul3A_2346 = arith.mulf %add3A_2321, %add3A_2329 : vector<8x1024xf32>
    %mul3A_2347 = arith.mulf %add3A_2337, %add3A_2345 : vector<8x1024xf32>
    %mul3A_2348 = arith.mulf %mul3A_2346, %mul3A_2347 : vector<8x1024xf32>
    %log3A_2349 = math.log %mul3A_2348 : vector<8x1024xf32>
    %log3A_2350 = arith.constant 2.000000e+00 : f32
    %log3A_2351 = math.log %log3A_2350 : f32
    %div3A_2352 = vector.broadcast %log3A_2351 : f32 to vector<8x1024xf32>
    %div3A_2353 = arith.divf %log3A_2349, %div3A_2352 : vector<8x1024xf32>
    %add3A_2354 = arith.addf %add3A_2313, %div3A_2353 : vector<8x1024xf32>
    %slice3A_2355 = vector.extract_strided_slice %get3A_1288 {offsets = [832, 0], sizes = [8, 1024], strides = [1, 1]} : vector<1000x1024xf32> to vector<8x1024xf32>
    %mul3A_2356 = arith.constant -1.44269502 : f32
    %mul3A_2357 = vector.broadcast %mul3A_2356 : f32 to vector<8x1024xf32>
    %mul3A_2358 = arith.mulf %slice3A_2355, %mul3A_2357 : vector<8x1024xf32>
    %exp23A_2359 = math.exp2 %mul3A_2358 : vector<8x1024xf32>
    %add3A_2360 = arith.constant 1.000000e+00 : f32
    %add3A_2361 = vector.broadcast %add3A_2360 : f32 to vector<8x1024xf32>
    %add3A_2362 = arith.addf %add3A_2361, %exp23A_2359 : vector<8x1024xf32>
    %slice3A_2363 = vector.extract_strided_slice %get3A_1288 {offsets = [840, 0], sizes = [8, 1024], strides = [1, 1]} : vector<1000x1024xf32> to vector<8x1024xf32>
    %mul3A_2364 = arith.constant -1.44269502 : f32
    %mul3A_2365 = vector.broadcast %mul3A_2364 : f32 to vector<8x1024xf32>
    %mul3A_2366 = arith.mulf %slice3A_2363, %mul3A_2365 : vector<8x1024xf32>
    %exp23A_2367 = math.exp2 %mul3A_2366 : vector<8x1024xf32>
    %add3A_2368 = arith.constant 1.000000e+00 : f32
    %add3A_2369 = vector.broadcast %add3A_2368 : f32 to vector<8x1024xf32>
    %add3A_2370 = arith.addf %add3A_2369, %exp23A_2367 : vector<8x1024xf32>
    %slice3A_2371 = vector.extract_strided_slice %get3A_1288 {offsets = [848, 0], sizes = [8, 1024], strides = [1, 1]} : vector<1000x1024xf32> to vector<8x1024xf32>
    %mul3A_2372 = arith.constant -1.44269502 : f32
    %mul3A_2373 = vector.broadcast %mul3A_2372 : f32 to vector<8x1024xf32>
    %mul3A_2374 = arith.mulf %slice3A_2371, %mul3A_2373 : vector<8x1024xf32>
    %exp23A_2375 = math.exp2 %mul3A_2374 : vector<8x1024xf32>
    %add3A_2376 = arith.constant 1.000000e+00 : f32
    %add3A_2377 = vector.broadcast %add3A_2376 : f32 to vector<8x1024xf32>
    %add3A_2378 = arith.addf %add3A_2377, %exp23A_2375 : vector<8x1024xf32>
    %slice3A_2379 = vector.extract_strided_slice %get3A_1288 {offsets = [856, 0], sizes = [8, 1024], strides = [1, 1]} : vector<1000x1024xf32> to vector<8x1024xf32>
    %mul3A_2380 = arith.constant -1.44269502 : f32
    %mul3A_2381 = vector.broadcast %mul3A_2380 : f32 to vector<8x1024xf32>
    %mul3A_2382 = arith.mulf %slice3A_2379, %mul3A_2381 : vector<8x1024xf32>
    %exp23A_2383 = math.exp2 %mul3A_2382 : vector<8x1024xf32>
    %add3A_2384 = arith.constant 1.000000e+00 : f32
    %add3A_2385 = vector.broadcast %add3A_2384 : f32 to vector<8x1024xf32>
    %add3A_2386 = arith.addf %add3A_2385, %exp23A_2383 : vector<8x1024xf32>
    %mul3A_2387 = arith.mulf %add3A_2362, %add3A_2370 : vector<8x1024xf32>
    %mul3A_2388 = arith.mulf %add3A_2378, %add3A_2386 : vector<8x1024xf32>
    %mul3A_2389 = arith.mulf %mul3A_2387, %mul3A_2388 : vector<8x1024xf32>
    %log3A_2390 = math.log %mul3A_2389 : vector<8x1024xf32>
    %log3A_2391 = arith.constant 2.000000e+00 : f32
    %log3A_2392 = math.log %log3A_2391 : f32
    %div3A_2393 = vector.broadcast %log3A_2392 : f32 to vector<8x1024xf32>
    %div3A_2394 = arith.divf %log3A_2390, %div3A_2393 : vector<8x1024xf32>
    %add3A_2395 = arith.addf %add3A_2354, %div3A_2394 : vector<8x1024xf32>
    %slice3A_2396 = vector.extract_strided_slice %get3A_1288 {offsets = [864, 0], sizes = [8, 1024], strides = [1, 1]} : vector<1000x1024xf32> to vector<8x1024xf32>
    %mul3A_2397 = arith.constant -1.44269502 : f32
    %mul3A_2398 = vector.broadcast %mul3A_2397 : f32 to vector<8x1024xf32>
    %mul3A_2399 = arith.mulf %slice3A_2396, %mul3A_2398 : vector<8x1024xf32>
    %exp23A_2400 = math.exp2 %mul3A_2399 : vector<8x1024xf32>
    %add3A_2401 = arith.constant 1.000000e+00 : f32
    %add3A_2402 = vector.broadcast %add3A_2401 : f32 to vector<8x1024xf32>
    %add3A_2403 = arith.addf %add3A_2402, %exp23A_2400 : vector<8x1024xf32>
    %slice3A_2404 = vector.extract_strided_slice %get3A_1288 {offsets = [872, 0], sizes = [8, 1024], strides = [1, 1]} : vector<1000x1024xf32> to vector<8x1024xf32>
    %mul3A_2405 = arith.constant -1.44269502 : f32
    %mul3A_2406 = vector.broadcast %mul3A_2405 : f32 to vector<8x1024xf32>
    %mul3A_2407 = arith.mulf %slice3A_2404, %mul3A_2406 : vector<8x1024xf32>
    %exp23A_2408 = math.exp2 %mul3A_2407 : vector<8x1024xf32>
    %add3A_2409 = arith.constant 1.000000e+00 : f32
    %add3A_2410 = vector.broadcast %add3A_2409 : f32 to vector<8x1024xf32>
    %add3A_2411 = arith.addf %add3A_2410, %exp23A_2408 : vector<8x1024xf32>
    %slice3A_2412 = vector.extract_strided_slice %get3A_1288 {offsets = [880, 0], sizes = [8, 1024], strides = [1, 1]} : vector<1000x1024xf32> to vector<8x1024xf32>
    %mul3A_2413 = arith.constant -1.44269502 : f32
    %mul3A_2414 = vector.broadcast %mul3A_2413 : f32 to vector<8x1024xf32>
    %mul3A_2415 = arith.mulf %slice3A_2412, %mul3A_2414 : vector<8x1024xf32>
    %exp23A_2416 = math.exp2 %mul3A_2415 : vector<8x1024xf32>
    %add3A_2417 = arith.constant 1.000000e+00 : f32
    %add3A_2418 = vector.broadcast %add3A_2417 : f32 to vector<8x1024xf32>
    %add3A_2419 = arith.addf %add3A_2418, %exp23A_2416 : vector<8x1024xf32>
    %slice3A_2420 = vector.extract_strided_slice %get3A_1288 {offsets = [888, 0], sizes = [8, 1024], strides = [1, 1]} : vector<1000x1024xf32> to vector<8x1024xf32>
    %mul3A_2421 = arith.constant -1.44269502 : f32
    %mul3A_2422 = vector.broadcast %mul3A_2421 : f32 to vector<8x1024xf32>
    %mul3A_2423 = arith.mulf %slice3A_2420, %mul3A_2422 : vector<8x1024xf32>
    %exp23A_2424 = math.exp2 %mul3A_2423 : vector<8x1024xf32>
    %add3A_2425 = arith.constant 1.000000e+00 : f32
    %add3A_2426 = vector.broadcast %add3A_2425 : f32 to vector<8x1024xf32>
    %add3A_2427 = arith.addf %add3A_2426, %exp23A_2424 : vector<8x1024xf32>
    %mul3A_2428 = arith.mulf %add3A_2403, %add3A_2411 : vector<8x1024xf32>
    %mul3A_2429 = arith.mulf %add3A_2419, %add3A_2427 : vector<8x1024xf32>
    %mul3A_2430 = arith.mulf %mul3A_2428, %mul3A_2429 : vector<8x1024xf32>
    %log3A_2431 = math.log %mul3A_2430 : vector<8x1024xf32>
    %log3A_2432 = arith.constant 2.000000e+00 : f32
    %log3A_2433 = math.log %log3A_2432 : f32
    %div3A_2434 = vector.broadcast %log3A_2433 : f32 to vector<8x1024xf32>
    %div3A_2435 = arith.divf %log3A_2431, %div3A_2434 : vector<8x1024xf32>
    %add3A_2436 = arith.addf %add3A_2395, %div3A_2435 : vector<8x1024xf32>
    %slice3A_2437 = vector.extract_strided_slice %get3A_1288 {offsets = [896, 0], sizes = [8, 1024], strides = [1, 1]} : vector<1000x1024xf32> to vector<8x1024xf32>
    %mul3A_2438 = arith.constant -1.44269502 : f32
    %mul3A_2439 = vector.broadcast %mul3A_2438 : f32 to vector<8x1024xf32>
    %mul3A_2440 = arith.mulf %slice3A_2437, %mul3A_2439 : vector<8x1024xf32>
    %exp23A_2441 = math.exp2 %mul3A_2440 : vector<8x1024xf32>
    %add3A_2442 = arith.constant 1.000000e+00 : f32
    %add3A_2443 = vector.broadcast %add3A_2442 : f32 to vector<8x1024xf32>
    %add3A_2444 = arith.addf %add3A_2443, %exp23A_2441 : vector<8x1024xf32>
    %slice3A_2445 = vector.extract_strided_slice %get3A_1288 {offsets = [904, 0], sizes = [8, 1024], strides = [1, 1]} : vector<1000x1024xf32> to vector<8x1024xf32>
    %mul3A_2446 = arith.constant -1.44269502 : f32
    %mul3A_2447 = vector.broadcast %mul3A_2446 : f32 to vector<8x1024xf32>
    %mul3A_2448 = arith.mulf %slice3A_2445, %mul3A_2447 : vector<8x1024xf32>
    %exp23A_2449 = math.exp2 %mul3A_2448 : vector<8x1024xf32>
    %add3A_2450 = arith.constant 1.000000e+00 : f32
    %add3A_2451 = vector.broadcast %add3A_2450 : f32 to vector<8x1024xf32>
    %add3A_2452 = arith.addf %add3A_2451, %exp23A_2449 : vector<8x1024xf32>
    %slice3A_2453 = vector.extract_strided_slice %get3A_1288 {offsets = [912, 0], sizes = [8, 1024], strides = [1, 1]} : vector<1000x1024xf32> to vector<8x1024xf32>
    %mul3A_2454 = arith.constant -1.44269502 : f32
    %mul3A_2455 = vector.broadcast %mul3A_2454 : f32 to vector<8x1024xf32>
    %mul3A_2456 = arith.mulf %slice3A_2453, %mul3A_2455 : vector<8x1024xf32>
    %exp23A_2457 = math.exp2 %mul3A_2456 : vector<8x1024xf32>
    %add3A_2458 = arith.constant 1.000000e+00 : f32
    %add3A_2459 = vector.broadcast %add3A_2458 : f32 to vector<8x1024xf32>
    %add3A_2460 = arith.addf %add3A_2459, %exp23A_2457 : vector<8x1024xf32>
    %slice3A_2461 = vector.extract_strided_slice %get3A_1288 {offsets = [920, 0], sizes = [8, 1024], strides = [1, 1]} : vector<1000x1024xf32> to vector<8x1024xf32>
    %mul3A_2462 = arith.constant -1.44269502 : f32
    %mul3A_2463 = vector.broadcast %mul3A_2462 : f32 to vector<8x1024xf32>
    %mul3A_2464 = arith.mulf %slice3A_2461, %mul3A_2463 : vector<8x1024xf32>
    %exp23A_2465 = math.exp2 %mul3A_2464 : vector<8x1024xf32>
    %add3A_2466 = arith.constant 1.000000e+00 : f32
    %add3A_2467 = vector.broadcast %add3A_2466 : f32 to vector<8x1024xf32>
    %add3A_2468 = arith.addf %add3A_2467, %exp23A_2465 : vector<8x1024xf32>
    %mul3A_2469 = arith.mulf %add3A_2444, %add3A_2452 : vector<8x1024xf32>
    %mul3A_2470 = arith.mulf %add3A_2460, %add3A_2468 : vector<8x1024xf32>
    %mul3A_2471 = arith.mulf %mul3A_2469, %mul3A_2470 : vector<8x1024xf32>
    %log3A_2472 = math.log %mul3A_2471 : vector<8x1024xf32>
    %log3A_2473 = arith.constant 2.000000e+00 : f32
    %log3A_2474 = math.log %log3A_2473 : f32
    %div3A_2475 = vector.broadcast %log3A_2474 : f32 to vector<8x1024xf32>
    %div3A_2476 = arith.divf %log3A_2472, %div3A_2475 : vector<8x1024xf32>
    %add3A_2477 = arith.addf %add3A_2436, %div3A_2476 : vector<8x1024xf32>
    %slice3A_2478 = vector.extract_strided_slice %get3A_1288 {offsets = [928, 0], sizes = [8, 1024], strides = [1, 1]} : vector<1000x1024xf32> to vector<8x1024xf32>
    %mul3A_2479 = arith.constant -1.44269502 : f32
    %mul3A_2480 = vector.broadcast %mul3A_2479 : f32 to vector<8x1024xf32>
    %mul3A_2481 = arith.mulf %slice3A_2478, %mul3A_2480 : vector<8x1024xf32>
    %exp23A_2482 = math.exp2 %mul3A_2481 : vector<8x1024xf32>
    %add3A_2483 = arith.constant 1.000000e+00 : f32
    %add3A_2484 = vector.broadcast %add3A_2483 : f32 to vector<8x1024xf32>
    %add3A_2485 = arith.addf %add3A_2484, %exp23A_2482 : vector<8x1024xf32>
    %slice3A_2486 = vector.extract_strided_slice %get3A_1288 {offsets = [936, 0], sizes = [8, 1024], strides = [1, 1]} : vector<1000x1024xf32> to vector<8x1024xf32>
    %mul3A_2487 = arith.constant -1.44269502 : f32
    %mul3A_2488 = vector.broadcast %mul3A_2487 : f32 to vector<8x1024xf32>
    %mul3A_2489 = arith.mulf %slice3A_2486, %mul3A_2488 : vector<8x1024xf32>
    %exp23A_2490 = math.exp2 %mul3A_2489 : vector<8x1024xf32>
    %add3A_2491 = arith.constant 1.000000e+00 : f32
    %add3A_2492 = vector.broadcast %add3A_2491 : f32 to vector<8x1024xf32>
    %add3A_2493 = arith.addf %add3A_2492, %exp23A_2490 : vector<8x1024xf32>
    %slice3A_2494 = vector.extract_strided_slice %get3A_1288 {offsets = [944, 0], sizes = [8, 1024], strides = [1, 1]} : vector<1000x1024xf32> to vector<8x1024xf32>
    %mul3A_2495 = arith.constant -1.44269502 : f32
    %mul3A_2496 = vector.broadcast %mul3A_2495 : f32 to vector<8x1024xf32>
    %mul3A_2497 = arith.mulf %slice3A_2494, %mul3A_2496 : vector<8x1024xf32>
    %exp23A_2498 = math.exp2 %mul3A_2497 : vector<8x1024xf32>
    %add3A_2499 = arith.constant 1.000000e+00 : f32
    %add3A_2500 = vector.broadcast %add3A_2499 : f32 to vector<8x1024xf32>
    %add3A_2501 = arith.addf %add3A_2500, %exp23A_2498 : vector<8x1024xf32>
    %slice3A_2502 = vector.extract_strided_slice %get3A_1288 {offsets = [952, 0], sizes = [8, 1024], strides = [1, 1]} : vector<1000x1024xf32> to vector<8x1024xf32>
    %mul3A_2503 = arith.constant -1.44269502 : f32
    %mul3A_2504 = vector.broadcast %mul3A_2503 : f32 to vector<8x1024xf32>
    %mul3A_2505 = arith.mulf %slice3A_2502, %mul3A_2504 : vector<8x1024xf32>
    %exp23A_2506 = math.exp2 %mul3A_2505 : vector<8x1024xf32>
    %add3A_2507 = arith.constant 1.000000e+00 : f32
    %add3A_2508 = vector.broadcast %add3A_2507 : f32 to vector<8x1024xf32>
    %add3A_2509 = arith.addf %add3A_2508, %exp23A_2506 : vector<8x1024xf32>
    %mul3A_2510 = arith.mulf %add3A_2485, %add3A_2493 : vector<8x1024xf32>
    %mul3A_2511 = arith.mulf %add3A_2501, %add3A_2509 : vector<8x1024xf32>
    %mul3A_2512 = arith.mulf %mul3A_2510, %mul3A_2511 : vector<8x1024xf32>
    %log3A_2513 = math.log %mul3A_2512 : vector<8x1024xf32>
    %log3A_2514 = arith.constant 2.000000e+00 : f32
    %log3A_2515 = math.log %log3A_2514 : f32
    %div3A_2516 = vector.broadcast %log3A_2515 : f32 to vector<8x1024xf32>
    %div3A_2517 = arith.divf %log3A_2513, %div3A_2516 : vector<8x1024xf32>
    %add3A_2518 = arith.addf %add3A_2477, %div3A_2517 : vector<8x1024xf32>
    %slice3A_2519 = vector.extract_strided_slice %get3A_1288 {offsets = [960, 0], sizes = [8, 1024], strides = [1, 1]} : vector<1000x1024xf32> to vector<8x1024xf32>
    %mul3A_2520 = arith.constant -1.44269502 : f32
    %mul3A_2521 = vector.broadcast %mul3A_2520 : f32 to vector<8x1024xf32>
    %mul3A_2522 = arith.mulf %slice3A_2519, %mul3A_2521 : vector<8x1024xf32>
    %exp23A_2523 = math.exp2 %mul3A_2522 : vector<8x1024xf32>
    %add3A_2524 = arith.constant 1.000000e+00 : f32
    %add3A_2525 = vector.broadcast %add3A_2524 : f32 to vector<8x1024xf32>
    %add3A_2526 = arith.addf %add3A_2525, %exp23A_2523 : vector<8x1024xf32>
    %slice3A_2527 = vector.extract_strided_slice %get3A_1288 {offsets = [968, 0], sizes = [8, 1024], strides = [1, 1]} : vector<1000x1024xf32> to vector<8x1024xf32>
    %mul3A_2528 = arith.constant -1.44269502 : f32
    %mul3A_2529 = vector.broadcast %mul3A_2528 : f32 to vector<8x1024xf32>
    %mul3A_2530 = arith.mulf %slice3A_2527, %mul3A_2529 : vector<8x1024xf32>
    %exp23A_2531 = math.exp2 %mul3A_2530 : vector<8x1024xf32>
    %add3A_2532 = arith.constant 1.000000e+00 : f32
    %add3A_2533 = vector.broadcast %add3A_2532 : f32 to vector<8x1024xf32>
    %add3A_2534 = arith.addf %add3A_2533, %exp23A_2531 : vector<8x1024xf32>
    %slice3A_2535 = vector.extract_strided_slice %get3A_1288 {offsets = [976, 0], sizes = [8, 1024], strides = [1, 1]} : vector<1000x1024xf32> to vector<8x1024xf32>
    %mul3A_2536 = arith.constant -1.44269502 : f32
    %mul3A_2537 = vector.broadcast %mul3A_2536 : f32 to vector<8x1024xf32>
    %mul3A_2538 = arith.mulf %slice3A_2535, %mul3A_2537 : vector<8x1024xf32>
    %exp23A_2539 = math.exp2 %mul3A_2538 : vector<8x1024xf32>
    %add3A_2540 = arith.constant 1.000000e+00 : f32
    %add3A_2541 = vector.broadcast %add3A_2540 : f32 to vector<8x1024xf32>
    %add3A_2542 = arith.addf %add3A_2541, %exp23A_2539 : vector<8x1024xf32>
    %slice3A_2543 = vector.extract_strided_slice %get3A_1288 {offsets = [984, 0], sizes = [8, 1024], strides = [1, 1]} : vector<1000x1024xf32> to vector<8x1024xf32>
    %mul3A_2544 = arith.constant -1.44269502 : f32
    %mul3A_2545 = vector.broadcast %mul3A_2544 : f32 to vector<8x1024xf32>
    %mul3A_2546 = arith.mulf %slice3A_2543, %mul3A_2545 : vector<8x1024xf32>
    %exp23A_2547 = math.exp2 %mul3A_2546 : vector<8x1024xf32>
    %add3A_2548 = arith.constant 1.000000e+00 : f32
    %add3A_2549 = vector.broadcast %add3A_2548 : f32 to vector<8x1024xf32>
    %add3A_2550 = arith.addf %add3A_2549, %exp23A_2547 : vector<8x1024xf32>
    %mul3A_2551 = arith.mulf %add3A_2526, %add3A_2534 : vector<8x1024xf32>
    %mul3A_2552 = arith.mulf %add3A_2542, %add3A_2550 : vector<8x1024xf32>
    %mul3A_2553 = arith.mulf %mul3A_2551, %mul3A_2552 : vector<8x1024xf32>
    %log3A_2554 = math.log %mul3A_2553 : vector<8x1024xf32>
    %log3A_2555 = arith.constant 2.000000e+00 : f32
    %log3A_2556 = math.log %log3A_2555 : f32
    %div3A_2557 = vector.broadcast %log3A_2556 : f32 to vector<8x1024xf32>
    %div3A_2558 = arith.divf %log3A_2554, %div3A_2557 : vector<8x1024xf32>
    %add3A_2559 = arith.addf %add3A_2518, %div3A_2558 : vector<8x1024xf32>
    %slice3A_2560 = vector.extract_strided_slice %get3A_1288 {offsets = [992, 0], sizes = [8, 1024], strides = [1, 1]} : vector<1000x1024xf32> to vector<8x1024xf32>
    %mul3A_2561 = arith.constant -1.44269502 : f32
    %mul3A_2562 = vector.broadcast %mul3A_2561 : f32 to vector<8x1024xf32>
    %mul3A_2563 = arith.mulf %slice3A_2560, %mul3A_2562 : vector<8x1024xf32>
    %exp23A_2564 = math.exp2 %mul3A_2563 : vector<8x1024xf32>
    %add3A_2565 = arith.constant 1.000000e+00 : f32
    %add3A_2566 = vector.broadcast %add3A_2565 : f32 to vector<8x1024xf32>
    %add3A_2567 = arith.addf %add3A_2566, %exp23A_2564 : vector<8x1024xf32>
    %log3A_2568 = math.log %add3A_2567 : vector<8x1024xf32>
    %log3A_2569 = arith.constant 2.000000e+00 : f32
    %log3A_2570 = math.log %log3A_2569 : f32
    %div3A_2571 = vector.broadcast %log3A_2570 : f32 to vector<8x1024xf32>
    %div3A_2572 = arith.divf %log3A_2568, %div3A_2571 : vector<8x1024xf32>
    %add3A_2573 = arith.addf %add3A_2559, %div3A_2572 : vector<8x1024xf32>
    %get3A_2574 = arith.constant 0 : index
    %get3A_2575 = arith.constant 0 : index
    %get3A_2576 = vector.load %arg3[%get3A_2574, %get3A_2575] : memref<1000x1024xf32, #tpu.memory_space<vmem>>, vector<1000x1024xf32>
    %slice3A_2577 = vector.extract_strided_slice %get3A_2576 {offsets = [0, 0], sizes = [8, 1024], strides = [1, 1]} : vector<1000x1024xf32> to vector<8x1024xf32>
    %mul3A_2578 = arith.constant -1.44269502 : f32
    %mul3A_2579 = vector.broadcast %mul3A_2578 : f32 to vector<8x1024xf32>
    %mul3A_2580 = arith.mulf %slice3A_2577, %mul3A_2579 : vector<8x1024xf32>
    %exp23A_2581 = math.exp2 %mul3A_2580 : vector<8x1024xf32>
    %add3A_2582 = arith.constant 1.000000e+00 : f32
    %add3A_2583 = vector.broadcast %add3A_2582 : f32 to vector<8x1024xf32>
    %add3A_2584 = arith.addf %add3A_2583, %exp23A_2581 : vector<8x1024xf32>
    %slice3A_2585 = vector.extract_strided_slice %get3A_2576 {offsets = [8, 0], sizes = [8, 1024], strides = [1, 1]} : vector<1000x1024xf32> to vector<8x1024xf32>
    %mul3A_2586 = arith.constant -1.44269502 : f32
    %mul3A_2587 = vector.broadcast %mul3A_2586 : f32 to vector<8x1024xf32>
    %mul3A_2588 = arith.mulf %slice3A_2585, %mul3A_2587 : vector<8x1024xf32>
    %exp23A_2589 = math.exp2 %mul3A_2588 : vector<8x1024xf32>
    %add3A_2590 = arith.constant 1.000000e+00 : f32
    %add3A_2591 = vector.broadcast %add3A_2590 : f32 to vector<8x1024xf32>
    %add3A_2592 = arith.addf %add3A_2591, %exp23A_2589 : vector<8x1024xf32>
    %slice3A_2593 = vector.extract_strided_slice %get3A_2576 {offsets = [16, 0], sizes = [8, 1024], strides = [1, 1]} : vector<1000x1024xf32> to vector<8x1024xf32>
    %mul3A_2594 = arith.constant -1.44269502 : f32
    %mul3A_2595 = vector.broadcast %mul3A_2594 : f32 to vector<8x1024xf32>
    %mul3A_2596 = arith.mulf %slice3A_2593, %mul3A_2595 : vector<8x1024xf32>
    %exp23A_2597 = math.exp2 %mul3A_2596 : vector<8x1024xf32>
    %add3A_2598 = arith.constant 1.000000e+00 : f32
    %add3A_2599 = vector.broadcast %add3A_2598 : f32 to vector<8x1024xf32>
    %add3A_2600 = arith.addf %add3A_2599, %exp23A_2597 : vector<8x1024xf32>
    %slice3A_2601 = vector.extract_strided_slice %get3A_2576 {offsets = [24, 0], sizes = [8, 1024], strides = [1, 1]} : vector<1000x1024xf32> to vector<8x1024xf32>
    %mul3A_2602 = arith.constant -1.44269502 : f32
    %mul3A_2603 = vector.broadcast %mul3A_2602 : f32 to vector<8x1024xf32>
    %mul3A_2604 = arith.mulf %slice3A_2601, %mul3A_2603 : vector<8x1024xf32>
    %exp23A_2605 = math.exp2 %mul3A_2604 : vector<8x1024xf32>
    %add3A_2606 = arith.constant 1.000000e+00 : f32
    %add3A_2607 = vector.broadcast %add3A_2606 : f32 to vector<8x1024xf32>
    %add3A_2608 = arith.addf %add3A_2607, %exp23A_2605 : vector<8x1024xf32>
    %mul3A_2609 = arith.mulf %add3A_2584, %add3A_2592 : vector<8x1024xf32>
    %mul3A_2610 = arith.mulf %add3A_2600, %add3A_2608 : vector<8x1024xf32>
    %mul3A_2611 = arith.mulf %mul3A_2609, %mul3A_2610 : vector<8x1024xf32>
    %log3A_2612 = math.log %mul3A_2611 : vector<8x1024xf32>
    %log3A_2613 = arith.constant 2.000000e+00 : f32
    %log3A_2614 = math.log %log3A_2613 : f32
    %div3A_2615 = vector.broadcast %log3A_2614 : f32 to vector<8x1024xf32>
    %div3A_2616 = arith.divf %log3A_2612, %div3A_2615 : vector<8x1024xf32>
    %add3A_2617 = arith.addf %add3A_2573, %div3A_2616 : vector<8x1024xf32>
    %slice3A_2618 = vector.extract_strided_slice %get3A_2576 {offsets = [32, 0], sizes = [8, 1024], strides = [1, 1]} : vector<1000x1024xf32> to vector<8x1024xf32>
    %mul3A_2619 = arith.constant -1.44269502 : f32
    %mul3A_2620 = vector.broadcast %mul3A_2619 : f32 to vector<8x1024xf32>
    %mul3A_2621 = arith.mulf %slice3A_2618, %mul3A_2620 : vector<8x1024xf32>
    %exp23A_2622 = math.exp2 %mul3A_2621 : vector<8x1024xf32>
    %add3A_2623 = arith.constant 1.000000e+00 : f32
    %add3A_2624 = vector.broadcast %add3A_2623 : f32 to vector<8x1024xf32>
    %add3A_2625 = arith.addf %add3A_2624, %exp23A_2622 : vector<8x1024xf32>
    %slice3A_2626 = vector.extract_strided_slice %get3A_2576 {offsets = [40, 0], sizes = [8, 1024], strides = [1, 1]} : vector<1000x1024xf32> to vector<8x1024xf32>
    %mul3A_2627 = arith.constant -1.44269502 : f32
    %mul3A_2628 = vector.broadcast %mul3A_2627 : f32 to vector<8x1024xf32>
    %mul3A_2629 = arith.mulf %slice3A_2626, %mul3A_2628 : vector<8x1024xf32>
    %exp23A_2630 = math.exp2 %mul3A_2629 : vector<8x1024xf32>
    %add3A_2631 = arith.constant 1.000000e+00 : f32
    %add3A_2632 = vector.broadcast %add3A_2631 : f32 to vector<8x1024xf32>
    %add3A_2633 = arith.addf %add3A_2632, %exp23A_2630 : vector<8x1024xf32>
    %slice3A_2634 = vector.extract_strided_slice %get3A_2576 {offsets = [48, 0], sizes = [8, 1024], strides = [1, 1]} : vector<1000x1024xf32> to vector<8x1024xf32>
    %mul3A_2635 = arith.constant -1.44269502 : f32
    %mul3A_2636 = vector.broadcast %mul3A_2635 : f32 to vector<8x1024xf32>
    %mul3A_2637 = arith.mulf %slice3A_2634, %mul3A_2636 : vector<8x1024xf32>
    %exp23A_2638 = math.exp2 %mul3A_2637 : vector<8x1024xf32>
    %add3A_2639 = arith.constant 1.000000e+00 : f32
    %add3A_2640 = vector.broadcast %add3A_2639 : f32 to vector<8x1024xf32>
    %add3A_2641 = arith.addf %add3A_2640, %exp23A_2638 : vector<8x1024xf32>
    %slice3A_2642 = vector.extract_strided_slice %get3A_2576 {offsets = [56, 0], sizes = [8, 1024], strides = [1, 1]} : vector<1000x1024xf32> to vector<8x1024xf32>
    %mul3A_2643 = arith.constant -1.44269502 : f32
    %mul3A_2644 = vector.broadcast %mul3A_2643 : f32 to vector<8x1024xf32>
    %mul3A_2645 = arith.mulf %slice3A_2642, %mul3A_2644 : vector<8x1024xf32>
    %exp23A_2646 = math.exp2 %mul3A_2645 : vector<8x1024xf32>
    %add3A_2647 = arith.constant 1.000000e+00 : f32
    %add3A_2648 = vector.broadcast %add3A_2647 : f32 to vector<8x1024xf32>
    %add3A_2649 = arith.addf %add3A_2648, %exp23A_2646 : vector<8x1024xf32>
    %mul3A_2650 = arith.mulf %add3A_2625, %add3A_2633 : vector<8x1024xf32>
    %mul3A_2651 = arith.mulf %add3A_2641, %add3A_2649 : vector<8x1024xf32>
    %mul3A_2652 = arith.mulf %mul3A_2650, %mul3A_2651 : vector<8x1024xf32>
    %log3A_2653 = math.log %mul3A_2652 : vector<8x1024xf32>
    %log3A_2654 = arith.constant 2.000000e+00 : f32
    %log3A_2655 = math.log %log3A_2654 : f32
    %div3A_2656 = vector.broadcast %log3A_2655 : f32 to vector<8x1024xf32>
    %div3A_2657 = arith.divf %log3A_2653, %div3A_2656 : vector<8x1024xf32>
    %add3A_2658 = arith.addf %add3A_2617, %div3A_2657 : vector<8x1024xf32>
    %slice3A_2659 = vector.extract_strided_slice %get3A_2576 {offsets = [64, 0], sizes = [8, 1024], strides = [1, 1]} : vector<1000x1024xf32> to vector<8x1024xf32>
    %mul3A_2660 = arith.constant -1.44269502 : f32
    %mul3A_2661 = vector.broadcast %mul3A_2660 : f32 to vector<8x1024xf32>
    %mul3A_2662 = arith.mulf %slice3A_2659, %mul3A_2661 : vector<8x1024xf32>
    %exp23A_2663 = math.exp2 %mul3A_2662 : vector<8x1024xf32>
    %add3A_2664 = arith.constant 1.000000e+00 : f32
    %add3A_2665 = vector.broadcast %add3A_2664 : f32 to vector<8x1024xf32>
    %add3A_2666 = arith.addf %add3A_2665, %exp23A_2663 : vector<8x1024xf32>
    %slice3A_2667 = vector.extract_strided_slice %get3A_2576 {offsets = [72, 0], sizes = [8, 1024], strides = [1, 1]} : vector<1000x1024xf32> to vector<8x1024xf32>
    %mul3A_2668 = arith.constant -1.44269502 : f32
    %mul3A_2669 = vector.broadcast %mul3A_2668 : f32 to vector<8x1024xf32>
    %mul3A_2670 = arith.mulf %slice3A_2667, %mul3A_2669 : vector<8x1024xf32>
    %exp23A_2671 = math.exp2 %mul3A_2670 : vector<8x1024xf32>
    %add3A_2672 = arith.constant 1.000000e+00 : f32
    %add3A_2673 = vector.broadcast %add3A_2672 : f32 to vector<8x1024xf32>
    %add3A_2674 = arith.addf %add3A_2673, %exp23A_2671 : vector<8x1024xf32>
    %slice3A_2675 = vector.extract_strided_slice %get3A_2576 {offsets = [80, 0], sizes = [8, 1024], strides = [1, 1]} : vector<1000x1024xf32> to vector<8x1024xf32>
    %mul3A_2676 = arith.constant -1.44269502 : f32
    %mul3A_2677 = vector.broadcast %mul3A_2676 : f32 to vector<8x1024xf32>
    %mul3A_2678 = arith.mulf %slice3A_2675, %mul3A_2677 : vector<8x1024xf32>
    %exp23A_2679 = math.exp2 %mul3A_2678 : vector<8x1024xf32>
    %add3A_2680 = arith.constant 1.000000e+00 : f32
    %add3A_2681 = vector.broadcast %add3A_2680 : f32 to vector<8x1024xf32>
    %add3A_2682 = arith.addf %add3A_2681, %exp23A_2679 : vector<8x1024xf32>
    %slice3A_2683 = vector.extract_strided_slice %get3A_2576 {offsets = [88, 0], sizes = [8, 1024], strides = [1, 1]} : vector<1000x1024xf32> to vector<8x1024xf32>
    %mul3A_2684 = arith.constant -1.44269502 : f32
    %mul3A_2685 = vector.broadcast %mul3A_2684 : f32 to vector<8x1024xf32>
    %mul3A_2686 = arith.mulf %slice3A_2683, %mul3A_2685 : vector<8x1024xf32>
    %exp23A_2687 = math.exp2 %mul3A_2686 : vector<8x1024xf32>
    %add3A_2688 = arith.constant 1.000000e+00 : f32
    %add3A_2689 = vector.broadcast %add3A_2688 : f32 to vector<8x1024xf32>
    %add3A_2690 = arith.addf %add3A_2689, %exp23A_2687 : vector<8x1024xf32>
    %mul3A_2691 = arith.mulf %add3A_2666, %add3A_2674 : vector<8x1024xf32>
    %mul3A_2692 = arith.mulf %add3A_2682, %add3A_2690 : vector<8x1024xf32>
    %mul3A_2693 = arith.mulf %mul3A_2691, %mul3A_2692 : vector<8x1024xf32>
    %log3A_2694 = math.log %mul3A_2693 : vector<8x1024xf32>
    %log3A_2695 = arith.constant 2.000000e+00 : f32
    %log3A_2696 = math.log %log3A_2695 : f32
    %div3A_2697 = vector.broadcast %log3A_2696 : f32 to vector<8x1024xf32>
    %div3A_2698 = arith.divf %log3A_2694, %div3A_2697 : vector<8x1024xf32>
    %add3A_2699 = arith.addf %add3A_2658, %div3A_2698 : vector<8x1024xf32>
    %slice3A_2700 = vector.extract_strided_slice %get3A_2576 {offsets = [96, 0], sizes = [8, 1024], strides = [1, 1]} : vector<1000x1024xf32> to vector<8x1024xf32>
    %mul3A_2701 = arith.constant -1.44269502 : f32
    %mul3A_2702 = vector.broadcast %mul3A_2701 : f32 to vector<8x1024xf32>
    %mul3A_2703 = arith.mulf %slice3A_2700, %mul3A_2702 : vector<8x1024xf32>
    %exp23A_2704 = math.exp2 %mul3A_2703 : vector<8x1024xf32>
    %add3A_2705 = arith.constant 1.000000e+00 : f32
    %add3A_2706 = vector.broadcast %add3A_2705 : f32 to vector<8x1024xf32>
    %add3A_2707 = arith.addf %add3A_2706, %exp23A_2704 : vector<8x1024xf32>
    %slice3A_2708 = vector.extract_strided_slice %get3A_2576 {offsets = [104, 0], sizes = [8, 1024], strides = [1, 1]} : vector<1000x1024xf32> to vector<8x1024xf32>
    %mul3A_2709 = arith.constant -1.44269502 : f32
    %mul3A_2710 = vector.broadcast %mul3A_2709 : f32 to vector<8x1024xf32>
    %mul3A_2711 = arith.mulf %slice3A_2708, %mul3A_2710 : vector<8x1024xf32>
    %exp23A_2712 = math.exp2 %mul3A_2711 : vector<8x1024xf32>
    %add3A_2713 = arith.constant 1.000000e+00 : f32
    %add3A_2714 = vector.broadcast %add3A_2713 : f32 to vector<8x1024xf32>
    %add3A_2715 = arith.addf %add3A_2714, %exp23A_2712 : vector<8x1024xf32>
    %slice3A_2716 = vector.extract_strided_slice %get3A_2576 {offsets = [112, 0], sizes = [8, 1024], strides = [1, 1]} : vector<1000x1024xf32> to vector<8x1024xf32>
    %mul3A_2717 = arith.constant -1.44269502 : f32
    %mul3A_2718 = vector.broadcast %mul3A_2717 : f32 to vector<8x1024xf32>
    %mul3A_2719 = arith.mulf %slice3A_2716, %mul3A_2718 : vector<8x1024xf32>
    %exp23A_2720 = math.exp2 %mul3A_2719 : vector<8x1024xf32>
    %add3A_2721 = arith.constant 1.000000e+00 : f32
    %add3A_2722 = vector.broadcast %add3A_2721 : f32 to vector<8x1024xf32>
    %add3A_2723 = arith.addf %add3A_2722, %exp23A_2720 : vector<8x1024xf32>
    %slice3A_2724 = vector.extract_strided_slice %get3A_2576 {offsets = [120, 0], sizes = [8, 1024], strides = [1, 1]} : vector<1000x1024xf32> to vector<8x1024xf32>
    %mul3A_2725 = arith.constant -1.44269502 : f32
    %mul3A_2726 = vector.broadcast %mul3A_2725 : f32 to vector<8x1024xf32>
    %mul3A_2727 = arith.mulf %slice3A_2724, %mul3A_2726 : vector<8x1024xf32>
    %exp23A_2728 = math.exp2 %mul3A_2727 : vector<8x1024xf32>
    %add3A_2729 = arith.constant 1.000000e+00 : f32
    %add3A_2730 = vector.broadcast %add3A_2729 : f32 to vector<8x1024xf32>
    %add3A_2731 = arith.addf %add3A_2730, %exp23A_2728 : vector<8x1024xf32>
    %mul3A_2732 = arith.mulf %add3A_2707, %add3A_2715 : vector<8x1024xf32>
    %mul3A_2733 = arith.mulf %add3A_2723, %add3A_2731 : vector<8x1024xf32>
    %mul3A_2734 = arith.mulf %mul3A_2732, %mul3A_2733 : vector<8x1024xf32>
    %log3A_2735 = math.log %mul3A_2734 : vector<8x1024xf32>
    %log3A_2736 = arith.constant 2.000000e+00 : f32
    %log3A_2737 = math.log %log3A_2736 : f32
    %div3A_2738 = vector.broadcast %log3A_2737 : f32 to vector<8x1024xf32>
    %div3A_2739 = arith.divf %log3A_2735, %div3A_2738 : vector<8x1024xf32>
    %add3A_2740 = arith.addf %add3A_2699, %div3A_2739 : vector<8x1024xf32>
    %slice3A_2741 = vector.extract_strided_slice %get3A_2576 {offsets = [128, 0], sizes = [8, 1024], strides = [1, 1]} : vector<1000x1024xf32> to vector<8x1024xf32>
    %mul3A_2742 = arith.constant -1.44269502 : f32
    %mul3A_2743 = vector.broadcast %mul3A_2742 : f32 to vector<8x1024xf32>
    %mul3A_2744 = arith.mulf %slice3A_2741, %mul3A_2743 : vector<8x1024xf32>
    %exp23A_2745 = math.exp2 %mul3A_2744 : vector<8x1024xf32>
    %add3A_2746 = arith.constant 1.000000e+00 : f32
    %add3A_2747 = vector.broadcast %add3A_2746 : f32 to vector<8x1024xf32>
    %add3A_2748 = arith.addf %add3A_2747, %exp23A_2745 : vector<8x1024xf32>
    %slice3A_2749 = vector.extract_strided_slice %get3A_2576 {offsets = [136, 0], sizes = [8, 1024], strides = [1, 1]} : vector<1000x1024xf32> to vector<8x1024xf32>
    %mul3A_2750 = arith.constant -1.44269502 : f32
    %mul3A_2751 = vector.broadcast %mul3A_2750 : f32 to vector<8x1024xf32>
    %mul3A_2752 = arith.mulf %slice3A_2749, %mul3A_2751 : vector<8x1024xf32>
    %exp23A_2753 = math.exp2 %mul3A_2752 : vector<8x1024xf32>
    %add3A_2754 = arith.constant 1.000000e+00 : f32
    %add3A_2755 = vector.broadcast %add3A_2754 : f32 to vector<8x1024xf32>
    %add3A_2756 = arith.addf %add3A_2755, %exp23A_2753 : vector<8x1024xf32>
    %slice3A_2757 = vector.extract_strided_slice %get3A_2576 {offsets = [144, 0], sizes = [8, 1024], strides = [1, 1]} : vector<1000x1024xf32> to vector<8x1024xf32>
    %mul3A_2758 = arith.constant -1.44269502 : f32
    %mul3A_2759 = vector.broadcast %mul3A_2758 : f32 to vector<8x1024xf32>
    %mul3A_2760 = arith.mulf %slice3A_2757, %mul3A_2759 : vector<8x1024xf32>
    %exp23A_2761 = math.exp2 %mul3A_2760 : vector<8x1024xf32>
    %add3A_2762 = arith.constant 1.000000e+00 : f32
    %add3A_2763 = vector.broadcast %add3A_2762 : f32 to vector<8x1024xf32>
    %add3A_2764 = arith.addf %add3A_2763, %exp23A_2761 : vector<8x1024xf32>
    %slice3A_2765 = vector.extract_strided_slice %get3A_2576 {offsets = [152, 0], sizes = [8, 1024], strides = [1, 1]} : vector<1000x1024xf32> to vector<8x1024xf32>
    %mul3A_2766 = arith.constant -1.44269502 : f32
    %mul3A_2767 = vector.broadcast %mul3A_2766 : f32 to vector<8x1024xf32>
    %mul3A_2768 = arith.mulf %slice3A_2765, %mul3A_2767 : vector<8x1024xf32>
    %exp23A_2769 = math.exp2 %mul3A_2768 : vector<8x1024xf32>
    %add3A_2770 = arith.constant 1.000000e+00 : f32
    %add3A_2771 = vector.broadcast %add3A_2770 : f32 to vector<8x1024xf32>
    %add3A_2772 = arith.addf %add3A_2771, %exp23A_2769 : vector<8x1024xf32>
    %mul3A_2773 = arith.mulf %add3A_2748, %add3A_2756 : vector<8x1024xf32>
    %mul3A_2774 = arith.mulf %add3A_2764, %add3A_2772 : vector<8x1024xf32>
    %mul3A_2775 = arith.mulf %mul3A_2773, %mul3A_2774 : vector<8x1024xf32>
    %log3A_2776 = math.log %mul3A_2775 : vector<8x1024xf32>
    %log3A_2777 = arith.constant 2.000000e+00 : f32
    %log3A_2778 = math.log %log3A_2777 : f32
    %div3A_2779 = vector.broadcast %log3A_2778 : f32 to vector<8x1024xf32>
    %div3A_2780 = arith.divf %log3A_2776, %div3A_2779 : vector<8x1024xf32>
    %add3A_2781 = arith.addf %add3A_2740, %div3A_2780 : vector<8x1024xf32>
    %slice3A_2782 = vector.extract_strided_slice %get3A_2576 {offsets = [160, 0], sizes = [8, 1024], strides = [1, 1]} : vector<1000x1024xf32> to vector<8x1024xf32>
    %mul3A_2783 = arith.constant -1.44269502 : f32
    %mul3A_2784 = vector.broadcast %mul3A_2783 : f32 to vector<8x1024xf32>
    %mul3A_2785 = arith.mulf %slice3A_2782, %mul3A_2784 : vector<8x1024xf32>
    %exp23A_2786 = math.exp2 %mul3A_2785 : vector<8x1024xf32>
    %add3A_2787 = arith.constant 1.000000e+00 : f32
    %add3A_2788 = vector.broadcast %add3A_2787 : f32 to vector<8x1024xf32>
    %add3A_2789 = arith.addf %add3A_2788, %exp23A_2786 : vector<8x1024xf32>
    %slice3A_2790 = vector.extract_strided_slice %get3A_2576 {offsets = [168, 0], sizes = [8, 1024], strides = [1, 1]} : vector<1000x1024xf32> to vector<8x1024xf32>
    %mul3A_2791 = arith.constant -1.44269502 : f32
    %mul3A_2792 = vector.broadcast %mul3A_2791 : f32 to vector<8x1024xf32>
    %mul3A_2793 = arith.mulf %slice3A_2790, %mul3A_2792 : vector<8x1024xf32>
    %exp23A_2794 = math.exp2 %mul3A_2793 : vector<8x1024xf32>
    %add3A_2795 = arith.constant 1.000000e+00 : f32
    %add3A_2796 = vector.broadcast %add3A_2795 : f32 to vector<8x1024xf32>
    %add3A_2797 = arith.addf %add3A_2796, %exp23A_2794 : vector<8x1024xf32>
    %slice3A_2798 = vector.extract_strided_slice %get3A_2576 {offsets = [176, 0], sizes = [8, 1024], strides = [1, 1]} : vector<1000x1024xf32> to vector<8x1024xf32>
    %mul3A_2799 = arith.constant -1.44269502 : f32
    %mul3A_2800 = vector.broadcast %mul3A_2799 : f32 to vector<8x1024xf32>
    %mul3A_2801 = arith.mulf %slice3A_2798, %mul3A_2800 : vector<8x1024xf32>
    %exp23A_2802 = math.exp2 %mul3A_2801 : vector<8x1024xf32>
    %add3A_2803 = arith.constant 1.000000e+00 : f32
    %add3A_2804 = vector.broadcast %add3A_2803 : f32 to vector<8x1024xf32>
    %add3A_2805 = arith.addf %add3A_2804, %exp23A_2802 : vector<8x1024xf32>
    %slice3A_2806 = vector.extract_strided_slice %get3A_2576 {offsets = [184, 0], sizes = [8, 1024], strides = [1, 1]} : vector<1000x1024xf32> to vector<8x1024xf32>
    %mul3A_2807 = arith.constant -1.44269502 : f32
    %mul3A_2808 = vector.broadcast %mul3A_2807 : f32 to vector<8x1024xf32>
    %mul3A_2809 = arith.mulf %slice3A_2806, %mul3A_2808 : vector<8x1024xf32>
    %exp23A_2810 = math.exp2 %mul3A_2809 : vector<8x1024xf32>
    %add3A_2811 = arith.constant 1.000000e+00 : f32
    %add3A_2812 = vector.broadcast %add3A_2811 : f32 to vector<8x1024xf32>
    %add3A_2813 = arith.addf %add3A_2812, %exp23A_2810 : vector<8x1024xf32>
    %mul3A_2814 = arith.mulf %add3A_2789, %add3A_2797 : vector<8x1024xf32>
    %mul3A_2815 = arith.mulf %add3A_2805, %add3A_2813 : vector<8x1024xf32>
    %mul3A_2816 = arith.mulf %mul3A_2814, %mul3A_2815 : vector<8x1024xf32>
    %log3A_2817 = math.log %mul3A_2816 : vector<8x1024xf32>
    %log3A_2818 = arith.constant 2.000000e+00 : f32
    %log3A_2819 = math.log %log3A_2818 : f32
    %div3A_2820 = vector.broadcast %log3A_2819 : f32 to vector<8x1024xf32>
    %div3A_2821 = arith.divf %log3A_2817, %div3A_2820 : vector<8x1024xf32>
    %add3A_2822 = arith.addf %add3A_2781, %div3A_2821 : vector<8x1024xf32>
    %slice3A_2823 = vector.extract_strided_slice %get3A_2576 {offsets = [192, 0], sizes = [8, 1024], strides = [1, 1]} : vector<1000x1024xf32> to vector<8x1024xf32>
    %mul3A_2824 = arith.constant -1.44269502 : f32
    %mul3A_2825 = vector.broadcast %mul3A_2824 : f32 to vector<8x1024xf32>
    %mul3A_2826 = arith.mulf %slice3A_2823, %mul3A_2825 : vector<8x1024xf32>
    %exp23A_2827 = math.exp2 %mul3A_2826 : vector<8x1024xf32>
    %add3A_2828 = arith.constant 1.000000e+00 : f32
    %add3A_2829 = vector.broadcast %add3A_2828 : f32 to vector<8x1024xf32>
    %add3A_2830 = arith.addf %add3A_2829, %exp23A_2827 : vector<8x1024xf32>
    %slice3A_2831 = vector.extract_strided_slice %get3A_2576 {offsets = [200, 0], sizes = [8, 1024], strides = [1, 1]} : vector<1000x1024xf32> to vector<8x1024xf32>
    %mul3A_2832 = arith.constant -1.44269502 : f32
    %mul3A_2833 = vector.broadcast %mul3A_2832 : f32 to vector<8x1024xf32>
    %mul3A_2834 = arith.mulf %slice3A_2831, %mul3A_2833 : vector<8x1024xf32>
    %exp23A_2835 = math.exp2 %mul3A_2834 : vector<8x1024xf32>
    %add3A_2836 = arith.constant 1.000000e+00 : f32
    %add3A_2837 = vector.broadcast %add3A_2836 : f32 to vector<8x1024xf32>
    %add3A_2838 = arith.addf %add3A_2837, %exp23A_2835 : vector<8x1024xf32>
    %slice3A_2839 = vector.extract_strided_slice %get3A_2576 {offsets = [208, 0], sizes = [8, 1024], strides = [1, 1]} : vector<1000x1024xf32> to vector<8x1024xf32>
    %mul3A_2840 = arith.constant -1.44269502 : f32
    %mul3A_2841 = vector.broadcast %mul3A_2840 : f32 to vector<8x1024xf32>
    %mul3A_2842 = arith.mulf %slice3A_2839, %mul3A_2841 : vector<8x1024xf32>
    %exp23A_2843 = math.exp2 %mul3A_2842 : vector<8x1024xf32>
    %add3A_2844 = arith.constant 1.000000e+00 : f32
    %add3A_2845 = vector.broadcast %add3A_2844 : f32 to vector<8x1024xf32>
    %add3A_2846 = arith.addf %add3A_2845, %exp23A_2843 : vector<8x1024xf32>
    %slice3A_2847 = vector.extract_strided_slice %get3A_2576 {offsets = [216, 0], sizes = [8, 1024], strides = [1, 1]} : vector<1000x1024xf32> to vector<8x1024xf32>
    %mul3A_2848 = arith.constant -1.44269502 : f32
    %mul3A_2849 = vector.broadcast %mul3A_2848 : f32 to vector<8x1024xf32>
    %mul3A_2850 = arith.mulf %slice3A_2847, %mul3A_2849 : vector<8x1024xf32>
    %exp23A_2851 = math.exp2 %mul3A_2850 : vector<8x1024xf32>
    %add3A_2852 = arith.constant 1.000000e+00 : f32
    %add3A_2853 = vector.broadcast %add3A_2852 : f32 to vector<8x1024xf32>
    %add3A_2854 = arith.addf %add3A_2853, %exp23A_2851 : vector<8x1024xf32>
    %mul3A_2855 = arith.mulf %add3A_2830, %add3A_2838 : vector<8x1024xf32>
    %mul3A_2856 = arith.mulf %add3A_2846, %add3A_2854 : vector<8x1024xf32>
    %mul3A_2857 = arith.mulf %mul3A_2855, %mul3A_2856 : vector<8x1024xf32>
    %log3A_2858 = math.log %mul3A_2857 : vector<8x1024xf32>
    %log3A_2859 = arith.constant 2.000000e+00 : f32
    %log3A_2860 = math.log %log3A_2859 : f32
    %div3A_2861 = vector.broadcast %log3A_2860 : f32 to vector<8x1024xf32>
    %div3A_2862 = arith.divf %log3A_2858, %div3A_2861 : vector<8x1024xf32>
    %add3A_2863 = arith.addf %add3A_2822, %div3A_2862 : vector<8x1024xf32>
    %slice3A_2864 = vector.extract_strided_slice %get3A_2576 {offsets = [224, 0], sizes = [8, 1024], strides = [1, 1]} : vector<1000x1024xf32> to vector<8x1024xf32>
    %mul3A_2865 = arith.constant -1.44269502 : f32
    %mul3A_2866 = vector.broadcast %mul3A_2865 : f32 to vector<8x1024xf32>
    %mul3A_2867 = arith.mulf %slice3A_2864, %mul3A_2866 : vector<8x1024xf32>
    %exp23A_2868 = math.exp2 %mul3A_2867 : vector<8x1024xf32>
    %add3A_2869 = arith.constant 1.000000e+00 : f32
    %add3A_2870 = vector.broadcast %add3A_2869 : f32 to vector<8x1024xf32>
    %add3A_2871 = arith.addf %add3A_2870, %exp23A_2868 : vector<8x1024xf32>
    %slice3A_2872 = vector.extract_strided_slice %get3A_2576 {offsets = [232, 0], sizes = [8, 1024], strides = [1, 1]} : vector<1000x1024xf32> to vector<8x1024xf32>
    %mul3A_2873 = arith.constant -1.44269502 : f32
    %mul3A_2874 = vector.broadcast %mul3A_2873 : f32 to vector<8x1024xf32>
    %mul3A_2875 = arith.mulf %slice3A_2872, %mul3A_2874 : vector<8x1024xf32>
    %exp23A_2876 = math.exp2 %mul3A_2875 : vector<8x1024xf32>
    %add3A_2877 = arith.constant 1.000000e+00 : f32
    %add3A_2878 = vector.broadcast %add3A_2877 : f32 to vector<8x1024xf32>
    %add3A_2879 = arith.addf %add3A_2878, %exp23A_2876 : vector<8x1024xf32>
    %slice3A_2880 = vector.extract_strided_slice %get3A_2576 {offsets = [240, 0], sizes = [8, 1024], strides = [1, 1]} : vector<1000x1024xf32> to vector<8x1024xf32>
    %mul3A_2881 = arith.constant -1.44269502 : f32
    %mul3A_2882 = vector.broadcast %mul3A_2881 : f32 to vector<8x1024xf32>
    %mul3A_2883 = arith.mulf %slice3A_2880, %mul3A_2882 : vector<8x1024xf32>
    %exp23A_2884 = math.exp2 %mul3A_2883 : vector<8x1024xf32>
    %add3A_2885 = arith.constant 1.000000e+00 : f32
    %add3A_2886 = vector.broadcast %add3A_2885 : f32 to vector<8x1024xf32>
    %add3A_2887 = arith.addf %add3A_2886, %exp23A_2884 : vector<8x1024xf32>
    %slice3A_2888 = vector.extract_strided_slice %get3A_2576 {offsets = [248, 0], sizes = [8, 1024], strides = [1, 1]} : vector<1000x1024xf32> to vector<8x1024xf32>
    %mul3A_2889 = arith.constant -1.44269502 : f32
    %mul3A_2890 = vector.broadcast %mul3A_2889 : f32 to vector<8x1024xf32>
    %mul3A_2891 = arith.mulf %slice3A_2888, %mul3A_2890 : vector<8x1024xf32>
    %exp23A_2892 = math.exp2 %mul3A_2891 : vector<8x1024xf32>
    %add3A_2893 = arith.constant 1.000000e+00 : f32
    %add3A_2894 = vector.broadcast %add3A_2893 : f32 to vector<8x1024xf32>
    %add3A_2895 = arith.addf %add3A_2894, %exp23A_2892 : vector<8x1024xf32>
    %mul3A_2896 = arith.mulf %add3A_2871, %add3A_2879 : vector<8x1024xf32>
    %mul3A_2897 = arith.mulf %add3A_2887, %add3A_2895 : vector<8x1024xf32>
    %mul3A_2898 = arith.mulf %mul3A_2896, %mul3A_2897 : vector<8x1024xf32>
    %log3A_2899 = math.log %mul3A_2898 : vector<8x1024xf32>
    %log3A_2900 = arith.constant 2.000000e+00 : f32
    %log3A_2901 = math.log %log3A_2900 : f32
    %div3A_2902 = vector.broadcast %log3A_2901 : f32 to vector<8x1024xf32>
    %div3A_2903 = arith.divf %log3A_2899, %div3A_2902 : vector<8x1024xf32>
    %add3A_2904 = arith.addf %add3A_2863, %div3A_2903 : vector<8x1024xf32>
    %slice3A_2905 = vector.extract_strided_slice %get3A_2576 {offsets = [256, 0], sizes = [8, 1024], strides = [1, 1]} : vector<1000x1024xf32> to vector<8x1024xf32>
    %mul3A_2906 = arith.constant -1.44269502 : f32
    %mul3A_2907 = vector.broadcast %mul3A_2906 : f32 to vector<8x1024xf32>
    %mul3A_2908 = arith.mulf %slice3A_2905, %mul3A_2907 : vector<8x1024xf32>
    %exp23A_2909 = math.exp2 %mul3A_2908 : vector<8x1024xf32>
    %add3A_2910 = arith.constant 1.000000e+00 : f32
    %add3A_2911 = vector.broadcast %add3A_2910 : f32 to vector<8x1024xf32>
    %add3A_2912 = arith.addf %add3A_2911, %exp23A_2909 : vector<8x1024xf32>
    %slice3A_2913 = vector.extract_strided_slice %get3A_2576 {offsets = [264, 0], sizes = [8, 1024], strides = [1, 1]} : vector<1000x1024xf32> to vector<8x1024xf32>
    %mul3A_2914 = arith.constant -1.44269502 : f32
    %mul3A_2915 = vector.broadcast %mul3A_2914 : f32 to vector<8x1024xf32>
    %mul3A_2916 = arith.mulf %slice3A_2913, %mul3A_2915 : vector<8x1024xf32>
    %exp23A_2917 = math.exp2 %mul3A_2916 : vector<8x1024xf32>
    %add3A_2918 = arith.constant 1.000000e+00 : f32
    %add3A_2919 = vector.broadcast %add3A_2918 : f32 to vector<8x1024xf32>
    %add3A_2920 = arith.addf %add3A_2919, %exp23A_2917 : vector<8x1024xf32>
    %slice3A_2921 = vector.extract_strided_slice %get3A_2576 {offsets = [272, 0], sizes = [8, 1024], strides = [1, 1]} : vector<1000x1024xf32> to vector<8x1024xf32>
    %mul3A_2922 = arith.constant -1.44269502 : f32
    %mul3A_2923 = vector.broadcast %mul3A_2922 : f32 to vector<8x1024xf32>
    %mul3A_2924 = arith.mulf %slice3A_2921, %mul3A_2923 : vector<8x1024xf32>
    %exp23A_2925 = math.exp2 %mul3A_2924 : vector<8x1024xf32>
    %add3A_2926 = arith.constant 1.000000e+00 : f32
    %add3A_2927 = vector.broadcast %add3A_2926 : f32 to vector<8x1024xf32>
    %add3A_2928 = arith.addf %add3A_2927, %exp23A_2925 : vector<8x1024xf32>
    %slice3A_2929 = vector.extract_strided_slice %get3A_2576 {offsets = [280, 0], sizes = [8, 1024], strides = [1, 1]} : vector<1000x1024xf32> to vector<8x1024xf32>
    %mul3A_2930 = arith.constant -1.44269502 : f32
    %mul3A_2931 = vector.broadcast %mul3A_2930 : f32 to vector<8x1024xf32>
    %mul3A_2932 = arith.mulf %slice3A_2929, %mul3A_2931 : vector<8x1024xf32>
    %exp23A_2933 = math.exp2 %mul3A_2932 : vector<8x1024xf32>
    %add3A_2934 = arith.constant 1.000000e+00 : f32
    %add3A_2935 = vector.broadcast %add3A_2934 : f32 to vector<8x1024xf32>
    %add3A_2936 = arith.addf %add3A_2935, %exp23A_2933 : vector<8x1024xf32>
    %mul3A_2937 = arith.mulf %add3A_2912, %add3A_2920 : vector<8x1024xf32>
    %mul3A_2938 = arith.mulf %add3A_2928, %add3A_2936 : vector<8x1024xf32>
    %mul3A_2939 = arith.mulf %mul3A_2937, %mul3A_2938 : vector<8x1024xf32>
    %log3A_2940 = math.log %mul3A_2939 : vector<8x1024xf32>
    %log3A_2941 = arith.constant 2.000000e+00 : f32
    %log3A_2942 = math.log %log3A_2941 : f32
    %div3A_2943 = vector.broadcast %log3A_2942 : f32 to vector<8x1024xf32>
    %div3A_2944 = arith.divf %log3A_2940, %div3A_2943 : vector<8x1024xf32>
    %add3A_2945 = arith.addf %add3A_2904, %div3A_2944 : vector<8x1024xf32>
    %slice3A_2946 = vector.extract_strided_slice %get3A_2576 {offsets = [288, 0], sizes = [8, 1024], strides = [1, 1]} : vector<1000x1024xf32> to vector<8x1024xf32>
    %mul3A_2947 = arith.constant -1.44269502 : f32
    %mul3A_2948 = vector.broadcast %mul3A_2947 : f32 to vector<8x1024xf32>
    %mul3A_2949 = arith.mulf %slice3A_2946, %mul3A_2948 : vector<8x1024xf32>
    %exp23A_2950 = math.exp2 %mul3A_2949 : vector<8x1024xf32>
    %add3A_2951 = arith.constant 1.000000e+00 : f32
    %add3A_2952 = vector.broadcast %add3A_2951 : f32 to vector<8x1024xf32>
    %add3A_2953 = arith.addf %add3A_2952, %exp23A_2950 : vector<8x1024xf32>
    %slice3A_2954 = vector.extract_strided_slice %get3A_2576 {offsets = [296, 0], sizes = [8, 1024], strides = [1, 1]} : vector<1000x1024xf32> to vector<8x1024xf32>
    %mul3A_2955 = arith.constant -1.44269502 : f32
    %mul3A_2956 = vector.broadcast %mul3A_2955 : f32 to vector<8x1024xf32>
    %mul3A_2957 = arith.mulf %slice3A_2954, %mul3A_2956 : vector<8x1024xf32>
    %exp23A_2958 = math.exp2 %mul3A_2957 : vector<8x1024xf32>
    %add3A_2959 = arith.constant 1.000000e+00 : f32
    %add3A_2960 = vector.broadcast %add3A_2959 : f32 to vector<8x1024xf32>
    %add3A_2961 = arith.addf %add3A_2960, %exp23A_2958 : vector<8x1024xf32>
    %slice3A_2962 = vector.extract_strided_slice %get3A_2576 {offsets = [304, 0], sizes = [8, 1024], strides = [1, 1]} : vector<1000x1024xf32> to vector<8x1024xf32>
    %mul3A_2963 = arith.constant -1.44269502 : f32
    %mul3A_2964 = vector.broadcast %mul3A_2963 : f32 to vector<8x1024xf32>
    %mul3A_2965 = arith.mulf %slice3A_2962, %mul3A_2964 : vector<8x1024xf32>
    %exp23A_2966 = math.exp2 %mul3A_2965 : vector<8x1024xf32>
    %add3A_2967 = arith.constant 1.000000e+00 : f32
    %add3A_2968 = vector.broadcast %add3A_2967 : f32 to vector<8x1024xf32>
    %add3A_2969 = arith.addf %add3A_2968, %exp23A_2966 : vector<8x1024xf32>
    %slice3A_2970 = vector.extract_strided_slice %get3A_2576 {offsets = [312, 0], sizes = [8, 1024], strides = [1, 1]} : vector<1000x1024xf32> to vector<8x1024xf32>
    %mul3A_2971 = arith.constant -1.44269502 : f32
    %mul3A_2972 = vector.broadcast %mul3A_2971 : f32 to vector<8x1024xf32>
    %mul3A_2973 = arith.mulf %slice3A_2970, %mul3A_2972 : vector<8x1024xf32>
    %exp23A_2974 = math.exp2 %mul3A_2973 : vector<8x1024xf32>
    %add3A_2975 = arith.constant 1.000000e+00 : f32
    %add3A_2976 = vector.broadcast %add3A_2975 : f32 to vector<8x1024xf32>
    %add3A_2977 = arith.addf %add3A_2976, %exp23A_2974 : vector<8x1024xf32>
    %mul3A_2978 = arith.mulf %add3A_2953, %add3A_2961 : vector<8x1024xf32>
    %mul3A_2979 = arith.mulf %add3A_2969, %add3A_2977 : vector<8x1024xf32>
    %mul3A_2980 = arith.mulf %mul3A_2978, %mul3A_2979 : vector<8x1024xf32>
    %log3A_2981 = math.log %mul3A_2980 : vector<8x1024xf32>
    %log3A_2982 = arith.constant 2.000000e+00 : f32
    %log3A_2983 = math.log %log3A_2982 : f32
    %div3A_2984 = vector.broadcast %log3A_2983 : f32 to vector<8x1024xf32>
    %div3A_2985 = arith.divf %log3A_2981, %div3A_2984 : vector<8x1024xf32>
    %add3A_2986 = arith.addf %add3A_2945, %div3A_2985 : vector<8x1024xf32>
    %slice3A_2987 = vector.extract_strided_slice %get3A_2576 {offsets = [320, 0], sizes = [8, 1024], strides = [1, 1]} : vector<1000x1024xf32> to vector<8x1024xf32>
    %mul3A_2988 = arith.constant -1.44269502 : f32
    %mul3A_2989 = vector.broadcast %mul3A_2988 : f32 to vector<8x1024xf32>
    %mul3A_2990 = arith.mulf %slice3A_2987, %mul3A_2989 : vector<8x1024xf32>
    %exp23A_2991 = math.exp2 %mul3A_2990 : vector<8x1024xf32>
    %add3A_2992 = arith.constant 1.000000e+00 : f32
    %add3A_2993 = vector.broadcast %add3A_2992 : f32 to vector<8x1024xf32>
    %add3A_2994 = arith.addf %add3A_2993, %exp23A_2991 : vector<8x1024xf32>
    %slice3A_2995 = vector.extract_strided_slice %get3A_2576 {offsets = [328, 0], sizes = [8, 1024], strides = [1, 1]} : vector<1000x1024xf32> to vector<8x1024xf32>
    %mul3A_2996 = arith.constant -1.44269502 : f32
    %mul3A_2997 = vector.broadcast %mul3A_2996 : f32 to vector<8x1024xf32>
    %mul3A_2998 = arith.mulf %slice3A_2995, %mul3A_2997 : vector<8x1024xf32>
    %exp23A_2999 = math.exp2 %mul3A_2998 : vector<8x1024xf32>
    %add3A_3000 = arith.constant 1.000000e+00 : f32
    %add3A_3001 = vector.broadcast %add3A_3000 : f32 to vector<8x1024xf32>
    %add3A_3002 = arith.addf %add3A_3001, %exp23A_2999 : vector<8x1024xf32>
    %slice3A_3003 = vector.extract_strided_slice %get3A_2576 {offsets = [336, 0], sizes = [8, 1024], strides = [1, 1]} : vector<1000x1024xf32> to vector<8x1024xf32>
    %mul3A_3004 = arith.constant -1.44269502 : f32
    %mul3A_3005 = vector.broadcast %mul3A_3004 : f32 to vector<8x1024xf32>
    %mul3A_3006 = arith.mulf %slice3A_3003, %mul3A_3005 : vector<8x1024xf32>
    %exp23A_3007 = math.exp2 %mul3A_3006 : vector<8x1024xf32>
    %add3A_3008 = arith.constant 1.000000e+00 : f32
    %add3A_3009 = vector.broadcast %add3A_3008 : f32 to vector<8x1024xf32>
    %add3A_3010 = arith.addf %add3A_3009, %exp23A_3007 : vector<8x1024xf32>
    %slice3A_3011 = vector.extract_strided_slice %get3A_2576 {offsets = [344, 0], sizes = [8, 1024], strides = [1, 1]} : vector<1000x1024xf32> to vector<8x1024xf32>
    %mul3A_3012 = arith.constant -1.44269502 : f32
    %mul3A_3013 = vector.broadcast %mul3A_3012 : f32 to vector<8x1024xf32>
    %mul3A_3014 = arith.mulf %slice3A_3011, %mul3A_3013 : vector<8x1024xf32>
    %exp23A_3015 = math.exp2 %mul3A_3014 : vector<8x1024xf32>
    %add3A_3016 = arith.constant 1.000000e+00 : f32
    %add3A_3017 = vector.broadcast %add3A_3016 : f32 to vector<8x1024xf32>
    %add3A_3018 = arith.addf %add3A_3017, %exp23A_3015 : vector<8x1024xf32>
    %mul3A_3019 = arith.mulf %add3A_2994, %add3A_3002 : vector<8x1024xf32>
    %mul3A_3020 = arith.mulf %add3A_3010, %add3A_3018 : vector<8x1024xf32>
    %mul3A_3021 = arith.mulf %mul3A_3019, %mul3A_3020 : vector<8x1024xf32>
    %log3A_3022 = math.log %mul3A_3021 : vector<8x1024xf32>
    %log3A_3023 = arith.constant 2.000000e+00 : f32
    %log3A_3024 = math.log %log3A_3023 : f32
    %div3A_3025 = vector.broadcast %log3A_3024 : f32 to vector<8x1024xf32>
    %div3A_3026 = arith.divf %log3A_3022, %div3A_3025 : vector<8x1024xf32>
    %add3A_3027 = arith.addf %add3A_2986, %div3A_3026 : vector<8x1024xf32>
    %slice3A_3028 = vector.extract_strided_slice %get3A_2576 {offsets = [352, 0], sizes = [8, 1024], strides = [1, 1]} : vector<1000x1024xf32> to vector<8x1024xf32>
    %mul3A_3029 = arith.constant -1.44269502 : f32
    %mul3A_3030 = vector.broadcast %mul3A_3029 : f32 to vector<8x1024xf32>
    %mul3A_3031 = arith.mulf %slice3A_3028, %mul3A_3030 : vector<8x1024xf32>
    %exp23A_3032 = math.exp2 %mul3A_3031 : vector<8x1024xf32>
    %add3A_3033 = arith.constant 1.000000e+00 : f32
    %add3A_3034 = vector.broadcast %add3A_3033 : f32 to vector<8x1024xf32>
    %add3A_3035 = arith.addf %add3A_3034, %exp23A_3032 : vector<8x1024xf32>
    %slice3A_3036 = vector.extract_strided_slice %get3A_2576 {offsets = [360, 0], sizes = [8, 1024], strides = [1, 1]} : vector<1000x1024xf32> to vector<8x1024xf32>
    %mul3A_3037 = arith.constant -1.44269502 : f32
    %mul3A_3038 = vector.broadcast %mul3A_3037 : f32 to vector<8x1024xf32>
    %mul3A_3039 = arith.mulf %slice3A_3036, %mul3A_3038 : vector<8x1024xf32>
    %exp23A_3040 = math.exp2 %mul3A_3039 : vector<8x1024xf32>
    %add3A_3041 = arith.constant 1.000000e+00 : f32
    %add3A_3042 = vector.broadcast %add3A_3041 : f32 to vector<8x1024xf32>
    %add3A_3043 = arith.addf %add3A_3042, %exp23A_3040 : vector<8x1024xf32>
    %slice3A_3044 = vector.extract_strided_slice %get3A_2576 {offsets = [368, 0], sizes = [8, 1024], strides = [1, 1]} : vector<1000x1024xf32> to vector<8x1024xf32>
    %mul3A_3045 = arith.constant -1.44269502 : f32
    %mul3A_3046 = vector.broadcast %mul3A_3045 : f32 to vector<8x1024xf32>
    %mul3A_3047 = arith.mulf %slice3A_3044, %mul3A_3046 : vector<8x1024xf32>
    %exp23A_3048 = math.exp2 %mul3A_3047 : vector<8x1024xf32>
    %add3A_3049 = arith.constant 1.000000e+00 : f32
    %add3A_3050 = vector.broadcast %add3A_3049 : f32 to vector<8x1024xf32>
    %add3A_3051 = arith.addf %add3A_3050, %exp23A_3048 : vector<8x1024xf32>
    %slice3A_3052 = vector.extract_strided_slice %get3A_2576 {offsets = [376, 0], sizes = [8, 1024], strides = [1, 1]} : vector<1000x1024xf32> to vector<8x1024xf32>
    %mul3A_3053 = arith.constant -1.44269502 : f32
    %mul3A_3054 = vector.broadcast %mul3A_3053 : f32 to vector<8x1024xf32>
    %mul3A_3055 = arith.mulf %slice3A_3052, %mul3A_3054 : vector<8x1024xf32>
    %exp23A_3056 = math.exp2 %mul3A_3055 : vector<8x1024xf32>
    %add3A_3057 = arith.constant 1.000000e+00 : f32
    %add3A_3058 = vector.broadcast %add3A_3057 : f32 to vector<8x1024xf32>
    %add3A_3059 = arith.addf %add3A_3058, %exp23A_3056 : vector<8x1024xf32>
    %mul3A_3060 = arith.mulf %add3A_3035, %add3A_3043 : vector<8x1024xf32>
    %mul3A_3061 = arith.mulf %add3A_3051, %add3A_3059 : vector<8x1024xf32>
    %mul3A_3062 = arith.mulf %mul3A_3060, %mul3A_3061 : vector<8x1024xf32>
    %log3A_3063 = math.log %mul3A_3062 : vector<8x1024xf32>
    %log3A_3064 = arith.constant 2.000000e+00 : f32
    %log3A_3065 = math.log %log3A_3064 : f32
    %div3A_3066 = vector.broadcast %log3A_3065 : f32 to vector<8x1024xf32>
    %div3A_3067 = arith.divf %log3A_3063, %div3A_3066 : vector<8x1024xf32>
    %add3A_3068 = arith.addf %add3A_3027, %div3A_3067 : vector<8x1024xf32>
    %slice3A_3069 = vector.extract_strided_slice %get3A_2576 {offsets = [384, 0], sizes = [8, 1024], strides = [1, 1]} : vector<1000x1024xf32> to vector<8x1024xf32>
    %mul3A_3070 = arith.constant -1.44269502 : f32
    %mul3A_3071 = vector.broadcast %mul3A_3070 : f32 to vector<8x1024xf32>
    %mul3A_3072 = arith.mulf %slice3A_3069, %mul3A_3071 : vector<8x1024xf32>
    %exp23A_3073 = math.exp2 %mul3A_3072 : vector<8x1024xf32>
    %add3A_3074 = arith.constant 1.000000e+00 : f32
    %add3A_3075 = vector.broadcast %add3A_3074 : f32 to vector<8x1024xf32>
    %add3A_3076 = arith.addf %add3A_3075, %exp23A_3073 : vector<8x1024xf32>
    %slice3A_3077 = vector.extract_strided_slice %get3A_2576 {offsets = [392, 0], sizes = [8, 1024], strides = [1, 1]} : vector<1000x1024xf32> to vector<8x1024xf32>
    %mul3A_3078 = arith.constant -1.44269502 : f32
    %mul3A_3079 = vector.broadcast %mul3A_3078 : f32 to vector<8x1024xf32>
    %mul3A_3080 = arith.mulf %slice3A_3077, %mul3A_3079 : vector<8x1024xf32>
    %exp23A_3081 = math.exp2 %mul3A_3080 : vector<8x1024xf32>
    %add3A_3082 = arith.constant 1.000000e+00 : f32
    %add3A_3083 = vector.broadcast %add3A_3082 : f32 to vector<8x1024xf32>
    %add3A_3084 = arith.addf %add3A_3083, %exp23A_3081 : vector<8x1024xf32>
    %slice3A_3085 = vector.extract_strided_slice %get3A_2576 {offsets = [400, 0], sizes = [8, 1024], strides = [1, 1]} : vector<1000x1024xf32> to vector<8x1024xf32>
    %mul3A_3086 = arith.constant -1.44269502 : f32
    %mul3A_3087 = vector.broadcast %mul3A_3086 : f32 to vector<8x1024xf32>
    %mul3A_3088 = arith.mulf %slice3A_3085, %mul3A_3087 : vector<8x1024xf32>
    %exp23A_3089 = math.exp2 %mul3A_3088 : vector<8x1024xf32>
    %add3A_3090 = arith.constant 1.000000e+00 : f32
    %add3A_3091 = vector.broadcast %add3A_3090 : f32 to vector<8x1024xf32>
    %add3A_3092 = arith.addf %add3A_3091, %exp23A_3089 : vector<8x1024xf32>
    %slice3A_3093 = vector.extract_strided_slice %get3A_2576 {offsets = [408, 0], sizes = [8, 1024], strides = [1, 1]} : vector<1000x1024xf32> to vector<8x1024xf32>
    %mul3A_3094 = arith.constant -1.44269502 : f32
    %mul3A_3095 = vector.broadcast %mul3A_3094 : f32 to vector<8x1024xf32>
    %mul3A_3096 = arith.mulf %slice3A_3093, %mul3A_3095 : vector<8x1024xf32>
    %exp23A_3097 = math.exp2 %mul3A_3096 : vector<8x1024xf32>
    %add3A_3098 = arith.constant 1.000000e+00 : f32
    %add3A_3099 = vector.broadcast %add3A_3098 : f32 to vector<8x1024xf32>
    %add3A_3100 = arith.addf %add3A_3099, %exp23A_3097 : vector<8x1024xf32>
    %mul3A_3101 = arith.mulf %add3A_3076, %add3A_3084 : vector<8x1024xf32>
    %mul3A_3102 = arith.mulf %add3A_3092, %add3A_3100 : vector<8x1024xf32>
    %mul3A_3103 = arith.mulf %mul3A_3101, %mul3A_3102 : vector<8x1024xf32>
    %log3A_3104 = math.log %mul3A_3103 : vector<8x1024xf32>
    %log3A_3105 = arith.constant 2.000000e+00 : f32
    %log3A_3106 = math.log %log3A_3105 : f32
    %div3A_3107 = vector.broadcast %log3A_3106 : f32 to vector<8x1024xf32>
    %div3A_3108 = arith.divf %log3A_3104, %div3A_3107 : vector<8x1024xf32>
    %add3A_3109 = arith.addf %add3A_3068, %div3A_3108 : vector<8x1024xf32>
    %slice3A_3110 = vector.extract_strided_slice %get3A_2576 {offsets = [416, 0], sizes = [8, 1024], strides = [1, 1]} : vector<1000x1024xf32> to vector<8x1024xf32>
    %mul3A_3111 = arith.constant -1.44269502 : f32
    %mul3A_3112 = vector.broadcast %mul3A_3111 : f32 to vector<8x1024xf32>
    %mul3A_3113 = arith.mulf %slice3A_3110, %mul3A_3112 : vector<8x1024xf32>
    %exp23A_3114 = math.exp2 %mul3A_3113 : vector<8x1024xf32>
    %add3A_3115 = arith.constant 1.000000e+00 : f32
    %add3A_3116 = vector.broadcast %add3A_3115 : f32 to vector<8x1024xf32>
    %add3A_3117 = arith.addf %add3A_3116, %exp23A_3114 : vector<8x1024xf32>
    %slice3A_3118 = vector.extract_strided_slice %get3A_2576 {offsets = [424, 0], sizes = [8, 1024], strides = [1, 1]} : vector<1000x1024xf32> to vector<8x1024xf32>
    %mul3A_3119 = arith.constant -1.44269502 : f32
    %mul3A_3120 = vector.broadcast %mul3A_3119 : f32 to vector<8x1024xf32>
    %mul3A_3121 = arith.mulf %slice3A_3118, %mul3A_3120 : vector<8x1024xf32>
    %exp23A_3122 = math.exp2 %mul3A_3121 : vector<8x1024xf32>
    %add3A_3123 = arith.constant 1.000000e+00 : f32
    %add3A_3124 = vector.broadcast %add3A_3123 : f32 to vector<8x1024xf32>
    %add3A_3125 = arith.addf %add3A_3124, %exp23A_3122 : vector<8x1024xf32>
    %slice3A_3126 = vector.extract_strided_slice %get3A_2576 {offsets = [432, 0], sizes = [8, 1024], strides = [1, 1]} : vector<1000x1024xf32> to vector<8x1024xf32>
    %mul3A_3127 = arith.constant -1.44269502 : f32
    %mul3A_3128 = vector.broadcast %mul3A_3127 : f32 to vector<8x1024xf32>
    %mul3A_3129 = arith.mulf %slice3A_3126, %mul3A_3128 : vector<8x1024xf32>
    %exp23A_3130 = math.exp2 %mul3A_3129 : vector<8x1024xf32>
    %add3A_3131 = arith.constant 1.000000e+00 : f32
    %add3A_3132 = vector.broadcast %add3A_3131 : f32 to vector<8x1024xf32>
    %add3A_3133 = arith.addf %add3A_3132, %exp23A_3130 : vector<8x1024xf32>
    %slice3A_3134 = vector.extract_strided_slice %get3A_2576 {offsets = [440, 0], sizes = [8, 1024], strides = [1, 1]} : vector<1000x1024xf32> to vector<8x1024xf32>
    %mul3A_3135 = arith.constant -1.44269502 : f32
    %mul3A_3136 = vector.broadcast %mul3A_3135 : f32 to vector<8x1024xf32>
    %mul3A_3137 = arith.mulf %slice3A_3134, %mul3A_3136 : vector<8x1024xf32>
    %exp23A_3138 = math.exp2 %mul3A_3137 : vector<8x1024xf32>
    %add3A_3139 = arith.constant 1.000000e+00 : f32
    %add3A_3140 = vector.broadcast %add3A_3139 : f32 to vector<8x1024xf32>
    %add3A_3141 = arith.addf %add3A_3140, %exp23A_3138 : vector<8x1024xf32>
    %mul3A_3142 = arith.mulf %add3A_3117, %add3A_3125 : vector<8x1024xf32>
    %mul3A_3143 = arith.mulf %add3A_3133, %add3A_3141 : vector<8x1024xf32>
    %mul3A_3144 = arith.mulf %mul3A_3142, %mul3A_3143 : vector<8x1024xf32>
    %log3A_3145 = math.log %mul3A_3144 : vector<8x1024xf32>
    %log3A_3146 = arith.constant 2.000000e+00 : f32
    %log3A_3147 = math.log %log3A_3146 : f32
    %div3A_3148 = vector.broadcast %log3A_3147 : f32 to vector<8x1024xf32>
    %div3A_3149 = arith.divf %log3A_3145, %div3A_3148 : vector<8x1024xf32>
    %add3A_3150 = arith.addf %add3A_3109, %div3A_3149 : vector<8x1024xf32>
    %slice3A_3151 = vector.extract_strided_slice %get3A_2576 {offsets = [448, 0], sizes = [8, 1024], strides = [1, 1]} : vector<1000x1024xf32> to vector<8x1024xf32>
    %mul3A_3152 = arith.constant -1.44269502 : f32
    %mul3A_3153 = vector.broadcast %mul3A_3152 : f32 to vector<8x1024xf32>
    %mul3A_3154 = arith.mulf %slice3A_3151, %mul3A_3153 : vector<8x1024xf32>
    %exp23A_3155 = math.exp2 %mul3A_3154 : vector<8x1024xf32>
    %add3A_3156 = arith.constant 1.000000e+00 : f32
    %add3A_3157 = vector.broadcast %add3A_3156 : f32 to vector<8x1024xf32>
    %add3A_3158 = arith.addf %add3A_3157, %exp23A_3155 : vector<8x1024xf32>
    %slice3A_3159 = vector.extract_strided_slice %get3A_2576 {offsets = [456, 0], sizes = [8, 1024], strides = [1, 1]} : vector<1000x1024xf32> to vector<8x1024xf32>
    %mul3A_3160 = arith.constant -1.44269502 : f32
    %mul3A_3161 = vector.broadcast %mul3A_3160 : f32 to vector<8x1024xf32>
    %mul3A_3162 = arith.mulf %slice3A_3159, %mul3A_3161 : vector<8x1024xf32>
    %exp23A_3163 = math.exp2 %mul3A_3162 : vector<8x1024xf32>
    %add3A_3164 = arith.constant 1.000000e+00 : f32
    %add3A_3165 = vector.broadcast %add3A_3164 : f32 to vector<8x1024xf32>
    %add3A_3166 = arith.addf %add3A_3165, %exp23A_3163 : vector<8x1024xf32>
    %slice3A_3167 = vector.extract_strided_slice %get3A_2576 {offsets = [464, 0], sizes = [8, 1024], strides = [1, 1]} : vector<1000x1024xf32> to vector<8x1024xf32>
    %mul3A_3168 = arith.constant -1.44269502 : f32
    %mul3A_3169 = vector.broadcast %mul3A_3168 : f32 to vector<8x1024xf32>
    %mul3A_3170 = arith.mulf %slice3A_3167, %mul3A_3169 : vector<8x1024xf32>
    %exp23A_3171 = math.exp2 %mul3A_3170 : vector<8x1024xf32>
    %add3A_3172 = arith.constant 1.000000e+00 : f32
    %add3A_3173 = vector.broadcast %add3A_3172 : f32 to vector<8x1024xf32>
    %add3A_3174 = arith.addf %add3A_3173, %exp23A_3171 : vector<8x1024xf32>
    %slice3A_3175 = vector.extract_strided_slice %get3A_2576 {offsets = [472, 0], sizes = [8, 1024], strides = [1, 1]} : vector<1000x1024xf32> to vector<8x1024xf32>
    %mul3A_3176 = arith.constant -1.44269502 : f32
    %mul3A_3177 = vector.broadcast %mul3A_3176 : f32 to vector<8x1024xf32>
    %mul3A_3178 = arith.mulf %slice3A_3175, %mul3A_3177 : vector<8x1024xf32>
    %exp23A_3179 = math.exp2 %mul3A_3178 : vector<8x1024xf32>
    %add3A_3180 = arith.constant 1.000000e+00 : f32
    %add3A_3181 = vector.broadcast %add3A_3180 : f32 to vector<8x1024xf32>
    %add3A_3182 = arith.addf %add3A_3181, %exp23A_3179 : vector<8x1024xf32>
    %mul3A_3183 = arith.mulf %add3A_3158, %add3A_3166 : vector<8x1024xf32>
    %mul3A_3184 = arith.mulf %add3A_3174, %add3A_3182 : vector<8x1024xf32>
    %mul3A_3185 = arith.mulf %mul3A_3183, %mul3A_3184 : vector<8x1024xf32>
    %log3A_3186 = math.log %mul3A_3185 : vector<8x1024xf32>
    %log3A_3187 = arith.constant 2.000000e+00 : f32
    %log3A_3188 = math.log %log3A_3187 : f32
    %div3A_3189 = vector.broadcast %log3A_3188 : f32 to vector<8x1024xf32>
    %div3A_3190 = arith.divf %log3A_3186, %div3A_3189 : vector<8x1024xf32>
    %add3A_3191 = arith.addf %add3A_3150, %div3A_3190 : vector<8x1024xf32>
    %slice3A_3192 = vector.extract_strided_slice %get3A_2576 {offsets = [480, 0], sizes = [8, 1024], strides = [1, 1]} : vector<1000x1024xf32> to vector<8x1024xf32>
    %mul3A_3193 = arith.constant -1.44269502 : f32
    %mul3A_3194 = vector.broadcast %mul3A_3193 : f32 to vector<8x1024xf32>
    %mul3A_3195 = arith.mulf %slice3A_3192, %mul3A_3194 : vector<8x1024xf32>
    %exp23A_3196 = math.exp2 %mul3A_3195 : vector<8x1024xf32>
    %add3A_3197 = arith.constant 1.000000e+00 : f32
    %add3A_3198 = vector.broadcast %add3A_3197 : f32 to vector<8x1024xf32>
    %add3A_3199 = arith.addf %add3A_3198, %exp23A_3196 : vector<8x1024xf32>
    %slice3A_3200 = vector.extract_strided_slice %get3A_2576 {offsets = [488, 0], sizes = [8, 1024], strides = [1, 1]} : vector<1000x1024xf32> to vector<8x1024xf32>
    %mul3A_3201 = arith.constant -1.44269502 : f32
    %mul3A_3202 = vector.broadcast %mul3A_3201 : f32 to vector<8x1024xf32>
    %mul3A_3203 = arith.mulf %slice3A_3200, %mul3A_3202 : vector<8x1024xf32>
    %exp23A_3204 = math.exp2 %mul3A_3203 : vector<8x1024xf32>
    %add3A_3205 = arith.constant 1.000000e+00 : f32
    %add3A_3206 = vector.broadcast %add3A_3205 : f32 to vector<8x1024xf32>
    %add3A_3207 = arith.addf %add3A_3206, %exp23A_3204 : vector<8x1024xf32>
    %slice3A_3208 = vector.extract_strided_slice %get3A_2576 {offsets = [496, 0], sizes = [8, 1024], strides = [1, 1]} : vector<1000x1024xf32> to vector<8x1024xf32>
    %mul3A_3209 = arith.constant -1.44269502 : f32
    %mul3A_3210 = vector.broadcast %mul3A_3209 : f32 to vector<8x1024xf32>
    %mul3A_3211 = arith.mulf %slice3A_3208, %mul3A_3210 : vector<8x1024xf32>
    %exp23A_3212 = math.exp2 %mul3A_3211 : vector<8x1024xf32>
    %add3A_3213 = arith.constant 1.000000e+00 : f32
    %add3A_3214 = vector.broadcast %add3A_3213 : f32 to vector<8x1024xf32>
    %add3A_3215 = arith.addf %add3A_3214, %exp23A_3212 : vector<8x1024xf32>
    %slice3A_3216 = vector.extract_strided_slice %get3A_2576 {offsets = [504, 0], sizes = [8, 1024], strides = [1, 1]} : vector<1000x1024xf32> to vector<8x1024xf32>
    %mul3A_3217 = arith.constant -1.44269502 : f32
    %mul3A_3218 = vector.broadcast %mul3A_3217 : f32 to vector<8x1024xf32>
    %mul3A_3219 = arith.mulf %slice3A_3216, %mul3A_3218 : vector<8x1024xf32>
    %exp23A_3220 = math.exp2 %mul3A_3219 : vector<8x1024xf32>
    %add3A_3221 = arith.constant 1.000000e+00 : f32
    %add3A_3222 = vector.broadcast %add3A_3221 : f32 to vector<8x1024xf32>
    %add3A_3223 = arith.addf %add3A_3222, %exp23A_3220 : vector<8x1024xf32>
    %mul3A_3224 = arith.mulf %add3A_3199, %add3A_3207 : vector<8x1024xf32>
    %mul3A_3225 = arith.mulf %add3A_3215, %add3A_3223 : vector<8x1024xf32>
    %mul3A_3226 = arith.mulf %mul3A_3224, %mul3A_3225 : vector<8x1024xf32>
    %log3A_3227 = math.log %mul3A_3226 : vector<8x1024xf32>
    %log3A_3228 = arith.constant 2.000000e+00 : f32
    %log3A_3229 = math.log %log3A_3228 : f32
    %div3A_3230 = vector.broadcast %log3A_3229 : f32 to vector<8x1024xf32>
    %div3A_3231 = arith.divf %log3A_3227, %div3A_3230 : vector<8x1024xf32>
    %add3A_3232 = arith.addf %add3A_3191, %div3A_3231 : vector<8x1024xf32>
    %slice3A_3233 = vector.extract_strided_slice %get3A_2576 {offsets = [512, 0], sizes = [8, 1024], strides = [1, 1]} : vector<1000x1024xf32> to vector<8x1024xf32>
    %mul3A_3234 = arith.constant -1.44269502 : f32
    %mul3A_3235 = vector.broadcast %mul3A_3234 : f32 to vector<8x1024xf32>
    %mul3A_3236 = arith.mulf %slice3A_3233, %mul3A_3235 : vector<8x1024xf32>
    %exp23A_3237 = math.exp2 %mul3A_3236 : vector<8x1024xf32>
    %add3A_3238 = arith.constant 1.000000e+00 : f32
    %add3A_3239 = vector.broadcast %add3A_3238 : f32 to vector<8x1024xf32>
    %add3A_3240 = arith.addf %add3A_3239, %exp23A_3237 : vector<8x1024xf32>
    %slice3A_3241 = vector.extract_strided_slice %get3A_2576 {offsets = [520, 0], sizes = [8, 1024], strides = [1, 1]} : vector<1000x1024xf32> to vector<8x1024xf32>
    %mul3A_3242 = arith.constant -1.44269502 : f32
    %mul3A_3243 = vector.broadcast %mul3A_3242 : f32 to vector<8x1024xf32>
    %mul3A_3244 = arith.mulf %slice3A_3241, %mul3A_3243 : vector<8x1024xf32>
    %exp23A_3245 = math.exp2 %mul3A_3244 : vector<8x1024xf32>
    %add3A_3246 = arith.constant 1.000000e+00 : f32
    %add3A_3247 = vector.broadcast %add3A_3246 : f32 to vector<8x1024xf32>
    %add3A_3248 = arith.addf %add3A_3247, %exp23A_3245 : vector<8x1024xf32>
    %slice3A_3249 = vector.extract_strided_slice %get3A_2576 {offsets = [528, 0], sizes = [8, 1024], strides = [1, 1]} : vector<1000x1024xf32> to vector<8x1024xf32>
    %mul3A_3250 = arith.constant -1.44269502 : f32
    %mul3A_3251 = vector.broadcast %mul3A_3250 : f32 to vector<8x1024xf32>
    %mul3A_3252 = arith.mulf %slice3A_3249, %mul3A_3251 : vector<8x1024xf32>
    %exp23A_3253 = math.exp2 %mul3A_3252 : vector<8x1024xf32>
    %add3A_3254 = arith.constant 1.000000e+00 : f32
    %add3A_3255 = vector.broadcast %add3A_3254 : f32 to vector<8x1024xf32>
    %add3A_3256 = arith.addf %add3A_3255, %exp23A_3253 : vector<8x1024xf32>
    %slice3A_3257 = vector.extract_strided_slice %get3A_2576 {offsets = [536, 0], sizes = [8, 1024], strides = [1, 1]} : vector<1000x1024xf32> to vector<8x1024xf32>
    %mul3A_3258 = arith.constant -1.44269502 : f32
    %mul3A_3259 = vector.broadcast %mul3A_3258 : f32 to vector<8x1024xf32>
    %mul3A_3260 = arith.mulf %slice3A_3257, %mul3A_3259 : vector<8x1024xf32>
    %exp23A_3261 = math.exp2 %mul3A_3260 : vector<8x1024xf32>
    %add3A_3262 = arith.constant 1.000000e+00 : f32
    %add3A_3263 = vector.broadcast %add3A_3262 : f32 to vector<8x1024xf32>
    %add3A_3264 = arith.addf %add3A_3263, %exp23A_3261 : vector<8x1024xf32>
    %mul3A_3265 = arith.mulf %add3A_3240, %add3A_3248 : vector<8x1024xf32>
    %mul3A_3266 = arith.mulf %add3A_3256, %add3A_3264 : vector<8x1024xf32>
    %mul3A_3267 = arith.mulf %mul3A_3265, %mul3A_3266 : vector<8x1024xf32>
    %log3A_3268 = math.log %mul3A_3267 : vector<8x1024xf32>
    %log3A_3269 = arith.constant 2.000000e+00 : f32
    %log3A_3270 = math.log %log3A_3269 : f32
    %div3A_3271 = vector.broadcast %log3A_3270 : f32 to vector<8x1024xf32>
    %div3A_3272 = arith.divf %log3A_3268, %div3A_3271 : vector<8x1024xf32>
    %add3A_3273 = arith.addf %add3A_3232, %div3A_3272 : vector<8x1024xf32>
    %slice3A_3274 = vector.extract_strided_slice %get3A_2576 {offsets = [544, 0], sizes = [8, 1024], strides = [1, 1]} : vector<1000x1024xf32> to vector<8x1024xf32>
    %mul3A_3275 = arith.constant -1.44269502 : f32
    %mul3A_3276 = vector.broadcast %mul3A_3275 : f32 to vector<8x1024xf32>
    %mul3A_3277 = arith.mulf %slice3A_3274, %mul3A_3276 : vector<8x1024xf32>
    %exp23A_3278 = math.exp2 %mul3A_3277 : vector<8x1024xf32>
    %add3A_3279 = arith.constant 1.000000e+00 : f32
    %add3A_3280 = vector.broadcast %add3A_3279 : f32 to vector<8x1024xf32>
    %add3A_3281 = arith.addf %add3A_3280, %exp23A_3278 : vector<8x1024xf32>
    %slice3A_3282 = vector.extract_strided_slice %get3A_2576 {offsets = [552, 0], sizes = [8, 1024], strides = [1, 1]} : vector<1000x1024xf32> to vector<8x1024xf32>
    %mul3A_3283 = arith.constant -1.44269502 : f32
    %mul3A_3284 = vector.broadcast %mul3A_3283 : f32 to vector<8x1024xf32>
    %mul3A_3285 = arith.mulf %slice3A_3282, %mul3A_3284 : vector<8x1024xf32>
    %exp23A_3286 = math.exp2 %mul3A_3285 : vector<8x1024xf32>
    %add3A_3287 = arith.constant 1.000000e+00 : f32
    %add3A_3288 = vector.broadcast %add3A_3287 : f32 to vector<8x1024xf32>
    %add3A_3289 = arith.addf %add3A_3288, %exp23A_3286 : vector<8x1024xf32>
    %slice3A_3290 = vector.extract_strided_slice %get3A_2576 {offsets = [560, 0], sizes = [8, 1024], strides = [1, 1]} : vector<1000x1024xf32> to vector<8x1024xf32>
    %mul3A_3291 = arith.constant -1.44269502 : f32
    %mul3A_3292 = vector.broadcast %mul3A_3291 : f32 to vector<8x1024xf32>
    %mul3A_3293 = arith.mulf %slice3A_3290, %mul3A_3292 : vector<8x1024xf32>
    %exp23A_3294 = math.exp2 %mul3A_3293 : vector<8x1024xf32>
    %add3A_3295 = arith.constant 1.000000e+00 : f32
    %add3A_3296 = vector.broadcast %add3A_3295 : f32 to vector<8x1024xf32>
    %add3A_3297 = arith.addf %add3A_3296, %exp23A_3294 : vector<8x1024xf32>
    %slice3A_3298 = vector.extract_strided_slice %get3A_2576 {offsets = [568, 0], sizes = [8, 1024], strides = [1, 1]} : vector<1000x1024xf32> to vector<8x1024xf32>
    %mul3A_3299 = arith.constant -1.44269502 : f32
    %mul3A_3300 = vector.broadcast %mul3A_3299 : f32 to vector<8x1024xf32>
    %mul3A_3301 = arith.mulf %slice3A_3298, %mul3A_3300 : vector<8x1024xf32>
    %exp23A_3302 = math.exp2 %mul3A_3301 : vector<8x1024xf32>
    %add3A_3303 = arith.constant 1.000000e+00 : f32
    %add3A_3304 = vector.broadcast %add3A_3303 : f32 to vector<8x1024xf32>
    %add3A_3305 = arith.addf %add3A_3304, %exp23A_3302 : vector<8x1024xf32>
    %mul3A_3306 = arith.mulf %add3A_3281, %add3A_3289 : vector<8x1024xf32>
    %mul3A_3307 = arith.mulf %add3A_3297, %add3A_3305 : vector<8x1024xf32>
    %mul3A_3308 = arith.mulf %mul3A_3306, %mul3A_3307 : vector<8x1024xf32>
    %log3A_3309 = math.log %mul3A_3308 : vector<8x1024xf32>
    %log3A_3310 = arith.constant 2.000000e+00 : f32
    %log3A_3311 = math.log %log3A_3310 : f32
    %div3A_3312 = vector.broadcast %log3A_3311 : f32 to vector<8x1024xf32>
    %div3A_3313 = arith.divf %log3A_3309, %div3A_3312 : vector<8x1024xf32>
    %add3A_3314 = arith.addf %add3A_3273, %div3A_3313 : vector<8x1024xf32>
    %slice3A_3315 = vector.extract_strided_slice %get3A_2576 {offsets = [576, 0], sizes = [8, 1024], strides = [1, 1]} : vector<1000x1024xf32> to vector<8x1024xf32>
    %mul3A_3316 = arith.constant -1.44269502 : f32
    %mul3A_3317 = vector.broadcast %mul3A_3316 : f32 to vector<8x1024xf32>
    %mul3A_3318 = arith.mulf %slice3A_3315, %mul3A_3317 : vector<8x1024xf32>
    %exp23A_3319 = math.exp2 %mul3A_3318 : vector<8x1024xf32>
    %add3A_3320 = arith.constant 1.000000e+00 : f32
    %add3A_3321 = vector.broadcast %add3A_3320 : f32 to vector<8x1024xf32>
    %add3A_3322 = arith.addf %add3A_3321, %exp23A_3319 : vector<8x1024xf32>
    %slice3A_3323 = vector.extract_strided_slice %get3A_2576 {offsets = [584, 0], sizes = [8, 1024], strides = [1, 1]} : vector<1000x1024xf32> to vector<8x1024xf32>
    %mul3A_3324 = arith.constant -1.44269502 : f32
    %mul3A_3325 = vector.broadcast %mul3A_3324 : f32 to vector<8x1024xf32>
    %mul3A_3326 = arith.mulf %slice3A_3323, %mul3A_3325 : vector<8x1024xf32>
    %exp23A_3327 = math.exp2 %mul3A_3326 : vector<8x1024xf32>
    %add3A_3328 = arith.constant 1.000000e+00 : f32
    %add3A_3329 = vector.broadcast %add3A_3328 : f32 to vector<8x1024xf32>
    %add3A_3330 = arith.addf %add3A_3329, %exp23A_3327 : vector<8x1024xf32>
    %slice3A_3331 = vector.extract_strided_slice %get3A_2576 {offsets = [592, 0], sizes = [8, 1024], strides = [1, 1]} : vector<1000x1024xf32> to vector<8x1024xf32>
    %mul3A_3332 = arith.constant -1.44269502 : f32
    %mul3A_3333 = vector.broadcast %mul3A_3332 : f32 to vector<8x1024xf32>
    %mul3A_3334 = arith.mulf %slice3A_3331, %mul3A_3333 : vector<8x1024xf32>
    %exp23A_3335 = math.exp2 %mul3A_3334 : vector<8x1024xf32>
    %add3A_3336 = arith.constant 1.000000e+00 : f32
    %add3A_3337 = vector.broadcast %add3A_3336 : f32 to vector<8x1024xf32>
    %add3A_3338 = arith.addf %add3A_3337, %exp23A_3335 : vector<8x1024xf32>
    %slice3A_3339 = vector.extract_strided_slice %get3A_2576 {offsets = [600, 0], sizes = [8, 1024], strides = [1, 1]} : vector<1000x1024xf32> to vector<8x1024xf32>
    %mul3A_3340 = arith.constant -1.44269502 : f32
    %mul3A_3341 = vector.broadcast %mul3A_3340 : f32 to vector<8x1024xf32>
    %mul3A_3342 = arith.mulf %slice3A_3339, %mul3A_3341 : vector<8x1024xf32>
    %exp23A_3343 = math.exp2 %mul3A_3342 : vector<8x1024xf32>
    %add3A_3344 = arith.constant 1.000000e+00 : f32
    %add3A_3345 = vector.broadcast %add3A_3344 : f32 to vector<8x1024xf32>
    %add3A_3346 = arith.addf %add3A_3345, %exp23A_3343 : vector<8x1024xf32>
    %mul3A_3347 = arith.mulf %add3A_3322, %add3A_3330 : vector<8x1024xf32>
    %mul3A_3348 = arith.mulf %add3A_3338, %add3A_3346 : vector<8x1024xf32>
    %mul3A_3349 = arith.mulf %mul3A_3347, %mul3A_3348 : vector<8x1024xf32>
    %log3A_3350 = math.log %mul3A_3349 : vector<8x1024xf32>
    %log3A_3351 = arith.constant 2.000000e+00 : f32
    %log3A_3352 = math.log %log3A_3351 : f32
    %div3A_3353 = vector.broadcast %log3A_3352 : f32 to vector<8x1024xf32>
    %div3A_3354 = arith.divf %log3A_3350, %div3A_3353 : vector<8x1024xf32>
    %add3A_3355 = arith.addf %add3A_3314, %div3A_3354 : vector<8x1024xf32>
    %slice3A_3356 = vector.extract_strided_slice %get3A_2576 {offsets = [608, 0], sizes = [8, 1024], strides = [1, 1]} : vector<1000x1024xf32> to vector<8x1024xf32>
    %mul3A_3357 = arith.constant -1.44269502 : f32
    %mul3A_3358 = vector.broadcast %mul3A_3357 : f32 to vector<8x1024xf32>
    %mul3A_3359 = arith.mulf %slice3A_3356, %mul3A_3358 : vector<8x1024xf32>
    %exp23A_3360 = math.exp2 %mul3A_3359 : vector<8x1024xf32>
    %add3A_3361 = arith.constant 1.000000e+00 : f32
    %add3A_3362 = vector.broadcast %add3A_3361 : f32 to vector<8x1024xf32>
    %add3A_3363 = arith.addf %add3A_3362, %exp23A_3360 : vector<8x1024xf32>
    %slice3A_3364 = vector.extract_strided_slice %get3A_2576 {offsets = [616, 0], sizes = [8, 1024], strides = [1, 1]} : vector<1000x1024xf32> to vector<8x1024xf32>
    %mul3A_3365 = arith.constant -1.44269502 : f32
    %mul3A_3366 = vector.broadcast %mul3A_3365 : f32 to vector<8x1024xf32>
    %mul3A_3367 = arith.mulf %slice3A_3364, %mul3A_3366 : vector<8x1024xf32>
    %exp23A_3368 = math.exp2 %mul3A_3367 : vector<8x1024xf32>
    %add3A_3369 = arith.constant 1.000000e+00 : f32
    %add3A_3370 = vector.broadcast %add3A_3369 : f32 to vector<8x1024xf32>
    %add3A_3371 = arith.addf %add3A_3370, %exp23A_3368 : vector<8x1024xf32>
    %slice3A_3372 = vector.extract_strided_slice %get3A_2576 {offsets = [624, 0], sizes = [8, 1024], strides = [1, 1]} : vector<1000x1024xf32> to vector<8x1024xf32>
    %mul3A_3373 = arith.constant -1.44269502 : f32
    %mul3A_3374 = vector.broadcast %mul3A_3373 : f32 to vector<8x1024xf32>
    %mul3A_3375 = arith.mulf %slice3A_3372, %mul3A_3374 : vector<8x1024xf32>
    %exp23A_3376 = math.exp2 %mul3A_3375 : vector<8x1024xf32>
    %add3A_3377 = arith.constant 1.000000e+00 : f32
    %add3A_3378 = vector.broadcast %add3A_3377 : f32 to vector<8x1024xf32>
    %add3A_3379 = arith.addf %add3A_3378, %exp23A_3376 : vector<8x1024xf32>
    %slice3A_3380 = vector.extract_strided_slice %get3A_2576 {offsets = [632, 0], sizes = [8, 1024], strides = [1, 1]} : vector<1000x1024xf32> to vector<8x1024xf32>
    %mul3A_3381 = arith.constant -1.44269502 : f32
    %mul3A_3382 = vector.broadcast %mul3A_3381 : f32 to vector<8x1024xf32>
    %mul3A_3383 = arith.mulf %slice3A_3380, %mul3A_3382 : vector<8x1024xf32>
    %exp23A_3384 = math.exp2 %mul3A_3383 : vector<8x1024xf32>
    %add3A_3385 = arith.constant 1.000000e+00 : f32
    %add3A_3386 = vector.broadcast %add3A_3385 : f32 to vector<8x1024xf32>
    %add3A_3387 = arith.addf %add3A_3386, %exp23A_3384 : vector<8x1024xf32>
    %mul3A_3388 = arith.mulf %add3A_3363, %add3A_3371 : vector<8x1024xf32>
    %mul3A_3389 = arith.mulf %add3A_3379, %add3A_3387 : vector<8x1024xf32>
    %mul3A_3390 = arith.mulf %mul3A_3388, %mul3A_3389 : vector<8x1024xf32>
    %log3A_3391 = math.log %mul3A_3390 : vector<8x1024xf32>
    %log3A_3392 = arith.constant 2.000000e+00 : f32
    %log3A_3393 = math.log %log3A_3392 : f32
    %div3A_3394 = vector.broadcast %log3A_3393 : f32 to vector<8x1024xf32>
    %div3A_3395 = arith.divf %log3A_3391, %div3A_3394 : vector<8x1024xf32>
    %add3A_3396 = arith.addf %add3A_3355, %div3A_3395 : vector<8x1024xf32>
    %slice3A_3397 = vector.extract_strided_slice %get3A_2576 {offsets = [640, 0], sizes = [8, 1024], strides = [1, 1]} : vector<1000x1024xf32> to vector<8x1024xf32>
    %mul3A_3398 = arith.constant -1.44269502 : f32
    %mul3A_3399 = vector.broadcast %mul3A_3398 : f32 to vector<8x1024xf32>
    %mul3A_3400 = arith.mulf %slice3A_3397, %mul3A_3399 : vector<8x1024xf32>
    %exp23A_3401 = math.exp2 %mul3A_3400 : vector<8x1024xf32>
    %add3A_3402 = arith.constant 1.000000e+00 : f32
    %add3A_3403 = vector.broadcast %add3A_3402 : f32 to vector<8x1024xf32>
    %add3A_3404 = arith.addf %add3A_3403, %exp23A_3401 : vector<8x1024xf32>
    %slice3A_3405 = vector.extract_strided_slice %get3A_2576 {offsets = [648, 0], sizes = [8, 1024], strides = [1, 1]} : vector<1000x1024xf32> to vector<8x1024xf32>
    %mul3A_3406 = arith.constant -1.44269502 : f32
    %mul3A_3407 = vector.broadcast %mul3A_3406 : f32 to vector<8x1024xf32>
    %mul3A_3408 = arith.mulf %slice3A_3405, %mul3A_3407 : vector<8x1024xf32>
    %exp23A_3409 = math.exp2 %mul3A_3408 : vector<8x1024xf32>
    %add3A_3410 = arith.constant 1.000000e+00 : f32
    %add3A_3411 = vector.broadcast %add3A_3410 : f32 to vector<8x1024xf32>
    %add3A_3412 = arith.addf %add3A_3411, %exp23A_3409 : vector<8x1024xf32>
    %slice3A_3413 = vector.extract_strided_slice %get3A_2576 {offsets = [656, 0], sizes = [8, 1024], strides = [1, 1]} : vector<1000x1024xf32> to vector<8x1024xf32>
    %mul3A_3414 = arith.constant -1.44269502 : f32
    %mul3A_3415 = vector.broadcast %mul3A_3414 : f32 to vector<8x1024xf32>
    %mul3A_3416 = arith.mulf %slice3A_3413, %mul3A_3415 : vector<8x1024xf32>
    %exp23A_3417 = math.exp2 %mul3A_3416 : vector<8x1024xf32>
    %add3A_3418 = arith.constant 1.000000e+00 : f32
    %add3A_3419 = vector.broadcast %add3A_3418 : f32 to vector<8x1024xf32>
    %add3A_3420 = arith.addf %add3A_3419, %exp23A_3417 : vector<8x1024xf32>
    %slice3A_3421 = vector.extract_strided_slice %get3A_2576 {offsets = [664, 0], sizes = [8, 1024], strides = [1, 1]} : vector<1000x1024xf32> to vector<8x1024xf32>
    %mul3A_3422 = arith.constant -1.44269502 : f32
    %mul3A_3423 = vector.broadcast %mul3A_3422 : f32 to vector<8x1024xf32>
    %mul3A_3424 = arith.mulf %slice3A_3421, %mul3A_3423 : vector<8x1024xf32>
    %exp23A_3425 = math.exp2 %mul3A_3424 : vector<8x1024xf32>
    %add3A_3426 = arith.constant 1.000000e+00 : f32
    %add3A_3427 = vector.broadcast %add3A_3426 : f32 to vector<8x1024xf32>
    %add3A_3428 = arith.addf %add3A_3427, %exp23A_3425 : vector<8x1024xf32>
    %mul3A_3429 = arith.mulf %add3A_3404, %add3A_3412 : vector<8x1024xf32>
    %mul3A_3430 = arith.mulf %add3A_3420, %add3A_3428 : vector<8x1024xf32>
    %mul3A_3431 = arith.mulf %mul3A_3429, %mul3A_3430 : vector<8x1024xf32>
    %log3A_3432 = math.log %mul3A_3431 : vector<8x1024xf32>
    %log3A_3433 = arith.constant 2.000000e+00 : f32
    %log3A_3434 = math.log %log3A_3433 : f32
    %div3A_3435 = vector.broadcast %log3A_3434 : f32 to vector<8x1024xf32>
    %div3A_3436 = arith.divf %log3A_3432, %div3A_3435 : vector<8x1024xf32>
    %add3A_3437 = arith.addf %add3A_3396, %div3A_3436 : vector<8x1024xf32>
    %slice3A_3438 = vector.extract_strided_slice %get3A_2576 {offsets = [672, 0], sizes = [8, 1024], strides = [1, 1]} : vector<1000x1024xf32> to vector<8x1024xf32>
    %mul3A_3439 = arith.constant -1.44269502 : f32
    %mul3A_3440 = vector.broadcast %mul3A_3439 : f32 to vector<8x1024xf32>
    %mul3A_3441 = arith.mulf %slice3A_3438, %mul3A_3440 : vector<8x1024xf32>
    %exp23A_3442 = math.exp2 %mul3A_3441 : vector<8x1024xf32>
    %add3A_3443 = arith.constant 1.000000e+00 : f32
    %add3A_3444 = vector.broadcast %add3A_3443 : f32 to vector<8x1024xf32>
    %add3A_3445 = arith.addf %add3A_3444, %exp23A_3442 : vector<8x1024xf32>
    %slice3A_3446 = vector.extract_strided_slice %get3A_2576 {offsets = [680, 0], sizes = [8, 1024], strides = [1, 1]} : vector<1000x1024xf32> to vector<8x1024xf32>
    %mul3A_3447 = arith.constant -1.44269502 : f32
    %mul3A_3448 = vector.broadcast %mul3A_3447 : f32 to vector<8x1024xf32>
    %mul3A_3449 = arith.mulf %slice3A_3446, %mul3A_3448 : vector<8x1024xf32>
    %exp23A_3450 = math.exp2 %mul3A_3449 : vector<8x1024xf32>
    %add3A_3451 = arith.constant 1.000000e+00 : f32
    %add3A_3452 = vector.broadcast %add3A_3451 : f32 to vector<8x1024xf32>
    %add3A_3453 = arith.addf %add3A_3452, %exp23A_3450 : vector<8x1024xf32>
    %slice3A_3454 = vector.extract_strided_slice %get3A_2576 {offsets = [688, 0], sizes = [8, 1024], strides = [1, 1]} : vector<1000x1024xf32> to vector<8x1024xf32>
    %mul3A_3455 = arith.constant -1.44269502 : f32
    %mul3A_3456 = vector.broadcast %mul3A_3455 : f32 to vector<8x1024xf32>
    %mul3A_3457 = arith.mulf %slice3A_3454, %mul3A_3456 : vector<8x1024xf32>
    %exp23A_3458 = math.exp2 %mul3A_3457 : vector<8x1024xf32>
    %add3A_3459 = arith.constant 1.000000e+00 : f32
    %add3A_3460 = vector.broadcast %add3A_3459 : f32 to vector<8x1024xf32>
    %add3A_3461 = arith.addf %add3A_3460, %exp23A_3458 : vector<8x1024xf32>
    %slice3A_3462 = vector.extract_strided_slice %get3A_2576 {offsets = [696, 0], sizes = [8, 1024], strides = [1, 1]} : vector<1000x1024xf32> to vector<8x1024xf32>
    %mul3A_3463 = arith.constant -1.44269502 : f32
    %mul3A_3464 = vector.broadcast %mul3A_3463 : f32 to vector<8x1024xf32>
    %mul3A_3465 = arith.mulf %slice3A_3462, %mul3A_3464 : vector<8x1024xf32>
    %exp23A_3466 = math.exp2 %mul3A_3465 : vector<8x1024xf32>
    %add3A_3467 = arith.constant 1.000000e+00 : f32
    %add3A_3468 = vector.broadcast %add3A_3467 : f32 to vector<8x1024xf32>
    %add3A_3469 = arith.addf %add3A_3468, %exp23A_3466 : vector<8x1024xf32>
    %mul3A_3470 = arith.mulf %add3A_3445, %add3A_3453 : vector<8x1024xf32>
    %mul3A_3471 = arith.mulf %add3A_3461, %add3A_3469 : vector<8x1024xf32>
    %mul3A_3472 = arith.mulf %mul3A_3470, %mul3A_3471 : vector<8x1024xf32>
    %log3A_3473 = math.log %mul3A_3472 : vector<8x1024xf32>
    %log3A_3474 = arith.constant 2.000000e+00 : f32
    %log3A_3475 = math.log %log3A_3474 : f32
    %div3A_3476 = vector.broadcast %log3A_3475 : f32 to vector<8x1024xf32>
    %div3A_3477 = arith.divf %log3A_3473, %div3A_3476 : vector<8x1024xf32>
    %add3A_3478 = arith.addf %add3A_3437, %div3A_3477 : vector<8x1024xf32>
    %slice3A_3479 = vector.extract_strided_slice %get3A_2576 {offsets = [704, 0], sizes = [8, 1024], strides = [1, 1]} : vector<1000x1024xf32> to vector<8x1024xf32>
    %mul3A_3480 = arith.constant -1.44269502 : f32
    %mul3A_3481 = vector.broadcast %mul3A_3480 : f32 to vector<8x1024xf32>
    %mul3A_3482 = arith.mulf %slice3A_3479, %mul3A_3481 : vector<8x1024xf32>
    %exp23A_3483 = math.exp2 %mul3A_3482 : vector<8x1024xf32>
    %add3A_3484 = arith.constant 1.000000e+00 : f32
    %add3A_3485 = vector.broadcast %add3A_3484 : f32 to vector<8x1024xf32>
    %add3A_3486 = arith.addf %add3A_3485, %exp23A_3483 : vector<8x1024xf32>
    %slice3A_3487 = vector.extract_strided_slice %get3A_2576 {offsets = [712, 0], sizes = [8, 1024], strides = [1, 1]} : vector<1000x1024xf32> to vector<8x1024xf32>
    %mul3A_3488 = arith.constant -1.44269502 : f32
    %mul3A_3489 = vector.broadcast %mul3A_3488 : f32 to vector<8x1024xf32>
    %mul3A_3490 = arith.mulf %slice3A_3487, %mul3A_3489 : vector<8x1024xf32>
    %exp23A_3491 = math.exp2 %mul3A_3490 : vector<8x1024xf32>
    %add3A_3492 = arith.constant 1.000000e+00 : f32
    %add3A_3493 = vector.broadcast %add3A_3492 : f32 to vector<8x1024xf32>
    %add3A_3494 = arith.addf %add3A_3493, %exp23A_3491 : vector<8x1024xf32>
    %slice3A_3495 = vector.extract_strided_slice %get3A_2576 {offsets = [720, 0], sizes = [8, 1024], strides = [1, 1]} : vector<1000x1024xf32> to vector<8x1024xf32>
    %mul3A_3496 = arith.constant -1.44269502 : f32
    %mul3A_3497 = vector.broadcast %mul3A_3496 : f32 to vector<8x1024xf32>
    %mul3A_3498 = arith.mulf %slice3A_3495, %mul3A_3497 : vector<8x1024xf32>
    %exp23A_3499 = math.exp2 %mul3A_3498 : vector<8x1024xf32>
    %add3A_3500 = arith.constant 1.000000e+00 : f32
    %add3A_3501 = vector.broadcast %add3A_3500 : f32 to vector<8x1024xf32>
    %add3A_3502 = arith.addf %add3A_3501, %exp23A_3499 : vector<8x1024xf32>
    %slice3A_3503 = vector.extract_strided_slice %get3A_2576 {offsets = [728, 0], sizes = [8, 1024], strides = [1, 1]} : vector<1000x1024xf32> to vector<8x1024xf32>
    %mul3A_3504 = arith.constant -1.44269502 : f32
    %mul3A_3505 = vector.broadcast %mul3A_3504 : f32 to vector<8x1024xf32>
    %mul3A_3506 = arith.mulf %slice3A_3503, %mul3A_3505 : vector<8x1024xf32>
    %exp23A_3507 = math.exp2 %mul3A_3506 : vector<8x1024xf32>
    %add3A_3508 = arith.constant 1.000000e+00 : f32
    %add3A_3509 = vector.broadcast %add3A_3508 : f32 to vector<8x1024xf32>
    %add3A_3510 = arith.addf %add3A_3509, %exp23A_3507 : vector<8x1024xf32>
    %mul3A_3511 = arith.mulf %add3A_3486, %add3A_3494 : vector<8x1024xf32>
    %mul3A_3512 = arith.mulf %add3A_3502, %add3A_3510 : vector<8x1024xf32>
    %mul3A_3513 = arith.mulf %mul3A_3511, %mul3A_3512 : vector<8x1024xf32>
    %log3A_3514 = math.log %mul3A_3513 : vector<8x1024xf32>
    %log3A_3515 = arith.constant 2.000000e+00 : f32
    %log3A_3516 = math.log %log3A_3515 : f32
    %div3A_3517 = vector.broadcast %log3A_3516 : f32 to vector<8x1024xf32>
    %div3A_3518 = arith.divf %log3A_3514, %div3A_3517 : vector<8x1024xf32>
    %add3A_3519 = arith.addf %add3A_3478, %div3A_3518 : vector<8x1024xf32>
    %slice3A_3520 = vector.extract_strided_slice %get3A_2576 {offsets = [736, 0], sizes = [8, 1024], strides = [1, 1]} : vector<1000x1024xf32> to vector<8x1024xf32>
    %mul3A_3521 = arith.constant -1.44269502 : f32
    %mul3A_3522 = vector.broadcast %mul3A_3521 : f32 to vector<8x1024xf32>
    %mul3A_3523 = arith.mulf %slice3A_3520, %mul3A_3522 : vector<8x1024xf32>
    %exp23A_3524 = math.exp2 %mul3A_3523 : vector<8x1024xf32>
    %add3A_3525 = arith.constant 1.000000e+00 : f32
    %add3A_3526 = vector.broadcast %add3A_3525 : f32 to vector<8x1024xf32>
    %add3A_3527 = arith.addf %add3A_3526, %exp23A_3524 : vector<8x1024xf32>
    %slice3A_3528 = vector.extract_strided_slice %get3A_2576 {offsets = [744, 0], sizes = [8, 1024], strides = [1, 1]} : vector<1000x1024xf32> to vector<8x1024xf32>
    %mul3A_3529 = arith.constant -1.44269502 : f32
    %mul3A_3530 = vector.broadcast %mul3A_3529 : f32 to vector<8x1024xf32>
    %mul3A_3531 = arith.mulf %slice3A_3528, %mul3A_3530 : vector<8x1024xf32>
    %exp23A_3532 = math.exp2 %mul3A_3531 : vector<8x1024xf32>
    %add3A_3533 = arith.constant 1.000000e+00 : f32
    %add3A_3534 = vector.broadcast %add3A_3533 : f32 to vector<8x1024xf32>
    %add3A_3535 = arith.addf %add3A_3534, %exp23A_3532 : vector<8x1024xf32>
    %slice3A_3536 = vector.extract_strided_slice %get3A_2576 {offsets = [752, 0], sizes = [8, 1024], strides = [1, 1]} : vector<1000x1024xf32> to vector<8x1024xf32>
    %mul3A_3537 = arith.constant -1.44269502 : f32
    %mul3A_3538 = vector.broadcast %mul3A_3537 : f32 to vector<8x1024xf32>
    %mul3A_3539 = arith.mulf %slice3A_3536, %mul3A_3538 : vector<8x1024xf32>
    %exp23A_3540 = math.exp2 %mul3A_3539 : vector<8x1024xf32>
    %add3A_3541 = arith.constant 1.000000e+00 : f32
    %add3A_3542 = vector.broadcast %add3A_3541 : f32 to vector<8x1024xf32>
    %add3A_3543 = arith.addf %add3A_3542, %exp23A_3540 : vector<8x1024xf32>
    %slice3A_3544 = vector.extract_strided_slice %get3A_2576 {offsets = [760, 0], sizes = [8, 1024], strides = [1, 1]} : vector<1000x1024xf32> to vector<8x1024xf32>
    %mul3A_3545 = arith.constant -1.44269502 : f32
    %mul3A_3546 = vector.broadcast %mul3A_3545 : f32 to vector<8x1024xf32>
    %mul3A_3547 = arith.mulf %slice3A_3544, %mul3A_3546 : vector<8x1024xf32>
    %exp23A_3548 = math.exp2 %mul3A_3547 : vector<8x1024xf32>
    %add3A_3549 = arith.constant 1.000000e+00 : f32
    %add3A_3550 = vector.broadcast %add3A_3549 : f32 to vector<8x1024xf32>
    %add3A_3551 = arith.addf %add3A_3550, %exp23A_3548 : vector<8x1024xf32>
    %mul3A_3552 = arith.mulf %add3A_3527, %add3A_3535 : vector<8x1024xf32>
    %mul3A_3553 = arith.mulf %add3A_3543, %add3A_3551 : vector<8x1024xf32>
    %mul3A_3554 = arith.mulf %mul3A_3552, %mul3A_3553 : vector<8x1024xf32>
    %log3A_3555 = math.log %mul3A_3554 : vector<8x1024xf32>
    %log3A_3556 = arith.constant 2.000000e+00 : f32
    %log3A_3557 = math.log %log3A_3556 : f32
    %div3A_3558 = vector.broadcast %log3A_3557 : f32 to vector<8x1024xf32>
    %div3A_3559 = arith.divf %log3A_3555, %div3A_3558 : vector<8x1024xf32>
    %add3A_3560 = arith.addf %add3A_3519, %div3A_3559 : vector<8x1024xf32>
    %slice3A_3561 = vector.extract_strided_slice %get3A_2576 {offsets = [768, 0], sizes = [8, 1024], strides = [1, 1]} : vector<1000x1024xf32> to vector<8x1024xf32>
    %mul3A_3562 = arith.constant -1.44269502 : f32
    %mul3A_3563 = vector.broadcast %mul3A_3562 : f32 to vector<8x1024xf32>
    %mul3A_3564 = arith.mulf %slice3A_3561, %mul3A_3563 : vector<8x1024xf32>
    %exp23A_3565 = math.exp2 %mul3A_3564 : vector<8x1024xf32>
    %add3A_3566 = arith.constant 1.000000e+00 : f32
    %add3A_3567 = vector.broadcast %add3A_3566 : f32 to vector<8x1024xf32>
    %add3A_3568 = arith.addf %add3A_3567, %exp23A_3565 : vector<8x1024xf32>
    %slice3A_3569 = vector.extract_strided_slice %get3A_2576 {offsets = [776, 0], sizes = [8, 1024], strides = [1, 1]} : vector<1000x1024xf32> to vector<8x1024xf32>
    %mul3A_3570 = arith.constant -1.44269502 : f32
    %mul3A_3571 = vector.broadcast %mul3A_3570 : f32 to vector<8x1024xf32>
    %mul3A_3572 = arith.mulf %slice3A_3569, %mul3A_3571 : vector<8x1024xf32>
    %exp23A_3573 = math.exp2 %mul3A_3572 : vector<8x1024xf32>
    %add3A_3574 = arith.constant 1.000000e+00 : f32
    %add3A_3575 = vector.broadcast %add3A_3574 : f32 to vector<8x1024xf32>
    %add3A_3576 = arith.addf %add3A_3575, %exp23A_3573 : vector<8x1024xf32>
    %slice3A_3577 = vector.extract_strided_slice %get3A_2576 {offsets = [784, 0], sizes = [8, 1024], strides = [1, 1]} : vector<1000x1024xf32> to vector<8x1024xf32>
    %mul3A_3578 = arith.constant -1.44269502 : f32
    %mul3A_3579 = vector.broadcast %mul3A_3578 : f32 to vector<8x1024xf32>
    %mul3A_3580 = arith.mulf %slice3A_3577, %mul3A_3579 : vector<8x1024xf32>
    %exp23A_3581 = math.exp2 %mul3A_3580 : vector<8x1024xf32>
    %add3A_3582 = arith.constant 1.000000e+00 : f32
    %add3A_3583 = vector.broadcast %add3A_3582 : f32 to vector<8x1024xf32>
    %add3A_3584 = arith.addf %add3A_3583, %exp23A_3581 : vector<8x1024xf32>
    %slice3A_3585 = vector.extract_strided_slice %get3A_2576 {offsets = [792, 0], sizes = [8, 1024], strides = [1, 1]} : vector<1000x1024xf32> to vector<8x1024xf32>
    %mul3A_3586 = arith.constant -1.44269502 : f32
    %mul3A_3587 = vector.broadcast %mul3A_3586 : f32 to vector<8x1024xf32>
    %mul3A_3588 = arith.mulf %slice3A_3585, %mul3A_3587 : vector<8x1024xf32>
    %exp23A_3589 = math.exp2 %mul3A_3588 : vector<8x1024xf32>
    %add3A_3590 = arith.constant 1.000000e+00 : f32
    %add3A_3591 = vector.broadcast %add3A_3590 : f32 to vector<8x1024xf32>
    %add3A_3592 = arith.addf %add3A_3591, %exp23A_3589 : vector<8x1024xf32>
    %mul3A_3593 = arith.mulf %add3A_3568, %add3A_3576 : vector<8x1024xf32>
    %mul3A_3594 = arith.mulf %add3A_3584, %add3A_3592 : vector<8x1024xf32>
    %mul3A_3595 = arith.mulf %mul3A_3593, %mul3A_3594 : vector<8x1024xf32>
    %log3A_3596 = math.log %mul3A_3595 : vector<8x1024xf32>
    %log3A_3597 = arith.constant 2.000000e+00 : f32
    %log3A_3598 = math.log %log3A_3597 : f32
    %div3A_3599 = vector.broadcast %log3A_3598 : f32 to vector<8x1024xf32>
    %div3A_3600 = arith.divf %log3A_3596, %div3A_3599 : vector<8x1024xf32>
    %add3A_3601 = arith.addf %add3A_3560, %div3A_3600 : vector<8x1024xf32>
    %slice3A_3602 = vector.extract_strided_slice %get3A_2576 {offsets = [800, 0], sizes = [8, 1024], strides = [1, 1]} : vector<1000x1024xf32> to vector<8x1024xf32>
    %mul3A_3603 = arith.constant -1.44269502 : f32
    %mul3A_3604 = vector.broadcast %mul3A_3603 : f32 to vector<8x1024xf32>
    %mul3A_3605 = arith.mulf %slice3A_3602, %mul3A_3604 : vector<8x1024xf32>
    %exp23A_3606 = math.exp2 %mul3A_3605 : vector<8x1024xf32>
    %add3A_3607 = arith.constant 1.000000e+00 : f32
    %add3A_3608 = vector.broadcast %add3A_3607 : f32 to vector<8x1024xf32>
    %add3A_3609 = arith.addf %add3A_3608, %exp23A_3606 : vector<8x1024xf32>
    %slice3A_3610 = vector.extract_strided_slice %get3A_2576 {offsets = [808, 0], sizes = [8, 1024], strides = [1, 1]} : vector<1000x1024xf32> to vector<8x1024xf32>
    %mul3A_3611 = arith.constant -1.44269502 : f32
    %mul3A_3612 = vector.broadcast %mul3A_3611 : f32 to vector<8x1024xf32>
    %mul3A_3613 = arith.mulf %slice3A_3610, %mul3A_3612 : vector<8x1024xf32>
    %exp23A_3614 = math.exp2 %mul3A_3613 : vector<8x1024xf32>
    %add3A_3615 = arith.constant 1.000000e+00 : f32
    %add3A_3616 = vector.broadcast %add3A_3615 : f32 to vector<8x1024xf32>
    %add3A_3617 = arith.addf %add3A_3616, %exp23A_3614 : vector<8x1024xf32>
    %slice3A_3618 = vector.extract_strided_slice %get3A_2576 {offsets = [816, 0], sizes = [8, 1024], strides = [1, 1]} : vector<1000x1024xf32> to vector<8x1024xf32>
    %mul3A_3619 = arith.constant -1.44269502 : f32
    %mul3A_3620 = vector.broadcast %mul3A_3619 : f32 to vector<8x1024xf32>
    %mul3A_3621 = arith.mulf %slice3A_3618, %mul3A_3620 : vector<8x1024xf32>
    %exp23A_3622 = math.exp2 %mul3A_3621 : vector<8x1024xf32>
    %add3A_3623 = arith.constant 1.000000e+00 : f32
    %add3A_3624 = vector.broadcast %add3A_3623 : f32 to vector<8x1024xf32>
    %add3A_3625 = arith.addf %add3A_3624, %exp23A_3622 : vector<8x1024xf32>
    %slice3A_3626 = vector.extract_strided_slice %get3A_2576 {offsets = [824, 0], sizes = [8, 1024], strides = [1, 1]} : vector<1000x1024xf32> to vector<8x1024xf32>
    %mul3A_3627 = arith.constant -1.44269502 : f32
    %mul3A_3628 = vector.broadcast %mul3A_3627 : f32 to vector<8x1024xf32>
    %mul3A_3629 = arith.mulf %slice3A_3626, %mul3A_3628 : vector<8x1024xf32>
    %exp23A_3630 = math.exp2 %mul3A_3629 : vector<8x1024xf32>
    %add3A_3631 = arith.constant 1.000000e+00 : f32
    %add3A_3632 = vector.broadcast %add3A_3631 : f32 to vector<8x1024xf32>
    %add3A_3633 = arith.addf %add3A_3632, %exp23A_3630 : vector<8x1024xf32>
    %mul3A_3634 = arith.mulf %add3A_3609, %add3A_3617 : vector<8x1024xf32>
    %mul3A_3635 = arith.mulf %add3A_3625, %add3A_3633 : vector<8x1024xf32>
    %mul3A_3636 = arith.mulf %mul3A_3634, %mul3A_3635 : vector<8x1024xf32>
    %log3A_3637 = math.log %mul3A_3636 : vector<8x1024xf32>
    %log3A_3638 = arith.constant 2.000000e+00 : f32
    %log3A_3639 = math.log %log3A_3638 : f32
    %div3A_3640 = vector.broadcast %log3A_3639 : f32 to vector<8x1024xf32>
    %div3A_3641 = arith.divf %log3A_3637, %div3A_3640 : vector<8x1024xf32>
    %add3A_3642 = arith.addf %add3A_3601, %div3A_3641 : vector<8x1024xf32>
    %slice3A_3643 = vector.extract_strided_slice %get3A_2576 {offsets = [832, 0], sizes = [8, 1024], strides = [1, 1]} : vector<1000x1024xf32> to vector<8x1024xf32>
    %mul3A_3644 = arith.constant -1.44269502 : f32
    %mul3A_3645 = vector.broadcast %mul3A_3644 : f32 to vector<8x1024xf32>
    %mul3A_3646 = arith.mulf %slice3A_3643, %mul3A_3645 : vector<8x1024xf32>
    %exp23A_3647 = math.exp2 %mul3A_3646 : vector<8x1024xf32>
    %add3A_3648 = arith.constant 1.000000e+00 : f32
    %add3A_3649 = vector.broadcast %add3A_3648 : f32 to vector<8x1024xf32>
    %add3A_3650 = arith.addf %add3A_3649, %exp23A_3647 : vector<8x1024xf32>
    %slice3A_3651 = vector.extract_strided_slice %get3A_2576 {offsets = [840, 0], sizes = [8, 1024], strides = [1, 1]} : vector<1000x1024xf32> to vector<8x1024xf32>
    %mul3A_3652 = arith.constant -1.44269502 : f32
    %mul3A_3653 = vector.broadcast %mul3A_3652 : f32 to vector<8x1024xf32>
    %mul3A_3654 = arith.mulf %slice3A_3651, %mul3A_3653 : vector<8x1024xf32>
    %exp23A_3655 = math.exp2 %mul3A_3654 : vector<8x1024xf32>
    %add3A_3656 = arith.constant 1.000000e+00 : f32
    %add3A_3657 = vector.broadcast %add3A_3656 : f32 to vector<8x1024xf32>
    %add3A_3658 = arith.addf %add3A_3657, %exp23A_3655 : vector<8x1024xf32>
    %slice3A_3659 = vector.extract_strided_slice %get3A_2576 {offsets = [848, 0], sizes = [8, 1024], strides = [1, 1]} : vector<1000x1024xf32> to vector<8x1024xf32>
    %mul3A_3660 = arith.constant -1.44269502 : f32
    %mul3A_3661 = vector.broadcast %mul3A_3660 : f32 to vector<8x1024xf32>
    %mul3A_3662 = arith.mulf %slice3A_3659, %mul3A_3661 : vector<8x1024xf32>
    %exp23A_3663 = math.exp2 %mul3A_3662 : vector<8x1024xf32>
    %add3A_3664 = arith.constant 1.000000e+00 : f32
    %add3A_3665 = vector.broadcast %add3A_3664 : f32 to vector<8x1024xf32>
    %add3A_3666 = arith.addf %add3A_3665, %exp23A_3663 : vector<8x1024xf32>
    %slice3A_3667 = vector.extract_strided_slice %get3A_2576 {offsets = [856, 0], sizes = [8, 1024], strides = [1, 1]} : vector<1000x1024xf32> to vector<8x1024xf32>
    %mul3A_3668 = arith.constant -1.44269502 : f32
    %mul3A_3669 = vector.broadcast %mul3A_3668 : f32 to vector<8x1024xf32>
    %mul3A_3670 = arith.mulf %slice3A_3667, %mul3A_3669 : vector<8x1024xf32>
    %exp23A_3671 = math.exp2 %mul3A_3670 : vector<8x1024xf32>
    %add3A_3672 = arith.constant 1.000000e+00 : f32
    %add3A_3673 = vector.broadcast %add3A_3672 : f32 to vector<8x1024xf32>
    %add3A_3674 = arith.addf %add3A_3673, %exp23A_3671 : vector<8x1024xf32>
    %mul3A_3675 = arith.mulf %add3A_3650, %add3A_3658 : vector<8x1024xf32>
    %mul3A_3676 = arith.mulf %add3A_3666, %add3A_3674 : vector<8x1024xf32>
    %mul3A_3677 = arith.mulf %mul3A_3675, %mul3A_3676 : vector<8x1024xf32>
    %log3A_3678 = math.log %mul3A_3677 : vector<8x1024xf32>
    %log3A_3679 = arith.constant 2.000000e+00 : f32
    %log3A_3680 = math.log %log3A_3679 : f32
    %div3A_3681 = vector.broadcast %log3A_3680 : f32 to vector<8x1024xf32>
    %div3A_3682 = arith.divf %log3A_3678, %div3A_3681 : vector<8x1024xf32>
    %add3A_3683 = arith.addf %add3A_3642, %div3A_3682 : vector<8x1024xf32>
    %slice3A_3684 = vector.extract_strided_slice %get3A_2576 {offsets = [864, 0], sizes = [8, 1024], strides = [1, 1]} : vector<1000x1024xf32> to vector<8x1024xf32>
    %mul3A_3685 = arith.constant -1.44269502 : f32
    %mul3A_3686 = vector.broadcast %mul3A_3685 : f32 to vector<8x1024xf32>
    %mul3A_3687 = arith.mulf %slice3A_3684, %mul3A_3686 : vector<8x1024xf32>
    %exp23A_3688 = math.exp2 %mul3A_3687 : vector<8x1024xf32>
    %add3A_3689 = arith.constant 1.000000e+00 : f32
    %add3A_3690 = vector.broadcast %add3A_3689 : f32 to vector<8x1024xf32>
    %add3A_3691 = arith.addf %add3A_3690, %exp23A_3688 : vector<8x1024xf32>
    %slice3A_3692 = vector.extract_strided_slice %get3A_2576 {offsets = [872, 0], sizes = [8, 1024], strides = [1, 1]} : vector<1000x1024xf32> to vector<8x1024xf32>
    %mul3A_3693 = arith.constant -1.44269502 : f32
    %mul3A_3694 = vector.broadcast %mul3A_3693 : f32 to vector<8x1024xf32>
    %mul3A_3695 = arith.mulf %slice3A_3692, %mul3A_3694 : vector<8x1024xf32>
    %exp23A_3696 = math.exp2 %mul3A_3695 : vector<8x1024xf32>
    %add3A_3697 = arith.constant 1.000000e+00 : f32
    %add3A_3698 = vector.broadcast %add3A_3697 : f32 to vector<8x1024xf32>
    %add3A_3699 = arith.addf %add3A_3698, %exp23A_3696 : vector<8x1024xf32>
    %slice3A_3700 = vector.extract_strided_slice %get3A_2576 {offsets = [880, 0], sizes = [8, 1024], strides = [1, 1]} : vector<1000x1024xf32> to vector<8x1024xf32>
    %mul3A_3701 = arith.constant -1.44269502 : f32
    %mul3A_3702 = vector.broadcast %mul3A_3701 : f32 to vector<8x1024xf32>
    %mul3A_3703 = arith.mulf %slice3A_3700, %mul3A_3702 : vector<8x1024xf32>
    %exp23A_3704 = math.exp2 %mul3A_3703 : vector<8x1024xf32>
    %add3A_3705 = arith.constant 1.000000e+00 : f32
    %add3A_3706 = vector.broadcast %add3A_3705 : f32 to vector<8x1024xf32>
    %add3A_3707 = arith.addf %add3A_3706, %exp23A_3704 : vector<8x1024xf32>
    %slice3A_3708 = vector.extract_strided_slice %get3A_2576 {offsets = [888, 0], sizes = [8, 1024], strides = [1, 1]} : vector<1000x1024xf32> to vector<8x1024xf32>
    %mul3A_3709 = arith.constant -1.44269502 : f32
    %mul3A_3710 = vector.broadcast %mul3A_3709 : f32 to vector<8x1024xf32>
    %mul3A_3711 = arith.mulf %slice3A_3708, %mul3A_3710 : vector<8x1024xf32>
    %exp23A_3712 = math.exp2 %mul3A_3711 : vector<8x1024xf32>
    %add3A_3713 = arith.constant 1.000000e+00 : f32
    %add3A_3714 = vector.broadcast %add3A_3713 : f32 to vector<8x1024xf32>
    %add3A_3715 = arith.addf %add3A_3714, %exp23A_3712 : vector<8x1024xf32>
    %mul3A_3716 = arith.mulf %add3A_3691, %add3A_3699 : vector<8x1024xf32>
    %mul3A_3717 = arith.mulf %add3A_3707, %add3A_3715 : vector<8x1024xf32>
    %mul3A_3718 = arith.mulf %mul3A_3716, %mul3A_3717 : vector<8x1024xf32>
    %log3A_3719 = math.log %mul3A_3718 : vector<8x1024xf32>
    %log3A_3720 = arith.constant 2.000000e+00 : f32
    %log3A_3721 = math.log %log3A_3720 : f32
    %div3A_3722 = vector.broadcast %log3A_3721 : f32 to vector<8x1024xf32>
    %div3A_3723 = arith.divf %log3A_3719, %div3A_3722 : vector<8x1024xf32>
    %add3A_3724 = arith.addf %add3A_3683, %div3A_3723 : vector<8x1024xf32>
    %slice3A_3725 = vector.extract_strided_slice %get3A_2576 {offsets = [896, 0], sizes = [8, 1024], strides = [1, 1]} : vector<1000x1024xf32> to vector<8x1024xf32>
    %mul3A_3726 = arith.constant -1.44269502 : f32
    %mul3A_3727 = vector.broadcast %mul3A_3726 : f32 to vector<8x1024xf32>
    %mul3A_3728 = arith.mulf %slice3A_3725, %mul3A_3727 : vector<8x1024xf32>
    %exp23A_3729 = math.exp2 %mul3A_3728 : vector<8x1024xf32>
    %add3A_3730 = arith.constant 1.000000e+00 : f32
    %add3A_3731 = vector.broadcast %add3A_3730 : f32 to vector<8x1024xf32>
    %add3A_3732 = arith.addf %add3A_3731, %exp23A_3729 : vector<8x1024xf32>
    %slice3A_3733 = vector.extract_strided_slice %get3A_2576 {offsets = [904, 0], sizes = [8, 1024], strides = [1, 1]} : vector<1000x1024xf32> to vector<8x1024xf32>
    %mul3A_3734 = arith.constant -1.44269502 : f32
    %mul3A_3735 = vector.broadcast %mul3A_3734 : f32 to vector<8x1024xf32>
    %mul3A_3736 = arith.mulf %slice3A_3733, %mul3A_3735 : vector<8x1024xf32>
    %exp23A_3737 = math.exp2 %mul3A_3736 : vector<8x1024xf32>
    %add3A_3738 = arith.constant 1.000000e+00 : f32
    %add3A_3739 = vector.broadcast %add3A_3738 : f32 to vector<8x1024xf32>
    %add3A_3740 = arith.addf %add3A_3739, %exp23A_3737 : vector<8x1024xf32>
    %slice3A_3741 = vector.extract_strided_slice %get3A_2576 {offsets = [912, 0], sizes = [8, 1024], strides = [1, 1]} : vector<1000x1024xf32> to vector<8x1024xf32>
    %mul3A_3742 = arith.constant -1.44269502 : f32
    %mul3A_3743 = vector.broadcast %mul3A_3742 : f32 to vector<8x1024xf32>
    %mul3A_3744 = arith.mulf %slice3A_3741, %mul3A_3743 : vector<8x1024xf32>
    %exp23A_3745 = math.exp2 %mul3A_3744 : vector<8x1024xf32>
    %add3A_3746 = arith.constant 1.000000e+00 : f32
    %add3A_3747 = vector.broadcast %add3A_3746 : f32 to vector<8x1024xf32>
    %add3A_3748 = arith.addf %add3A_3747, %exp23A_3745 : vector<8x1024xf32>
    %slice3A_3749 = vector.extract_strided_slice %get3A_2576 {offsets = [920, 0], sizes = [8, 1024], strides = [1, 1]} : vector<1000x1024xf32> to vector<8x1024xf32>
    %mul3A_3750 = arith.constant -1.44269502 : f32
    %mul3A_3751 = vector.broadcast %mul3A_3750 : f32 to vector<8x1024xf32>
    %mul3A_3752 = arith.mulf %slice3A_3749, %mul3A_3751 : vector<8x1024xf32>
    %exp23A_3753 = math.exp2 %mul3A_3752 : vector<8x1024xf32>
    %add3A_3754 = arith.constant 1.000000e+00 : f32
    %add3A_3755 = vector.broadcast %add3A_3754 : f32 to vector<8x1024xf32>
    %add3A_3756 = arith.addf %add3A_3755, %exp23A_3753 : vector<8x1024xf32>
    %mul3A_3757 = arith.mulf %add3A_3732, %add3A_3740 : vector<8x1024xf32>
    %mul3A_3758 = arith.mulf %add3A_3748, %add3A_3756 : vector<8x1024xf32>
    %mul3A_3759 = arith.mulf %mul3A_3757, %mul3A_3758 : vector<8x1024xf32>
    %log3A_3760 = math.log %mul3A_3759 : vector<8x1024xf32>
    %log3A_3761 = arith.constant 2.000000e+00 : f32
    %log3A_3762 = math.log %log3A_3761 : f32
    %div3A_3763 = vector.broadcast %log3A_3762 : f32 to vector<8x1024xf32>
    %div3A_3764 = arith.divf %log3A_3760, %div3A_3763 : vector<8x1024xf32>
    %add3A_3765 = arith.addf %add3A_3724, %div3A_3764 : vector<8x1024xf32>
    %slice3A_3766 = vector.extract_strided_slice %get3A_2576 {offsets = [928, 0], sizes = [8, 1024], strides = [1, 1]} : vector<1000x1024xf32> to vector<8x1024xf32>
    %mul3A_3767 = arith.constant -1.44269502 : f32
    %mul3A_3768 = vector.broadcast %mul3A_3767 : f32 to vector<8x1024xf32>
    %mul3A_3769 = arith.mulf %slice3A_3766, %mul3A_3768 : vector<8x1024xf32>
    %exp23A_3770 = math.exp2 %mul3A_3769 : vector<8x1024xf32>
    %add3A_3771 = arith.constant 1.000000e+00 : f32
    %add3A_3772 = vector.broadcast %add3A_3771 : f32 to vector<8x1024xf32>
    %add3A_3773 = arith.addf %add3A_3772, %exp23A_3770 : vector<8x1024xf32>
    %slice3A_3774 = vector.extract_strided_slice %get3A_2576 {offsets = [936, 0], sizes = [8, 1024], strides = [1, 1]} : vector<1000x1024xf32> to vector<8x1024xf32>
    %mul3A_3775 = arith.constant -1.44269502 : f32
    %mul3A_3776 = vector.broadcast %mul3A_3775 : f32 to vector<8x1024xf32>
    %mul3A_3777 = arith.mulf %slice3A_3774, %mul3A_3776 : vector<8x1024xf32>
    %exp23A_3778 = math.exp2 %mul3A_3777 : vector<8x1024xf32>
    %add3A_3779 = arith.constant 1.000000e+00 : f32
    %add3A_3780 = vector.broadcast %add3A_3779 : f32 to vector<8x1024xf32>
    %add3A_3781 = arith.addf %add3A_3780, %exp23A_3778 : vector<8x1024xf32>
    %slice3A_3782 = vector.extract_strided_slice %get3A_2576 {offsets = [944, 0], sizes = [8, 1024], strides = [1, 1]} : vector<1000x1024xf32> to vector<8x1024xf32>
    %mul3A_3783 = arith.constant -1.44269502 : f32
    %mul3A_3784 = vector.broadcast %mul3A_3783 : f32 to vector<8x1024xf32>
    %mul3A_3785 = arith.mulf %slice3A_3782, %mul3A_3784 : vector<8x1024xf32>
    %exp23A_3786 = math.exp2 %mul3A_3785 : vector<8x1024xf32>
    %add3A_3787 = arith.constant 1.000000e+00 : f32
    %add3A_3788 = vector.broadcast %add3A_3787 : f32 to vector<8x1024xf32>
    %add3A_3789 = arith.addf %add3A_3788, %exp23A_3786 : vector<8x1024xf32>
    %slice3A_3790 = vector.extract_strided_slice %get3A_2576 {offsets = [952, 0], sizes = [8, 1024], strides = [1, 1]} : vector<1000x1024xf32> to vector<8x1024xf32>
    %mul3A_3791 = arith.constant -1.44269502 : f32
    %mul3A_3792 = vector.broadcast %mul3A_3791 : f32 to vector<8x1024xf32>
    %mul3A_3793 = arith.mulf %slice3A_3790, %mul3A_3792 : vector<8x1024xf32>
    %exp23A_3794 = math.exp2 %mul3A_3793 : vector<8x1024xf32>
    %add3A_3795 = arith.constant 1.000000e+00 : f32
    %add3A_3796 = vector.broadcast %add3A_3795 : f32 to vector<8x1024xf32>
    %add3A_3797 = arith.addf %add3A_3796, %exp23A_3794 : vector<8x1024xf32>
    %mul3A_3798 = arith.mulf %add3A_3773, %add3A_3781 : vector<8x1024xf32>
    %mul3A_3799 = arith.mulf %add3A_3789, %add3A_3797 : vector<8x1024xf32>
    %mul3A_3800 = arith.mulf %mul3A_3798, %mul3A_3799 : vector<8x1024xf32>
    %log3A_3801 = math.log %mul3A_3800 : vector<8x1024xf32>
    %log3A_3802 = arith.constant 2.000000e+00 : f32
    %log3A_3803 = math.log %log3A_3802 : f32
    %div3A_3804 = vector.broadcast %log3A_3803 : f32 to vector<8x1024xf32>
    %div3A_3805 = arith.divf %log3A_3801, %div3A_3804 : vector<8x1024xf32>
    %add3A_3806 = arith.addf %add3A_3765, %div3A_3805 : vector<8x1024xf32>
    %slice3A_3807 = vector.extract_strided_slice %get3A_2576 {offsets = [960, 0], sizes = [8, 1024], strides = [1, 1]} : vector<1000x1024xf32> to vector<8x1024xf32>
    %mul3A_3808 = arith.constant -1.44269502 : f32
    %mul3A_3809 = vector.broadcast %mul3A_3808 : f32 to vector<8x1024xf32>
    %mul3A_3810 = arith.mulf %slice3A_3807, %mul3A_3809 : vector<8x1024xf32>
    %exp23A_3811 = math.exp2 %mul3A_3810 : vector<8x1024xf32>
    %add3A_3812 = arith.constant 1.000000e+00 : f32
    %add3A_3813 = vector.broadcast %add3A_3812 : f32 to vector<8x1024xf32>
    %add3A_3814 = arith.addf %add3A_3813, %exp23A_3811 : vector<8x1024xf32>
    %slice3A_3815 = vector.extract_strided_slice %get3A_2576 {offsets = [968, 0], sizes = [8, 1024], strides = [1, 1]} : vector<1000x1024xf32> to vector<8x1024xf32>
    %mul3A_3816 = arith.constant -1.44269502 : f32
    %mul3A_3817 = vector.broadcast %mul3A_3816 : f32 to vector<8x1024xf32>
    %mul3A_3818 = arith.mulf %slice3A_3815, %mul3A_3817 : vector<8x1024xf32>
    %exp23A_3819 = math.exp2 %mul3A_3818 : vector<8x1024xf32>
    %add3A_3820 = arith.constant 1.000000e+00 : f32
    %add3A_3821 = vector.broadcast %add3A_3820 : f32 to vector<8x1024xf32>
    %add3A_3822 = arith.addf %add3A_3821, %exp23A_3819 : vector<8x1024xf32>
    %slice3A_3823 = vector.extract_strided_slice %get3A_2576 {offsets = [976, 0], sizes = [8, 1024], strides = [1, 1]} : vector<1000x1024xf32> to vector<8x1024xf32>
    %mul3A_3824 = arith.constant -1.44269502 : f32
    %mul3A_3825 = vector.broadcast %mul3A_3824 : f32 to vector<8x1024xf32>
    %mul3A_3826 = arith.mulf %slice3A_3823, %mul3A_3825 : vector<8x1024xf32>
    %exp23A_3827 = math.exp2 %mul3A_3826 : vector<8x1024xf32>
    %add3A_3828 = arith.constant 1.000000e+00 : f32
    %add3A_3829 = vector.broadcast %add3A_3828 : f32 to vector<8x1024xf32>
    %add3A_3830 = arith.addf %add3A_3829, %exp23A_3827 : vector<8x1024xf32>
    %slice3A_3831 = vector.extract_strided_slice %get3A_2576 {offsets = [984, 0], sizes = [8, 1024], strides = [1, 1]} : vector<1000x1024xf32> to vector<8x1024xf32>
    %mul3A_3832 = arith.constant -1.44269502 : f32
    %mul3A_3833 = vector.broadcast %mul3A_3832 : f32 to vector<8x1024xf32>
    %mul3A_3834 = arith.mulf %slice3A_3831, %mul3A_3833 : vector<8x1024xf32>
    %exp23A_3835 = math.exp2 %mul3A_3834 : vector<8x1024xf32>
    %add3A_3836 = arith.constant 1.000000e+00 : f32
    %add3A_3837 = vector.broadcast %add3A_3836 : f32 to vector<8x1024xf32>
    %add3A_3838 = arith.addf %add3A_3837, %exp23A_3835 : vector<8x1024xf32>
    %mul3A_3839 = arith.mulf %add3A_3814, %add3A_3822 : vector<8x1024xf32>
    %mul3A_3840 = arith.mulf %add3A_3830, %add3A_3838 : vector<8x1024xf32>
    %mul3A_3841 = arith.mulf %mul3A_3839, %mul3A_3840 : vector<8x1024xf32>
    %log3A_3842 = math.log %mul3A_3841 : vector<8x1024xf32>
    %log3A_3843 = arith.constant 2.000000e+00 : f32
    %log3A_3844 = math.log %log3A_3843 : f32
    %div3A_3845 = vector.broadcast %log3A_3844 : f32 to vector<8x1024xf32>
    %div3A_3846 = arith.divf %log3A_3842, %div3A_3845 : vector<8x1024xf32>
    %add3A_3847 = arith.addf %add3A_3806, %div3A_3846 : vector<8x1024xf32>
    %slice3A_3848 = vector.extract_strided_slice %get3A_2576 {offsets = [992, 0], sizes = [8, 1024], strides = [1, 1]} : vector<1000x1024xf32> to vector<8x1024xf32>
    %mul3A_3849 = arith.constant -1.44269502 : f32
    %mul3A_3850 = vector.broadcast %mul3A_3849 : f32 to vector<8x1024xf32>
    %mul3A_3851 = arith.mulf %slice3A_3848, %mul3A_3850 : vector<8x1024xf32>
    %exp23A_3852 = math.exp2 %mul3A_3851 : vector<8x1024xf32>
    %add3A_3853 = arith.constant 1.000000e+00 : f32
    %add3A_3854 = vector.broadcast %add3A_3853 : f32 to vector<8x1024xf32>
    %add3A_3855 = arith.addf %add3A_3854, %exp23A_3852 : vector<8x1024xf32>
    %log3A_3856 = math.log %add3A_3855 : vector<8x1024xf32>
    %log3A_3857 = arith.constant 2.000000e+00 : f32
    %log3A_3858 = math.log %log3A_3857 : f32
    %div3A_3859 = vector.broadcast %log3A_3858 : f32 to vector<8x1024xf32>
    %div3A_3860 = arith.divf %log3A_3856, %div3A_3859 : vector<8x1024xf32>
    %add3A_3861 = arith.addf %add3A_3847, %div3A_3860 : vector<8x1024xf32>
    %get3A_3862 = arith.constant 0 : index
    %get3A_3863 = arith.constant 0 : index
    %get3A_3864 = vector.load %arg4[%get3A_3862, %get3A_3863] : memref<1000x1024xf32, #tpu.memory_space<vmem>>, vector<1000x1024xf32>
    %slice3A_3865 = vector.extract_strided_slice %get3A_3864 {offsets = [0, 0], sizes = [8, 1024], strides = [1, 1]} : vector<1000x1024xf32> to vector<8x1024xf32>
    %mul3A_3866 = arith.constant -1.44269502 : f32
    %mul3A_3867 = vector.broadcast %mul3A_3866 : f32 to vector<8x1024xf32>
    %mul3A_3868 = arith.mulf %slice3A_3865, %mul3A_3867 : vector<8x1024xf32>
    %exp23A_3869 = math.exp2 %mul3A_3868 : vector<8x1024xf32>
    %add3A_3870 = arith.constant 1.000000e+00 : f32
    %add3A_3871 = vector.broadcast %add3A_3870 : f32 to vector<8x1024xf32>
    %add3A_3872 = arith.addf %add3A_3871, %exp23A_3869 : vector<8x1024xf32>
    %slice3A_3873 = vector.extract_strided_slice %get3A_3864 {offsets = [8, 0], sizes = [8, 1024], strides = [1, 1]} : vector<1000x1024xf32> to vector<8x1024xf32>
    %mul3A_3874 = arith.constant -1.44269502 : f32
    %mul3A_3875 = vector.broadcast %mul3A_3874 : f32 to vector<8x1024xf32>
    %mul3A_3876 = arith.mulf %slice3A_3873, %mul3A_3875 : vector<8x1024xf32>
    %exp23A_3877 = math.exp2 %mul3A_3876 : vector<8x1024xf32>
    %add3A_3878 = arith.constant 1.000000e+00 : f32
    %add3A_3879 = vector.broadcast %add3A_3878 : f32 to vector<8x1024xf32>
    %add3A_3880 = arith.addf %add3A_3879, %exp23A_3877 : vector<8x1024xf32>
    %slice3A_3881 = vector.extract_strided_slice %get3A_3864 {offsets = [16, 0], sizes = [8, 1024], strides = [1, 1]} : vector<1000x1024xf32> to vector<8x1024xf32>
    %mul3A_3882 = arith.constant -1.44269502 : f32
    %mul3A_3883 = vector.broadcast %mul3A_3882 : f32 to vector<8x1024xf32>
    %mul3A_3884 = arith.mulf %slice3A_3881, %mul3A_3883 : vector<8x1024xf32>
    %exp23A_3885 = math.exp2 %mul3A_3884 : vector<8x1024xf32>
    %add3A_3886 = arith.constant 1.000000e+00 : f32
    %add3A_3887 = vector.broadcast %add3A_3886 : f32 to vector<8x1024xf32>
    %add3A_3888 = arith.addf %add3A_3887, %exp23A_3885 : vector<8x1024xf32>
    %slice3A_3889 = vector.extract_strided_slice %get3A_3864 {offsets = [24, 0], sizes = [8, 1024], strides = [1, 1]} : vector<1000x1024xf32> to vector<8x1024xf32>
    %mul3A_3890 = arith.constant -1.44269502 : f32
    %mul3A_3891 = vector.broadcast %mul3A_3890 : f32 to vector<8x1024xf32>
    %mul3A_3892 = arith.mulf %slice3A_3889, %mul3A_3891 : vector<8x1024xf32>
    %exp23A_3893 = math.exp2 %mul3A_3892 : vector<8x1024xf32>
    %add3A_3894 = arith.constant 1.000000e+00 : f32
    %add3A_3895 = vector.broadcast %add3A_3894 : f32 to vector<8x1024xf32>
    %add3A_3896 = arith.addf %add3A_3895, %exp23A_3893 : vector<8x1024xf32>
    %mul3A_3897 = arith.mulf %add3A_3872, %add3A_3880 : vector<8x1024xf32>
    %mul3A_3898 = arith.mulf %add3A_3888, %add3A_3896 : vector<8x1024xf32>
    %mul3A_3899 = arith.mulf %mul3A_3897, %mul3A_3898 : vector<8x1024xf32>
    %log3A_3900 = math.log %mul3A_3899 : vector<8x1024xf32>
    %log3A_3901 = arith.constant 2.000000e+00 : f32
    %log3A_3902 = math.log %log3A_3901 : f32
    %div3A_3903 = vector.broadcast %log3A_3902 : f32 to vector<8x1024xf32>
    %div3A_3904 = arith.divf %log3A_3900, %div3A_3903 : vector<8x1024xf32>
    %add3A_3905 = arith.addf %add3A_3861, %div3A_3904 : vector<8x1024xf32>
    %slice3A_3906 = vector.extract_strided_slice %get3A_3864 {offsets = [32, 0], sizes = [8, 1024], strides = [1, 1]} : vector<1000x1024xf32> to vector<8x1024xf32>
    %mul3A_3907 = arith.constant -1.44269502 : f32
    %mul3A_3908 = vector.broadcast %mul3A_3907 : f32 to vector<8x1024xf32>
    %mul3A_3909 = arith.mulf %slice3A_3906, %mul3A_3908 : vector<8x1024xf32>
    %exp23A_3910 = math.exp2 %mul3A_3909 : vector<8x1024xf32>
    %add3A_3911 = arith.constant 1.000000e+00 : f32
    %add3A_3912 = vector.broadcast %add3A_3911 : f32 to vector<8x1024xf32>
    %add3A_3913 = arith.addf %add3A_3912, %exp23A_3910 : vector<8x1024xf32>
    %slice3A_3914 = vector.extract_strided_slice %get3A_3864 {offsets = [40, 0], sizes = [8, 1024], strides = [1, 1]} : vector<1000x1024xf32> to vector<8x1024xf32>
    %mul3A_3915 = arith.constant -1.44269502 : f32
    %mul3A_3916 = vector.broadcast %mul3A_3915 : f32 to vector<8x1024xf32>
    %mul3A_3917 = arith.mulf %slice3A_3914, %mul3A_3916 : vector<8x1024xf32>
    %exp23A_3918 = math.exp2 %mul3A_3917 : vector<8x1024xf32>
    %add3A_3919 = arith.constant 1.000000e+00 : f32
    %add3A_3920 = vector.broadcast %add3A_3919 : f32 to vector<8x1024xf32>
    %add3A_3921 = arith.addf %add3A_3920, %exp23A_3918 : vector<8x1024xf32>
    %slice3A_3922 = vector.extract_strided_slice %get3A_3864 {offsets = [48, 0], sizes = [8, 1024], strides = [1, 1]} : vector<1000x1024xf32> to vector<8x1024xf32>
    %mul3A_3923 = arith.constant -1.44269502 : f32
    %mul3A_3924 = vector.broadcast %mul3A_3923 : f32 to vector<8x1024xf32>
    %mul3A_3925 = arith.mulf %slice3A_3922, %mul3A_3924 : vector<8x1024xf32>
    %exp23A_3926 = math.exp2 %mul3A_3925 : vector<8x1024xf32>
    %add3A_3927 = arith.constant 1.000000e+00 : f32
    %add3A_3928 = vector.broadcast %add3A_3927 : f32 to vector<8x1024xf32>
    %add3A_3929 = arith.addf %add3A_3928, %exp23A_3926 : vector<8x1024xf32>
    %slice3A_3930 = vector.extract_strided_slice %get3A_3864 {offsets = [56, 0], sizes = [8, 1024], strides = [1, 1]} : vector<1000x1024xf32> to vector<8x1024xf32>
    %mul3A_3931 = arith.constant -1.44269502 : f32
    %mul3A_3932 = vector.broadcast %mul3A_3931 : f32 to vector<8x1024xf32>
    %mul3A_3933 = arith.mulf %slice3A_3930, %mul3A_3932 : vector<8x1024xf32>
    %exp23A_3934 = math.exp2 %mul3A_3933 : vector<8x1024xf32>
    %add3A_3935 = arith.constant 1.000000e+00 : f32
    %add3A_3936 = vector.broadcast %add3A_3935 : f32 to vector<8x1024xf32>
    %add3A_3937 = arith.addf %add3A_3936, %exp23A_3934 : vector<8x1024xf32>
    %mul3A_3938 = arith.mulf %add3A_3913, %add3A_3921 : vector<8x1024xf32>
    %mul3A_3939 = arith.mulf %add3A_3929, %add3A_3937 : vector<8x1024xf32>
    %mul3A_3940 = arith.mulf %mul3A_3938, %mul3A_3939 : vector<8x1024xf32>
    %log3A_3941 = math.log %mul3A_3940 : vector<8x1024xf32>
    %log3A_3942 = arith.constant 2.000000e+00 : f32
    %log3A_3943 = math.log %log3A_3942 : f32
    %div3A_3944 = vector.broadcast %log3A_3943 : f32 to vector<8x1024xf32>
    %div3A_3945 = arith.divf %log3A_3941, %div3A_3944 : vector<8x1024xf32>
    %add3A_3946 = arith.addf %add3A_3905, %div3A_3945 : vector<8x1024xf32>
    %slice3A_3947 = vector.extract_strided_slice %get3A_3864 {offsets = [64, 0], sizes = [8, 1024], strides = [1, 1]} : vector<1000x1024xf32> to vector<8x1024xf32>
    %mul3A_3948 = arith.constant -1.44269502 : f32
    %mul3A_3949 = vector.broadcast %mul3A_3948 : f32 to vector<8x1024xf32>
    %mul3A_3950 = arith.mulf %slice3A_3947, %mul3A_3949 : vector<8x1024xf32>
    %exp23A_3951 = math.exp2 %mul3A_3950 : vector<8x1024xf32>
    %add3A_3952 = arith.constant 1.000000e+00 : f32
    %add3A_3953 = vector.broadcast %add3A_3952 : f32 to vector<8x1024xf32>
    %add3A_3954 = arith.addf %add3A_3953, %exp23A_3951 : vector<8x1024xf32>
    %slice3A_3955 = vector.extract_strided_slice %get3A_3864 {offsets = [72, 0], sizes = [8, 1024], strides = [1, 1]} : vector<1000x1024xf32> to vector<8x1024xf32>
    %mul3A_3956 = arith.constant -1.44269502 : f32
    %mul3A_3957 = vector.broadcast %mul3A_3956 : f32 to vector<8x1024xf32>
    %mul3A_3958 = arith.mulf %slice3A_3955, %mul3A_3957 : vector<8x1024xf32>
    %exp23A_3959 = math.exp2 %mul3A_3958 : vector<8x1024xf32>
    %add3A_3960 = arith.constant 1.000000e+00 : f32
    %add3A_3961 = vector.broadcast %add3A_3960 : f32 to vector<8x1024xf32>
    %add3A_3962 = arith.addf %add3A_3961, %exp23A_3959 : vector<8x1024xf32>
    %slice3A_3963 = vector.extract_strided_slice %get3A_3864 {offsets = [80, 0], sizes = [8, 1024], strides = [1, 1]} : vector<1000x1024xf32> to vector<8x1024xf32>
    %mul3A_3964 = arith.constant -1.44269502 : f32
    %mul3A_3965 = vector.broadcast %mul3A_3964 : f32 to vector<8x1024xf32>
    %mul3A_3966 = arith.mulf %slice3A_3963, %mul3A_3965 : vector<8x1024xf32>
    %exp23A_3967 = math.exp2 %mul3A_3966 : vector<8x1024xf32>
    %add3A_3968 = arith.constant 1.000000e+00 : f32
    %add3A_3969 = vector.broadcast %add3A_3968 : f32 to vector<8x1024xf32>
    %add3A_3970 = arith.addf %add3A_3969, %exp23A_3967 : vector<8x1024xf32>
    %slice3A_3971 = vector.extract_strided_slice %get3A_3864 {offsets = [88, 0], sizes = [8, 1024], strides = [1, 1]} : vector<1000x1024xf32> to vector<8x1024xf32>
    %mul3A_3972 = arith.constant -1.44269502 : f32
    %mul3A_3973 = vector.broadcast %mul3A_3972 : f32 to vector<8x1024xf32>
    %mul3A_3974 = arith.mulf %slice3A_3971, %mul3A_3973 : vector<8x1024xf32>
    %exp23A_3975 = math.exp2 %mul3A_3974 : vector<8x1024xf32>
    %add3A_3976 = arith.constant 1.000000e+00 : f32
    %add3A_3977 = vector.broadcast %add3A_3976 : f32 to vector<8x1024xf32>
    %add3A_3978 = arith.addf %add3A_3977, %exp23A_3975 : vector<8x1024xf32>
    %mul3A_3979 = arith.mulf %add3A_3954, %add3A_3962 : vector<8x1024xf32>
    %mul3A_3980 = arith.mulf %add3A_3970, %add3A_3978 : vector<8x1024xf32>
    %mul3A_3981 = arith.mulf %mul3A_3979, %mul3A_3980 : vector<8x1024xf32>
    %log3A_3982 = math.log %mul3A_3981 : vector<8x1024xf32>
    %log3A_3983 = arith.constant 2.000000e+00 : f32
    %log3A_3984 = math.log %log3A_3983 : f32
    %div3A_3985 = vector.broadcast %log3A_3984 : f32 to vector<8x1024xf32>
    %div3A_3986 = arith.divf %log3A_3982, %div3A_3985 : vector<8x1024xf32>
    %add3A_3987 = arith.addf %add3A_3946, %div3A_3986 : vector<8x1024xf32>
    %slice3A_3988 = vector.extract_strided_slice %get3A_3864 {offsets = [96, 0], sizes = [8, 1024], strides = [1, 1]} : vector<1000x1024xf32> to vector<8x1024xf32>
    %mul3A_3989 = arith.constant -1.44269502 : f32
    %mul3A_3990 = vector.broadcast %mul3A_3989 : f32 to vector<8x1024xf32>
    %mul3A_3991 = arith.mulf %slice3A_3988, %mul3A_3990 : vector<8x1024xf32>
    %exp23A_3992 = math.exp2 %mul3A_3991 : vector<8x1024xf32>
    %add3A_3993 = arith.constant 1.000000e+00 : f32
    %add3A_3994 = vector.broadcast %add3A_3993 : f32 to vector<8x1024xf32>
    %add3A_3995 = arith.addf %add3A_3994, %exp23A_3992 : vector<8x1024xf32>
    %slice3A_3996 = vector.extract_strided_slice %get3A_3864 {offsets = [104, 0], sizes = [8, 1024], strides = [1, 1]} : vector<1000x1024xf32> to vector<8x1024xf32>
    %mul3A_3997 = arith.constant -1.44269502 : f32
    %mul3A_3998 = vector.broadcast %mul3A_3997 : f32 to vector<8x1024xf32>
    %mul3A_3999 = arith.mulf %slice3A_3996, %mul3A_3998 : vector<8x1024xf32>
    %exp23A_4000 = math.exp2 %mul3A_3999 : vector<8x1024xf32>
    %add3A_4001 = arith.constant 1.000000e+00 : f32
    %add3A_4002 = vector.broadcast %add3A_4001 : f32 to vector<8x1024xf32>
    %add3A_4003 = arith.addf %add3A_4002, %exp23A_4000 : vector<8x1024xf32>
    %slice3A_4004 = vector.extract_strided_slice %get3A_3864 {offsets = [112, 0], sizes = [8, 1024], strides = [1, 1]} : vector<1000x1024xf32> to vector<8x1024xf32>
    %mul3A_4005 = arith.constant -1.44269502 : f32
    %mul3A_4006 = vector.broadcast %mul3A_4005 : f32 to vector<8x1024xf32>
    %mul3A_4007 = arith.mulf %slice3A_4004, %mul3A_4006 : vector<8x1024xf32>
    %exp23A_4008 = math.exp2 %mul3A_4007 : vector<8x1024xf32>
    %add3A_4009 = arith.constant 1.000000e+00 : f32
    %add3A_4010 = vector.broadcast %add3A_4009 : f32 to vector<8x1024xf32>
    %add3A_4011 = arith.addf %add3A_4010, %exp23A_4008 : vector<8x1024xf32>
    %slice3A_4012 = vector.extract_strided_slice %get3A_3864 {offsets = [120, 0], sizes = [8, 1024], strides = [1, 1]} : vector<1000x1024xf32> to vector<8x1024xf32>
    %mul3A_4013 = arith.constant -1.44269502 : f32
    %mul3A_4014 = vector.broadcast %mul3A_4013 : f32 to vector<8x1024xf32>
    %mul3A_4015 = arith.mulf %slice3A_4012, %mul3A_4014 : vector<8x1024xf32>
    %exp23A_4016 = math.exp2 %mul3A_4015 : vector<8x1024xf32>
    %add3A_4017 = arith.constant 1.000000e+00 : f32
    %add3A_4018 = vector.broadcast %add3A_4017 : f32 to vector<8x1024xf32>
    %add3A_4019 = arith.addf %add3A_4018, %exp23A_4016 : vector<8x1024xf32>
    %mul3A_4020 = arith.mulf %add3A_3995, %add3A_4003 : vector<8x1024xf32>
    %mul3A_4021 = arith.mulf %add3A_4011, %add3A_4019 : vector<8x1024xf32>
    %mul3A_4022 = arith.mulf %mul3A_4020, %mul3A_4021 : vector<8x1024xf32>
    %log3A_4023 = math.log %mul3A_4022 : vector<8x1024xf32>
    %log3A_4024 = arith.constant 2.000000e+00 : f32
    %log3A_4025 = math.log %log3A_4024 : f32
    %div3A_4026 = vector.broadcast %log3A_4025 : f32 to vector<8x1024xf32>
    %div3A_4027 = arith.divf %log3A_4023, %div3A_4026 : vector<8x1024xf32>
    %add3A_4028 = arith.addf %add3A_3987, %div3A_4027 : vector<8x1024xf32>
    %slice3A_4029 = vector.extract_strided_slice %get3A_3864 {offsets = [128, 0], sizes = [8, 1024], strides = [1, 1]} : vector<1000x1024xf32> to vector<8x1024xf32>
    %mul3A_4030 = arith.constant -1.44269502 : f32
    %mul3A_4031 = vector.broadcast %mul3A_4030 : f32 to vector<8x1024xf32>
    %mul3A_4032 = arith.mulf %slice3A_4029, %mul3A_4031 : vector<8x1024xf32>
    %exp23A_4033 = math.exp2 %mul3A_4032 : vector<8x1024xf32>
    %add3A_4034 = arith.constant 1.000000e+00 : f32
    %add3A_4035 = vector.broadcast %add3A_4034 : f32 to vector<8x1024xf32>
    %add3A_4036 = arith.addf %add3A_4035, %exp23A_4033 : vector<8x1024xf32>
    %slice3A_4037 = vector.extract_strided_slice %get3A_3864 {offsets = [136, 0], sizes = [8, 1024], strides = [1, 1]} : vector<1000x1024xf32> to vector<8x1024xf32>
    %mul3A_4038 = arith.constant -1.44269502 : f32
    %mul3A_4039 = vector.broadcast %mul3A_4038 : f32 to vector<8x1024xf32>
    %mul3A_4040 = arith.mulf %slice3A_4037, %mul3A_4039 : vector<8x1024xf32>
    %exp23A_4041 = math.exp2 %mul3A_4040 : vector<8x1024xf32>
    %add3A_4042 = arith.constant 1.000000e+00 : f32
    %add3A_4043 = vector.broadcast %add3A_4042 : f32 to vector<8x1024xf32>
    %add3A_4044 = arith.addf %add3A_4043, %exp23A_4041 : vector<8x1024xf32>
    %slice3A_4045 = vector.extract_strided_slice %get3A_3864 {offsets = [144, 0], sizes = [8, 1024], strides = [1, 1]} : vector<1000x1024xf32> to vector<8x1024xf32>
    %mul3A_4046 = arith.constant -1.44269502 : f32
    %mul3A_4047 = vector.broadcast %mul3A_4046 : f32 to vector<8x1024xf32>
    %mul3A_4048 = arith.mulf %slice3A_4045, %mul3A_4047 : vector<8x1024xf32>
    %exp23A_4049 = math.exp2 %mul3A_4048 : vector<8x1024xf32>
    %add3A_4050 = arith.constant 1.000000e+00 : f32
    %add3A_4051 = vector.broadcast %add3A_4050 : f32 to vector<8x1024xf32>
    %add3A_4052 = arith.addf %add3A_4051, %exp23A_4049 : vector<8x1024xf32>
    %slice3A_4053 = vector.extract_strided_slice %get3A_3864 {offsets = [152, 0], sizes = [8, 1024], strides = [1, 1]} : vector<1000x1024xf32> to vector<8x1024xf32>
    %mul3A_4054 = arith.constant -1.44269502 : f32
    %mul3A_4055 = vector.broadcast %mul3A_4054 : f32 to vector<8x1024xf32>
    %mul3A_4056 = arith.mulf %slice3A_4053, %mul3A_4055 : vector<8x1024xf32>
    %exp23A_4057 = math.exp2 %mul3A_4056 : vector<8x1024xf32>
    %add3A_4058 = arith.constant 1.000000e+00 : f32
    %add3A_4059 = vector.broadcast %add3A_4058 : f32 to vector<8x1024xf32>
    %add3A_4060 = arith.addf %add3A_4059, %exp23A_4057 : vector<8x1024xf32>
    %mul3A_4061 = arith.mulf %add3A_4036, %add3A_4044 : vector<8x1024xf32>
    %mul3A_4062 = arith.mulf %add3A_4052, %add3A_4060 : vector<8x1024xf32>
    %mul3A_4063 = arith.mulf %mul3A_4061, %mul3A_4062 : vector<8x1024xf32>
    %log3A_4064 = math.log %mul3A_4063 : vector<8x1024xf32>
    %log3A_4065 = arith.constant 2.000000e+00 : f32
    %log3A_4066 = math.log %log3A_4065 : f32
    %div3A_4067 = vector.broadcast %log3A_4066 : f32 to vector<8x1024xf32>
    %div3A_4068 = arith.divf %log3A_4064, %div3A_4067 : vector<8x1024xf32>
    %add3A_4069 = arith.addf %add3A_4028, %div3A_4068 : vector<8x1024xf32>
    %slice3A_4070 = vector.extract_strided_slice %get3A_3864 {offsets = [160, 0], sizes = [8, 1024], strides = [1, 1]} : vector<1000x1024xf32> to vector<8x1024xf32>
    %mul3A_4071 = arith.constant -1.44269502 : f32
    %mul3A_4072 = vector.broadcast %mul3A_4071 : f32 to vector<8x1024xf32>
    %mul3A_4073 = arith.mulf %slice3A_4070, %mul3A_4072 : vector<8x1024xf32>
    %exp23A_4074 = math.exp2 %mul3A_4073 : vector<8x1024xf32>
    %add3A_4075 = arith.constant 1.000000e+00 : f32
    %add3A_4076 = vector.broadcast %add3A_4075 : f32 to vector<8x1024xf32>
    %add3A_4077 = arith.addf %add3A_4076, %exp23A_4074 : vector<8x1024xf32>
    %slice3A_4078 = vector.extract_strided_slice %get3A_3864 {offsets = [168, 0], sizes = [8, 1024], strides = [1, 1]} : vector<1000x1024xf32> to vector<8x1024xf32>
    %mul3A_4079 = arith.constant -1.44269502 : f32
    %mul3A_4080 = vector.broadcast %mul3A_4079 : f32 to vector<8x1024xf32>
    %mul3A_4081 = arith.mulf %slice3A_4078, %mul3A_4080 : vector<8x1024xf32>
    %exp23A_4082 = math.exp2 %mul3A_4081 : vector<8x1024xf32>
    %add3A_4083 = arith.constant 1.000000e+00 : f32
    %add3A_4084 = vector.broadcast %add3A_4083 : f32 to vector<8x1024xf32>
    %add3A_4085 = arith.addf %add3A_4084, %exp23A_4082 : vector<8x1024xf32>
    %slice3A_4086 = vector.extract_strided_slice %get3A_3864 {offsets = [176, 0], sizes = [8, 1024], strides = [1, 1]} : vector<1000x1024xf32> to vector<8x1024xf32>
    %mul3A_4087 = arith.constant -1.44269502 : f32
    %mul3A_4088 = vector.broadcast %mul3A_4087 : f32 to vector<8x1024xf32>
    %mul3A_4089 = arith.mulf %slice3A_4086, %mul3A_4088 : vector<8x1024xf32>
    %exp23A_4090 = math.exp2 %mul3A_4089 : vector<8x1024xf32>
    %add3A_4091 = arith.constant 1.000000e+00 : f32
    %add3A_4092 = vector.broadcast %add3A_4091 : f32 to vector<8x1024xf32>
    %add3A_4093 = arith.addf %add3A_4092, %exp23A_4090 : vector<8x1024xf32>
    %slice3A_4094 = vector.extract_strided_slice %get3A_3864 {offsets = [184, 0], sizes = [8, 1024], strides = [1, 1]} : vector<1000x1024xf32> to vector<8x1024xf32>
    %mul3A_4095 = arith.constant -1.44269502 : f32
    %mul3A_4096 = vector.broadcast %mul3A_4095 : f32 to vector<8x1024xf32>
    %mul3A_4097 = arith.mulf %slice3A_4094, %mul3A_4096 : vector<8x1024xf32>
    %exp23A_4098 = math.exp2 %mul3A_4097 : vector<8x1024xf32>
    %add3A_4099 = arith.constant 1.000000e+00 : f32
    %add3A_4100 = vector.broadcast %add3A_4099 : f32 to vector<8x1024xf32>
    %add3A_4101 = arith.addf %add3A_4100, %exp23A_4098 : vector<8x1024xf32>
    %mul3A_4102 = arith.mulf %add3A_4077, %add3A_4085 : vector<8x1024xf32>
    %mul3A_4103 = arith.mulf %add3A_4093, %add3A_4101 : vector<8x1024xf32>
    %mul3A_4104 = arith.mulf %mul3A_4102, %mul3A_4103 : vector<8x1024xf32>
    %log3A_4105 = math.log %mul3A_4104 : vector<8x1024xf32>
    %log3A_4106 = arith.constant 2.000000e+00 : f32
    %log3A_4107 = math.log %log3A_4106 : f32
    %div3A_4108 = vector.broadcast %log3A_4107 : f32 to vector<8x1024xf32>
    %div3A_4109 = arith.divf %log3A_4105, %div3A_4108 : vector<8x1024xf32>
    %add3A_4110 = arith.addf %add3A_4069, %div3A_4109 : vector<8x1024xf32>
    %slice3A_4111 = vector.extract_strided_slice %get3A_3864 {offsets = [192, 0], sizes = [8, 1024], strides = [1, 1]} : vector<1000x1024xf32> to vector<8x1024xf32>
    %mul3A_4112 = arith.constant -1.44269502 : f32
    %mul3A_4113 = vector.broadcast %mul3A_4112 : f32 to vector<8x1024xf32>
    %mul3A_4114 = arith.mulf %slice3A_4111, %mul3A_4113 : vector<8x1024xf32>
    %exp23A_4115 = math.exp2 %mul3A_4114 : vector<8x1024xf32>
    %add3A_4116 = arith.constant 1.000000e+00 : f32
    %add3A_4117 = vector.broadcast %add3A_4116 : f32 to vector<8x1024xf32>
    %add3A_4118 = arith.addf %add3A_4117, %exp23A_4115 : vector<8x1024xf32>
    %slice3A_4119 = vector.extract_strided_slice %get3A_3864 {offsets = [200, 0], sizes = [8, 1024], strides = [1, 1]} : vector<1000x1024xf32> to vector<8x1024xf32>
    %mul3A_4120 = arith.constant -1.44269502 : f32
    %mul3A_4121 = vector.broadcast %mul3A_4120 : f32 to vector<8x1024xf32>
    %mul3A_4122 = arith.mulf %slice3A_4119, %mul3A_4121 : vector<8x1024xf32>
    %exp23A_4123 = math.exp2 %mul3A_4122 : vector<8x1024xf32>
    %add3A_4124 = arith.constant 1.000000e+00 : f32
    %add3A_4125 = vector.broadcast %add3A_4124 : f32 to vector<8x1024xf32>
    %add3A_4126 = arith.addf %add3A_4125, %exp23A_4123 : vector<8x1024xf32>
    %slice3A_4127 = vector.extract_strided_slice %get3A_3864 {offsets = [208, 0], sizes = [8, 1024], strides = [1, 1]} : vector<1000x1024xf32> to vector<8x1024xf32>
    %mul3A_4128 = arith.constant -1.44269502 : f32
    %mul3A_4129 = vector.broadcast %mul3A_4128 : f32 to vector<8x1024xf32>
    %mul3A_4130 = arith.mulf %slice3A_4127, %mul3A_4129 : vector<8x1024xf32>
    %exp23A_4131 = math.exp2 %mul3A_4130 : vector<8x1024xf32>
    %add3A_4132 = arith.constant 1.000000e+00 : f32
    %add3A_4133 = vector.broadcast %add3A_4132 : f32 to vector<8x1024xf32>
    %add3A_4134 = arith.addf %add3A_4133, %exp23A_4131 : vector<8x1024xf32>
    %slice3A_4135 = vector.extract_strided_slice %get3A_3864 {offsets = [216, 0], sizes = [8, 1024], strides = [1, 1]} : vector<1000x1024xf32> to vector<8x1024xf32>
    %mul3A_4136 = arith.constant -1.44269502 : f32
    %mul3A_4137 = vector.broadcast %mul3A_4136 : f32 to vector<8x1024xf32>
    %mul3A_4138 = arith.mulf %slice3A_4135, %mul3A_4137 : vector<8x1024xf32>
    %exp23A_4139 = math.exp2 %mul3A_4138 : vector<8x1024xf32>
    %add3A_4140 = arith.constant 1.000000e+00 : f32
    %add3A_4141 = vector.broadcast %add3A_4140 : f32 to vector<8x1024xf32>
    %add3A_4142 = arith.addf %add3A_4141, %exp23A_4139 : vector<8x1024xf32>
    %mul3A_4143 = arith.mulf %add3A_4118, %add3A_4126 : vector<8x1024xf32>
    %mul3A_4144 = arith.mulf %add3A_4134, %add3A_4142 : vector<8x1024xf32>
    %mul3A_4145 = arith.mulf %mul3A_4143, %mul3A_4144 : vector<8x1024xf32>
    %log3A_4146 = math.log %mul3A_4145 : vector<8x1024xf32>
    %log3A_4147 = arith.constant 2.000000e+00 : f32
    %log3A_4148 = math.log %log3A_4147 : f32
    %div3A_4149 = vector.broadcast %log3A_4148 : f32 to vector<8x1024xf32>
    %div3A_4150 = arith.divf %log3A_4146, %div3A_4149 : vector<8x1024xf32>
    %add3A_4151 = arith.addf %add3A_4110, %div3A_4150 : vector<8x1024xf32>
    %slice3A_4152 = vector.extract_strided_slice %get3A_3864 {offsets = [224, 0], sizes = [8, 1024], strides = [1, 1]} : vector<1000x1024xf32> to vector<8x1024xf32>
    %mul3A_4153 = arith.constant -1.44269502 : f32
    %mul3A_4154 = vector.broadcast %mul3A_4153 : f32 to vector<8x1024xf32>
    %mul3A_4155 = arith.mulf %slice3A_4152, %mul3A_4154 : vector<8x1024xf32>
    %exp23A_4156 = math.exp2 %mul3A_4155 : vector<8x1024xf32>
    %add3A_4157 = arith.constant 1.000000e+00 : f32
    %add3A_4158 = vector.broadcast %add3A_4157 : f32 to vector<8x1024xf32>
    %add3A_4159 = arith.addf %add3A_4158, %exp23A_4156 : vector<8x1024xf32>
    %slice3A_4160 = vector.extract_strided_slice %get3A_3864 {offsets = [232, 0], sizes = [8, 1024], strides = [1, 1]} : vector<1000x1024xf32> to vector<8x1024xf32>
    %mul3A_4161 = arith.constant -1.44269502 : f32
    %mul3A_4162 = vector.broadcast %mul3A_4161 : f32 to vector<8x1024xf32>
    %mul3A_4163 = arith.mulf %slice3A_4160, %mul3A_4162 : vector<8x1024xf32>
    %exp23A_4164 = math.exp2 %mul3A_4163 : vector<8x1024xf32>
    %add3A_4165 = arith.constant 1.000000e+00 : f32
    %add3A_4166 = vector.broadcast %add3A_4165 : f32 to vector<8x1024xf32>
    %add3A_4167 = arith.addf %add3A_4166, %exp23A_4164 : vector<8x1024xf32>
    %slice3A_4168 = vector.extract_strided_slice %get3A_3864 {offsets = [240, 0], sizes = [8, 1024], strides = [1, 1]} : vector<1000x1024xf32> to vector<8x1024xf32>
    %mul3A_4169 = arith.constant -1.44269502 : f32
    %mul3A_4170 = vector.broadcast %mul3A_4169 : f32 to vector<8x1024xf32>
    %mul3A_4171 = arith.mulf %slice3A_4168, %mul3A_4170 : vector<8x1024xf32>
    %exp23A_4172 = math.exp2 %mul3A_4171 : vector<8x1024xf32>
    %add3A_4173 = arith.constant 1.000000e+00 : f32
    %add3A_4174 = vector.broadcast %add3A_4173 : f32 to vector<8x1024xf32>
    %add3A_4175 = arith.addf %add3A_4174, %exp23A_4172 : vector<8x1024xf32>
    %slice3A_4176 = vector.extract_strided_slice %get3A_3864 {offsets = [248, 0], sizes = [8, 1024], strides = [1, 1]} : vector<1000x1024xf32> to vector<8x1024xf32>
    %mul3A_4177 = arith.constant -1.44269502 : f32
    %mul3A_4178 = vector.broadcast %mul3A_4177 : f32 to vector<8x1024xf32>
    %mul3A_4179 = arith.mulf %slice3A_4176, %mul3A_4178 : vector<8x1024xf32>
    %exp23A_4180 = math.exp2 %mul3A_4179 : vector<8x1024xf32>
    %add3A_4181 = arith.constant 1.000000e+00 : f32
    %add3A_4182 = vector.broadcast %add3A_4181 : f32 to vector<8x1024xf32>
    %add3A_4183 = arith.addf %add3A_4182, %exp23A_4180 : vector<8x1024xf32>
    %mul3A_4184 = arith.mulf %add3A_4159, %add3A_4167 : vector<8x1024xf32>
    %mul3A_4185 = arith.mulf %add3A_4175, %add3A_4183 : vector<8x1024xf32>
    %mul3A_4186 = arith.mulf %mul3A_4184, %mul3A_4185 : vector<8x1024xf32>
    %log3A_4187 = math.log %mul3A_4186 : vector<8x1024xf32>
    %log3A_4188 = arith.constant 2.000000e+00 : f32
    %log3A_4189 = math.log %log3A_4188 : f32
    %div3A_4190 = vector.broadcast %log3A_4189 : f32 to vector<8x1024xf32>
    %div3A_4191 = arith.divf %log3A_4187, %div3A_4190 : vector<8x1024xf32>
    %add3A_4192 = arith.addf %add3A_4151, %div3A_4191 : vector<8x1024xf32>
    %slice3A_4193 = vector.extract_strided_slice %get3A_3864 {offsets = [256, 0], sizes = [8, 1024], strides = [1, 1]} : vector<1000x1024xf32> to vector<8x1024xf32>
    %mul3A_4194 = arith.constant -1.44269502 : f32
    %mul3A_4195 = vector.broadcast %mul3A_4194 : f32 to vector<8x1024xf32>
    %mul3A_4196 = arith.mulf %slice3A_4193, %mul3A_4195 : vector<8x1024xf32>
    %exp23A_4197 = math.exp2 %mul3A_4196 : vector<8x1024xf32>
    %add3A_4198 = arith.constant 1.000000e+00 : f32
    %add3A_4199 = vector.broadcast %add3A_4198 : f32 to vector<8x1024xf32>
    %add3A_4200 = arith.addf %add3A_4199, %exp23A_4197 : vector<8x1024xf32>
    %slice3A_4201 = vector.extract_strided_slice %get3A_3864 {offsets = [264, 0], sizes = [8, 1024], strides = [1, 1]} : vector<1000x1024xf32> to vector<8x1024xf32>
    %mul3A_4202 = arith.constant -1.44269502 : f32
    %mul3A_4203 = vector.broadcast %mul3A_4202 : f32 to vector<8x1024xf32>
    %mul3A_4204 = arith.mulf %slice3A_4201, %mul3A_4203 : vector<8x1024xf32>
    %exp23A_4205 = math.exp2 %mul3A_4204 : vector<8x1024xf32>
    %add3A_4206 = arith.constant 1.000000e+00 : f32
    %add3A_4207 = vector.broadcast %add3A_4206 : f32 to vector<8x1024xf32>
    %add3A_4208 = arith.addf %add3A_4207, %exp23A_4205 : vector<8x1024xf32>
    %slice3A_4209 = vector.extract_strided_slice %get3A_3864 {offsets = [272, 0], sizes = [8, 1024], strides = [1, 1]} : vector<1000x1024xf32> to vector<8x1024xf32>
    %mul3A_4210 = arith.constant -1.44269502 : f32
    %mul3A_4211 = vector.broadcast %mul3A_4210 : f32 to vector<8x1024xf32>
    %mul3A_4212 = arith.mulf %slice3A_4209, %mul3A_4211 : vector<8x1024xf32>
    %exp23A_4213 = math.exp2 %mul3A_4212 : vector<8x1024xf32>
    %add3A_4214 = arith.constant 1.000000e+00 : f32
    %add3A_4215 = vector.broadcast %add3A_4214 : f32 to vector<8x1024xf32>
    %add3A_4216 = arith.addf %add3A_4215, %exp23A_4213 : vector<8x1024xf32>
    %slice3A_4217 = vector.extract_strided_slice %get3A_3864 {offsets = [280, 0], sizes = [8, 1024], strides = [1, 1]} : vector<1000x1024xf32> to vector<8x1024xf32>
    %mul3A_4218 = arith.constant -1.44269502 : f32
    %mul3A_4219 = vector.broadcast %mul3A_4218 : f32 to vector<8x1024xf32>
    %mul3A_4220 = arith.mulf %slice3A_4217, %mul3A_4219 : vector<8x1024xf32>
    %exp23A_4221 = math.exp2 %mul3A_4220 : vector<8x1024xf32>
    %add3A_4222 = arith.constant 1.000000e+00 : f32
    %add3A_4223 = vector.broadcast %add3A_4222 : f32 to vector<8x1024xf32>
    %add3A_4224 = arith.addf %add3A_4223, %exp23A_4221 : vector<8x1024xf32>
    %mul3A_4225 = arith.mulf %add3A_4200, %add3A_4208 : vector<8x1024xf32>
    %mul3A_4226 = arith.mulf %add3A_4216, %add3A_4224 : vector<8x1024xf32>
    %mul3A_4227 = arith.mulf %mul3A_4225, %mul3A_4226 : vector<8x1024xf32>
    %log3A_4228 = math.log %mul3A_4227 : vector<8x1024xf32>
    %log3A_4229 = arith.constant 2.000000e+00 : f32
    %log3A_4230 = math.log %log3A_4229 : f32
    %div3A_4231 = vector.broadcast %log3A_4230 : f32 to vector<8x1024xf32>
    %div3A_4232 = arith.divf %log3A_4228, %div3A_4231 : vector<8x1024xf32>
    %add3A_4233 = arith.addf %add3A_4192, %div3A_4232 : vector<8x1024xf32>
    %slice3A_4234 = vector.extract_strided_slice %get3A_3864 {offsets = [288, 0], sizes = [8, 1024], strides = [1, 1]} : vector<1000x1024xf32> to vector<8x1024xf32>
    %mul3A_4235 = arith.constant -1.44269502 : f32
    %mul3A_4236 = vector.broadcast %mul3A_4235 : f32 to vector<8x1024xf32>
    %mul3A_4237 = arith.mulf %slice3A_4234, %mul3A_4236 : vector<8x1024xf32>
    %exp23A_4238 = math.exp2 %mul3A_4237 : vector<8x1024xf32>
    %add3A_4239 = arith.constant 1.000000e+00 : f32
    %add3A_4240 = vector.broadcast %add3A_4239 : f32 to vector<8x1024xf32>
    %add3A_4241 = arith.addf %add3A_4240, %exp23A_4238 : vector<8x1024xf32>
    %slice3A_4242 = vector.extract_strided_slice %get3A_3864 {offsets = [296, 0], sizes = [8, 1024], strides = [1, 1]} : vector<1000x1024xf32> to vector<8x1024xf32>
    %mul3A_4243 = arith.constant -1.44269502 : f32
    %mul3A_4244 = vector.broadcast %mul3A_4243 : f32 to vector<8x1024xf32>
    %mul3A_4245 = arith.mulf %slice3A_4242, %mul3A_4244 : vector<8x1024xf32>
    %exp23A_4246 = math.exp2 %mul3A_4245 : vector<8x1024xf32>
    %add3A_4247 = arith.constant 1.000000e+00 : f32
    %add3A_4248 = vector.broadcast %add3A_4247 : f32 to vector<8x1024xf32>
    %add3A_4249 = arith.addf %add3A_4248, %exp23A_4246 : vector<8x1024xf32>
    %slice3A_4250 = vector.extract_strided_slice %get3A_3864 {offsets = [304, 0], sizes = [8, 1024], strides = [1, 1]} : vector<1000x1024xf32> to vector<8x1024xf32>
    %mul3A_4251 = arith.constant -1.44269502 : f32
    %mul3A_4252 = vector.broadcast %mul3A_4251 : f32 to vector<8x1024xf32>
    %mul3A_4253 = arith.mulf %slice3A_4250, %mul3A_4252 : vector<8x1024xf32>
    %exp23A_4254 = math.exp2 %mul3A_4253 : vector<8x1024xf32>
    %add3A_4255 = arith.constant 1.000000e+00 : f32
    %add3A_4256 = vector.broadcast %add3A_4255 : f32 to vector<8x1024xf32>
    %add3A_4257 = arith.addf %add3A_4256, %exp23A_4254 : vector<8x1024xf32>
    %slice3A_4258 = vector.extract_strided_slice %get3A_3864 {offsets = [312, 0], sizes = [8, 1024], strides = [1, 1]} : vector<1000x1024xf32> to vector<8x1024xf32>
    %mul3A_4259 = arith.constant -1.44269502 : f32
    %mul3A_4260 = vector.broadcast %mul3A_4259 : f32 to vector<8x1024xf32>
    %mul3A_4261 = arith.mulf %slice3A_4258, %mul3A_4260 : vector<8x1024xf32>
    %exp23A_4262 = math.exp2 %mul3A_4261 : vector<8x1024xf32>
    %add3A_4263 = arith.constant 1.000000e+00 : f32
    %add3A_4264 = vector.broadcast %add3A_4263 : f32 to vector<8x1024xf32>
    %add3A_4265 = arith.addf %add3A_4264, %exp23A_4262 : vector<8x1024xf32>
    %mul3A_4266 = arith.mulf %add3A_4241, %add3A_4249 : vector<8x1024xf32>
    %mul3A_4267 = arith.mulf %add3A_4257, %add3A_4265 : vector<8x1024xf32>
    %mul3A_4268 = arith.mulf %mul3A_4266, %mul3A_4267 : vector<8x1024xf32>
    %log3A_4269 = math.log %mul3A_4268 : vector<8x1024xf32>
    %log3A_4270 = arith.constant 2.000000e+00 : f32
    %log3A_4271 = math.log %log3A_4270 : f32
    %div3A_4272 = vector.broadcast %log3A_4271 : f32 to vector<8x1024xf32>
    %div3A_4273 = arith.divf %log3A_4269, %div3A_4272 : vector<8x1024xf32>
    %add3A_4274 = arith.addf %add3A_4233, %div3A_4273 : vector<8x1024xf32>
    %slice3A_4275 = vector.extract_strided_slice %get3A_3864 {offsets = [320, 0], sizes = [8, 1024], strides = [1, 1]} : vector<1000x1024xf32> to vector<8x1024xf32>
    %mul3A_4276 = arith.constant -1.44269502 : f32
    %mul3A_4277 = vector.broadcast %mul3A_4276 : f32 to vector<8x1024xf32>
    %mul3A_4278 = arith.mulf %slice3A_4275, %mul3A_4277 : vector<8x1024xf32>
    %exp23A_4279 = math.exp2 %mul3A_4278 : vector<8x1024xf32>
    %add3A_4280 = arith.constant 1.000000e+00 : f32
    %add3A_4281 = vector.broadcast %add3A_4280 : f32 to vector<8x1024xf32>
    %add3A_4282 = arith.addf %add3A_4281, %exp23A_4279 : vector<8x1024xf32>
    %slice3A_4283 = vector.extract_strided_slice %get3A_3864 {offsets = [328, 0], sizes = [8, 1024], strides = [1, 1]} : vector<1000x1024xf32> to vector<8x1024xf32>
    %mul3A_4284 = arith.constant -1.44269502 : f32
    %mul3A_4285 = vector.broadcast %mul3A_4284 : f32 to vector<8x1024xf32>
    %mul3A_4286 = arith.mulf %slice3A_4283, %mul3A_4285 : vector<8x1024xf32>
    %exp23A_4287 = math.exp2 %mul3A_4286 : vector<8x1024xf32>
    %add3A_4288 = arith.constant 1.000000e+00 : f32
    %add3A_4289 = vector.broadcast %add3A_4288 : f32 to vector<8x1024xf32>
    %add3A_4290 = arith.addf %add3A_4289, %exp23A_4287 : vector<8x1024xf32>
    %slice3A_4291 = vector.extract_strided_slice %get3A_3864 {offsets = [336, 0], sizes = [8, 1024], strides = [1, 1]} : vector<1000x1024xf32> to vector<8x1024xf32>
    %mul3A_4292 = arith.constant -1.44269502 : f32
    %mul3A_4293 = vector.broadcast %mul3A_4292 : f32 to vector<8x1024xf32>
    %mul3A_4294 = arith.mulf %slice3A_4291, %mul3A_4293 : vector<8x1024xf32>
    %exp23A_4295 = math.exp2 %mul3A_4294 : vector<8x1024xf32>
    %add3A_4296 = arith.constant 1.000000e+00 : f32
    %add3A_4297 = vector.broadcast %add3A_4296 : f32 to vector<8x1024xf32>
    %add3A_4298 = arith.addf %add3A_4297, %exp23A_4295 : vector<8x1024xf32>
    %slice3A_4299 = vector.extract_strided_slice %get3A_3864 {offsets = [344, 0], sizes = [8, 1024], strides = [1, 1]} : vector<1000x1024xf32> to vector<8x1024xf32>
    %mul3A_4300 = arith.constant -1.44269502 : f32
    %mul3A_4301 = vector.broadcast %mul3A_4300 : f32 to vector<8x1024xf32>
    %mul3A_4302 = arith.mulf %slice3A_4299, %mul3A_4301 : vector<8x1024xf32>
    %exp23A_4303 = math.exp2 %mul3A_4302 : vector<8x1024xf32>
    %add3A_4304 = arith.constant 1.000000e+00 : f32
    %add3A_4305 = vector.broadcast %add3A_4304 : f32 to vector<8x1024xf32>
    %add3A_4306 = arith.addf %add3A_4305, %exp23A_4303 : vector<8x1024xf32>
    %mul3A_4307 = arith.mulf %add3A_4282, %add3A_4290 : vector<8x1024xf32>
    %mul3A_4308 = arith.mulf %add3A_4298, %add3A_4306 : vector<8x1024xf32>
    %mul3A_4309 = arith.mulf %mul3A_4307, %mul3A_4308 : vector<8x1024xf32>
    %log3A_4310 = math.log %mul3A_4309 : vector<8x1024xf32>
    %log3A_4311 = arith.constant 2.000000e+00 : f32
    %log3A_4312 = math.log %log3A_4311 : f32
    %div3A_4313 = vector.broadcast %log3A_4312 : f32 to vector<8x1024xf32>
    %div3A_4314 = arith.divf %log3A_4310, %div3A_4313 : vector<8x1024xf32>
    %add3A_4315 = arith.addf %add3A_4274, %div3A_4314 : vector<8x1024xf32>
    %slice3A_4316 = vector.extract_strided_slice %get3A_3864 {offsets = [352, 0], sizes = [8, 1024], strides = [1, 1]} : vector<1000x1024xf32> to vector<8x1024xf32>
    %mul3A_4317 = arith.constant -1.44269502 : f32
    %mul3A_4318 = vector.broadcast %mul3A_4317 : f32 to vector<8x1024xf32>
    %mul3A_4319 = arith.mulf %slice3A_4316, %mul3A_4318 : vector<8x1024xf32>
    %exp23A_4320 = math.exp2 %mul3A_4319 : vector<8x1024xf32>
    %add3A_4321 = arith.constant 1.000000e+00 : f32
    %add3A_4322 = vector.broadcast %add3A_4321 : f32 to vector<8x1024xf32>
    %add3A_4323 = arith.addf %add3A_4322, %exp23A_4320 : vector<8x1024xf32>
    %slice3A_4324 = vector.extract_strided_slice %get3A_3864 {offsets = [360, 0], sizes = [8, 1024], strides = [1, 1]} : vector<1000x1024xf32> to vector<8x1024xf32>
    %mul3A_4325 = arith.constant -1.44269502 : f32
    %mul3A_4326 = vector.broadcast %mul3A_4325 : f32 to vector<8x1024xf32>
    %mul3A_4327 = arith.mulf %slice3A_4324, %mul3A_4326 : vector<8x1024xf32>
    %exp23A_4328 = math.exp2 %mul3A_4327 : vector<8x1024xf32>
    %add3A_4329 = arith.constant 1.000000e+00 : f32
    %add3A_4330 = vector.broadcast %add3A_4329 : f32 to vector<8x1024xf32>
    %add3A_4331 = arith.addf %add3A_4330, %exp23A_4328 : vector<8x1024xf32>
    %slice3A_4332 = vector.extract_strided_slice %get3A_3864 {offsets = [368, 0], sizes = [8, 1024], strides = [1, 1]} : vector<1000x1024xf32> to vector<8x1024xf32>
    %mul3A_4333 = arith.constant -1.44269502 : f32
    %mul3A_4334 = vector.broadcast %mul3A_4333 : f32 to vector<8x1024xf32>
    %mul3A_4335 = arith.mulf %slice3A_4332, %mul3A_4334 : vector<8x1024xf32>
    %exp23A_4336 = math.exp2 %mul3A_4335 : vector<8x1024xf32>
    %add3A_4337 = arith.constant 1.000000e+00 : f32
    %add3A_4338 = vector.broadcast %add3A_4337 : f32 to vector<8x1024xf32>
    %add3A_4339 = arith.addf %add3A_4338, %exp23A_4336 : vector<8x1024xf32>
    %slice3A_4340 = vector.extract_strided_slice %get3A_3864 {offsets = [376, 0], sizes = [8, 1024], strides = [1, 1]} : vector<1000x1024xf32> to vector<8x1024xf32>
    %mul3A_4341 = arith.constant -1.44269502 : f32
    %mul3A_4342 = vector.broadcast %mul3A_4341 : f32 to vector<8x1024xf32>
    %mul3A_4343 = arith.mulf %slice3A_4340, %mul3A_4342 : vector<8x1024xf32>
    %exp23A_4344 = math.exp2 %mul3A_4343 : vector<8x1024xf32>
    %add3A_4345 = arith.constant 1.000000e+00 : f32
    %add3A_4346 = vector.broadcast %add3A_4345 : f32 to vector<8x1024xf32>
    %add3A_4347 = arith.addf %add3A_4346, %exp23A_4344 : vector<8x1024xf32>
    %mul3A_4348 = arith.mulf %add3A_4323, %add3A_4331 : vector<8x1024xf32>
    %mul3A_4349 = arith.mulf %add3A_4339, %add3A_4347 : vector<8x1024xf32>
    %mul3A_4350 = arith.mulf %mul3A_4348, %mul3A_4349 : vector<8x1024xf32>
    %log3A_4351 = math.log %mul3A_4350 : vector<8x1024xf32>
    %log3A_4352 = arith.constant 2.000000e+00 : f32
    %log3A_4353 = math.log %log3A_4352 : f32
    %div3A_4354 = vector.broadcast %log3A_4353 : f32 to vector<8x1024xf32>
    %div3A_4355 = arith.divf %log3A_4351, %div3A_4354 : vector<8x1024xf32>
    %add3A_4356 = arith.addf %add3A_4315, %div3A_4355 : vector<8x1024xf32>
    %slice3A_4357 = vector.extract_strided_slice %get3A_3864 {offsets = [384, 0], sizes = [8, 1024], strides = [1, 1]} : vector<1000x1024xf32> to vector<8x1024xf32>
    %mul3A_4358 = arith.constant -1.44269502 : f32
    %mul3A_4359 = vector.broadcast %mul3A_4358 : f32 to vector<8x1024xf32>
    %mul3A_4360 = arith.mulf %slice3A_4357, %mul3A_4359 : vector<8x1024xf32>
    %exp23A_4361 = math.exp2 %mul3A_4360 : vector<8x1024xf32>
    %add3A_4362 = arith.constant 1.000000e+00 : f32
    %add3A_4363 = vector.broadcast %add3A_4362 : f32 to vector<8x1024xf32>
    %add3A_4364 = arith.addf %add3A_4363, %exp23A_4361 : vector<8x1024xf32>
    %slice3A_4365 = vector.extract_strided_slice %get3A_3864 {offsets = [392, 0], sizes = [8, 1024], strides = [1, 1]} : vector<1000x1024xf32> to vector<8x1024xf32>
    %mul3A_4366 = arith.constant -1.44269502 : f32
    %mul3A_4367 = vector.broadcast %mul3A_4366 : f32 to vector<8x1024xf32>
    %mul3A_4368 = arith.mulf %slice3A_4365, %mul3A_4367 : vector<8x1024xf32>
    %exp23A_4369 = math.exp2 %mul3A_4368 : vector<8x1024xf32>
    %add3A_4370 = arith.constant 1.000000e+00 : f32
    %add3A_4371 = vector.broadcast %add3A_4370 : f32 to vector<8x1024xf32>
    %add3A_4372 = arith.addf %add3A_4371, %exp23A_4369 : vector<8x1024xf32>
    %slice3A_4373 = vector.extract_strided_slice %get3A_3864 {offsets = [400, 0], sizes = [8, 1024], strides = [1, 1]} : vector<1000x1024xf32> to vector<8x1024xf32>
    %mul3A_4374 = arith.constant -1.44269502 : f32
    %mul3A_4375 = vector.broadcast %mul3A_4374 : f32 to vector<8x1024xf32>
    %mul3A_4376 = arith.mulf %slice3A_4373, %mul3A_4375 : vector<8x1024xf32>
    %exp23A_4377 = math.exp2 %mul3A_4376 : vector<8x1024xf32>
    %add3A_4378 = arith.constant 1.000000e+00 : f32
    %add3A_4379 = vector.broadcast %add3A_4378 : f32 to vector<8x1024xf32>
    %add3A_4380 = arith.addf %add3A_4379, %exp23A_4377 : vector<8x1024xf32>
    %slice3A_4381 = vector.extract_strided_slice %get3A_3864 {offsets = [408, 0], sizes = [8, 1024], strides = [1, 1]} : vector<1000x1024xf32> to vector<8x1024xf32>
    %mul3A_4382 = arith.constant -1.44269502 : f32
    %mul3A_4383 = vector.broadcast %mul3A_4382 : f32 to vector<8x1024xf32>
    %mul3A_4384 = arith.mulf %slice3A_4381, %mul3A_4383 : vector<8x1024xf32>
    %exp23A_4385 = math.exp2 %mul3A_4384 : vector<8x1024xf32>
    %add3A_4386 = arith.constant 1.000000e+00 : f32
    %add3A_4387 = vector.broadcast %add3A_4386 : f32 to vector<8x1024xf32>
    %add3A_4388 = arith.addf %add3A_4387, %exp23A_4385 : vector<8x1024xf32>
    %mul3A_4389 = arith.mulf %add3A_4364, %add3A_4372 : vector<8x1024xf32>
    %mul3A_4390 = arith.mulf %add3A_4380, %add3A_4388 : vector<8x1024xf32>
    %mul3A_4391 = arith.mulf %mul3A_4389, %mul3A_4390 : vector<8x1024xf32>
    %log3A_4392 = math.log %mul3A_4391 : vector<8x1024xf32>
    %log3A_4393 = arith.constant 2.000000e+00 : f32
    %log3A_4394 = math.log %log3A_4393 : f32
    %div3A_4395 = vector.broadcast %log3A_4394 : f32 to vector<8x1024xf32>
    %div3A_4396 = arith.divf %log3A_4392, %div3A_4395 : vector<8x1024xf32>
    %add3A_4397 = arith.addf %add3A_4356, %div3A_4396 : vector<8x1024xf32>
    %slice3A_4398 = vector.extract_strided_slice %get3A_3864 {offsets = [416, 0], sizes = [8, 1024], strides = [1, 1]} : vector<1000x1024xf32> to vector<8x1024xf32>
    %mul3A_4399 = arith.constant -1.44269502 : f32
    %mul3A_4400 = vector.broadcast %mul3A_4399 : f32 to vector<8x1024xf32>
    %mul3A_4401 = arith.mulf %slice3A_4398, %mul3A_4400 : vector<8x1024xf32>
    %exp23A_4402 = math.exp2 %mul3A_4401 : vector<8x1024xf32>
    %add3A_4403 = arith.constant 1.000000e+00 : f32
    %add3A_4404 = vector.broadcast %add3A_4403 : f32 to vector<8x1024xf32>
    %add3A_4405 = arith.addf %add3A_4404, %exp23A_4402 : vector<8x1024xf32>
    %slice3A_4406 = vector.extract_strided_slice %get3A_3864 {offsets = [424, 0], sizes = [8, 1024], strides = [1, 1]} : vector<1000x1024xf32> to vector<8x1024xf32>
    %mul3A_4407 = arith.constant -1.44269502 : f32
    %mul3A_4408 = vector.broadcast %mul3A_4407 : f32 to vector<8x1024xf32>
    %mul3A_4409 = arith.mulf %slice3A_4406, %mul3A_4408 : vector<8x1024xf32>
    %exp23A_4410 = math.exp2 %mul3A_4409 : vector<8x1024xf32>
    %add3A_4411 = arith.constant 1.000000e+00 : f32
    %add3A_4412 = vector.broadcast %add3A_4411 : f32 to vector<8x1024xf32>
    %add3A_4413 = arith.addf %add3A_4412, %exp23A_4410 : vector<8x1024xf32>
    %slice3A_4414 = vector.extract_strided_slice %get3A_3864 {offsets = [432, 0], sizes = [8, 1024], strides = [1, 1]} : vector<1000x1024xf32> to vector<8x1024xf32>
    %mul3A_4415 = arith.constant -1.44269502 : f32
    %mul3A_4416 = vector.broadcast %mul3A_4415 : f32 to vector<8x1024xf32>
    %mul3A_4417 = arith.mulf %slice3A_4414, %mul3A_4416 : vector<8x1024xf32>
    %exp23A_4418 = math.exp2 %mul3A_4417 : vector<8x1024xf32>
    %add3A_4419 = arith.constant 1.000000e+00 : f32
    %add3A_4420 = vector.broadcast %add3A_4419 : f32 to vector<8x1024xf32>
    %add3A_4421 = arith.addf %add3A_4420, %exp23A_4418 : vector<8x1024xf32>
    %slice3A_4422 = vector.extract_strided_slice %get3A_3864 {offsets = [440, 0], sizes = [8, 1024], strides = [1, 1]} : vector<1000x1024xf32> to vector<8x1024xf32>
    %mul3A_4423 = arith.constant -1.44269502 : f32
    %mul3A_4424 = vector.broadcast %mul3A_4423 : f32 to vector<8x1024xf32>
    %mul3A_4425 = arith.mulf %slice3A_4422, %mul3A_4424 : vector<8x1024xf32>
    %exp23A_4426 = math.exp2 %mul3A_4425 : vector<8x1024xf32>
    %add3A_4427 = arith.constant 1.000000e+00 : f32
    %add3A_4428 = vector.broadcast %add3A_4427 : f32 to vector<8x1024xf32>
    %add3A_4429 = arith.addf %add3A_4428, %exp23A_4426 : vector<8x1024xf32>
    %mul3A_4430 = arith.mulf %add3A_4405, %add3A_4413 : vector<8x1024xf32>
    %mul3A_4431 = arith.mulf %add3A_4421, %add3A_4429 : vector<8x1024xf32>
    %mul3A_4432 = arith.mulf %mul3A_4430, %mul3A_4431 : vector<8x1024xf32>
    %log3A_4433 = math.log %mul3A_4432 : vector<8x1024xf32>
    %log3A_4434 = arith.constant 2.000000e+00 : f32
    %log3A_4435 = math.log %log3A_4434 : f32
    %div3A_4436 = vector.broadcast %log3A_4435 : f32 to vector<8x1024xf32>
    %div3A_4437 = arith.divf %log3A_4433, %div3A_4436 : vector<8x1024xf32>
    %add3A_4438 = arith.addf %add3A_4397, %div3A_4437 : vector<8x1024xf32>
    %slice3A_4439 = vector.extract_strided_slice %get3A_3864 {offsets = [448, 0], sizes = [8, 1024], strides = [1, 1]} : vector<1000x1024xf32> to vector<8x1024xf32>
    %mul3A_4440 = arith.constant -1.44269502 : f32
    %mul3A_4441 = vector.broadcast %mul3A_4440 : f32 to vector<8x1024xf32>
    %mul3A_4442 = arith.mulf %slice3A_4439, %mul3A_4441 : vector<8x1024xf32>
    %exp23A_4443 = math.exp2 %mul3A_4442 : vector<8x1024xf32>
    %add3A_4444 = arith.constant 1.000000e+00 : f32
    %add3A_4445 = vector.broadcast %add3A_4444 : f32 to vector<8x1024xf32>
    %add3A_4446 = arith.addf %add3A_4445, %exp23A_4443 : vector<8x1024xf32>
    %slice3A_4447 = vector.extract_strided_slice %get3A_3864 {offsets = [456, 0], sizes = [8, 1024], strides = [1, 1]} : vector<1000x1024xf32> to vector<8x1024xf32>
    %mul3A_4448 = arith.constant -1.44269502 : f32
    %mul3A_4449 = vector.broadcast %mul3A_4448 : f32 to vector<8x1024xf32>
    %mul3A_4450 = arith.mulf %slice3A_4447, %mul3A_4449 : vector<8x1024xf32>
    %exp23A_4451 = math.exp2 %mul3A_4450 : vector<8x1024xf32>
    %add3A_4452 = arith.constant 1.000000e+00 : f32
    %add3A_4453 = vector.broadcast %add3A_4452 : f32 to vector<8x1024xf32>
    %add3A_4454 = arith.addf %add3A_4453, %exp23A_4451 : vector<8x1024xf32>
    %slice3A_4455 = vector.extract_strided_slice %get3A_3864 {offsets = [464, 0], sizes = [8, 1024], strides = [1, 1]} : vector<1000x1024xf32> to vector<8x1024xf32>
    %mul3A_4456 = arith.constant -1.44269502 : f32
    %mul3A_4457 = vector.broadcast %mul3A_4456 : f32 to vector<8x1024xf32>
    %mul3A_4458 = arith.mulf %slice3A_4455, %mul3A_4457 : vector<8x1024xf32>
    %exp23A_4459 = math.exp2 %mul3A_4458 : vector<8x1024xf32>
    %add3A_4460 = arith.constant 1.000000e+00 : f32
    %add3A_4461 = vector.broadcast %add3A_4460 : f32 to vector<8x1024xf32>
    %add3A_4462 = arith.addf %add3A_4461, %exp23A_4459 : vector<8x1024xf32>
    %slice3A_4463 = vector.extract_strided_slice %get3A_3864 {offsets = [472, 0], sizes = [8, 1024], strides = [1, 1]} : vector<1000x1024xf32> to vector<8x1024xf32>
    %mul3A_4464 = arith.constant -1.44269502 : f32
    %mul3A_4465 = vector.broadcast %mul3A_4464 : f32 to vector<8x1024xf32>
    %mul3A_4466 = arith.mulf %slice3A_4463, %mul3A_4465 : vector<8x1024xf32>
    %exp23A_4467 = math.exp2 %mul3A_4466 : vector<8x1024xf32>
    %add3A_4468 = arith.constant 1.000000e+00 : f32
    %add3A_4469 = vector.broadcast %add3A_4468 : f32 to vector<8x1024xf32>
    %add3A_4470 = arith.addf %add3A_4469, %exp23A_4467 : vector<8x1024xf32>
    %mul3A_4471 = arith.mulf %add3A_4446, %add3A_4454 : vector<8x1024xf32>
    %mul3A_4472 = arith.mulf %add3A_4462, %add3A_4470 : vector<8x1024xf32>
    %mul3A_4473 = arith.mulf %mul3A_4471, %mul3A_4472 : vector<8x1024xf32>
    %log3A_4474 = math.log %mul3A_4473 : vector<8x1024xf32>
    %log3A_4475 = arith.constant 2.000000e+00 : f32
    %log3A_4476 = math.log %log3A_4475 : f32
    %div3A_4477 = vector.broadcast %log3A_4476 : f32 to vector<8x1024xf32>
    %div3A_4478 = arith.divf %log3A_4474, %div3A_4477 : vector<8x1024xf32>
    %add3A_4479 = arith.addf %add3A_4438, %div3A_4478 : vector<8x1024xf32>
    %slice3A_4480 = vector.extract_strided_slice %get3A_3864 {offsets = [480, 0], sizes = [8, 1024], strides = [1, 1]} : vector<1000x1024xf32> to vector<8x1024xf32>
    %mul3A_4481 = arith.constant -1.44269502 : f32
    %mul3A_4482 = vector.broadcast %mul3A_4481 : f32 to vector<8x1024xf32>
    %mul3A_4483 = arith.mulf %slice3A_4480, %mul3A_4482 : vector<8x1024xf32>
    %exp23A_4484 = math.exp2 %mul3A_4483 : vector<8x1024xf32>
    %add3A_4485 = arith.constant 1.000000e+00 : f32
    %add3A_4486 = vector.broadcast %add3A_4485 : f32 to vector<8x1024xf32>
    %add3A_4487 = arith.addf %add3A_4486, %exp23A_4484 : vector<8x1024xf32>
    %slice3A_4488 = vector.extract_strided_slice %get3A_3864 {offsets = [488, 0], sizes = [8, 1024], strides = [1, 1]} : vector<1000x1024xf32> to vector<8x1024xf32>
    %mul3A_4489 = arith.constant -1.44269502 : f32
    %mul3A_4490 = vector.broadcast %mul3A_4489 : f32 to vector<8x1024xf32>
    %mul3A_4491 = arith.mulf %slice3A_4488, %mul3A_4490 : vector<8x1024xf32>
    %exp23A_4492 = math.exp2 %mul3A_4491 : vector<8x1024xf32>
    %add3A_4493 = arith.constant 1.000000e+00 : f32
    %add3A_4494 = vector.broadcast %add3A_4493 : f32 to vector<8x1024xf32>
    %add3A_4495 = arith.addf %add3A_4494, %exp23A_4492 : vector<8x1024xf32>
    %slice3A_4496 = vector.extract_strided_slice %get3A_3864 {offsets = [496, 0], sizes = [8, 1024], strides = [1, 1]} : vector<1000x1024xf32> to vector<8x1024xf32>
    %mul3A_4497 = arith.constant -1.44269502 : f32
    %mul3A_4498 = vector.broadcast %mul3A_4497 : f32 to vector<8x1024xf32>
    %mul3A_4499 = arith.mulf %slice3A_4496, %mul3A_4498 : vector<8x1024xf32>
    %exp23A_4500 = math.exp2 %mul3A_4499 : vector<8x1024xf32>
    %add3A_4501 = arith.constant 1.000000e+00 : f32
    %add3A_4502 = vector.broadcast %add3A_4501 : f32 to vector<8x1024xf32>
    %add3A_4503 = arith.addf %add3A_4502, %exp23A_4500 : vector<8x1024xf32>
    %slice3A_4504 = vector.extract_strided_slice %get3A_3864 {offsets = [504, 0], sizes = [8, 1024], strides = [1, 1]} : vector<1000x1024xf32> to vector<8x1024xf32>
    %mul3A_4505 = arith.constant -1.44269502 : f32
    %mul3A_4506 = vector.broadcast %mul3A_4505 : f32 to vector<8x1024xf32>
    %mul3A_4507 = arith.mulf %slice3A_4504, %mul3A_4506 : vector<8x1024xf32>
    %exp23A_4508 = math.exp2 %mul3A_4507 : vector<8x1024xf32>
    %add3A_4509 = arith.constant 1.000000e+00 : f32
    %add3A_4510 = vector.broadcast %add3A_4509 : f32 to vector<8x1024xf32>
    %add3A_4511 = arith.addf %add3A_4510, %exp23A_4508 : vector<8x1024xf32>
    %mul3A_4512 = arith.mulf %add3A_4487, %add3A_4495 : vector<8x1024xf32>
    %mul3A_4513 = arith.mulf %add3A_4503, %add3A_4511 : vector<8x1024xf32>
    %mul3A_4514 = arith.mulf %mul3A_4512, %mul3A_4513 : vector<8x1024xf32>
    %log3A_4515 = math.log %mul3A_4514 : vector<8x1024xf32>
    %log3A_4516 = arith.constant 2.000000e+00 : f32
    %log3A_4517 = math.log %log3A_4516 : f32
    %div3A_4518 = vector.broadcast %log3A_4517 : f32 to vector<8x1024xf32>
    %div3A_4519 = arith.divf %log3A_4515, %div3A_4518 : vector<8x1024xf32>
    %add3A_4520 = arith.addf %add3A_4479, %div3A_4519 : vector<8x1024xf32>
    %slice3A_4521 = vector.extract_strided_slice %get3A_3864 {offsets = [512, 0], sizes = [8, 1024], strides = [1, 1]} : vector<1000x1024xf32> to vector<8x1024xf32>
    %mul3A_4522 = arith.constant -1.44269502 : f32
    %mul3A_4523 = vector.broadcast %mul3A_4522 : f32 to vector<8x1024xf32>
    %mul3A_4524 = arith.mulf %slice3A_4521, %mul3A_4523 : vector<8x1024xf32>
    %exp23A_4525 = math.exp2 %mul3A_4524 : vector<8x1024xf32>
    %add3A_4526 = arith.constant 1.000000e+00 : f32
    %add3A_4527 = vector.broadcast %add3A_4526 : f32 to vector<8x1024xf32>
    %add3A_4528 = arith.addf %add3A_4527, %exp23A_4525 : vector<8x1024xf32>
    %slice3A_4529 = vector.extract_strided_slice %get3A_3864 {offsets = [520, 0], sizes = [8, 1024], strides = [1, 1]} : vector<1000x1024xf32> to vector<8x1024xf32>
    %mul3A_4530 = arith.constant -1.44269502 : f32
    %mul3A_4531 = vector.broadcast %mul3A_4530 : f32 to vector<8x1024xf32>
    %mul3A_4532 = arith.mulf %slice3A_4529, %mul3A_4531 : vector<8x1024xf32>
    %exp23A_4533 = math.exp2 %mul3A_4532 : vector<8x1024xf32>
    %add3A_4534 = arith.constant 1.000000e+00 : f32
    %add3A_4535 = vector.broadcast %add3A_4534 : f32 to vector<8x1024xf32>
    %add3A_4536 = arith.addf %add3A_4535, %exp23A_4533 : vector<8x1024xf32>
    %slice3A_4537 = vector.extract_strided_slice %get3A_3864 {offsets = [528, 0], sizes = [8, 1024], strides = [1, 1]} : vector<1000x1024xf32> to vector<8x1024xf32>
    %mul3A_4538 = arith.constant -1.44269502 : f32
    %mul3A_4539 = vector.broadcast %mul3A_4538 : f32 to vector<8x1024xf32>
    %mul3A_4540 = arith.mulf %slice3A_4537, %mul3A_4539 : vector<8x1024xf32>
    %exp23A_4541 = math.exp2 %mul3A_4540 : vector<8x1024xf32>
    %add3A_4542 = arith.constant 1.000000e+00 : f32
    %add3A_4543 = vector.broadcast %add3A_4542 : f32 to vector<8x1024xf32>
    %add3A_4544 = arith.addf %add3A_4543, %exp23A_4541 : vector<8x1024xf32>
    %slice3A_4545 = vector.extract_strided_slice %get3A_3864 {offsets = [536, 0], sizes = [8, 1024], strides = [1, 1]} : vector<1000x1024xf32> to vector<8x1024xf32>
    %mul3A_4546 = arith.constant -1.44269502 : f32
    %mul3A_4547 = vector.broadcast %mul3A_4546 : f32 to vector<8x1024xf32>
    %mul3A_4548 = arith.mulf %slice3A_4545, %mul3A_4547 : vector<8x1024xf32>
    %exp23A_4549 = math.exp2 %mul3A_4548 : vector<8x1024xf32>
    %add3A_4550 = arith.constant 1.000000e+00 : f32
    %add3A_4551 = vector.broadcast %add3A_4550 : f32 to vector<8x1024xf32>
    %add3A_4552 = arith.addf %add3A_4551, %exp23A_4549 : vector<8x1024xf32>
    %mul3A_4553 = arith.mulf %add3A_4528, %add3A_4536 : vector<8x1024xf32>
    %mul3A_4554 = arith.mulf %add3A_4544, %add3A_4552 : vector<8x1024xf32>
    %mul3A_4555 = arith.mulf %mul3A_4553, %mul3A_4554 : vector<8x1024xf32>
    %log3A_4556 = math.log %mul3A_4555 : vector<8x1024xf32>
    %log3A_4557 = arith.constant 2.000000e+00 : f32
    %log3A_4558 = math.log %log3A_4557 : f32
    %div3A_4559 = vector.broadcast %log3A_4558 : f32 to vector<8x1024xf32>
    %div3A_4560 = arith.divf %log3A_4556, %div3A_4559 : vector<8x1024xf32>
    %add3A_4561 = arith.addf %add3A_4520, %div3A_4560 : vector<8x1024xf32>
    %slice3A_4562 = vector.extract_strided_slice %get3A_3864 {offsets = [544, 0], sizes = [8, 1024], strides = [1, 1]} : vector<1000x1024xf32> to vector<8x1024xf32>
    %mul3A_4563 = arith.constant -1.44269502 : f32
    %mul3A_4564 = vector.broadcast %mul3A_4563 : f32 to vector<8x1024xf32>
    %mul3A_4565 = arith.mulf %slice3A_4562, %mul3A_4564 : vector<8x1024xf32>
    %exp23A_4566 = math.exp2 %mul3A_4565 : vector<8x1024xf32>
    %add3A_4567 = arith.constant 1.000000e+00 : f32
    %add3A_4568 = vector.broadcast %add3A_4567 : f32 to vector<8x1024xf32>
    %add3A_4569 = arith.addf %add3A_4568, %exp23A_4566 : vector<8x1024xf32>
    %slice3A_4570 = vector.extract_strided_slice %get3A_3864 {offsets = [552, 0], sizes = [8, 1024], strides = [1, 1]} : vector<1000x1024xf32> to vector<8x1024xf32>
    %mul3A_4571 = arith.constant -1.44269502 : f32
    %mul3A_4572 = vector.broadcast %mul3A_4571 : f32 to vector<8x1024xf32>
    %mul3A_4573 = arith.mulf %slice3A_4570, %mul3A_4572 : vector<8x1024xf32>
    %exp23A_4574 = math.exp2 %mul3A_4573 : vector<8x1024xf32>
    %add3A_4575 = arith.constant 1.000000e+00 : f32
    %add3A_4576 = vector.broadcast %add3A_4575 : f32 to vector<8x1024xf32>
    %add3A_4577 = arith.addf %add3A_4576, %exp23A_4574 : vector<8x1024xf32>
    %slice3A_4578 = vector.extract_strided_slice %get3A_3864 {offsets = [560, 0], sizes = [8, 1024], strides = [1, 1]} : vector<1000x1024xf32> to vector<8x1024xf32>
    %mul3A_4579 = arith.constant -1.44269502 : f32
    %mul3A_4580 = vector.broadcast %mul3A_4579 : f32 to vector<8x1024xf32>
    %mul3A_4581 = arith.mulf %slice3A_4578, %mul3A_4580 : vector<8x1024xf32>
    %exp23A_4582 = math.exp2 %mul3A_4581 : vector<8x1024xf32>
    %add3A_4583 = arith.constant 1.000000e+00 : f32
    %add3A_4584 = vector.broadcast %add3A_4583 : f32 to vector<8x1024xf32>
    %add3A_4585 = arith.addf %add3A_4584, %exp23A_4582 : vector<8x1024xf32>
    %slice3A_4586 = vector.extract_strided_slice %get3A_3864 {offsets = [568, 0], sizes = [8, 1024], strides = [1, 1]} : vector<1000x1024xf32> to vector<8x1024xf32>
    %mul3A_4587 = arith.constant -1.44269502 : f32
    %mul3A_4588 = vector.broadcast %mul3A_4587 : f32 to vector<8x1024xf32>
    %mul3A_4589 = arith.mulf %slice3A_4586, %mul3A_4588 : vector<8x1024xf32>
    %exp23A_4590 = math.exp2 %mul3A_4589 : vector<8x1024xf32>
    %add3A_4591 = arith.constant 1.000000e+00 : f32
    %add3A_4592 = vector.broadcast %add3A_4591 : f32 to vector<8x1024xf32>
    %add3A_4593 = arith.addf %add3A_4592, %exp23A_4590 : vector<8x1024xf32>
    %mul3A_4594 = arith.mulf %add3A_4569, %add3A_4577 : vector<8x1024xf32>
    %mul3A_4595 = arith.mulf %add3A_4585, %add3A_4593 : vector<8x1024xf32>
    %mul3A_4596 = arith.mulf %mul3A_4594, %mul3A_4595 : vector<8x1024xf32>
    %log3A_4597 = math.log %mul3A_4596 : vector<8x1024xf32>
    %log3A_4598 = arith.constant 2.000000e+00 : f32
    %log3A_4599 = math.log %log3A_4598 : f32
    %div3A_4600 = vector.broadcast %log3A_4599 : f32 to vector<8x1024xf32>
    %div3A_4601 = arith.divf %log3A_4597, %div3A_4600 : vector<8x1024xf32>
    %add3A_4602 = arith.addf %add3A_4561, %div3A_4601 : vector<8x1024xf32>
    %slice3A_4603 = vector.extract_strided_slice %get3A_3864 {offsets = [576, 0], sizes = [8, 1024], strides = [1, 1]} : vector<1000x1024xf32> to vector<8x1024xf32>
    %mul3A_4604 = arith.constant -1.44269502 : f32
    %mul3A_4605 = vector.broadcast %mul3A_4604 : f32 to vector<8x1024xf32>
    %mul3A_4606 = arith.mulf %slice3A_4603, %mul3A_4605 : vector<8x1024xf32>
    %exp23A_4607 = math.exp2 %mul3A_4606 : vector<8x1024xf32>
    %add3A_4608 = arith.constant 1.000000e+00 : f32
    %add3A_4609 = vector.broadcast %add3A_4608 : f32 to vector<8x1024xf32>
    %add3A_4610 = arith.addf %add3A_4609, %exp23A_4607 : vector<8x1024xf32>
    %slice3A_4611 = vector.extract_strided_slice %get3A_3864 {offsets = [584, 0], sizes = [8, 1024], strides = [1, 1]} : vector<1000x1024xf32> to vector<8x1024xf32>
    %mul3A_4612 = arith.constant -1.44269502 : f32
    %mul3A_4613 = vector.broadcast %mul3A_4612 : f32 to vector<8x1024xf32>
    %mul3A_4614 = arith.mulf %slice3A_4611, %mul3A_4613 : vector<8x1024xf32>
    %exp23A_4615 = math.exp2 %mul3A_4614 : vector<8x1024xf32>
    %add3A_4616 = arith.constant 1.000000e+00 : f32
    %add3A_4617 = vector.broadcast %add3A_4616 : f32 to vector<8x1024xf32>
    %add3A_4618 = arith.addf %add3A_4617, %exp23A_4615 : vector<8x1024xf32>
    %slice3A_4619 = vector.extract_strided_slice %get3A_3864 {offsets = [592, 0], sizes = [8, 1024], strides = [1, 1]} : vector<1000x1024xf32> to vector<8x1024xf32>
    %mul3A_4620 = arith.constant -1.44269502 : f32
    %mul3A_4621 = vector.broadcast %mul3A_4620 : f32 to vector<8x1024xf32>
    %mul3A_4622 = arith.mulf %slice3A_4619, %mul3A_4621 : vector<8x1024xf32>
    %exp23A_4623 = math.exp2 %mul3A_4622 : vector<8x1024xf32>
    %add3A_4624 = arith.constant 1.000000e+00 : f32
    %add3A_4625 = vector.broadcast %add3A_4624 : f32 to vector<8x1024xf32>
    %add3A_4626 = arith.addf %add3A_4625, %exp23A_4623 : vector<8x1024xf32>
    %slice3A_4627 = vector.extract_strided_slice %get3A_3864 {offsets = [600, 0], sizes = [8, 1024], strides = [1, 1]} : vector<1000x1024xf32> to vector<8x1024xf32>
    %mul3A_4628 = arith.constant -1.44269502 : f32
    %mul3A_4629 = vector.broadcast %mul3A_4628 : f32 to vector<8x1024xf32>
    %mul3A_4630 = arith.mulf %slice3A_4627, %mul3A_4629 : vector<8x1024xf32>
    %exp23A_4631 = math.exp2 %mul3A_4630 : vector<8x1024xf32>
    %add3A_4632 = arith.constant 1.000000e+00 : f32
    %add3A_4633 = vector.broadcast %add3A_4632 : f32 to vector<8x1024xf32>
    %add3A_4634 = arith.addf %add3A_4633, %exp23A_4631 : vector<8x1024xf32>
    %mul3A_4635 = arith.mulf %add3A_4610, %add3A_4618 : vector<8x1024xf32>
    %mul3A_4636 = arith.mulf %add3A_4626, %add3A_4634 : vector<8x1024xf32>
    %mul3A_4637 = arith.mulf %mul3A_4635, %mul3A_4636 : vector<8x1024xf32>
    %log3A_4638 = math.log %mul3A_4637 : vector<8x1024xf32>
    %log3A_4639 = arith.constant 2.000000e+00 : f32
    %log3A_4640 = math.log %log3A_4639 : f32
    %div3A_4641 = vector.broadcast %log3A_4640 : f32 to vector<8x1024xf32>
    %div3A_4642 = arith.divf %log3A_4638, %div3A_4641 : vector<8x1024xf32>
    %add3A_4643 = arith.addf %add3A_4602, %div3A_4642 : vector<8x1024xf32>
    %slice3A_4644 = vector.extract_strided_slice %get3A_3864 {offsets = [608, 0], sizes = [8, 1024], strides = [1, 1]} : vector<1000x1024xf32> to vector<8x1024xf32>
    %mul3A_4645 = arith.constant -1.44269502 : f32
    %mul3A_4646 = vector.broadcast %mul3A_4645 : f32 to vector<8x1024xf32>
    %mul3A_4647 = arith.mulf %slice3A_4644, %mul3A_4646 : vector<8x1024xf32>
    %exp23A_4648 = math.exp2 %mul3A_4647 : vector<8x1024xf32>
    %add3A_4649 = arith.constant 1.000000e+00 : f32
    %add3A_4650 = vector.broadcast %add3A_4649 : f32 to vector<8x1024xf32>
    %add3A_4651 = arith.addf %add3A_4650, %exp23A_4648 : vector<8x1024xf32>
    %slice3A_4652 = vector.extract_strided_slice %get3A_3864 {offsets = [616, 0], sizes = [8, 1024], strides = [1, 1]} : vector<1000x1024xf32> to vector<8x1024xf32>
    %mul3A_4653 = arith.constant -1.44269502 : f32
    %mul3A_4654 = vector.broadcast %mul3A_4653 : f32 to vector<8x1024xf32>
    %mul3A_4655 = arith.mulf %slice3A_4652, %mul3A_4654 : vector<8x1024xf32>
    %exp23A_4656 = math.exp2 %mul3A_4655 : vector<8x1024xf32>
    %add3A_4657 = arith.constant 1.000000e+00 : f32
    %add3A_4658 = vector.broadcast %add3A_4657 : f32 to vector<8x1024xf32>
    %add3A_4659 = arith.addf %add3A_4658, %exp23A_4656 : vector<8x1024xf32>
    %slice3A_4660 = vector.extract_strided_slice %get3A_3864 {offsets = [624, 0], sizes = [8, 1024], strides = [1, 1]} : vector<1000x1024xf32> to vector<8x1024xf32>
    %mul3A_4661 = arith.constant -1.44269502 : f32
    %mul3A_4662 = vector.broadcast %mul3A_4661 : f32 to vector<8x1024xf32>
    %mul3A_4663 = arith.mulf %slice3A_4660, %mul3A_4662 : vector<8x1024xf32>
    %exp23A_4664 = math.exp2 %mul3A_4663 : vector<8x1024xf32>
    %add3A_4665 = arith.constant 1.000000e+00 : f32
    %add3A_4666 = vector.broadcast %add3A_4665 : f32 to vector<8x1024xf32>
    %add3A_4667 = arith.addf %add3A_4666, %exp23A_4664 : vector<8x1024xf32>
    %slice3A_4668 = vector.extract_strided_slice %get3A_3864 {offsets = [632, 0], sizes = [8, 1024], strides = [1, 1]} : vector<1000x1024xf32> to vector<8x1024xf32>
    %mul3A_4669 = arith.constant -1.44269502 : f32
    %mul3A_4670 = vector.broadcast %mul3A_4669 : f32 to vector<8x1024xf32>
    %mul3A_4671 = arith.mulf %slice3A_4668, %mul3A_4670 : vector<8x1024xf32>
    %exp23A_4672 = math.exp2 %mul3A_4671 : vector<8x1024xf32>
    %add3A_4673 = arith.constant 1.000000e+00 : f32
    %add3A_4674 = vector.broadcast %add3A_4673 : f32 to vector<8x1024xf32>
    %add3A_4675 = arith.addf %add3A_4674, %exp23A_4672 : vector<8x1024xf32>
    %mul3A_4676 = arith.mulf %add3A_4651, %add3A_4659 : vector<8x1024xf32>
    %mul3A_4677 = arith.mulf %add3A_4667, %add3A_4675 : vector<8x1024xf32>
    %mul3A_4678 = arith.mulf %mul3A_4676, %mul3A_4677 : vector<8x1024xf32>
    %log3A_4679 = math.log %mul3A_4678 : vector<8x1024xf32>
    %log3A_4680 = arith.constant 2.000000e+00 : f32
    %log3A_4681 = math.log %log3A_4680 : f32
    %div3A_4682 = vector.broadcast %log3A_4681 : f32 to vector<8x1024xf32>
    %div3A_4683 = arith.divf %log3A_4679, %div3A_4682 : vector<8x1024xf32>
    %add3A_4684 = arith.addf %add3A_4643, %div3A_4683 : vector<8x1024xf32>
    %slice3A_4685 = vector.extract_strided_slice %get3A_3864 {offsets = [640, 0], sizes = [8, 1024], strides = [1, 1]} : vector<1000x1024xf32> to vector<8x1024xf32>
    %mul3A_4686 = arith.constant -1.44269502 : f32
    %mul3A_4687 = vector.broadcast %mul3A_4686 : f32 to vector<8x1024xf32>
    %mul3A_4688 = arith.mulf %slice3A_4685, %mul3A_4687 : vector<8x1024xf32>
    %exp23A_4689 = math.exp2 %mul3A_4688 : vector<8x1024xf32>
    %add3A_4690 = arith.constant 1.000000e+00 : f32
    %add3A_4691 = vector.broadcast %add3A_4690 : f32 to vector<8x1024xf32>
    %add3A_4692 = arith.addf %add3A_4691, %exp23A_4689 : vector<8x1024xf32>
    %slice3A_4693 = vector.extract_strided_slice %get3A_3864 {offsets = [648, 0], sizes = [8, 1024], strides = [1, 1]} : vector<1000x1024xf32> to vector<8x1024xf32>
    %mul3A_4694 = arith.constant -1.44269502 : f32
    %mul3A_4695 = vector.broadcast %mul3A_4694 : f32 to vector<8x1024xf32>
    %mul3A_4696 = arith.mulf %slice3A_4693, %mul3A_4695 : vector<8x1024xf32>
    %exp23A_4697 = math.exp2 %mul3A_4696 : vector<8x1024xf32>
    %add3A_4698 = arith.constant 1.000000e+00 : f32
    %add3A_4699 = vector.broadcast %add3A_4698 : f32 to vector<8x1024xf32>
    %add3A_4700 = arith.addf %add3A_4699, %exp23A_4697 : vector<8x1024xf32>
    %slice3A_4701 = vector.extract_strided_slice %get3A_3864 {offsets = [656, 0], sizes = [8, 1024], strides = [1, 1]} : vector<1000x1024xf32> to vector<8x1024xf32>
    %mul3A_4702 = arith.constant -1.44269502 : f32
    %mul3A_4703 = vector.broadcast %mul3A_4702 : f32 to vector<8x1024xf32>
    %mul3A_4704 = arith.mulf %slice3A_4701, %mul3A_4703 : vector<8x1024xf32>
    %exp23A_4705 = math.exp2 %mul3A_4704 : vector<8x1024xf32>
    %add3A_4706 = arith.constant 1.000000e+00 : f32
    %add3A_4707 = vector.broadcast %add3A_4706 : f32 to vector<8x1024xf32>
    %add3A_4708 = arith.addf %add3A_4707, %exp23A_4705 : vector<8x1024xf32>
    %slice3A_4709 = vector.extract_strided_slice %get3A_3864 {offsets = [664, 0], sizes = [8, 1024], strides = [1, 1]} : vector<1000x1024xf32> to vector<8x1024xf32>
    %mul3A_4710 = arith.constant -1.44269502 : f32
    %mul3A_4711 = vector.broadcast %mul3A_4710 : f32 to vector<8x1024xf32>
    %mul3A_4712 = arith.mulf %slice3A_4709, %mul3A_4711 : vector<8x1024xf32>
    %exp23A_4713 = math.exp2 %mul3A_4712 : vector<8x1024xf32>
    %add3A_4714 = arith.constant 1.000000e+00 : f32
    %add3A_4715 = vector.broadcast %add3A_4714 : f32 to vector<8x1024xf32>
    %add3A_4716 = arith.addf %add3A_4715, %exp23A_4713 : vector<8x1024xf32>
    %mul3A_4717 = arith.mulf %add3A_4692, %add3A_4700 : vector<8x1024xf32>
    %mul3A_4718 = arith.mulf %add3A_4708, %add3A_4716 : vector<8x1024xf32>
    %mul3A_4719 = arith.mulf %mul3A_4717, %mul3A_4718 : vector<8x1024xf32>
    %log3A_4720 = math.log %mul3A_4719 : vector<8x1024xf32>
    %log3A_4721 = arith.constant 2.000000e+00 : f32
    %log3A_4722 = math.log %log3A_4721 : f32
    %div3A_4723 = vector.broadcast %log3A_4722 : f32 to vector<8x1024xf32>
    %div3A_4724 = arith.divf %log3A_4720, %div3A_4723 : vector<8x1024xf32>
    %add3A_4725 = arith.addf %add3A_4684, %div3A_4724 : vector<8x1024xf32>
    %slice3A_4726 = vector.extract_strided_slice %get3A_3864 {offsets = [672, 0], sizes = [8, 1024], strides = [1, 1]} : vector<1000x1024xf32> to vector<8x1024xf32>
    %mul3A_4727 = arith.constant -1.44269502 : f32
    %mul3A_4728 = vector.broadcast %mul3A_4727 : f32 to vector<8x1024xf32>
    %mul3A_4729 = arith.mulf %slice3A_4726, %mul3A_4728 : vector<8x1024xf32>
    %exp23A_4730 = math.exp2 %mul3A_4729 : vector<8x1024xf32>
    %add3A_4731 = arith.constant 1.000000e+00 : f32
    %add3A_4732 = vector.broadcast %add3A_4731 : f32 to vector<8x1024xf32>
    %add3A_4733 = arith.addf %add3A_4732, %exp23A_4730 : vector<8x1024xf32>
    %slice3A_4734 = vector.extract_strided_slice %get3A_3864 {offsets = [680, 0], sizes = [8, 1024], strides = [1, 1]} : vector<1000x1024xf32> to vector<8x1024xf32>
    %mul3A_4735 = arith.constant -1.44269502 : f32
    %mul3A_4736 = vector.broadcast %mul3A_4735 : f32 to vector<8x1024xf32>
    %mul3A_4737 = arith.mulf %slice3A_4734, %mul3A_4736 : vector<8x1024xf32>
    %exp23A_4738 = math.exp2 %mul3A_4737 : vector<8x1024xf32>
    %add3A_4739 = arith.constant 1.000000e+00 : f32
    %add3A_4740 = vector.broadcast %add3A_4739 : f32 to vector<8x1024xf32>
    %add3A_4741 = arith.addf %add3A_4740, %exp23A_4738 : vector<8x1024xf32>
    %slice3A_4742 = vector.extract_strided_slice %get3A_3864 {offsets = [688, 0], sizes = [8, 1024], strides = [1, 1]} : vector<1000x1024xf32> to vector<8x1024xf32>
    %mul3A_4743 = arith.constant -1.44269502 : f32
    %mul3A_4744 = vector.broadcast %mul3A_4743 : f32 to vector<8x1024xf32>
    %mul3A_4745 = arith.mulf %slice3A_4742, %mul3A_4744 : vector<8x1024xf32>
    %exp23A_4746 = math.exp2 %mul3A_4745 : vector<8x1024xf32>
    %add3A_4747 = arith.constant 1.000000e+00 : f32
    %add3A_4748 = vector.broadcast %add3A_4747 : f32 to vector<8x1024xf32>
    %add3A_4749 = arith.addf %add3A_4748, %exp23A_4746 : vector<8x1024xf32>
    %slice3A_4750 = vector.extract_strided_slice %get3A_3864 {offsets = [696, 0], sizes = [8, 1024], strides = [1, 1]} : vector<1000x1024xf32> to vector<8x1024xf32>
    %mul3A_4751 = arith.constant -1.44269502 : f32
    %mul3A_4752 = vector.broadcast %mul3A_4751 : f32 to vector<8x1024xf32>
    %mul3A_4753 = arith.mulf %slice3A_4750, %mul3A_4752 : vector<8x1024xf32>
    %exp23A_4754 = math.exp2 %mul3A_4753 : vector<8x1024xf32>
    %add3A_4755 = arith.constant 1.000000e+00 : f32
    %add3A_4756 = vector.broadcast %add3A_4755 : f32 to vector<8x1024xf32>
    %add3A_4757 = arith.addf %add3A_4756, %exp23A_4754 : vector<8x1024xf32>
    %mul3A_4758 = arith.mulf %add3A_4733, %add3A_4741 : vector<8x1024xf32>
    %mul3A_4759 = arith.mulf %add3A_4749, %add3A_4757 : vector<8x1024xf32>
    %mul3A_4760 = arith.mulf %mul3A_4758, %mul3A_4759 : vector<8x1024xf32>
    %log3A_4761 = math.log %mul3A_4760 : vector<8x1024xf32>
    %log3A_4762 = arith.constant 2.000000e+00 : f32
    %log3A_4763 = math.log %log3A_4762 : f32
    %div3A_4764 = vector.broadcast %log3A_4763 : f32 to vector<8x1024xf32>
    %div3A_4765 = arith.divf %log3A_4761, %div3A_4764 : vector<8x1024xf32>
    %add3A_4766 = arith.addf %add3A_4725, %div3A_4765 : vector<8x1024xf32>
    %slice3A_4767 = vector.extract_strided_slice %get3A_3864 {offsets = [704, 0], sizes = [8, 1024], strides = [1, 1]} : vector<1000x1024xf32> to vector<8x1024xf32>
    %mul3A_4768 = arith.constant -1.44269502 : f32
    %mul3A_4769 = vector.broadcast %mul3A_4768 : f32 to vector<8x1024xf32>
    %mul3A_4770 = arith.mulf %slice3A_4767, %mul3A_4769 : vector<8x1024xf32>
    %exp23A_4771 = math.exp2 %mul3A_4770 : vector<8x1024xf32>
    %add3A_4772 = arith.constant 1.000000e+00 : f32
    %add3A_4773 = vector.broadcast %add3A_4772 : f32 to vector<8x1024xf32>
    %add3A_4774 = arith.addf %add3A_4773, %exp23A_4771 : vector<8x1024xf32>
    %slice3A_4775 = vector.extract_strided_slice %get3A_3864 {offsets = [712, 0], sizes = [8, 1024], strides = [1, 1]} : vector<1000x1024xf32> to vector<8x1024xf32>
    %mul3A_4776 = arith.constant -1.44269502 : f32
    %mul3A_4777 = vector.broadcast %mul3A_4776 : f32 to vector<8x1024xf32>
    %mul3A_4778 = arith.mulf %slice3A_4775, %mul3A_4777 : vector<8x1024xf32>
    %exp23A_4779 = math.exp2 %mul3A_4778 : vector<8x1024xf32>
    %add3A_4780 = arith.constant 1.000000e+00 : f32
    %add3A_4781 = vector.broadcast %add3A_4780 : f32 to vector<8x1024xf32>
    %add3A_4782 = arith.addf %add3A_4781, %exp23A_4779 : vector<8x1024xf32>
    %slice3A_4783 = vector.extract_strided_slice %get3A_3864 {offsets = [720, 0], sizes = [8, 1024], strides = [1, 1]} : vector<1000x1024xf32> to vector<8x1024xf32>
    %mul3A_4784 = arith.constant -1.44269502 : f32
    %mul3A_4785 = vector.broadcast %mul3A_4784 : f32 to vector<8x1024xf32>
    %mul3A_4786 = arith.mulf %slice3A_4783, %mul3A_4785 : vector<8x1024xf32>
    %exp23A_4787 = math.exp2 %mul3A_4786 : vector<8x1024xf32>
    %add3A_4788 = arith.constant 1.000000e+00 : f32
    %add3A_4789 = vector.broadcast %add3A_4788 : f32 to vector<8x1024xf32>
    %add3A_4790 = arith.addf %add3A_4789, %exp23A_4787 : vector<8x1024xf32>
    %slice3A_4791 = vector.extract_strided_slice %get3A_3864 {offsets = [728, 0], sizes = [8, 1024], strides = [1, 1]} : vector<1000x1024xf32> to vector<8x1024xf32>
    %mul3A_4792 = arith.constant -1.44269502 : f32
    %mul3A_4793 = vector.broadcast %mul3A_4792 : f32 to vector<8x1024xf32>
    %mul3A_4794 = arith.mulf %slice3A_4791, %mul3A_4793 : vector<8x1024xf32>
    %exp23A_4795 = math.exp2 %mul3A_4794 : vector<8x1024xf32>
    %add3A_4796 = arith.constant 1.000000e+00 : f32
    %add3A_4797 = vector.broadcast %add3A_4796 : f32 to vector<8x1024xf32>
    %add3A_4798 = arith.addf %add3A_4797, %exp23A_4795 : vector<8x1024xf32>
    %mul3A_4799 = arith.mulf %add3A_4774, %add3A_4782 : vector<8x1024xf32>
    %mul3A_4800 = arith.mulf %add3A_4790, %add3A_4798 : vector<8x1024xf32>
    %mul3A_4801 = arith.mulf %mul3A_4799, %mul3A_4800 : vector<8x1024xf32>
    %log3A_4802 = math.log %mul3A_4801 : vector<8x1024xf32>
    %log3A_4803 = arith.constant 2.000000e+00 : f32
    %log3A_4804 = math.log %log3A_4803 : f32
    %div3A_4805 = vector.broadcast %log3A_4804 : f32 to vector<8x1024xf32>
    %div3A_4806 = arith.divf %log3A_4802, %div3A_4805 : vector<8x1024xf32>
    %add3A_4807 = arith.addf %add3A_4766, %div3A_4806 : vector<8x1024xf32>
    %slice3A_4808 = vector.extract_strided_slice %get3A_3864 {offsets = [736, 0], sizes = [8, 1024], strides = [1, 1]} : vector<1000x1024xf32> to vector<8x1024xf32>
    %mul3A_4809 = arith.constant -1.44269502 : f32
    %mul3A_4810 = vector.broadcast %mul3A_4809 : f32 to vector<8x1024xf32>
    %mul3A_4811 = arith.mulf %slice3A_4808, %mul3A_4810 : vector<8x1024xf32>
    %exp23A_4812 = math.exp2 %mul3A_4811 : vector<8x1024xf32>
    %add3A_4813 = arith.constant 1.000000e+00 : f32
    %add3A_4814 = vector.broadcast %add3A_4813 : f32 to vector<8x1024xf32>
    %add3A_4815 = arith.addf %add3A_4814, %exp23A_4812 : vector<8x1024xf32>
    %slice3A_4816 = vector.extract_strided_slice %get3A_3864 {offsets = [744, 0], sizes = [8, 1024], strides = [1, 1]} : vector<1000x1024xf32> to vector<8x1024xf32>
    %mul3A_4817 = arith.constant -1.44269502 : f32
    %mul3A_4818 = vector.broadcast %mul3A_4817 : f32 to vector<8x1024xf32>
    %mul3A_4819 = arith.mulf %slice3A_4816, %mul3A_4818 : vector<8x1024xf32>
    %exp23A_4820 = math.exp2 %mul3A_4819 : vector<8x1024xf32>
    %add3A_4821 = arith.constant 1.000000e+00 : f32
    %add3A_4822 = vector.broadcast %add3A_4821 : f32 to vector<8x1024xf32>
    %add3A_4823 = arith.addf %add3A_4822, %exp23A_4820 : vector<8x1024xf32>
    %slice3A_4824 = vector.extract_strided_slice %get3A_3864 {offsets = [752, 0], sizes = [8, 1024], strides = [1, 1]} : vector<1000x1024xf32> to vector<8x1024xf32>
    %mul3A_4825 = arith.constant -1.44269502 : f32
    %mul3A_4826 = vector.broadcast %mul3A_4825 : f32 to vector<8x1024xf32>
    %mul3A_4827 = arith.mulf %slice3A_4824, %mul3A_4826 : vector<8x1024xf32>
    %exp23A_4828 = math.exp2 %mul3A_4827 : vector<8x1024xf32>
    %add3A_4829 = arith.constant 1.000000e+00 : f32
    %add3A_4830 = vector.broadcast %add3A_4829 : f32 to vector<8x1024xf32>
    %add3A_4831 = arith.addf %add3A_4830, %exp23A_4828 : vector<8x1024xf32>
    %slice3A_4832 = vector.extract_strided_slice %get3A_3864 {offsets = [760, 0], sizes = [8, 1024], strides = [1, 1]} : vector<1000x1024xf32> to vector<8x1024xf32>
    %mul3A_4833 = arith.constant -1.44269502 : f32
    %mul3A_4834 = vector.broadcast %mul3A_4833 : f32 to vector<8x1024xf32>
    %mul3A_4835 = arith.mulf %slice3A_4832, %mul3A_4834 : vector<8x1024xf32>
    %exp23A_4836 = math.exp2 %mul3A_4835 : vector<8x1024xf32>
    %add3A_4837 = arith.constant 1.000000e+00 : f32
    %add3A_4838 = vector.broadcast %add3A_4837 : f32 to vector<8x1024xf32>
    %add3A_4839 = arith.addf %add3A_4838, %exp23A_4836 : vector<8x1024xf32>
    %mul3A_4840 = arith.mulf %add3A_4815, %add3A_4823 : vector<8x1024xf32>
    %mul3A_4841 = arith.mulf %add3A_4831, %add3A_4839 : vector<8x1024xf32>
    %mul3A_4842 = arith.mulf %mul3A_4840, %mul3A_4841 : vector<8x1024xf32>
    %log3A_4843 = math.log %mul3A_4842 : vector<8x1024xf32>
    %log3A_4844 = arith.constant 2.000000e+00 : f32
    %log3A_4845 = math.log %log3A_4844 : f32
    %div3A_4846 = vector.broadcast %log3A_4845 : f32 to vector<8x1024xf32>
    %div3A_4847 = arith.divf %log3A_4843, %div3A_4846 : vector<8x1024xf32>
    %add3A_4848 = arith.addf %add3A_4807, %div3A_4847 : vector<8x1024xf32>
    %slice3A_4849 = vector.extract_strided_slice %get3A_3864 {offsets = [768, 0], sizes = [8, 1024], strides = [1, 1]} : vector<1000x1024xf32> to vector<8x1024xf32>
    %mul3A_4850 = arith.constant -1.44269502 : f32
    %mul3A_4851 = vector.broadcast %mul3A_4850 : f32 to vector<8x1024xf32>
    %mul3A_4852 = arith.mulf %slice3A_4849, %mul3A_4851 : vector<8x1024xf32>
    %exp23A_4853 = math.exp2 %mul3A_4852 : vector<8x1024xf32>
    %add3A_4854 = arith.constant 1.000000e+00 : f32
    %add3A_4855 = vector.broadcast %add3A_4854 : f32 to vector<8x1024xf32>
    %add3A_4856 = arith.addf %add3A_4855, %exp23A_4853 : vector<8x1024xf32>
    %slice3A_4857 = vector.extract_strided_slice %get3A_3864 {offsets = [776, 0], sizes = [8, 1024], strides = [1, 1]} : vector<1000x1024xf32> to vector<8x1024xf32>
    %mul3A_4858 = arith.constant -1.44269502 : f32
    %mul3A_4859 = vector.broadcast %mul3A_4858 : f32 to vector<8x1024xf32>
    %mul3A_4860 = arith.mulf %slice3A_4857, %mul3A_4859 : vector<8x1024xf32>
    %exp23A_4861 = math.exp2 %mul3A_4860 : vector<8x1024xf32>
    %add3A_4862 = arith.constant 1.000000e+00 : f32
    %add3A_4863 = vector.broadcast %add3A_4862 : f32 to vector<8x1024xf32>
    %add3A_4864 = arith.addf %add3A_4863, %exp23A_4861 : vector<8x1024xf32>
    %slice3A_4865 = vector.extract_strided_slice %get3A_3864 {offsets = [784, 0], sizes = [8, 1024], strides = [1, 1]} : vector<1000x1024xf32> to vector<8x1024xf32>
    %mul3A_4866 = arith.constant -1.44269502 : f32
    %mul3A_4867 = vector.broadcast %mul3A_4866 : f32 to vector<8x1024xf32>
    %mul3A_4868 = arith.mulf %slice3A_4865, %mul3A_4867 : vector<8x1024xf32>
    %exp23A_4869 = math.exp2 %mul3A_4868 : vector<8x1024xf32>
    %add3A_4870 = arith.constant 1.000000e+00 : f32
    %add3A_4871 = vector.broadcast %add3A_4870 : f32 to vector<8x1024xf32>
    %add3A_4872 = arith.addf %add3A_4871, %exp23A_4869 : vector<8x1024xf32>
    %slice3A_4873 = vector.extract_strided_slice %get3A_3864 {offsets = [792, 0], sizes = [8, 1024], strides = [1, 1]} : vector<1000x1024xf32> to vector<8x1024xf32>
    %mul3A_4874 = arith.constant -1.44269502 : f32
    %mul3A_4875 = vector.broadcast %mul3A_4874 : f32 to vector<8x1024xf32>
    %mul3A_4876 = arith.mulf %slice3A_4873, %mul3A_4875 : vector<8x1024xf32>
    %exp23A_4877 = math.exp2 %mul3A_4876 : vector<8x1024xf32>
    %add3A_4878 = arith.constant 1.000000e+00 : f32
    %add3A_4879 = vector.broadcast %add3A_4878 : f32 to vector<8x1024xf32>
    %add3A_4880 = arith.addf %add3A_4879, %exp23A_4877 : vector<8x1024xf32>
    %mul3A_4881 = arith.mulf %add3A_4856, %add3A_4864 : vector<8x1024xf32>
    %mul3A_4882 = arith.mulf %add3A_4872, %add3A_4880 : vector<8x1024xf32>
    %mul3A_4883 = arith.mulf %mul3A_4881, %mul3A_4882 : vector<8x1024xf32>
    %log3A_4884 = math.log %mul3A_4883 : vector<8x1024xf32>
    %log3A_4885 = arith.constant 2.000000e+00 : f32
    %log3A_4886 = math.log %log3A_4885 : f32
    %div3A_4887 = vector.broadcast %log3A_4886 : f32 to vector<8x1024xf32>
    %div3A_4888 = arith.divf %log3A_4884, %div3A_4887 : vector<8x1024xf32>
    %add3A_4889 = arith.addf %add3A_4848, %div3A_4888 : vector<8x1024xf32>
    %slice3A_4890 = vector.extract_strided_slice %get3A_3864 {offsets = [800, 0], sizes = [8, 1024], strides = [1, 1]} : vector<1000x1024xf32> to vector<8x1024xf32>
    %mul3A_4891 = arith.constant -1.44269502 : f32
    %mul3A_4892 = vector.broadcast %mul3A_4891 : f32 to vector<8x1024xf32>
    %mul3A_4893 = arith.mulf %slice3A_4890, %mul3A_4892 : vector<8x1024xf32>
    %exp23A_4894 = math.exp2 %mul3A_4893 : vector<8x1024xf32>
    %add3A_4895 = arith.constant 1.000000e+00 : f32
    %add3A_4896 = vector.broadcast %add3A_4895 : f32 to vector<8x1024xf32>
    %add3A_4897 = arith.addf %add3A_4896, %exp23A_4894 : vector<8x1024xf32>
    %slice3A_4898 = vector.extract_strided_slice %get3A_3864 {offsets = [808, 0], sizes = [8, 1024], strides = [1, 1]} : vector<1000x1024xf32> to vector<8x1024xf32>
    %mul3A_4899 = arith.constant -1.44269502 : f32
    %mul3A_4900 = vector.broadcast %mul3A_4899 : f32 to vector<8x1024xf32>
    %mul3A_4901 = arith.mulf %slice3A_4898, %mul3A_4900 : vector<8x1024xf32>
    %exp23A_4902 = math.exp2 %mul3A_4901 : vector<8x1024xf32>
    %add3A_4903 = arith.constant 1.000000e+00 : f32
    %add3A_4904 = vector.broadcast %add3A_4903 : f32 to vector<8x1024xf32>
    %add3A_4905 = arith.addf %add3A_4904, %exp23A_4902 : vector<8x1024xf32>
    %slice3A_4906 = vector.extract_strided_slice %get3A_3864 {offsets = [816, 0], sizes = [8, 1024], strides = [1, 1]} : vector<1000x1024xf32> to vector<8x1024xf32>
    %mul3A_4907 = arith.constant -1.44269502 : f32
    %mul3A_4908 = vector.broadcast %mul3A_4907 : f32 to vector<8x1024xf32>
    %mul3A_4909 = arith.mulf %slice3A_4906, %mul3A_4908 : vector<8x1024xf32>
    %exp23A_4910 = math.exp2 %mul3A_4909 : vector<8x1024xf32>
    %add3A_4911 = arith.constant 1.000000e+00 : f32
    %add3A_4912 = vector.broadcast %add3A_4911 : f32 to vector<8x1024xf32>
    %add3A_4913 = arith.addf %add3A_4912, %exp23A_4910 : vector<8x1024xf32>
    %slice3A_4914 = vector.extract_strided_slice %get3A_3864 {offsets = [824, 0], sizes = [8, 1024], strides = [1, 1]} : vector<1000x1024xf32> to vector<8x1024xf32>
    %mul3A_4915 = arith.constant -1.44269502 : f32
    %mul3A_4916 = vector.broadcast %mul3A_4915 : f32 to vector<8x1024xf32>
    %mul3A_4917 = arith.mulf %slice3A_4914, %mul3A_4916 : vector<8x1024xf32>
    %exp23A_4918 = math.exp2 %mul3A_4917 : vector<8x1024xf32>
    %add3A_4919 = arith.constant 1.000000e+00 : f32
    %add3A_4920 = vector.broadcast %add3A_4919 : f32 to vector<8x1024xf32>
    %add3A_4921 = arith.addf %add3A_4920, %exp23A_4918 : vector<8x1024xf32>
    %mul3A_4922 = arith.mulf %add3A_4897, %add3A_4905 : vector<8x1024xf32>
    %mul3A_4923 = arith.mulf %add3A_4913, %add3A_4921 : vector<8x1024xf32>
    %mul3A_4924 = arith.mulf %mul3A_4922, %mul3A_4923 : vector<8x1024xf32>
    %log3A_4925 = math.log %mul3A_4924 : vector<8x1024xf32>
    %log3A_4926 = arith.constant 2.000000e+00 : f32
    %log3A_4927 = math.log %log3A_4926 : f32
    %div3A_4928 = vector.broadcast %log3A_4927 : f32 to vector<8x1024xf32>
    %div3A_4929 = arith.divf %log3A_4925, %div3A_4928 : vector<8x1024xf32>
    %add3A_4930 = arith.addf %add3A_4889, %div3A_4929 : vector<8x1024xf32>
    %slice3A_4931 = vector.extract_strided_slice %get3A_3864 {offsets = [832, 0], sizes = [8, 1024], strides = [1, 1]} : vector<1000x1024xf32> to vector<8x1024xf32>
    %mul3A_4932 = arith.constant -1.44269502 : f32
    %mul3A_4933 = vector.broadcast %mul3A_4932 : f32 to vector<8x1024xf32>
    %mul3A_4934 = arith.mulf %slice3A_4931, %mul3A_4933 : vector<8x1024xf32>
    %exp23A_4935 = math.exp2 %mul3A_4934 : vector<8x1024xf32>
    %add3A_4936 = arith.constant 1.000000e+00 : f32
    %add3A_4937 = vector.broadcast %add3A_4936 : f32 to vector<8x1024xf32>
    %add3A_4938 = arith.addf %add3A_4937, %exp23A_4935 : vector<8x1024xf32>
    %slice3A_4939 = vector.extract_strided_slice %get3A_3864 {offsets = [840, 0], sizes = [8, 1024], strides = [1, 1]} : vector<1000x1024xf32> to vector<8x1024xf32>
    %mul3A_4940 = arith.constant -1.44269502 : f32
    %mul3A_4941 = vector.broadcast %mul3A_4940 : f32 to vector<8x1024xf32>
    %mul3A_4942 = arith.mulf %slice3A_4939, %mul3A_4941 : vector<8x1024xf32>
    %exp23A_4943 = math.exp2 %mul3A_4942 : vector<8x1024xf32>
    %add3A_4944 = arith.constant 1.000000e+00 : f32
    %add3A_4945 = vector.broadcast %add3A_4944 : f32 to vector<8x1024xf32>
    %add3A_4946 = arith.addf %add3A_4945, %exp23A_4943 : vector<8x1024xf32>
    %slice3A_4947 = vector.extract_strided_slice %get3A_3864 {offsets = [848, 0], sizes = [8, 1024], strides = [1, 1]} : vector<1000x1024xf32> to vector<8x1024xf32>
    %mul3A_4948 = arith.constant -1.44269502 : f32
    %mul3A_4949 = vector.broadcast %mul3A_4948 : f32 to vector<8x1024xf32>
    %mul3A_4950 = arith.mulf %slice3A_4947, %mul3A_4949 : vector<8x1024xf32>
    %exp23A_4951 = math.exp2 %mul3A_4950 : vector<8x1024xf32>
    %add3A_4952 = arith.constant 1.000000e+00 : f32
    %add3A_4953 = vector.broadcast %add3A_4952 : f32 to vector<8x1024xf32>
    %add3A_4954 = arith.addf %add3A_4953, %exp23A_4951 : vector<8x1024xf32>
    %slice3A_4955 = vector.extract_strided_slice %get3A_3864 {offsets = [856, 0], sizes = [8, 1024], strides = [1, 1]} : vector<1000x1024xf32> to vector<8x1024xf32>
    %mul3A_4956 = arith.constant -1.44269502 : f32
    %mul3A_4957 = vector.broadcast %mul3A_4956 : f32 to vector<8x1024xf32>
    %mul3A_4958 = arith.mulf %slice3A_4955, %mul3A_4957 : vector<8x1024xf32>
    %exp23A_4959 = math.exp2 %mul3A_4958 : vector<8x1024xf32>
    %add3A_4960 = arith.constant 1.000000e+00 : f32
    %add3A_4961 = vector.broadcast %add3A_4960 : f32 to vector<8x1024xf32>
    %add3A_4962 = arith.addf %add3A_4961, %exp23A_4959 : vector<8x1024xf32>
    %mul3A_4963 = arith.mulf %add3A_4938, %add3A_4946 : vector<8x1024xf32>
    %mul3A_4964 = arith.mulf %add3A_4954, %add3A_4962 : vector<8x1024xf32>
    %mul3A_4965 = arith.mulf %mul3A_4963, %mul3A_4964 : vector<8x1024xf32>
    %log3A_4966 = math.log %mul3A_4965 : vector<8x1024xf32>
    %log3A_4967 = arith.constant 2.000000e+00 : f32
    %log3A_4968 = math.log %log3A_4967 : f32
    %div3A_4969 = vector.broadcast %log3A_4968 : f32 to vector<8x1024xf32>
    %div3A_4970 = arith.divf %log3A_4966, %div3A_4969 : vector<8x1024xf32>
    %add3A_4971 = arith.addf %add3A_4930, %div3A_4970 : vector<8x1024xf32>
    %slice3A_4972 = vector.extract_strided_slice %get3A_3864 {offsets = [864, 0], sizes = [8, 1024], strides = [1, 1]} : vector<1000x1024xf32> to vector<8x1024xf32>
    %mul3A_4973 = arith.constant -1.44269502 : f32
    %mul3A_4974 = vector.broadcast %mul3A_4973 : f32 to vector<8x1024xf32>
    %mul3A_4975 = arith.mulf %slice3A_4972, %mul3A_4974 : vector<8x1024xf32>
    %exp23A_4976 = math.exp2 %mul3A_4975 : vector<8x1024xf32>
    %add3A_4977 = arith.constant 1.000000e+00 : f32
    %add3A_4978 = vector.broadcast %add3A_4977 : f32 to vector<8x1024xf32>
    %add3A_4979 = arith.addf %add3A_4978, %exp23A_4976 : vector<8x1024xf32>
    %slice3A_4980 = vector.extract_strided_slice %get3A_3864 {offsets = [872, 0], sizes = [8, 1024], strides = [1, 1]} : vector<1000x1024xf32> to vector<8x1024xf32>
    %mul3A_4981 = arith.constant -1.44269502 : f32
    %mul3A_4982 = vector.broadcast %mul3A_4981 : f32 to vector<8x1024xf32>
    %mul3A_4983 = arith.mulf %slice3A_4980, %mul3A_4982 : vector<8x1024xf32>
    %exp23A_4984 = math.exp2 %mul3A_4983 : vector<8x1024xf32>
    %add3A_4985 = arith.constant 1.000000e+00 : f32
    %add3A_4986 = vector.broadcast %add3A_4985 : f32 to vector<8x1024xf32>
    %add3A_4987 = arith.addf %add3A_4986, %exp23A_4984 : vector<8x1024xf32>
    %slice3A_4988 = vector.extract_strided_slice %get3A_3864 {offsets = [880, 0], sizes = [8, 1024], strides = [1, 1]} : vector<1000x1024xf32> to vector<8x1024xf32>
    %mul3A_4989 = arith.constant -1.44269502 : f32
    %mul3A_4990 = vector.broadcast %mul3A_4989 : f32 to vector<8x1024xf32>
    %mul3A_4991 = arith.mulf %slice3A_4988, %mul3A_4990 : vector<8x1024xf32>
    %exp23A_4992 = math.exp2 %mul3A_4991 : vector<8x1024xf32>
    %add3A_4993 = arith.constant 1.000000e+00 : f32
    %add3A_4994 = vector.broadcast %add3A_4993 : f32 to vector<8x1024xf32>
    %add3A_4995 = arith.addf %add3A_4994, %exp23A_4992 : vector<8x1024xf32>
    %slice3A_4996 = vector.extract_strided_slice %get3A_3864 {offsets = [888, 0], sizes = [8, 1024], strides = [1, 1]} : vector<1000x1024xf32> to vector<8x1024xf32>
    %mul3A_4997 = arith.constant -1.44269502 : f32
    %mul3A_4998 = vector.broadcast %mul3A_4997 : f32 to vector<8x1024xf32>
    %mul3A_4999 = arith.mulf %slice3A_4996, %mul3A_4998 : vector<8x1024xf32>
    %exp23A_5000 = math.exp2 %mul3A_4999 : vector<8x1024xf32>
    %add3A_5001 = arith.constant 1.000000e+00 : f32
    %add3A_5002 = vector.broadcast %add3A_5001 : f32 to vector<8x1024xf32>
    %add3A_5003 = arith.addf %add3A_5002, %exp23A_5000 : vector<8x1024xf32>
    %mul3A_5004 = arith.mulf %add3A_4979, %add3A_4987 : vector<8x1024xf32>
    %mul3A_5005 = arith.mulf %add3A_4995, %add3A_5003 : vector<8x1024xf32>
    %mul3A_5006 = arith.mulf %mul3A_5004, %mul3A_5005 : vector<8x1024xf32>
    %log3A_5007 = math.log %mul3A_5006 : vector<8x1024xf32>
    %log3A_5008 = arith.constant 2.000000e+00 : f32
    %log3A_5009 = math.log %log3A_5008 : f32
    %div3A_5010 = vector.broadcast %log3A_5009 : f32 to vector<8x1024xf32>
    %div3A_5011 = arith.divf %log3A_5007, %div3A_5010 : vector<8x1024xf32>
    %add3A_5012 = arith.addf %add3A_4971, %div3A_5011 : vector<8x1024xf32>
    %slice3A_5013 = vector.extract_strided_slice %get3A_3864 {offsets = [896, 0], sizes = [8, 1024], strides = [1, 1]} : vector<1000x1024xf32> to vector<8x1024xf32>
    %mul3A_5014 = arith.constant -1.44269502 : f32
    %mul3A_5015 = vector.broadcast %mul3A_5014 : f32 to vector<8x1024xf32>
    %mul3A_5016 = arith.mulf %slice3A_5013, %mul3A_5015 : vector<8x1024xf32>
    %exp23A_5017 = math.exp2 %mul3A_5016 : vector<8x1024xf32>
    %add3A_5018 = arith.constant 1.000000e+00 : f32
    %add3A_5019 = vector.broadcast %add3A_5018 : f32 to vector<8x1024xf32>
    %add3A_5020 = arith.addf %add3A_5019, %exp23A_5017 : vector<8x1024xf32>
    %slice3A_5021 = vector.extract_strided_slice %get3A_3864 {offsets = [904, 0], sizes = [8, 1024], strides = [1, 1]} : vector<1000x1024xf32> to vector<8x1024xf32>
    %mul3A_5022 = arith.constant -1.44269502 : f32
    %mul3A_5023 = vector.broadcast %mul3A_5022 : f32 to vector<8x1024xf32>
    %mul3A_5024 = arith.mulf %slice3A_5021, %mul3A_5023 : vector<8x1024xf32>
    %exp23A_5025 = math.exp2 %mul3A_5024 : vector<8x1024xf32>
    %add3A_5026 = arith.constant 1.000000e+00 : f32
    %add3A_5027 = vector.broadcast %add3A_5026 : f32 to vector<8x1024xf32>
    %add3A_5028 = arith.addf %add3A_5027, %exp23A_5025 : vector<8x1024xf32>
    %slice3A_5029 = vector.extract_strided_slice %get3A_3864 {offsets = [912, 0], sizes = [8, 1024], strides = [1, 1]} : vector<1000x1024xf32> to vector<8x1024xf32>
    %mul3A_5030 = arith.constant -1.44269502 : f32
    %mul3A_5031 = vector.broadcast %mul3A_5030 : f32 to vector<8x1024xf32>
    %mul3A_5032 = arith.mulf %slice3A_5029, %mul3A_5031 : vector<8x1024xf32>
    %exp23A_5033 = math.exp2 %mul3A_5032 : vector<8x1024xf32>
    %add3A_5034 = arith.constant 1.000000e+00 : f32
    %add3A_5035 = vector.broadcast %add3A_5034 : f32 to vector<8x1024xf32>
    %add3A_5036 = arith.addf %add3A_5035, %exp23A_5033 : vector<8x1024xf32>
    %slice3A_5037 = vector.extract_strided_slice %get3A_3864 {offsets = [920, 0], sizes = [8, 1024], strides = [1, 1]} : vector<1000x1024xf32> to vector<8x1024xf32>
    %mul3A_5038 = arith.constant -1.44269502 : f32
    %mul3A_5039 = vector.broadcast %mul3A_5038 : f32 to vector<8x1024xf32>
    %mul3A_5040 = arith.mulf %slice3A_5037, %mul3A_5039 : vector<8x1024xf32>
    %exp23A_5041 = math.exp2 %mul3A_5040 : vector<8x1024xf32>
    %add3A_5042 = arith.constant 1.000000e+00 : f32
    %add3A_5043 = vector.broadcast %add3A_5042 : f32 to vector<8x1024xf32>
    %add3A_5044 = arith.addf %add3A_5043, %exp23A_5041 : vector<8x1024xf32>
    %mul3A_5045 = arith.mulf %add3A_5020, %add3A_5028 : vector<8x1024xf32>
    %mul3A_5046 = arith.mulf %add3A_5036, %add3A_5044 : vector<8x1024xf32>
    %mul3A_5047 = arith.mulf %mul3A_5045, %mul3A_5046 : vector<8x1024xf32>
    %log3A_5048 = math.log %mul3A_5047 : vector<8x1024xf32>
    %log3A_5049 = arith.constant 2.000000e+00 : f32
    %log3A_5050 = math.log %log3A_5049 : f32
    %div3A_5051 = vector.broadcast %log3A_5050 : f32 to vector<8x1024xf32>
    %div3A_5052 = arith.divf %log3A_5048, %div3A_5051 : vector<8x1024xf32>
    %add3A_5053 = arith.addf %add3A_5012, %div3A_5052 : vector<8x1024xf32>
    %slice3A_5054 = vector.extract_strided_slice %get3A_3864 {offsets = [928, 0], sizes = [8, 1024], strides = [1, 1]} : vector<1000x1024xf32> to vector<8x1024xf32>
    %mul3A_5055 = arith.constant -1.44269502 : f32
    %mul3A_5056 = vector.broadcast %mul3A_5055 : f32 to vector<8x1024xf32>
    %mul3A_5057 = arith.mulf %slice3A_5054, %mul3A_5056 : vector<8x1024xf32>
    %exp23A_5058 = math.exp2 %mul3A_5057 : vector<8x1024xf32>
    %add3A_5059 = arith.constant 1.000000e+00 : f32
    %add3A_5060 = vector.broadcast %add3A_5059 : f32 to vector<8x1024xf32>
    %add3A_5061 = arith.addf %add3A_5060, %exp23A_5058 : vector<8x1024xf32>
    %slice3A_5062 = vector.extract_strided_slice %get3A_3864 {offsets = [936, 0], sizes = [8, 1024], strides = [1, 1]} : vector<1000x1024xf32> to vector<8x1024xf32>
    %mul3A_5063 = arith.constant -1.44269502 : f32
    %mul3A_5064 = vector.broadcast %mul3A_5063 : f32 to vector<8x1024xf32>
    %mul3A_5065 = arith.mulf %slice3A_5062, %mul3A_5064 : vector<8x1024xf32>
    %exp23A_5066 = math.exp2 %mul3A_5065 : vector<8x1024xf32>
    %add3A_5067 = arith.constant 1.000000e+00 : f32
    %add3A_5068 = vector.broadcast %add3A_5067 : f32 to vector<8x1024xf32>
    %add3A_5069 = arith.addf %add3A_5068, %exp23A_5066 : vector<8x1024xf32>
    %slice3A_5070 = vector.extract_strided_slice %get3A_3864 {offsets = [944, 0], sizes = [8, 1024], strides = [1, 1]} : vector<1000x1024xf32> to vector<8x1024xf32>
    %mul3A_5071 = arith.constant -1.44269502 : f32
    %mul3A_5072 = vector.broadcast %mul3A_5071 : f32 to vector<8x1024xf32>
    %mul3A_5073 = arith.mulf %slice3A_5070, %mul3A_5072 : vector<8x1024xf32>
    %exp23A_5074 = math.exp2 %mul3A_5073 : vector<8x1024xf32>
    %add3A_5075 = arith.constant 1.000000e+00 : f32
    %add3A_5076 = vector.broadcast %add3A_5075 : f32 to vector<8x1024xf32>
    %add3A_5077 = arith.addf %add3A_5076, %exp23A_5074 : vector<8x1024xf32>
    %slice3A_5078 = vector.extract_strided_slice %get3A_3864 {offsets = [952, 0], sizes = [8, 1024], strides = [1, 1]} : vector<1000x1024xf32> to vector<8x1024xf32>
    %mul3A_5079 = arith.constant -1.44269502 : f32
    %mul3A_5080 = vector.broadcast %mul3A_5079 : f32 to vector<8x1024xf32>
    %mul3A_5081 = arith.mulf %slice3A_5078, %mul3A_5080 : vector<8x1024xf32>
    %exp23A_5082 = math.exp2 %mul3A_5081 : vector<8x1024xf32>
    %add3A_5083 = arith.constant 1.000000e+00 : f32
    %add3A_5084 = vector.broadcast %add3A_5083 : f32 to vector<8x1024xf32>
    %add3A_5085 = arith.addf %add3A_5084, %exp23A_5082 : vector<8x1024xf32>
    %mul3A_5086 = arith.mulf %add3A_5061, %add3A_5069 : vector<8x1024xf32>
    %mul3A_5087 = arith.mulf %add3A_5077, %add3A_5085 : vector<8x1024xf32>
    %mul3A_5088 = arith.mulf %mul3A_5086, %mul3A_5087 : vector<8x1024xf32>
    %log3A_5089 = math.log %mul3A_5088 : vector<8x1024xf32>
    %log3A_5090 = arith.constant 2.000000e+00 : f32
    %log3A_5091 = math.log %log3A_5090 : f32
    %div3A_5092 = vector.broadcast %log3A_5091 : f32 to vector<8x1024xf32>
    %div3A_5093 = arith.divf %log3A_5089, %div3A_5092 : vector<8x1024xf32>
    %add3A_5094 = arith.addf %add3A_5053, %div3A_5093 : vector<8x1024xf32>
    %slice3A_5095 = vector.extract_strided_slice %get3A_3864 {offsets = [960, 0], sizes = [8, 1024], strides = [1, 1]} : vector<1000x1024xf32> to vector<8x1024xf32>
    %mul3A_5096 = arith.constant -1.44269502 : f32
    %mul3A_5097 = vector.broadcast %mul3A_5096 : f32 to vector<8x1024xf32>
    %mul3A_5098 = arith.mulf %slice3A_5095, %mul3A_5097 : vector<8x1024xf32>
    %exp23A_5099 = math.exp2 %mul3A_5098 : vector<8x1024xf32>
    %add3A_5100 = arith.constant 1.000000e+00 : f32
    %add3A_5101 = vector.broadcast %add3A_5100 : f32 to vector<8x1024xf32>
    %add3A_5102 = arith.addf %add3A_5101, %exp23A_5099 : vector<8x1024xf32>
    %slice3A_5103 = vector.extract_strided_slice %get3A_3864 {offsets = [968, 0], sizes = [8, 1024], strides = [1, 1]} : vector<1000x1024xf32> to vector<8x1024xf32>
    %mul3A_5104 = arith.constant -1.44269502 : f32
    %mul3A_5105 = vector.broadcast %mul3A_5104 : f32 to vector<8x1024xf32>
    %mul3A_5106 = arith.mulf %slice3A_5103, %mul3A_5105 : vector<8x1024xf32>
    %exp23A_5107 = math.exp2 %mul3A_5106 : vector<8x1024xf32>
    %add3A_5108 = arith.constant 1.000000e+00 : f32
    %add3A_5109 = vector.broadcast %add3A_5108 : f32 to vector<8x1024xf32>
    %add3A_5110 = arith.addf %add3A_5109, %exp23A_5107 : vector<8x1024xf32>
    %slice3A_5111 = vector.extract_strided_slice %get3A_3864 {offsets = [976, 0], sizes = [8, 1024], strides = [1, 1]} : vector<1000x1024xf32> to vector<8x1024xf32>
    %mul3A_5112 = arith.constant -1.44269502 : f32
    %mul3A_5113 = vector.broadcast %mul3A_5112 : f32 to vector<8x1024xf32>
    %mul3A_5114 = arith.mulf %slice3A_5111, %mul3A_5113 : vector<8x1024xf32>
    %exp23A_5115 = math.exp2 %mul3A_5114 : vector<8x1024xf32>
    %add3A_5116 = arith.constant 1.000000e+00 : f32
    %add3A_5117 = vector.broadcast %add3A_5116 : f32 to vector<8x1024xf32>
    %add3A_5118 = arith.addf %add3A_5117, %exp23A_5115 : vector<8x1024xf32>
    %slice3A_5119 = vector.extract_strided_slice %get3A_3864 {offsets = [984, 0], sizes = [8, 1024], strides = [1, 1]} : vector<1000x1024xf32> to vector<8x1024xf32>
    %mul3A_5120 = arith.constant -1.44269502 : f32
    %mul3A_5121 = vector.broadcast %mul3A_5120 : f32 to vector<8x1024xf32>
    %mul3A_5122 = arith.mulf %slice3A_5119, %mul3A_5121 : vector<8x1024xf32>
    %exp23A_5123 = math.exp2 %mul3A_5122 : vector<8x1024xf32>
    %add3A_5124 = arith.constant 1.000000e+00 : f32
    %add3A_5125 = vector.broadcast %add3A_5124 : f32 to vector<8x1024xf32>
    %add3A_5126 = arith.addf %add3A_5125, %exp23A_5123 : vector<8x1024xf32>
    %mul3A_5127 = arith.mulf %add3A_5102, %add3A_5110 : vector<8x1024xf32>
    %mul3A_5128 = arith.mulf %add3A_5118, %add3A_5126 : vector<8x1024xf32>
    %mul3A_5129 = arith.mulf %mul3A_5127, %mul3A_5128 : vector<8x1024xf32>
    %log3A_5130 = math.log %mul3A_5129 : vector<8x1024xf32>
    %log3A_5131 = arith.constant 2.000000e+00 : f32
    %log3A_5132 = math.log %log3A_5131 : f32
    %div3A_5133 = vector.broadcast %log3A_5132 : f32 to vector<8x1024xf32>
    %div3A_5134 = arith.divf %log3A_5130, %div3A_5133 : vector<8x1024xf32>
    %add3A_5135 = arith.addf %add3A_5094, %div3A_5134 : vector<8x1024xf32>
    %slice3A_5136 = vector.extract_strided_slice %get3A_3864 {offsets = [992, 0], sizes = [8, 1024], strides = [1, 1]} : vector<1000x1024xf32> to vector<8x1024xf32>
    %mul3A_5137 = arith.constant -1.44269502 : f32
    %mul3A_5138 = vector.broadcast %mul3A_5137 : f32 to vector<8x1024xf32>
    %mul3A_5139 = arith.mulf %slice3A_5136, %mul3A_5138 : vector<8x1024xf32>
    %exp23A_5140 = math.exp2 %mul3A_5139 : vector<8x1024xf32>
    %add3A_5141 = arith.constant 1.000000e+00 : f32
    %add3A_5142 = vector.broadcast %add3A_5141 : f32 to vector<8x1024xf32>
    %add3A_5143 = arith.addf %add3A_5142, %exp23A_5140 : vector<8x1024xf32>
    %log3A_5144 = math.log %add3A_5143 : vector<8x1024xf32>
    %log3A_5145 = arith.constant 2.000000e+00 : f32
    %log3A_5146 = math.log %log3A_5145 : f32
    %div3A_5147 = vector.broadcast %log3A_5146 : f32 to vector<8x1024xf32>
    %div3A_5148 = arith.divf %log3A_5144, %div3A_5147 : vector<8x1024xf32>
    %add3A_5149 = arith.addf %add3A_5135, %div3A_5148 : vector<8x1024xf32>
    %swap3A = arith.constant 0 : index
    %swap3A_5150 = arith.constant 0 : index
    %swap3A_5151 = vector.load %arg6[%swap3A, %swap3A_5150] : memref<8x1024xf32, #tpu.memory_space<vmem>>, vector<8x1024xf32>
    tpu.vector_store %arg6[%swap3A, %swap3A_5150], %add3A_5149 {strides = array<i32>} : memref<8x1024xf32, #tpu.memory_space<vmem>>, vector<8x1024xf32>,
    %eq3A_5152 = arith.constant 24 : i32
    %eq3A_5153 = arith.cmpi eq, %arg0, %eq3A_5152 : i32
    %convert_element_type3A_5154 = arith.extui %eq3A_5153 : i1 to i32
    %cond3A_5155 = arith.constant 0 : i32
    %cond3A_5156 = arith.cmpi ne, %convert_element_type3A_5154, %cond3A_5155 : i32
    scf.if %cond3A_5156 {
      %get3A_5157 = arith.constant 0 : index
      %get3A_5158 = arith.constant 0 : index
      %get3A_5159 = vector.load %arg6[%get3A_5157, %get3A_5158] : memref<8x1024xf32, #tpu.memory_space<vmem>>, vector<8x1024xf32>
      %reduce_sum3A = arith.constant dense<0.000000e+00> : vector<1024xf32>
      %reduce_sum3A_5160 = vector.multi_reduction <add>, %get3A_5159, %reduce_sum3A [0] : vector<8x1024xf32> to vector<1024xf32>
      %swap3A_5161 = arith.constant 0 : index
      %swap3A_5162 = vector.load %arg5[%swap3A_5161] : memref<1024xf32, #tpu.memory_space<vmem>>, vector<1024xf32>
      tpu.vector_store %arg5[%swap3A_5161], %reduce_sum3A_5160 {strides = array<i32>} : memref<1024xf32, #tpu.memory_space<vmem>>, vector<1024xf32>,
    } else {
    }
    return
  }
  func.func @transform_0(%arg0: i32) -> (i32, i32) {
    %c0_i32 = arith.constant 0 : i32
    %c0_i32_0 = arith.constant 0 : i32
    return %arg0, %c0_i32 : i32, i32
  }
  func.func @transform_1(%arg0: i32) -> (i32, i32) {
    %add3A = arith.constant 25 : i32
    %add3A_0 = arith.addi %arg0, %add3A : i32
    %c0_i32 = arith.constant 0 : i32
    %c0_i32_1 = arith.constant 0 : i32
    return %add3A_0, %c0_i32 : i32, i32
  }
  func.func @transform_2(%arg0: i32) -> (i32, i32) {
    %add3A = arith.constant 50 : i32
    %add3A_0 = arith.addi %arg0, %add3A : i32
    %c0_i32 = arith.constant 0 : i32
    %c0_i32_1 = arith.constant 0 : i32
    return %add3A_0, %c0_i32 : i32, i32
  }
  func.func @transform_3(%arg0: i32) -> (i32, i32) {
    %add3A = arith.constant 75 : i32
    %add3A_0 = arith.addi %arg0, %add3A : i32
    %c0_i32 = arith.constant 0 : i32
    %c0_i32_1 = arith.constant 0 : i32
    return %add3A_0, %c0_i32 : i32, i32
  }
  func.func @transform_4(%arg0: i32) -> i32 {
    %c0_i32 = arith.constant 0 : i32
    %c0_i32_0 = arith.constant 0 : i32
    return %c0_i32 : i32
  }
}

</mosaic_0001>

<sc_bundles>
// kernel: kernel.5.cloned.1.call-start
scs
__scs_entry_jumppad:
0x0: {  	(pc) =	sbr.rel $0x88, $3  }
0x1: {  	(tag) =	ssettag $0x0;
	lr =	simm.s32 $0x1  }
0x2: {  	[smem:$0x3F9F] =	sst lr;
	_ =	strace $0xD0000000  }
0x3: {  	_ = 	snop  }
0x4: {  	_ = 	snop  }
0x5: {  	_ = 	snop  }
0x6: {  	_ = 	snop  }
0x7: {  	_ = 	snop  }
__scs_overlays_trampoline_lowered:
0x8: {  	[smem:$0x3FAE] =	sst s0  }
0x9: {  	[smem:$0x3FAF] =	sst s1  }
0xa: {  	[smem:$0x3FB0] =	sst s2  }
0xb: {  	[smem:$0x3FB1] =	sst s3  }
0xc: {  	[smem:$0x3FB2] =	sst s4  }
0xd: {  	[smem:$0x3FB3] =	sst s5  }
0xe: {  	[smem:$0x3FB4] =	sst s6  }
0xf: {  	[smem:$0x3FB5] =	sst s7  }
0x10: {  	[smem:$0x3FB6] =	sst s8  }
0x11: {  	[smem:$0x3FB7] =	sst s9;
	s0 =	simm.s32 @!p0 $0x0  }
0x12: {  	s1 =	sld [smem:$0x3F9D];
	s0 =	simm.s32 @p0 $0x1  }
0x13: {  	[smem:$0x3FB8] =	sst s0;
	s0 =	simm.s32 @!p1 $0x0  }
0x14: {  	s2 =	sld [smem:$0x3F9C];
	s0 =	simm.s32 @p1 $0x1  }
0x15: {  	[smem:$0x3FB9] =	sst s0;
	s0 =	simm.s32 @!p2 $0x0  }
0x16: {  	s3 =	sld [smem:$0x3FDB];
	s0 =	simm.s32 @p2 $0x1  }
0x17: {  	s4 =	simm.s32 $0x1BF5;
	[smem:$0x3FBB] =	sst s0  }
0x18: {  	s0 =	sld [smem:$0x3F9E];
	_ =	swait.ge [sflag:s4], $0x0  }
0x19: {  	s7 =	sld [smem:$0x3F9F]  }
0x1a: {  	s8 =	sadd.s32 $0xFFFFE003, lr  }
0x1b: {  	s9 =	sadd.s32 $0xFFFFFEF7, lr;
	s5 =	simm.s32 $0xFFFFFFFF;
	p2 =	slt.u32 s8, $0xFFFFF086  }
0x1c: {  	p1 =	slt.u32 s9, $0xF7A;
	s5 =	simm.s32 @!p2 $0x0  }
0x1d: {  	s5 =	simm.s32 @p1 $0x1;
	p0 =	seq.s32 s7, s2  }
0x1e: {  	s7 =	smul.u32 @!p0 $0xF7A, s2;
	p2 =	seq.s32 @!p0 s5, $0x0  }
0x1f: {  	s9 =	smul.u32 $0xF7A, s1;
	s8 =	simm.s32 @!p0 $0x1BF5;
	p2 =	por !p2, p0  }
0x20: {  	[sflag:s8] =	ssyncset.s32 @!p0 $0xFFFFF086;
	s6 =	sadd.s32 @!p0 s3, s7;
	s7 =	simm.s32 @!p0 $0x108  }
0x21: {  	s3 =	sadd.s32 s3, s9;
	s6 =	sadd.s32 @!p0 $0x88, s6;
	s7 =	simm.s32 @p2 $0x1082  }
0x22: {  	[simem:s7], [sflag:s8] =	dma.local @!p0 [hbm:s6], $0xF7A  }
0x23: {  	s9 =	sor.u32 $0xD0000000, s2;
	s6 =	simm.s32 $0x108;
	_ =	swait.ge @!p0 [sflag:s8], $0x0  }
0x24: {  	s3 =	sadd.s32 $0x88, s3;
	s6 =	simm.s32 @!p1 $0x1082;
	[sflag:s4] =	ssyncset.s32 $0xFFFFF086  }
0x25: {  	[simem:s6], [sflag:s4] =	dma.local [hbm:s3], $0xF7A  }
0x26: {  	[smem:$0x3F9F] =	sst s1;
	(tag) =	ssettag s2;
	_ =	strace s9  }
0x27: {  	s1 =	sld [smem:$0x3FAF]  }
0x28: {  	s2 =	sld [smem:$0x3FB0]  }
0x29: {  	s4 =	sld [smem:$0x3FB2]  }
0x2a: {  	p0 =	seq.s32 s5, $0x0;
	s5 =	sld [smem:$0x3FB3]  }
0x2b: {  	s6 =	sld [smem:$0x3FB4]  }
0x2c: {  	s7 =	sld [smem:$0x3FB5]  }
0x2d: {  	s3 =	simm.s32 $0x108;
	s8 =	sld [smem:$0x3FB6]  }
0x2e: {  	s3 =	simm.s32 @!p0 $0x1082;
	s9 =	sld [smem:$0x3FB7]  }
0x2f: {  	lr =	sadd.s32 s0, s3;
	s0 =	sld [smem:$0x3FAE]  }
0x30: {  	s3 =	sld [smem:$0x3FB1]  }
0x31: {  	[smem:$0x3FBA] =	sst s10  }
0x32: {  	s10 =	sld [smem:$0x3FB8];
	_ =	sdelay $0x3  }
0x33: {  	p0 =	seq.s32 s10, $0x1;
	s10 =	sld [smem:$0x3FBA];
	_ =	sdelay $0x3  }
0x34: {  	[smem:$0x3FBA] =	sst s10  }
0x35: {  	s10 =	sld [smem:$0x3FB9];
	_ =	sdelay $0x3  }
0x36: {  	p1 =	seq.s32 s10, $0x1;
	s10 =	sld [smem:$0x3FBA];
	_ =	sdelay $0x3  }
0x37: {  	[smem:$0x3FBA] =	sst s10  }
0x38: {  	s10 =	sld [smem:$0x3FBB]  }
0x39: {  	_ = 	snop;
	(pc) =	sbr.ind lr, $3  }
0x3a: {  	_ = 	snop  }
0x3b: {  	_ = 	snop  }
0x3c: {  	p2 =	seq.s32 s10, $0x1;
	s10 =	sld [smem:$0x3FBA]  }
0x3d: {  	_ =	shalt  }
0x3e: {  	_ =	shalt  }
0x3f: {  	_ =	shalt  }
0x40: {  	_ =	shalt  }
0x41: {  	_ =	shalt  }
0x42: {  	_ =	shalt  }
0x43: {  	_ =	shalt  }
0x44: {  	_ =	shalt  }
0x45: {  	_ =	shalt  }
0x46: {  	_ =	shalt  }
0x47: {  	_ =	shalt  }
0x48: {  	_ =	shalt  }
0x49: {  	_ =	shalt  }
0x4a: {  	_ =	shalt  }
0x4b: {  	_ =	shalt  }
0x4c: {  	_ =	shalt  }
0x4d: {  	_ =	shalt  }
0x4e: {  	_ =	shalt  }
0x4f: {  	_ =	shalt  }
0x50: {  	_ =	shalt  }
0x51: {  	_ =	shalt  }
0x52: {  	_ =	shalt  }
0x53: {  	_ =	shalt  }
0x54: {  	_ =	shalt  }
0x55: {  	_ =	shalt  }
0x56: {  	_ =	shalt  }
0x57: {  	_ =	shalt  }
0x58: {  	_ =	shalt  }
0x59: {  	_ =	shalt  }
0x5a: {  	_ =	shalt  }
0x5b: {  	_ =	shalt  }
0x5c: {  	_ =	shalt  }
0x5d: {  	_ =	shalt  }
0x5e: {  	_ =	shalt  }
0x5f: {  	_ =	shalt  }
0x60: {  	_ =	shalt  }
0x61: {  	_ =	shalt  }
0x62: {  	_ =	shalt  }
0x63: {  	_ =	shalt  }
0x64: {  	_ =	shalt  }
0x65: {  	_ =	shalt  }
0x66: {  	_ =	shalt  }
0x67: {  	_ =	shalt  }
0x68: {  	_ =	shalt  }
0x69: {  	_ =	shalt  }
0x6a: {  	_ =	shalt  }
0x6b: {  	_ =	shalt  }
0x6c: {  	_ =	shalt  }
0x6d: {  	_ =	shalt  }
0x6e: {  	_ =	shalt  }
0x6f: {  	_ =	shalt  }
0x70: {  	_ =	shalt  }
0x71: {  	_ =	shalt  }
0x72: {  	_ =	shalt  }
0x73: {  	_ =	shalt  }
0x74: {  	_ =	shalt  }
0x75: {  	_ =	shalt  }
0x76: {  	_ =	shalt  }
0x77: {  	_ =	shalt  }
0x78: {  	_ =	shalt  }
0x79: {  	_ =	shalt  }
0x7a: {  	_ =	shalt  }
0x7b: {  	_ =	shalt  }
0x7c: {  	_ =	shalt  }
0x7d: {  	_ =	shalt  }
0x7e: {  	_ =	shalt  }
0x7f: {  	_ =	shalt  }
0x80: {  	_ =	shalt  }
0x81: {  	_ =	shalt  }
0x82: {  	_ =	shalt  }
0x83: {  	_ =	shalt  }
0x84: {  	_ =	shalt  }
0x85: {  	_ =	shalt  }
0x86: {  	_ =	shalt  }
0x87: {  	_ =	shalt  }
.Lfunc_end0:
.L_simem_size_0:
called_computation_lowered:
.L_overlay_start_0:
0x88: {  	s2 =	sld [smem:$0x3FD9]  }
0x89: {  	s3 =	sld [smem:$0x3FFE];
	_ =	sdelay $0x1  }
0x8a: {  	s1 =	srdreg.scid  }
0x8b: {  	s0 =	sand.u32 $0x1, s1  }
0x8c: {  	s18 =	sshll.u32 s0, $0xA;
	s2 =	sadd.s32 s3, s2  }
0x8d: {  	s2 =	sadd.s32 s2, s18  }
0x8e: {  	[smem:$0x3FC6] =	sst s2  }
0x8f: {  	_ = 	snop  }
0x90: {  	s2 =	sld [smem:$0x3FC9]  }
0x91: {  	s19 =	sld [smem:$0x3FC8]  }
0x92: {  	s4 =	sld [smem:$0x3FD0];
	(tm) =	ssettm $0x1  }
0x93: {  	s5 =	sld [smem:$0x3FFB];
	_ =	sdelay $0x3  }
0x94: {  	_ =	strace s5  }
0x95: {  	s5 =	sld [smem:$0x3FFC];
	_ =	sdelay $0x3  }
0x96: {  	_ =	strace s5  }
0x97: {  	s5 =	sld [smem:$0x3FFD];
	_ =	sdelay $0x3  }
0x98: {  	_ =	strace s5  }
0x99: {  	_ =	strace $0x8FFFFFFF  }
0x9a: {  	s20 =	sld [smem:$0x3FDB];
	_ =	sdelay $0x1  }
0x9b: {  	s6 =	simm.s32 $_scs_section_size  }
0x9c: {  	s7 =	simm.s32 $_size__tile_overlayer_lowered;
	s8 =	simm.s32 $_tile_overlayer_lowered  }
0x9d: {  	s23 =	simm.s32 $0x1BFF;
	s22 =	sshll.u32 s8, $0x1;
	s5 =	sadd.s32 s6, s20  }
0x9e: {  	s9 =	simm.s32 $0x0;
	s21 =	sshll.u32 s7, $0x1;
	s7 =	sadd.s32 s22, s5  }
0x9f: {  	[timem:s9], [sflag:s23] =	dma.local [hbm:s7], s21  }
0xa0: {  	_ =	swait.ge [sflag:s23], s21  }
0xa1: {  	s6 =	ssub.s32 $0x0, s21;
	[sflag:s23] =	ssyncset.done $0x0  }
0xa2: {  	[sflag:s23] =	ssyncadd.s32 s6;
	_ =	sdelay $0x1  }
0xa3: {  	s24 =	simm.s32 $0x1B8B  }
0xa4: {  	_ =	swait.ge [sflag:s24], $0x1  }
0xa5: {  	[sflag:s24] =	ssyncset.done $0x0  }
0xa6: {  	s25 =	simm.s32 $0x1B8E;
	[sflag:s24] =	ssyncadd.s32 $0xFFFFFFFF  }
0xa7: {  	s26 =	simm.s32 $execute0_lowered;
	[smem:$0x3FD2] =	sst s25  }
0xa8: {  	s6 =	sshll.u32 s26, $0x1;
	_ =	strace $0x80000046;
	[dreg:$0x1] =	wrdreg $0xFFFFFFFF  }
0xa9: {  	s28 =	simm.s32 $_size_execute0_lowered;
	s5 =	sadd.s32 s5, s6;
	[dreg:$0x0] =	wrdreg $0x0  }
0xaa: {  	s6 =	sshll.u32 s28, $0x1;
	[dreg:$0x2] =	wrdreg s5  }
0xab: {  	[dreg:$0x3] =	wrdreg s6  }
0xac: {  	[dreg:$0x4] =	wrdreg $0xC0  }
0xad: {  	_ =	task [dreg:s9], $0x5FFFF  }
0xae: {  	[dreg:$0x1] =	wrdreg $0xFFFFFFFF  }
0xaf: {  	[dreg:$0x0] =	wrdreg $0x60  }
0xb0: {  	[dreg:$0x2] =	wrdreg s2  }
0xb1: {  	[dreg:$0x3] =	wrdreg s19  }
0xb2: {  	[dreg:$0x4] =	wrdreg s4  }
0xb3: {  	[dreg:$0x5] =	wrdreg $0x9  }
0xb4: {  	_ =	task.clear_ibuf [dreg:s9], $0x6FFFF;
	_ =	strace $0x90000046  }
0xb5: {  	s29 =	simm.s32 $0x9;
	_ =	strace $0x80000048  }
0xb6: {  	_ =	swait.ge [sflag:s29], $0x1  }
0xb7: {  	[sflag:s29] =	ssyncadd.s32 $0xFFFFFFFF  }
0xb8: {  	_ =	strace $0x90000048  }
0xb9: {  	_ =	sfence  }
0xba: {  	s30 =	sld [smem:$0x0];
	_ =	sdelay $0x2  }
0xbb: {  	s31 =	sshll.u32 s1, $0xD;
	s1 =	sshrl.u32 s1, $0x2  }
0xbc: {  	s3 =	sand.u32 $0x4000, s31;
	s1 =	sadd.s32 s1, s30  }
0xbd: {  	s0 =	sor.u32 s3, s0;
	s1 =	sshll.u32 s1, $0x11  }
0xbe: {  	s0 =	sor.u32 s1, s0  }
0xbf: {  	s0 =	sadd.s32 $0x8F2B, s0  }
0xc0: {  	[sflag:s0] =	ssyncadd.remote.s32 $0x1  }
0xc1: {  	_ =	sfence.sel $0xFFFF  }
0xc2: {  	[dreg:$0x0] =	wrdreg $0xFFFFFFFF;
	(pc) =	sbr.abs _section_cstart, $3  }
0xc3: {  	[dreg:$0x1] =	wrdreg $0xFFFFFFFF  }
0xc4: {  	_ =	task.clear_ibuf [dreg:s9], $0x2FFFF;
	_ =	strace $0x9FFFFFFF  }
0xc5: {  	(tm) =	ssettm $0x7FFFFFFF  }
tec
execute0_lowered:
.L_overlay_start_1:
0x0: {  	(tag) =	ssettag $0x1  }
0x1: {  	s1 =	srdreg.scid  }
0x2: {  	s0 =	stileid.u32;
	s4 =	sand.u32 $0x1, s1  }
0x3: {  	s31 =	sshll.u32 s0, $0x6;
	s2 =	sshll.u32 s4, $0x5  }
0x4: {  	v4 =	vlaneseq.u32;
	vm0 =	vcmask $0x300;
	s14 =	sor.u32 s2, s31  }
0x5: {  	vm1 =	vcmask $0x704;
	vm2 =	vcmask $0xB08;
	v0 =	vmov s14  }
0x6: {  	v3 =	vimm.s32 $0x6380;
	vm3 =	vcmask $0xF0C;
	v0 =	vshll.u32 v0, $0x3  }
0x7: {  	v3 =	vsel vm0, $0x4000, v3;
	v2 =	vand.u32 $0x1C00, v0;
	v0 =	vimm.s32 $0x2380  }
0x8: {  	v5 =	vor.u32 $0x10, v4;
	v3 =	vsel vm1, $0x4080, v3;
	v0 =	vsel vm0, $0x0, v0  }
0x9: {  	v3 =	vsel vm2, $0x4100, v3;
	v1 =	vor.u32 s14, v4;
	v0 =	vsel vm1, $0x80, v0  }
0xa: {  	v3 =	vsel vm3, $0x4180, v3;
	v5 =	vor.u32 s14, v5;
	v0 =	vsel vm2, $0x100, v0  }
0xb: {  	v1 =	vand.u32 $0x6F, v1;
	vm0 =	vcmask $0x1310;
	v0 =	vsel vm3, $0x180, v0  }
0xc: {  	v5 =	vand.u32 $0x7F, v5;
	vm1 =	vcmask $0x1714;
	v0 =	vsel vm0, $0x200, v0  }
0xd: {  	s5 =	rddreg [dreg:$0x1];
	v3 =	vsel vm0, $0x4200, v3;
	vm2 =	vcmask $0x1B18;
	v0 =	vsel vm1, $0x280, v0  }
0xe: {  	s8 =	rddreg [dreg:$0x2];
	s3 =	simm.s32 $0x0;
	v3 =	vsel vm1, $0x4280, v3;
	vm3 =	vcmask $0x1F1C;
	v0 =	vsel vm2, $0x300, v0  }
0xf: {  	s11 =	simm.s32 $0x80;
	s12 =	simm.s32 $0x880;
	s13 =	simm.s32 $0x1080;
	v3 =	vsel vm2, $0x4300, v3;
	vm0 =	vcmask $0x2320;
	v0 =	vsel vm3, $0x380, v0  }
0x10: {  	s15 =	simm.s32 $0x2080;
	s16 =	simm.s32 $0x2880;
	s17 =	simm.s32 $0x3080;
	v3 =	vsel vm3, $0x4380, v3;
	vm1 =	vcmask $0x2724;
	v0 =	vsel vm0, $0x2000, v0  }
0x11: {  	s18 =	simm.s32 $0x3880;
	s19 =	simm.s32 $0x4080;
	s20 =	simm.s32 $0x4880;
	v3 =	vsel vm0, $0x6000, v3;
	vm2 =	vcmask $0x2B28;
	v0 =	vsel vm1, $0x2080, v0  }
0x12: {  	s21 =	simm.s32 $0x5080;
	s22 =	simm.s32 $0x5880;
	s23 =	simm.s32 $0x6080;
	v3 =	vsel vm1, $0x6080, v3;
	vm3 =	vcmask $0x2F2C;
	v0 =	vsel vm2, $0x2100, v0  }
0x13: {  	s24 =	simm.s32 $0x6880;
	s25 =	simm.s32 $0x7080;
	s26 =	simm.s32 $0x7880;
	v3 =	vsel vm2, $0x6100, v3;
	vm0 =	vcmask $0x3330;
	v0 =	vsel vm3, $0x2180, v0  }
0x14: {  	s28 =	simm.s32 $0x1;
	s29 =	simm.s32 $0x8080;
	s1 =	rddreg [dreg:$0x0];
	v3 =	vsel vm3, $0x6180, v3;
	vm1 =	vcmask $0x3734;
	v0 =	vsel vm0, $0x2200, v0  }
0x15: {  	[smem:$0x7FF] =	sst s3;
	s4 =	ssub.s32 $0x2, s4;
	s7 =	sadd.s32 $0x300, s1;
	v3 =	vsel vm0, $0x6200, v3;
	vm2 =	vcmask $0x3B38;
	v0 =	vsel vm1, $0x2280, v0  }
0x16: {  	s2 =	rddreg [dreg:$0x3];
	s6 =	sshrl.u32 s4, $0x1;
	_ =	strace $0x80000047;
	v1 =	vor.u32 v1, v2;
	v3 =	vsel vm1, $0x6280, v3;
	v0 =	vsel vm2, $0x2300, v0  }
0x17: {  	s9 =	sshrl.u32 s14, $0x3;
	s10 =	ssub.s32 s4, s6;
	s6 =	sadd.s32 $0x200, s1;
	v0 =	vor.u32 v0, v1;
	v1 =	vor.u32 v5, v2;
	v2 =	vsel vm2, $0x6300, v3  }
0x18: {  	s14 =	simm.s32 $0x1880;
	s4 =	sadd.s32 s5, s9;
	s5 =	sadd.s32 $0x100, s1;
	vm0 =	vmmov $0xffff;
	v3 =	vshrl.u32 v4, $0x3;
	v1 =	vor.u32 v2, v1  }
0x19: {  	s8 =	sadd.s32 s8, s9;
	s9 =	smax.u32 s10, $0x1;
	s10 =	simm.s32 $0x2;
	v2 =	vand.u32 $0x7, v4;
	v3 =	vmul.u32 $0x8, v3;
	v4 =	vor.u32 $0x8, v4  }
.LBB2_1:
0x1a: {  	[tilespmem:s3], [sflag:$0x2] =	stream.linear.gather [hbm4b:s4+s3], $0x20, $0x38;
	[tilespmem:$0x8100] =	vst v63  }
0x1b: {  	_ =	swait.ge [sflag:s10], $0x20  }
0x1c: {  	[sflag:s10] =	ssyncset.done $0x0  }
0x1d: {  	[sflag:s10] =	ssyncadd.s32 $0xFFFFFFE0  }
0x1e: {  	v5 =	vld [tilespmem:$0x0];
	_ =	sdelay $0x4  }
0x1f: {  	v6 =	vshll.u32 v5, $0x3  }
0x20: {  	v5 =	vand.u32 $0x7, v5;
	v6 =	vand.u32 $0xFFFFFFC0, v6  }
0x21: {  	v5 =	vor.u32 v5, v6  }
0x22: {  	v6 =	vperm.xlane v5, v2;
	_ =	sdelay $0x1  }
0x23: {  	v6 =	vadd.s32 v3, v6;
	_ =	sdelay $0x4  }
0x24: {  	[tilespmem:s11], [sflag:$0x1] =	stream.indirect_vreg.gather [hbm4b:s1+s3], $0x80, v6, vm0, $0xb8;
	[tilespmem:$0x8100] =	vst v63  }
0x25: {  	v5 =	vperm.xlane v5, v4  }
0x26: {  	[tilespmem:s12], [sflag:$0x1] =	stream.indirect_vreg.gather [hbm4b:s5+s3], $0x80, v6, vm0, $0xb8;
	[tilespmem:$0x8100] =	vst v63  }
0x27: {  	v5 =	vadd.s32 v3, v5  }
0x28: {  	[tilespmem:s13], [sflag:$0x1] =	stream.indirect_vreg.gather [hbm4b:s6+s3], $0x80, v6, vm0, $0xb8;
	[tilespmem:$0x8100] =	vst v63  }
0x29: {  	_ = 	snop  }
0x2a: {  	[tilespmem:s14], [sflag:$0x1] =	stream.indirect_vreg.gather [hbm4b:s7+s3], $0x80, v6, vm0, $0xb8;
	[tilespmem:$0x8100] =	vst v63  }
0x2b: {  	_ = 	snop  }
0x2c: {  	[tilespmem:s15], [sflag:$0x1] =	stream.indirect_vreg.gather [hbm4b:s1+s3], $0x80, v5, vm0, $0xb8;
	[tilespmem:$0x8100] =	vst v63  }
0x2d: {  	_ = 	snop  }
0x2e: {  	[tilespmem:s16], [sflag:$0x1] =	stream.indirect_vreg.gather [hbm4b:s5+s3], $0x80, v5, vm0, $0xb8;
	[tilespmem:$0x8100] =	vst v63  }
0x2f: {  	_ = 	snop  }
0x30: {  	[tilespmem:s17], [sflag:$0x1] =	stream.indirect_vreg.gather [hbm4b:s6+s3], $0x80, v5, vm0, $0xb8;
	[tilespmem:$0x8100] =	vst v63  }
0x31: {  	_ = 	snop  }
0x32: {  	[tilespmem:s18], [sflag:$0x1] =	stream.indirect_vreg.gather [hbm4b:s7+s3], $0x80, v5, vm0, $0xb8;
	[tilespmem:$0x8100] =	vst v63  }
0x33: {  	v5 =	vld [tilespmem:$0x10];
	_ =	sdelay $0x4  }
0x34: {  	v6 =	vshll.u32 v5, $0x3  }
0x35: {  	v5 =	vand.u32 $0x7, v5;
	v6 =	vand.u32 $0xFFFFFFC0, v6  }
0x36: {  	v5 =	vor.u32 v5, v6  }
0x37: {  	v6 =	vperm.xlane v5, v2;
	_ =	sdelay $0x1  }
0x38: {  	v6 =	vadd.s32 v3, v6;
	_ =	sdelay $0x4  }
0x39: {  	[tilespmem:s19], [sflag:$0x1] =	stream.indirect_vreg.gather [hbm4b:s1+s3], $0x80, v6, vm0, $0xb8;
	[tilespmem:$0x8100] =	vst v63  }
0x3a: {  	v5 =	vperm.xlane v5, v4  }
0x3b: {  	[tilespmem:s20], [sflag:$0x1] =	stream.indirect_vreg.gather [hbm4b:s5+s3], $0x80, v6, vm0, $0xb8;
	[tilespmem:$0x8100] =	vst v63  }
0x3c: {  	v5 =	vadd.s32 v3, v5  }
0x3d: {  	[tilespmem:s21], [sflag:$0x1] =	stream.indirect_vreg.gather [hbm4b:s6+s3], $0x80, v6, vm0, $0xb8;
	[tilespmem:$0x8100] =	vst v63  }
0x3e: {  	_ = 	snop  }
0x3f: {  	[tilespmem:s22], [sflag:$0x1] =	stream.indirect_vreg.gather [hbm4b:s7+s3], $0x80, v6, vm0, $0xb8;
	[tilespmem:$0x8100] =	vst v63  }
0x40: {  	_ = 	snop  }
0x41: {  	[tilespmem:s23], [sflag:$0x1] =	stream.indirect_vreg.gather [hbm4b:s1+s3], $0x80, v5, vm0, $0xb8;
	[tilespmem:$0x8100] =	vst v63  }
0x42: {  	_ = 	snop  }
0x43: {  	[tilespmem:s24], [sflag:$0x1] =	stream.indirect_vreg.gather [hbm4b:s5+s3], $0x80, v5, vm0, $0xb8;
	[tilespmem:$0x8100] =	vst v63  }
0x44: {  	_ = 	snop  }
0x45: {  	[tilespmem:s25], [sflag:$0x1] =	stream.indirect_vreg.gather [hbm4b:s6+s3], $0x80, v5, vm0, $0xb8;
	[tilespmem:$0x8100] =	vst v63  }
0x46: {  	_ = 	snop  }
0x47: {  	[tilespmem:s26], [sflag:$0x1] =	stream.indirect_vreg.gather [hbm4b:s7+s3], $0x80, v5, vm0, $0xb8;
	[tilespmem:$0x8100] =	vst v63  }
0x48: {  	_ =	swait.ge [sflag:s28], $0x8000  }
0x49: {  	[sflag:s28] =	ssyncset.done $0x0  }
0x4a: {  	[sflag:s28] =	ssyncadd.s32 $0xFFFF8000  }
0x4b: {  	v5 =	vld.idx.msk [tilespmem:v0+s11+$0x0], $0xffff;
	_ =	sdelay $0x4  }
0x4c: {  	[tilespmem:$0x8080] =	vst v5  }
0x4d: {  	v5 =	vld.idx.msk [tilespmem:v1+s11+$0x0], $0xffff;
	_ =	sdelay $0x3  }
0x4e: {  	p0 =	sne.s32 s9, $0x1  }
.Ltmp0:
0x4f: {  	[tilespmem:$0x8090] =	vst v5;
	(pc) =	sbr.rel @p0 .LBB2_1-.Ltmp0, $4  }
0x50: {  	[hbm4b:s8+s3] =	stream.linear.scatter [tilespmem:s29], [sflag:$0x2], $0x20, $0x38;
	[tilespmem:$0x8100] =	vst v63  }
0x51: {  	_ =	swait.ge [sflag:s10], $0x20  }
0x52: {  	[sflag:s10] =	ssyncset.done $0x0  }
0x53: {  	s9 =	sadd.s32 $0xFFFFFFFF, s9;
	[sflag:s10] =	ssyncadd.s32 $0xFFFFFFE0  }
0x54: {  	_ =	sfence.sel $0x180000  }
0x55: {  	[bflag:$0x0] =	sbarrier.arrive $0xFFFF  }
0x56: {  	p0 =	sne.s32 s0, $0x0;
	_ =	strace $0x90000047  }
0x57: {  	s0 =	sadd.s32 @!p0 $0x100000, s2;
	[bflag:$0x2] =	sbarrier.arrive $0xFFFF  }
0x58: {  	[sflag:s0] =	ssyncadd.tile.s32 @!p0 $0x1;
	_ =	shalt  }
.Lfunc_end2:
_tile_overlayer_lowered:
.L_overlay_start_2:
0x59: {  	(tag) =	ssettag $0x2  }
0x5a: {  	s0 =	rddreg [dreg:$0x0];
	s2 =	stileid.u32  }
0x5b: {  	s1 =	rddreg [dreg:$0x1];
	p0 =	sne.s32 s2, $0x0  }
0x5c: {  	s3 =	rddreg [dreg:$0x2];
	[bflag:$0x3] =	sbarrier.arrive $0xFFFF;
	s2 =	simm.s32 @!p0 $0x1C02  }
0x5d: {  	[timem:s3], [sflag:s2] =	dma.local @!p0 [hbm:s0], s1  }
0x5e: {  	s0 =	simm.s32 @!p0 $0x2  }
0x5f: {  	_ =	swait.ge @!p0 [sflag:s0], s1  }
0x60: {  	s1 =	ssub.s32 @!p0 $0x0, s1;
	[sflag:s0] =	ssyncset.done @!p0 $0x0  }
0x61: {  	[sflag:s0] =	ssyncadd.s32 @!p0 s1  }
0x62: {  	[bflag:$0x3] =	sbarrier.arrive $0xFFFF  }
0x63: {  	_ =	shalt  }

</sc_bundles>
